<compile_context>
chip_gen: v7x
topology: tpu7x:2x2x1
jax: 0.10.2.dev20260603
libtpu: 0.0.44.dev20260713+nightly
codegen_flags: <defaults>
</compile_context>

<pallas_src>
import functools

import jax
import jax.numpy as jnp
from jax import lax
from jax.experimental import pallas as pl
from jax.experimental.pallas import tpu as pltpu
from jax.experimental.pallas import tpu_sc as plsc

N = 10000
E = 50000
D_IN = 1433
D_HID = 789
D_OUT = 7

NC = 2
NS = 16

NPAD = 10240
DUMMY = 10100
NCHUNK = 4
CW = 224
HPAD = NCHUNK * CW
OPAD = 16
RB = 512
ROWS_PER_TILE = NPAD // NS

EB = 128
E_PER_T = E // NS
NB = 26
NBR = 32
NBH = NB // 2
NBUF = 3
G = 2

_mesh = functools.partial(
    plsc.VectorSubcoreMesh, core_axis_name="c", subcore_axis_name="s")



def _fmt_body(eb, ob):
    for c in range(2):
        pad_val = 0 if c == 0 else DUMMY
        row = eb[c]
        fill = jnp.full((NBR * EB - E_PER_T,), pad_val, jnp.int32)
        for t in range(NS):
            seg = jnp.concatenate([row[t * E_PER_T:(t + 1) * E_PER_T], fill])
            ob[c, t] = seg.reshape(NBR, EB)


def _fmt_call(edge):
    return pl.pallas_call(
        _fmt_body,
        grid=(1,),
        in_specs=[pl.BlockSpec((2, E), lambda i: (0, 0))],
        out_specs=pl.BlockSpec((2, NS, NBR, EB), lambda i: (0, 0, 0, 0)),
        out_shape=jax.ShapeDtypeStruct((2, NS, NBR, EB), jnp.int32),
    )(edge)



def _deg_body(idx_hbm, zeros_hbm, out_hbm, dstv, ones_v, acc, sem):
    del sem
    cid = lax.axis_index("c")
    sid = lax.axis_index("s")
    r0 = sid * ROWS_PER_TILE
    pltpu.sync_copy(idx_hbm.at[1].at[sid].at[pl.ds(0, NB)], dstv)
    pltpu.sync_copy(zeros_hbm.at[pl.ds(r0, ROWS_PER_TILE)],
                    acc.at[pl.ds(r0, ROWS_PER_TILE)])
    one_row = jnp.where(lax.iota(jnp.int32, 16) < 1,
                        jnp.float32(1.0), jnp.float32(0.0))

    def fill(i, _):
        ones_v[i, :] = one_row
        return 0
    lax.fori_loop(0, EB, fill, 0)
    plsc.subcore_barrier()

    def body(j, _):
        pltpu.sync_copy(ones_v, acc.at[dstv.at[2 * j + cid]], add=True)
        return 0
    lax.fori_loop(0, NBH, body, 0)
    plsc.subcore_barrier()
    pltpu.sync_copy(acc.at[pl.ds(r0, ROWS_PER_TILE)],
                    out_hbm.at[cid].at[pl.ds(r0, ROWS_PER_TILE)])


def _deg_call(idx16, zeros_no):
    return pl.kernel(
        _deg_body,
        out_type=jax.ShapeDtypeStruct((NC, NPAD, OPAD), jnp.float32),
        mesh=_mesh(),
        compiler_params=pltpu.CompilerParams(use_tc_tiling_on_sc=False),
        scratch_types=[
            pltpu.VMEM((NB, EB), jnp.int32),
            pltpu.VMEM((EB, OPAD), jnp.float32),
            pltpu.VMEM_SHARED((NPAD, OPAD), jnp.float32),
            pltpu.SemaphoreType.DMA,
        ],
    )(idx16, zeros_no)


def _ring(xs_chunk, srcv, dstv, acc, bufs, gsems, ssems, b0, nb):
    for g in range(G):
        pltpu.async_copy(xs_chunk.at[srcv.at[b0 + g]],
                         bufs[g % NBUF], gsems[g % NBUF])
    for b in range(nb):
        g = b + G
        if g < nb:
            if g - NBUF >= 0:
                pltpu.make_async_copy(bufs[g % NBUF],
                                      acc.at[dstv.at[b0 + g - NBUF]],
                                      ssems[g % NBUF]).wait()
            pltpu.async_copy(xs_chunk.at[srcv.at[b0 + g]],
                             bufs[g % NBUF], gsems[g % NBUF])
        pltpu.make_async_copy(xs_chunk.at[srcv.at[b0 + b]],
                              bufs[b % NBUF], gsems[b % NBUF]).wait()
        pltpu.async_copy(bufs[b % NBUF], acc.at[dstv.at[b0 + b]],
                         ssems[b % NBUF], add=True)
    for b in range(max(0, nb - NBUF), nb):
        pltpu.make_async_copy(bufs[b % NBUF], acc.at[dstv.at[b0 + b]],
                              ssems[b % NBUF]).wait()


def _agg1_body(xs_hbm, idx_hbm, out_hbm, srcv, dstv,
               bufs, acc, gsems, ssems):
    cid = lax.axis_index("c")
    sid = lax.axis_index("s")
    r0 = sid * ROWS_PER_TILE
    pltpu.sync_copy(idx_hbm.at[0].at[sid].at[pl.ds(0, NB)], srcv)
    pltpu.sync_copy(idx_hbm.at[1].at[sid].at[pl.ds(0, NB)], dstv)
    for ckl in range(NCHUNK // NC):
        ck = cid * (NCHUNK // NC) + ckl
        pltpu.sync_copy(xs_hbm.at[ck].at[pl.ds(r0, ROWS_PER_TILE)],
                        acc.at[pl.ds(r0, ROWS_PER_TILE)])
        plsc.subcore_barrier()
        _ring(xs_hbm.at[ck], srcv, dstv, acc, bufs, gsems, ssems, 0, NB)
        plsc.subcore_barrier()
        pltpu.sync_copy(acc.at[pl.ds(r0, ROWS_PER_TILE)],
                        out_hbm.at[ck].at[pl.ds(r0, ROWS_PER_TILE)])
        plsc.subcore_barrier()


def _agg1_call(xs, idx16):
    return pl.kernel(
        _agg1_body,
        out_type=jax.ShapeDtypeStruct((NCHUNK, NPAD, CW), jnp.bfloat16),
        mesh=_mesh(),
        compiler_params=pltpu.CompilerParams(use_tc_tiling_on_sc=False),
        scratch_types=[
            pltpu.VMEM((NB, EB), jnp.int32),
            pltpu.VMEM((NB, EB), jnp.int32),
            [pltpu.VMEM((EB, CW), jnp.bfloat16) for _ in range(NBUF)],
            pltpu.VMEM_SHARED((NPAD, CW), jnp.bfloat16),
            [pltpu.SemaphoreType.DMA for _ in range(NBUF)],
            [pltpu.SemaphoreType.DMA for _ in range(NBUF)],
        ],
    )(xs, idx16)


def _agg2_body(hs_hbm, idx_hbm, out_hbm, srcv, dstv, gbuf, acc, sem):
    cid = lax.axis_index("c")
    sid = lax.axis_index("s")
    r0 = sid * ROWS_PER_TILE
    pltpu.sync_copy(idx_hbm.at[0].at[sid].at[pl.ds(0, NB)], srcv)
    pltpu.sync_copy(idx_hbm.at[1].at[sid].at[pl.ds(0, NB)], dstv)
    pltpu.sync_copy(hs_hbm.at[cid].at[pl.ds(r0, ROWS_PER_TILE)],
                    acc.at[pl.ds(r0, ROWS_PER_TILE)])
    plsc.subcore_barrier()

    def body(j, _):
        b = 2 * j + cid
        pltpu.async_copy(hs_hbm.at[0].at[srcv.at[b]], gbuf, sem).wait()
        pltpu.sync_copy(gbuf, acc.at[dstv.at[b]], add=True)
        return 0
    lax.fori_loop(0, NBH, body, 0)
    plsc.subcore_barrier()
    pltpu.sync_copy(acc.at[pl.ds(r0, ROWS_PER_TILE)],
                    out_hbm.at[cid].at[pl.ds(r0, ROWS_PER_TILE)])


def _agg2_call(hs2, idx16):
    return pl.kernel(
        _agg2_body,
        out_type=jax.ShapeDtypeStruct((NC, NPAD, OPAD), jnp.float32),
        mesh=_mesh(),
        compiler_params=pltpu.CompilerParams(use_tc_tiling_on_sc=False),
        scratch_types=[
            pltpu.VMEM((NB, EB), jnp.int32),
            pltpu.VMEM((NB, EB), jnp.int32),
            pltpu.VMEM((EB, OPAD), jnp.float32),
            pltpu.VMEM_SHARED((NPAD, OPAD), jnp.float32),
            pltpu.SemaphoreType.DMA,
        ],
    )(hs2, idx16)



def _dinv(degb):
    deg = degb[0][:, 0:1] + degb[1][:, 0:1] + 1.0
    return lax.rsqrt(deg)


def _mm1_body(xb, wb, degb, ob):
    dinv = _dinv(degb)
    xbf = xb[...].astype(jnp.bfloat16)
    wbf = wb[...].astype(jnp.bfloat16)
    y = jnp.dot(xbf, wbf, preferred_element_type=jnp.float32)
    ys = (jnp.pad(y, ((0, 0), (0, HPAD - D_HID))) * dinv).astype(jnp.bfloat16)
    for ck in range(NCHUNK):
        ob[ck] = ys[:, ck * CW:(ck + 1) * CW]


def _mm1_call(xp, w1p, degp):
    return pl.pallas_call(
        _mm1_body,
        grid=(NPAD // RB,),
        in_specs=[
            pl.BlockSpec((RB, D_IN), lambda i: (i, 0)),
            pl.BlockSpec((D_IN, D_HID), lambda i: (0, 0)),
            pl.BlockSpec((NC, RB, OPAD), lambda i: (0, i, 0)),
        ],
        out_specs=pl.BlockSpec((NCHUNK, RB, CW), lambda i: (0, i, 0)),
        out_shape=jax.ShapeDtypeStruct((NCHUNK, NPAD, CW), jnp.bfloat16),
    )(xp, w1p, degp)


def _layer2_body(aggb, degb, b1b, w2b, ob):
    dinv = _dinv(degb)
    acc = jnp.zeros((RB, OPAD), jnp.float32)
    for ck in range(NCHUNK):
        h = jnp.maximum(aggb[ck].astype(jnp.float32) * dinv + b1b[ck], 0.0)
        acc = acc + jnp.dot(h, w2b[ck],
                            preferred_element_type=jnp.float32)
    ob[0] = acc * dinv
    ob[1] = jnp.zeros((RB, OPAD), jnp.float32)


def _layer2_call(agg1, degp, b1p, w2p):
    return pl.pallas_call(
        _layer2_body,
        grid=(NPAD // RB,),
        in_specs=[
            pl.BlockSpec((NCHUNK, RB, CW), lambda i: (0, i, 0)),
            pl.BlockSpec((NC, RB, OPAD), lambda i: (0, i, 0)),
            pl.BlockSpec((NCHUNK, 1, CW), lambda i: (0, 0, 0)),
            pl.BlockSpec((NCHUNK, CW, OPAD), lambda i: (0, 0, 0)),
        ],
        out_specs=pl.BlockSpec((NC, RB, OPAD), lambda i: (0, i, 0)),
        out_shape=jax.ShapeDtypeStruct((NC, NPAD, OPAD), jnp.float32),
    )(agg1, degp, b1p, w2p)


def _final_body(aggb, degb, b2b, ob):
    dinv = _dinv(degb)
    z = (aggb[0] + aggb[1]) * dinv + b2b[0:1, :]
    col = lax.broadcasted_iota(jnp.int32, (RB, OPAD), 1)
    z = jnp.where(col < D_OUT, z, -jnp.inf)
    m = jnp.max(z, axis=1, keepdims=True)
    s = jnp.sum(jnp.exp(z - m), axis=1, keepdims=True)
    ob[...] = (z - (m + jnp.log(s)))[:, :D_OUT]


def _final_call(agg2, degp, b2p):
    return pl.pallas_call(
        _final_body,
        grid=(NPAD // RB,),
        in_specs=[
            pl.BlockSpec((NC, RB, OPAD), lambda i: (0, i, 0)),
            pl.BlockSpec((NC, RB, OPAD), lambda i: (0, i, 0)),
            pl.BlockSpec((1, OPAD), lambda i: (0, 0)),
        ],
        out_specs=pl.BlockSpec((RB, D_OUT), lambda i: (i, 0)),
        out_shape=jax.ShapeDtypeStruct((NPAD, D_OUT), jnp.float32),
    )(agg2, degp, b2p)



def kernel(x, edge, W1, b1, W2, b2):
    edge = edge.astype(jnp.int32)
    idx16 = _fmt_call(edge)

    b1p = jnp.pad(b1, (0, HPAD - D_HID)).reshape(NCHUNK, 1, CW)
    w2p = jnp.pad(W2, ((0, HPAD - D_HID), (0, OPAD - D_OUT)))
    w2p = w2p.reshape(NCHUNK, CW, OPAD)
    b2p = jnp.pad(b2, (0, OPAD - D_OUT)).reshape(1, OPAD)
    zeros_no = jnp.zeros((NPAD, OPAD), jnp.float32)

    degp = _deg_call(idx16, zeros_no)
    xs = _mm1_call(x, W1, degp)
    agg1 = _agg1_call(xs, idx16)
    hs2 = _layer2_call(agg1, degp, b1p, w2p)
    agg2 = _agg2_call(hs2, idx16)
    out = _final_call(agg2, degp, b2p)
    return out[:N]

# --- scband reference (transcript-rebuilt; emitter-appended) ---
"""Pipeline reference for scband-method-gnn-36601711296793 (READ-ONLY COPY).

The authoritative reference and input builder live on the scoring server;
editing this copy changes nothing except your own understanding.
"""

import jax, jax.numpy as jnp
import numpy as np

N_NODES = 10000
N_EDGES = 50000
D_IN = 1433
D_HID = 789
D_OUT = 7


def setup_inputs(seed: int = 0) -> dict:
    key = jax.random.key(seed)
    k1, k2, k3, k4, k5, k6 = jax.random.split(key, 6)
    x = jax.random.normal(k1, (N_NODES, D_IN), dtype=jnp.float32)
    edge = jax.random.randint(k2, (2, N_EDGES), 0, N_NODES, dtype=jnp.int64)
    # Glorot-style init for GCN weights, zeros for biases (per GCNConv defaults)
    W1 = jax.random.normal(k3, (D_IN, D_HID), dtype=jnp.float32) * (1.0 / np.sqrt(D_IN))
    b1 = jnp.zeros((D_HID,), dtype=jnp.float32)
    W2 = jax.random.normal(k4, (D_HID, D_OUT), dtype=jnp.float32) * (1.0 / np.sqrt(D_HID))
    b2 = jnp.zeros((D_OUT,), dtype=jnp.float32)
    return {"x": x, "edge": edge, "W1": W1, "b1": b1, "W2": W2, "b2": b2}


def _gcn_conv(x, edge_index, W, b):
    # Faithful to torch_geometric GCNConv: add self-loops, symmetric normalization,
    # message = norm * (x @ W)[src], scatter-add to dst, then add bias.
    n = x.shape[0]
    loop = jnp.arange(n, dtype=edge_index.dtype)
    src = jnp.concatenate([edge_index[0], loop])
    dst = jnp.concatenate([edge_index[1], loop])
    ones = jnp.ones(src.shape[0], dtype=x.dtype)
    deg = jnp.zeros((n,), dtype=x.dtype).at[dst].add(ones)
    deg_inv_sqrt = jnp.where(deg > 0, deg ** -0.5, 0.0)
    norm = deg_inv_sqrt[src] * deg_inv_sqrt[dst]
    xw = x @ W
    msg = xw[src] * norm[:, None]
    out = jnp.zeros((n, xw.shape[1]), dtype=x.dtype).at[dst].add(msg)
    return out + b


def reference(x, edge, W1, b1, W2, b2):
    h = _gcn_conv(x, edge, W1, b1)
    h = jax.nn.relu(h)
    # F.dropout(training=self.training): module is in eval mode at inference -> identity
    h = _gcn_conv(h, edge, W2, b2)
    y_pred = jax.nn.log_softmax(h, axis=1)
    return y_pred

if __name__ == "__main__":
    import jax
    _d = setup_inputs()
    print(jax.jit(kernel)(*tuple(_d.values())))

</pallas_src>

<mosaic_0001>
#map = affine_map<(d0, d1) -> (0, 0, 0)>
#map1 = affine_map<(d0, d1) -> (0, 0, 0, 0)>
module attributes {stable_mosaic.version = 14 : i64} {
  func.func @_agg1_body(%arg0: i32, %arg1: i32, %arg2: memref<4x10240x224xbf16, #tpu.memory_space<hbm>>, %arg3: memref<2x16x32x128xi32, #tpu.memory_space<hbm>>, %arg4: memref<4x10240x224xbf16, #tpu.memory_space<hbm>>, %arg5: memref<26x128xi32, #tpu.memory_space<vmem>>, %arg6: memref<26x128xi32, #tpu.memory_space<vmem>>, %arg7: memref<128x224xbf16, #tpu.memory_space<vmem>>, %arg8: memref<128x224xbf16, #tpu.memory_space<vmem>>, %arg9: memref<128x224xbf16, #tpu.memory_space<vmem>>, %arg10: memref<10240x224xbf16, #tpu.memory_space<vmem_shared>>, %arg11: memref<!tpu.dma_semaphore, #tpu.memory_space<semaphore_mem>>, %arg12: memref<!tpu.dma_semaphore, #tpu.memory_space<semaphore_mem>>, %arg13: memref<!tpu.dma_semaphore, #tpu.memory_space<semaphore_mem>>, %arg14: memref<!tpu.dma_semaphore, #tpu.memory_space<semaphore_mem>>, %arg15: memref<!tpu.dma_semaphore, #tpu.memory_space<semaphore_mem>>, %arg16: memref<!tpu.dma_semaphore, #tpu.memory_space<semaphore_mem>>) attributes {dimension_semantics = [#tpu.dimension_semantics<core_parallel>, #tpu.dimension_semantics<subcore_parallel>], iteration_bounds = array<i64: 2, 16>, scalar_prefetch = 0 : i64, scratch_operands = 12 : i64, tpu.core_type = #tpu.core_type<sc_vector_subcore>, window_params = [{transform_indices = #map}, {transform_indices = #map1}, {transform_indices = #map}]} {
    %mul3A = arith.constant 640 : i32
    %mul3A_0 = arith.muli %arg1, %mul3A : i32
    %run_scoped3A = arith.constant 0 : i32
    "tpu.region"() ({
      %run_scoped3A_1884 = tpu.sem_alloc : memref<!tpu.dma_semaphore, #tpu.memory_space<semaphore_mem>>
      %dma_start3A_1885 = arith.constant 0 : i32
      %dma_start3A_1886 = arith.constant 0 : i32
      %dma_start3A_1887 = arith.constant 0 : i32
      %dma_start3A_1888 = tpu.memref_slice %arg3[%run_scoped3A, %dma_start3A_1885, %dma_start3A_1886, %dma_start3A_1887] : memref<2x16x32x128xi32, #tpu.memory_space<hbm>> -> memref<1x16x32x128xi32, #tpu.memory_space<hbm>>
      %dma_start3A_1889 = tpu.memref_squeeze %dma_start3A_1888 : memref<1x16x32x128xi32, #tpu.memory_space<hbm>> -> memref<16x32x128xi32, #tpu.memory_space<hbm>>
      %dma_start3A_1890 = arith.constant 0 : i32
      %dma_start3A_1891 = arith.constant 0 : i32
      %dma_start3A_1892 = tpu.memref_slice %dma_start3A_1889[%arg1, %dma_start3A_1890, %dma_start3A_1891] : memref<16x32x128xi32, #tpu.memory_space<hbm>> -> memref<1x32x128xi32, #tpu.memory_space<hbm>>
      %dma_start3A_1893 = tpu.memref_squeeze %dma_start3A_1892 : memref<1x32x128xi32, #tpu.memory_space<hbm>> -> memref<32x128xi32, #tpu.memory_space<hbm>>
      %dma_start3A_1894 = arith.constant 0 : i32
      %dma_start3A_1895 = arith.constant 0 : i32
      %dma_start3A_1896 = tpu.memref_slice %dma_start3A_1893[%dma_start3A_1894, %dma_start3A_1895] : memref<32x128xi32, #tpu.memory_space<hbm>> -> memref<26x128xi32, #tpu.memory_space<hbm>>
      %dma_start3A_1897 = arith.constant 0 : i32
      %dma_start3A_1898 = arith.constant 0 : i32
      %dma_start3A_1899 = arith.constant 0 : i32
      %dma_start3A_1900 = tpu.memref_slice %arg3[%run_scoped3A, %dma_start3A_1897, %dma_start3A_1898, %dma_start3A_1899] : memref<2x16x32x128xi32, #tpu.memory_space<hbm>> -> memref<1x16x32x128xi32, #tpu.memory_space<hbm>>
      %dma_start3A_1901 = tpu.memref_squeeze %dma_start3A_1900 : memref<1x16x32x128xi32, #tpu.memory_space<hbm>> -> memref<16x32x128xi32, #tpu.memory_space<hbm>>
      %dma_start3A_1902 = arith.constant 0 : i32
      %dma_start3A_1903 = arith.constant 0 : i32
      %dma_start3A_1904 = tpu.memref_slice %dma_start3A_1901[%arg1, %dma_start3A_1902, %dma_start3A_1903] : memref<16x32x128xi32, #tpu.memory_space<hbm>> -> memref<1x32x128xi32, #tpu.memory_space<hbm>>
      %dma_start3A_1905 = tpu.memref_squeeze %dma_start3A_1904 : memref<1x32x128xi32, #tpu.memory_space<hbm>> -> memref<32x128xi32, #tpu.memory_space<hbm>>
      %dma_start3A_1906 = arith.constant 0 : i32
      %dma_start3A_1907 = arith.constant 0 : i32
      %dma_start3A_1908 = tpu.memref_slice %dma_start3A_1905[%dma_start3A_1906, %dma_start3A_1907] : memref<32x128xi32, #tpu.memory_space<hbm>> -> memref<26x128xi32, #tpu.memory_space<hbm>>
      tpu.enqueue_dma source(%dma_start3A_1908 : memref<26x128xi32, #tpu.memory_space<hbm>>) target(%arg5 : memref<26x128xi32, #tpu.memory_space<vmem>>) target_semaphore(%run_scoped3A_1884 : memref<!tpu.dma_semaphore, #tpu.memory_space<semaphore_mem>>)
      %dma_wait3A_1909 = arith.constant 0 : i32
      %dma_wait3A_1910 = arith.constant 0 : i32
      %dma_wait3A_1911 = arith.constant 0 : i32
      %dma_wait3A_1912 = tpu.memref_slice %arg3[%run_scoped3A, %dma_wait3A_1909, %dma_wait3A_1910, %dma_wait3A_1911] : memref<2x16x32x128xi32, #tpu.memory_space<hbm>> -> memref<1x16x32x128xi32, #tpu.memory_space<hbm>>
      %dma_wait3A_1913 = tpu.memref_squeeze %dma_wait3A_1912 : memref<1x16x32x128xi32, #tpu.memory_space<hbm>> -> memref<16x32x128xi32, #tpu.memory_space<hbm>>
      %dma_wait3A_1914 = arith.constant 0 : i32
      %dma_wait3A_1915 = arith.constant 0 : i32
      %dma_wait3A_1916 = tpu.memref_slice %dma_wait3A_1913[%arg1, %dma_wait3A_1914, %dma_wait3A_1915] : memref<16x32x128xi32, #tpu.memory_space<hbm>> -> memref<1x32x128xi32, #tpu.memory_space<hbm>>
      %dma_wait3A_1917 = tpu.memref_squeeze %dma_wait3A_1916 : memref<1x32x128xi32, #tpu.memory_space<hbm>> -> memref<32x128xi32, #tpu.memory_space<hbm>>
      %dma_wait3A_1918 = arith.constant 0 : i32
      %dma_wait3A_1919 = arith.constant 0 : i32
      %dma_wait3A_1920 = tpu.memref_slice %dma_wait3A_1917[%dma_wait3A_1918, %dma_wait3A_1919] : memref<32x128xi32, #tpu.memory_space<hbm>> -> memref<26x128xi32, #tpu.memory_space<hbm>>
      %dma_wait3A_1921 = arith.constant 0 : i32
      %dma_wait3A_1922 = arith.constant 0 : i32
      %dma_wait3A_1923 = arith.constant 0 : i32
      %dma_wait3A_1924 = tpu.memref_slice %arg3[%run_scoped3A, %dma_wait3A_1921, %dma_wait3A_1922, %dma_wait3A_1923] : memref<2x16x32x128xi32, #tpu.memory_space<hbm>> -> memref<1x16x32x128xi32, #tpu.memory_space<hbm>>
      %dma_wait3A_1925 = tpu.memref_squeeze %dma_wait3A_1924 : memref<1x16x32x128xi32, #tpu.memory_space<hbm>> -> memref<16x32x128xi32, #tpu.memory_space<hbm>>
      %dma_wait3A_1926 = arith.constant 0 : i32
      %dma_wait3A_1927 = arith.constant 0 : i32
      %dma_wait3A_1928 = tpu.memref_slice %dma_wait3A_1925[%arg1, %dma_wait3A_1926, %dma_wait3A_1927] : memref<16x32x128xi32, #tpu.memory_space<hbm>> -> memref<1x32x128xi32, #tpu.memory_space<hbm>>
      %dma_wait3A_1929 = tpu.memref_squeeze %dma_wait3A_1928 : memref<1x32x128xi32, #tpu.memory_space<hbm>> -> memref<32x128xi32, #tpu.memory_space<hbm>>
      %dma_wait3A_1930 = arith.constant 0 : i32
      %dma_wait3A_1931 = arith.constant 0 : i32
      %dma_wait3A_1932 = tpu.memref_slice %dma_wait3A_1929[%dma_wait3A_1930, %dma_wait3A_1931] : memref<32x128xi32, #tpu.memory_space<hbm>> -> memref<26x128xi32, #tpu.memory_space<hbm>>
      tpu.wait_dma2 semaphore(%run_scoped3A_1884 : memref<!tpu.dma_semaphore, #tpu.memory_space<semaphore_mem>>) src(%dma_wait3A_1932 : memref<26x128xi32, #tpu.memory_space<hbm>>) dst(%arg5 : memref<26x128xi32, #tpu.memory_space<vmem>>)
      tpu.yield
    }) : () -> ()
    %run_scoped3A_1 = arith.constant 1 : i32
    "tpu.region"() ({
      %run_scoped3A_1884 = tpu.sem_alloc : memref<!tpu.dma_semaphore, #tpu.memory_space<semaphore_mem>>
      %dma_start3A_1885 = arith.constant 0 : i32
      %dma_start3A_1886 = arith.constant 0 : i32
      %dma_start3A_1887 = arith.constant 0 : i32
      %dma_start3A_1888 = tpu.memref_slice %arg3[%run_scoped3A_1, %dma_start3A_1885, %dma_start3A_1886, %dma_start3A_1887] : memref<2x16x32x128xi32, #tpu.memory_space<hbm>> -> memref<1x16x32x128xi32, #tpu.memory_space<hbm>>
      %dma_start3A_1889 = tpu.memref_squeeze %dma_start3A_1888 : memref<1x16x32x128xi32, #tpu.memory_space<hbm>> -> memref<16x32x128xi32, #tpu.memory_space<hbm>>
      %dma_start3A_1890 = arith.constant 0 : i32
      %dma_start3A_1891 = arith.constant 0 : i32
      %dma_start3A_1892 = tpu.memref_slice %dma_start3A_1889[%arg1, %dma_start3A_1890, %dma_start3A_1891] : memref<16x32x128xi32, #tpu.memory_space<hbm>> -> memref<1x32x128xi32, #tpu.memory_space<hbm>>
      %dma_start3A_1893 = tpu.memref_squeeze %dma_start3A_1892 : memref<1x32x128xi32, #tpu.memory_space<hbm>> -> memref<32x128xi32, #tpu.memory_space<hbm>>
      %dma_start3A_1894 = arith.constant 0 : i32
      %dma_start3A_1895 = arith.constant 0 : i32
      %dma_start3A_1896 = tpu.memref_slice %dma_start3A_1893[%dma_start3A_1894, %dma_start3A_1895] : memref<32x128xi32, #tpu.memory_space<hbm>> -> memref<26x128xi32, #tpu.memory_space<hbm>>
      %dma_start3A_1897 = arith.constant 0 : i32
      %dma_start3A_1898 = arith.constant 0 : i32
      %dma_start3A_1899 = arith.constant 0 : i32
      %dma_start3A_1900 = tpu.memref_slice %arg3[%run_scoped3A_1, %dma_start3A_1897, %dma_start3A_1898, %dma_start3A_1899] : memref<2x16x32x128xi32, #tpu.memory_space<hbm>> -> memref<1x16x32x128xi32, #tpu.memory_space<hbm>>
      %dma_start3A_1901 = tpu.memref_squeeze %dma_start3A_1900 : memref<1x16x32x128xi32, #tpu.memory_space<hbm>> -> memref<16x32x128xi32, #tpu.memory_space<hbm>>
      %dma_start3A_1902 = arith.constant 0 : i32
      %dma_start3A_1903 = arith.constant 0 : i32
      %dma_start3A_1904 = tpu.memref_slice %dma_start3A_1901[%arg1, %dma_start3A_1902, %dma_start3A_1903] : memref<16x32x128xi32, #tpu.memory_space<hbm>> -> memref<1x32x128xi32, #tpu.memory_space<hbm>>
      %dma_start3A_1905 = tpu.memref_squeeze %dma_start3A_1904 : memref<1x32x128xi32, #tpu.memory_space<hbm>> -> memref<32x128xi32, #tpu.memory_space<hbm>>
      %dma_start3A_1906 = arith.constant 0 : i32
      %dma_start3A_1907 = arith.constant 0 : i32
      %dma_start3A_1908 = tpu.memref_slice %dma_start3A_1905[%dma_start3A_1906, %dma_start3A_1907] : memref<32x128xi32, #tpu.memory_space<hbm>> -> memref<26x128xi32, #tpu.memory_space<hbm>>
      tpu.enqueue_dma source(%dma_start3A_1908 : memref<26x128xi32, #tpu.memory_space<hbm>>) target(%arg6 : memref<26x128xi32, #tpu.memory_space<vmem>>) target_semaphore(%run_scoped3A_1884 : memref<!tpu.dma_semaphore, #tpu.memory_space<semaphore_mem>>)
      %dma_wait3A_1909 = arith.constant 0 : i32
      %dma_wait3A_1910 = arith.constant 0 : i32
      %dma_wait3A_1911 = arith.constant 0 : i32
      %dma_wait3A_1912 = tpu.memref_slice %arg3[%run_scoped3A_1, %dma_wait3A_1909, %dma_wait3A_1910, %dma_wait3A_1911] : memref<2x16x32x128xi32, #tpu.memory_space<hbm>> -> memref<1x16x32x128xi32, #tpu.memory_space<hbm>>
      %dma_wait3A_1913 = tpu.memref_squeeze %dma_wait3A_1912 : memref<1x16x32x128xi32, #tpu.memory_space<hbm>> -> memref<16x32x128xi32, #tpu.memory_space<hbm>>
      %dma_wait3A_1914 = arith.constant 0 : i32
      %dma_wait3A_1915 = arith.constant 0 : i32
      %dma_wait3A_1916 = tpu.memref_slice %dma_wait3A_1913[%arg1, %dma_wait3A_1914, %dma_wait3A_1915] : memref<16x32x128xi32, #tpu.memory_space<hbm>> -> memref<1x32x128xi32, #tpu.memory_space<hbm>>
      %dma_wait3A_1917 = tpu.memref_squeeze %dma_wait3A_1916 : memref<1x32x128xi32, #tpu.memory_space<hbm>> -> memref<32x128xi32, #tpu.memory_space<hbm>>
      %dma_wait3A_1918 = arith.constant 0 : i32
      %dma_wait3A_1919 = arith.constant 0 : i32
      %dma_wait3A_1920 = tpu.memref_slice %dma_wait3A_1917[%dma_wait3A_1918, %dma_wait3A_1919] : memref<32x128xi32, #tpu.memory_space<hbm>> -> memref<26x128xi32, #tpu.memory_space<hbm>>
      %dma_wait3A_1921 = arith.constant 0 : i32
      %dma_wait3A_1922 = arith.constant 0 : i32
      %dma_wait3A_1923 = arith.constant 0 : i32
      %dma_wait3A_1924 = tpu.memref_slice %arg3[%run_scoped3A_1, %dma_wait3A_1921, %dma_wait3A_1922, %dma_wait3A_1923] : memref<2x16x32x128xi32, #tpu.memory_space<hbm>> -> memref<1x16x32x128xi32, #tpu.memory_space<hbm>>
      %dma_wait3A_1925 = tpu.memref_squeeze %dma_wait3A_1924 : memref<1x16x32x128xi32, #tpu.memory_space<hbm>> -> memref<16x32x128xi32, #tpu.memory_space<hbm>>
      %dma_wait3A_1926 = arith.constant 0 : i32
      %dma_wait3A_1927 = arith.constant 0 : i32
      %dma_wait3A_1928 = tpu.memref_slice %dma_wait3A_1925[%arg1, %dma_wait3A_1926, %dma_wait3A_1927] : memref<16x32x128xi32, #tpu.memory_space<hbm>> -> memref<1x32x128xi32, #tpu.memory_space<hbm>>
      %dma_wait3A_1929 = tpu.memref_squeeze %dma_wait3A_1928 : memref<1x32x128xi32, #tpu.memory_space<hbm>> -> memref<32x128xi32, #tpu.memory_space<hbm>>
      %dma_wait3A_1930 = arith.constant 0 : i32
      %dma_wait3A_1931 = arith.constant 0 : i32
      %dma_wait3A_1932 = tpu.memref_slice %dma_wait3A_1929[%dma_wait3A_1930, %dma_wait3A_1931] : memref<32x128xi32, #tpu.memory_space<hbm>> -> memref<26x128xi32, #tpu.memory_space<hbm>>
      tpu.wait_dma2 semaphore(%run_scoped3A_1884 : memref<!tpu.dma_semaphore, #tpu.memory_space<semaphore_mem>>) src(%dma_wait3A_1932 : memref<26x128xi32, #tpu.memory_space<hbm>>) dst(%arg6 : memref<26x128xi32, #tpu.memory_space<vmem>>)
      tpu.yield
    }) : () -> ()
    %mul3A_2 = arith.constant 2 : i32
    %mul3A_3 = arith.muli %arg0, %mul3A_2 : i32
    %add3A = arith.constant 0 : i32
    %add3A_4 = arith.addi %mul3A_3, %add3A : i32
    "tpu.region"() ({
      %run_scoped3A_1884 = tpu.sem_alloc : memref<!tpu.dma_semaphore, #tpu.memory_space<semaphore_mem>>
      %dma_start3A_1885 = arith.constant 0 : i32
      %dma_start3A_1886 = tpu.memref_slice %arg10[%mul3A_0, %dma_start3A_1885] : memref<10240x224xbf16, #tpu.memory_space<vmem_shared>> -> memref<640x224xbf16, #tpu.memory_space<vmem_shared>>
      %dma_start3A_1887 = arith.constant 0 : i32
      %dma_start3A_1888 = arith.constant 0 : i32
      %dma_start3A_1889 = tpu.memref_slice %arg2[%add3A_4, %dma_start3A_1887, %dma_start3A_1888] : memref<4x10240x224xbf16, #tpu.memory_space<hbm>> -> memref<1x10240x224xbf16, #tpu.memory_space<hbm>>
      %dma_start3A_1890 = tpu.memref_squeeze %dma_start3A_1889 : memref<1x10240x224xbf16, #tpu.memory_space<hbm>> -> memref<10240x224xbf16, #tpu.memory_space<hbm>>
      %dma_start3A_1891 = arith.constant 0 : i32
      %dma_start3A_1892 = tpu.memref_slice %dma_start3A_1890[%mul3A_0, %dma_start3A_1891] : memref<10240x224xbf16, #tpu.memory_space<hbm>> -> memref<640x224xbf16, #tpu.memory_space<hbm>>
      tpu.enqueue_dma source(%dma_start3A_1892 : memref<640x224xbf16, #tpu.memory_space<hbm>>) target(%dma_start3A_1886 : memref<640x224xbf16, #tpu.memory_space<vmem_shared>>) target_semaphore(%run_scoped3A_1884 : memref<!tpu.dma_semaphore, #tpu.memory_space<semaphore_mem>>)
      %dma_wait3A_1893 = arith.constant 0 : i32
      %dma_wait3A_1894 = tpu.memref_slice %arg10[%mul3A_0, %dma_wait3A_1893] : memref<10240x224xbf16, #tpu.memory_space<vmem_shared>> -> memref<640x224xbf16, #tpu.memory_space<vmem_shared>>
      %dma_wait3A_1895 = arith.constant 0 : i32
      %dma_wait3A_1896 = arith.constant 0 : i32
      %dma_wait3A_1897 = tpu.memref_slice %arg2[%add3A_4, %dma_wait3A_1895, %dma_wait3A_1896] : memref<4x10240x224xbf16, #tpu.memory_space<hbm>> -> memref<1x10240x224xbf16, #tpu.memory_space<hbm>>
      %dma_wait3A_1898 = tpu.memref_squeeze %dma_wait3A_1897 : memref<1x10240x224xbf16, #tpu.memory_space<hbm>> -> memref<10240x224xbf16, #tpu.memory_space<hbm>>
      %dma_wait3A_1899 = arith.constant 0 : i32
      %dma_wait3A_1900 = tpu.memref_slice %dma_wait3A_1898[%mul3A_0, %dma_wait3A_1899] : memref<10240x224xbf16, #tpu.memory_space<hbm>> -> memref<640x224xbf16, #tpu.memory_space<hbm>>
      tpu.wait_dma2 semaphore(%run_scoped3A_1884 : memref<!tpu.dma_semaphore, #tpu.memory_space<semaphore_mem>>) src(%dma_wait3A_1900 : memref<640x224xbf16, #tpu.memory_space<hbm>>) dst(%dma_wait3A_1894 : memref<640x224xbf16, #tpu.memory_space<vmem_shared>>)
      tpu.yield
    }) : () -> ()
    %barrier3A = arith.constant 0 : index
    tpu.barrier barrier_id(%barrier3A)
    %dma_start3A = arith.constant 0 : i32
    %dma_start3A_5 = arith.constant 0 : i32
    %dma_start3A_6 = tpu.memref_slice %arg5[%dma_start3A, %dma_start3A_5] : memref<26x128xi32, #tpu.memory_space<vmem>> -> memref<1x128xi32, #tpu.memory_space<vmem>>
    %dma_start3A_7 = tpu.memref_squeeze %dma_start3A_6 : memref<1x128xi32, #tpu.memory_space<vmem>> -> memref<128xi32, #tpu.memory_space<vmem>>
    %dma_start3A_8 = arith.constant 0 : i32
    %dma_start3A_9 = arith.constant 0 : i32
    %dma_start3A_10 = tpu.memref_slice %arg2[%add3A_4, %dma_start3A_8, %dma_start3A_9] : memref<4x10240x224xbf16, #tpu.memory_space<hbm>> -> memref<1x10240x224xbf16, #tpu.memory_space<hbm>>
    %dma_start3A_11 = tpu.memref_squeeze %dma_start3A_10 : memref<1x10240x224xbf16, #tpu.memory_space<hbm>> -> memref<10240x224xbf16, #tpu.memory_space<hbm>>
    %dma_start3A_12 = arith.constant 0 : i32
    %dma_start3A_13 = arith.constant 0 : i32
    %dma_start3A_14 = tpu.memref_slice %dma_start3A_11[%dma_start3A_12, %dma_start3A_13] : memref<10240x224xbf16, #tpu.memory_space<hbm>> -> memref<10240x224xbf16, #tpu.memory_space<hbm>>
    tpu.enqueue_indirect_dma source(%dma_start3A_14 : memref<10240x224xbf16, #tpu.memory_space<hbm>>) target(%arg7 : memref<128x224xbf16, #tpu.memory_space<vmem>>) offsets(%dma_start3A_7 : memref<128xi32, #tpu.memory_space<vmem>>) semaphore(%arg11 : memref<!tpu.dma_semaphore, #tpu.memory_space<semaphore_mem>>)
    %dma_start3A_15 = arith.constant 1 : i32
    %dma_start3A_16 = arith.constant 0 : i32
    %dma_start3A_17 = tpu.memref_slice %arg5[%dma_start3A_15, %dma_start3A_16] : memref<26x128xi32, #tpu.memory_space<vmem>> -> memref<1x128xi32, #tpu.memory_space<vmem>>
    %dma_start3A_18 = tpu.memref_squeeze %dma_start3A_17 : memref<1x128xi32, #tpu.memory_space<vmem>> -> memref<128xi32, #tpu.memory_space<vmem>>
    %dma_start3A_19 = arith.constant 0 : i32
    %dma_start3A_20 = arith.constant 0 : i32
    %dma_start3A_21 = tpu.memref_slice %arg2[%add3A_4, %dma_start3A_19, %dma_start3A_20] : memref<4x10240x224xbf16, #tpu.memory_space<hbm>> -> memref<1x10240x224xbf16, #tpu.memory_space<hbm>>
    %dma_start3A_22 = tpu.memref_squeeze %dma_start3A_21 : memref<1x10240x224xbf16, #tpu.memory_space<hbm>> -> memref<10240x224xbf16, #tpu.memory_space<hbm>>
    %dma_start3A_23 = arith.constant 0 : i32
    %dma_start3A_24 = arith.constant 0 : i32
    %dma_start3A_25 = tpu.memref_slice %dma_start3A_22[%dma_start3A_23, %dma_start3A_24] : memref<10240x224xbf16, #tpu.memory_space<hbm>> -> memref<10240x224xbf16, #tpu.memory_space<hbm>>
    tpu.enqueue_indirect_dma source(%dma_start3A_25 : memref<10240x224xbf16, #tpu.memory_space<hbm>>) target(%arg8 : memref<128x224xbf16, #tpu.memory_space<vmem>>) offsets(%dma_start3A_18 : memref<128xi32, #tpu.memory_space<vmem>>) semaphore(%arg12 : memref<!tpu.dma_semaphore, #tpu.memory_space<semaphore_mem>>)
    %dma_start3A_26 = arith.constant 2 : i32
    %dma_start3A_27 = arith.constant 0 : i32
    %dma_start3A_28 = tpu.memref_slice %arg5[%dma_start3A_26, %dma_start3A_27] : memref<26x128xi32, #tpu.memory_space<vmem>> -> memref<1x128xi32, #tpu.memory_space<vmem>>
    %dma_start3A_29 = tpu.memref_squeeze %dma_start3A_28 : memref<1x128xi32, #tpu.memory_space<vmem>> -> memref<128xi32, #tpu.memory_space<vmem>>
    %dma_start3A_30 = arith.constant 0 : i32
    %dma_start3A_31 = arith.constant 0 : i32
    %dma_start3A_32 = tpu.memref_slice %arg2[%add3A_4, %dma_start3A_30, %dma_start3A_31] : memref<4x10240x224xbf16, #tpu.memory_space<hbm>> -> memref<1x10240x224xbf16, #tpu.memory_space<hbm>>
    %dma_start3A_33 = tpu.memref_squeeze %dma_start3A_32 : memref<1x10240x224xbf16, #tpu.memory_space<hbm>> -> memref<10240x224xbf16, #tpu.memory_space<hbm>>
    %dma_start3A_34 = arith.constant 0 : i32
    %dma_start3A_35 = arith.constant 0 : i32
    %dma_start3A_36 = tpu.memref_slice %dma_start3A_33[%dma_start3A_34, %dma_start3A_35] : memref<10240x224xbf16, #tpu.memory_space<hbm>> -> memref<10240x224xbf16, #tpu.memory_space<hbm>>
    tpu.enqueue_indirect_dma source(%dma_start3A_36 : memref<10240x224xbf16, #tpu.memory_space<hbm>>) target(%arg9 : memref<128x224xbf16, #tpu.memory_space<vmem>>) offsets(%dma_start3A_29 : memref<128xi32, #tpu.memory_space<vmem>>) semaphore(%arg13 : memref<!tpu.dma_semaphore, #tpu.memory_space<semaphore_mem>>)
    %dma_wait3A = arith.constant 0 : i32
    %dma_wait3A_37 = arith.constant 0 : i32
    %dma_wait3A_38 = tpu.memref_slice %arg5[%dma_wait3A, %dma_wait3A_37] : memref<26x128xi32, #tpu.memory_space<vmem>> -> memref<1x128xi32, #tpu.memory_space<vmem>>
    %dma_wait3A_39 = tpu.memref_squeeze %dma_wait3A_38 : memref<1x128xi32, #tpu.memory_space<vmem>> -> memref<128xi32, #tpu.memory_space<vmem>>
    %dma_wait3A_40 = arith.constant 0 : i32
    %dma_wait3A_41 = arith.constant 0 : i32
    %dma_wait3A_42 = tpu.memref_slice %arg2[%add3A_4, %dma_wait3A_40, %dma_wait3A_41] : memref<4x10240x224xbf16, #tpu.memory_space<hbm>> -> memref<1x10240x224xbf16, #tpu.memory_space<hbm>>
    %dma_wait3A_43 = tpu.memref_squeeze %dma_wait3A_42 : memref<1x10240x224xbf16, #tpu.memory_space<hbm>> -> memref<10240x224xbf16, #tpu.memory_space<hbm>>
    %dma_wait3A_44 = arith.constant 0 : i32
    %dma_wait3A_45 = arith.constant 0 : i32
    %dma_wait3A_46 = tpu.memref_slice %dma_wait3A_43[%dma_wait3A_44, %dma_wait3A_45] : memref<10240x224xbf16, #tpu.memory_space<hbm>> -> memref<10240x224xbf16, #tpu.memory_space<hbm>>
    tpu.wait_indirect_dma semaphore(%arg11 : memref<!tpu.dma_semaphore, #tpu.memory_space<semaphore_mem>>) src(%dma_wait3A_46 : memref<10240x224xbf16, #tpu.memory_space<hbm>>) dst(%arg7 : memref<128x224xbf16, #tpu.memory_space<vmem>>)
    %dma_start3A_47 = arith.constant 0 : i32
    %dma_start3A_48 = arith.constant 0 : i32
    %dma_start3A_49 = tpu.memref_slice %arg6[%dma_start3A_47, %dma_start3A_48] : memref<26x128xi32, #tpu.memory_space<vmem>> -> memref<1x128xi32, #tpu.memory_space<vmem>>
    %dma_start3A_50 = tpu.memref_squeeze %dma_start3A_49 : memref<1x128xi32, #tpu.memory_space<vmem>> -> memref<128xi32, #tpu.memory_space<vmem>>
    %dma_start3A_51 = arith.constant 0 : i32
    %dma_start3A_52 = arith.constant 0 : i32
    %dma_start3A_53 = tpu.memref_slice %arg10[%dma_start3A_51, %dma_start3A_52] : memref<10240x224xbf16, #tpu.memory_space<vmem_shared>> -> memref<10240x224xbf16, #tpu.memory_space<vmem_shared>>
    tpu.enqueue_indirect_dma source(%arg7 : memref<128x224xbf16, #tpu.memory_space<vmem>>) target(%dma_start3A_53 : memref<10240x224xbf16, #tpu.memory_space<vmem_shared>>) offsets(%dma_start3A_50 : memref<128xi32, #tpu.memory_space<vmem>>) semaphore(%arg14 : memref<!tpu.dma_semaphore, #tpu.memory_space<semaphore_mem>>) {add = true}
    %dma_wait3A_54 = arith.constant 0 : i32
    %dma_wait3A_55 = arith.constant 0 : i32
    %dma_wait3A_56 = tpu.memref_slice %arg6[%dma_wait3A_54, %dma_wait3A_55] : memref<26x128xi32, #tpu.memory_space<vmem>> -> memref<1x128xi32, #tpu.memory_space<vmem>>
    %dma_wait3A_57 = tpu.memref_squeeze %dma_wait3A_56 : memref<1x128xi32, #tpu.memory_space<vmem>> -> memref<128xi32, #tpu.memory_space<vmem>>
    %dma_wait3A_58 = arith.constant 0 : i32
    %dma_wait3A_59 = arith.constant 0 : i32
    %dma_wait3A_60 = tpu.memref_slice %arg10[%dma_wait3A_58, %dma_wait3A_59] : memref<10240x224xbf16, #tpu.memory_space<vmem_shared>> -> memref<10240x224xbf16, #tpu.memory_space<vmem_shared>>
    tpu.wait_indirect_dma semaphore(%arg14 : memref<!tpu.dma_semaphore, #tpu.memory_space<semaphore_mem>>) src(%arg7 : memref<128x224xbf16, #tpu.memory_space<vmem>>) dst(%dma_wait3A_60 : memref<10240x224xbf16, #tpu.memory_space<vmem_shared>>)
    %dma_start3A_61 = arith.constant 3 : i32
    %dma_start3A_62 = arith.constant 0 : i32
    %dma_start3A_63 = tpu.memref_slice %arg5[%dma_start3A_61, %dma_start3A_62] : memref<26x128xi32, #tpu.memory_space<vmem>> -> memref<1x128xi32, #tpu.memory_space<vmem>>
    %dma_start3A_64 = tpu.memref_squeeze %dma_start3A_63 : memref<1x128xi32, #tpu.memory_space<vmem>> -> memref<128xi32, #tpu.memory_space<vmem>>
    %dma_start3A_65 = arith.constant 0 : i32
    %dma_start3A_66 = arith.constant 0 : i32
    %dma_start3A_67 = tpu.memref_slice %arg2[%add3A_4, %dma_start3A_65, %dma_start3A_66] : memref<4x10240x224xbf16, #tpu.memory_space<hbm>> -> memref<1x10240x224xbf16, #tpu.memory_space<hbm>>
    %dma_start3A_68 = tpu.memref_squeeze %dma_start3A_67 : memref<1x10240x224xbf16, #tpu.memory_space<hbm>> -> memref<10240x224xbf16, #tpu.memory_space<hbm>>
    %dma_start3A_69 = arith.constant 0 : i32
    %dma_start3A_70 = arith.constant 0 : i32
    %dma_start3A_71 = tpu.memref_slice %dma_start3A_68[%dma_start3A_69, %dma_start3A_70] : memref<10240x224xbf16, #tpu.memory_space<hbm>> -> memref<10240x224xbf16, #tpu.memory_space<hbm>>
    tpu.enqueue_indirect_dma source(%dma_start3A_71 : memref<10240x224xbf16, #tpu.memory_space<hbm>>) target(%arg7 : memref<128x224xbf16, #tpu.memory_space<vmem>>) offsets(%dma_start3A_64 : memref<128xi32, #tpu.memory_space<vmem>>) semaphore(%arg11 : memref<!tpu.dma_semaphore, #tpu.memory_space<semaphore_mem>>)
    %dma_wait3A_72 = arith.constant 1 : i32
    %dma_wait3A_73 = arith.constant 0 : i32
    %dma_wait3A_74 = tpu.memref_slice %arg5[%dma_wait3A_72, %dma_wait3A_73] : memref<26x128xi32, #tpu.memory_space<vmem>> -> memref<1x128xi32, #tpu.memory_space<vmem>>
    %dma_wait3A_75 = tpu.memref_squeeze %dma_wait3A_74 : memref<1x128xi32, #tpu.memory_space<vmem>> -> memref<128xi32, #tpu.memory_space<vmem>>
    %dma_wait3A_76 = arith.constant 0 : i32
    %dma_wait3A_77 = arith.constant 0 : i32
    %dma_wait3A_78 = tpu.memref_slice %arg2[%add3A_4, %dma_wait3A_76, %dma_wait3A_77] : memref<4x10240x224xbf16, #tpu.memory_space<hbm>> -> memref<1x10240x224xbf16, #tpu.memory_space<hbm>>
    %dma_wait3A_79 = tpu.memref_squeeze %dma_wait3A_78 : memref<1x10240x224xbf16, #tpu.memory_space<hbm>> -> memref<10240x224xbf16, #tpu.memory_space<hbm>>
    %dma_wait3A_80 = arith.constant 0 : i32
    %dma_wait3A_81 = arith.constant 0 : i32
    %dma_wait3A_82 = tpu.memref_slice %dma_wait3A_79[%dma_wait3A_80, %dma_wait3A_81] : memref<10240x224xbf16, #tpu.memory_space<hbm>> -> memref<10240x224xbf16, #tpu.memory_space<hbm>>
    tpu.wait_indirect_dma semaphore(%arg12 : memref<!tpu.dma_semaphore, #tpu.memory_space<semaphore_mem>>) src(%dma_wait3A_82 : memref<10240x224xbf16, #tpu.memory_space<hbm>>) dst(%arg8 : memref<128x224xbf16, #tpu.memory_space<vmem>>)
    %dma_start3A_83 = arith.constant 1 : i32
    %dma_start3A_84 = arith.constant 0 : i32
    %dma_start3A_85 = tpu.memref_slice %arg6[%dma_start3A_83, %dma_start3A_84] : memref<26x128xi32, #tpu.memory_space<vmem>> -> memref<1x128xi32, #tpu.memory_space<vmem>>
    %dma_start3A_86 = tpu.memref_squeeze %dma_start3A_85 : memref<1x128xi32, #tpu.memory_space<vmem>> -> memref<128xi32, #tpu.memory_space<vmem>>
    %dma_start3A_87 = arith.constant 0 : i32
    %dma_start3A_88 = arith.constant 0 : i32
    %dma_start3A_89 = tpu.memref_slice %arg10[%dma_start3A_87, %dma_start3A_88] : memref<10240x224xbf16, #tpu.memory_space<vmem_shared>> -> memref<10240x224xbf16, #tpu.memory_space<vmem_shared>>
    tpu.enqueue_indirect_dma source(%arg8 : memref<128x224xbf16, #tpu.memory_space<vmem>>) target(%dma_start3A_89 : memref<10240x224xbf16, #tpu.memory_space<vmem_shared>>) offsets(%dma_start3A_86 : memref<128xi32, #tpu.memory_space<vmem>>) semaphore(%arg15 : memref<!tpu.dma_semaphore, #tpu.memory_space<semaphore_mem>>) {add = true}
    %dma_wait3A_90 = arith.constant 1 : i32
    %dma_wait3A_91 = arith.constant 0 : i32
    %dma_wait3A_92 = tpu.memref_slice %arg6[%dma_wait3A_90, %dma_wait3A_91] : memref<26x128xi32, #tpu.memory_space<vmem>> -> memref<1x128xi32, #tpu.memory_space<vmem>>
    %dma_wait3A_93 = tpu.memref_squeeze %dma_wait3A_92 : memref<1x128xi32, #tpu.memory_space<vmem>> -> memref<128xi32, #tpu.memory_space<vmem>>
    %dma_wait3A_94 = arith.constant 0 : i32
    %dma_wait3A_95 = arith.constant 0 : i32
    %dma_wait3A_96 = tpu.memref_slice %arg10[%dma_wait3A_94, %dma_wait3A_95] : memref<10240x224xbf16, #tpu.memory_space<vmem_shared>> -> memref<10240x224xbf16, #tpu.memory_space<vmem_shared>>
    tpu.wait_indirect_dma semaphore(%arg15 : memref<!tpu.dma_semaphore, #tpu.memory_space<semaphore_mem>>) src(%arg8 : memref<128x224xbf16, #tpu.memory_space<vmem>>) dst(%dma_wait3A_96 : memref<10240x224xbf16, #tpu.memory_space<vmem_shared>>)
    %dma_start3A_97 = arith.constant 4 : i32
    %dma_start3A_98 = arith.constant 0 : i32
    %dma_start3A_99 = tpu.memref_slice %arg5[%dma_start3A_97, %dma_start3A_98] : memref<26x128xi32, #tpu.memory_space<vmem>> -> memref<1x128xi32, #tpu.memory_space<vmem>>
    %dma_start3A_100 = tpu.memref_squeeze %dma_start3A_99 : memref<1x128xi32, #tpu.memory_space<vmem>> -> memref<128xi32, #tpu.memory_space<vmem>>
    %dma_start3A_101 = arith.constant 0 : i32
    %dma_start3A_102 = arith.constant 0 : i32
    %dma_start3A_103 = tpu.memref_slice %arg2[%add3A_4, %dma_start3A_101, %dma_start3A_102] : memref<4x10240x224xbf16, #tpu.memory_space<hbm>> -> memref<1x10240x224xbf16, #tpu.memory_space<hbm>>
    %dma_start3A_104 = tpu.memref_squeeze %dma_start3A_103 : memref<1x10240x224xbf16, #tpu.memory_space<hbm>> -> memref<10240x224xbf16, #tpu.memory_space<hbm>>
    %dma_start3A_105 = arith.constant 0 : i32
    %dma_start3A_106 = arith.constant 0 : i32
    %dma_start3A_107 = tpu.memref_slice %dma_start3A_104[%dma_start3A_105, %dma_start3A_106] : memref<10240x224xbf16, #tpu.memory_space<hbm>> -> memref<10240x224xbf16, #tpu.memory_space<hbm>>
    tpu.enqueue_indirect_dma source(%dma_start3A_107 : memref<10240x224xbf16, #tpu.memory_space<hbm>>) target(%arg8 : memref<128x224xbf16, #tpu.memory_space<vmem>>) offsets(%dma_start3A_100 : memref<128xi32, #tpu.memory_space<vmem>>) semaphore(%arg12 : memref<!tpu.dma_semaphore, #tpu.memory_space<semaphore_mem>>)
    %dma_wait3A_108 = arith.constant 2 : i32
    %dma_wait3A_109 = arith.constant 0 : i32
    %dma_wait3A_110 = tpu.memref_slice %arg5[%dma_wait3A_108, %dma_wait3A_109] : memref<26x128xi32, #tpu.memory_space<vmem>> -> memref<1x128xi32, #tpu.memory_space<vmem>>
    %dma_wait3A_111 = tpu.memref_squeeze %dma_wait3A_110 : memref<1x128xi32, #tpu.memory_space<vmem>> -> memref<128xi32, #tpu.memory_space<vmem>>
    %dma_wait3A_112 = arith.constant 0 : i32
    %dma_wait3A_113 = arith.constant 0 : i32
    %dma_wait3A_114 = tpu.memref_slice %arg2[%add3A_4, %dma_wait3A_112, %dma_wait3A_113] : memref<4x10240x224xbf16, #tpu.memory_space<hbm>> -> memref<1x10240x224xbf16, #tpu.memory_space<hbm>>
    %dma_wait3A_115 = tpu.memref_squeeze %dma_wait3A_114 : memref<1x10240x224xbf16, #tpu.memory_space<hbm>> -> memref<10240x224xbf16, #tpu.memory_space<hbm>>
    %dma_wait3A_116 = arith.constant 0 : i32
    %dma_wait3A_117 = arith.constant 0 : i32
    %dma_wait3A_118 = tpu.memref_slice %dma_wait3A_115[%dma_wait3A_116, %dma_wait3A_117] : memref<10240x224xbf16, #tpu.memory_space<hbm>> -> memref<10240x224xbf16, #tpu.memory_space<hbm>>
    tpu.wait_indirect_dma semaphore(%arg13 : memref<!tpu.dma_semaphore, #tpu.memory_space<semaphore_mem>>) src(%dma_wait3A_118 : memref<10240x224xbf16, #tpu.memory_space<hbm>>) dst(%arg9 : memref<128x224xbf16, #tpu.memory_space<vmem>>)
    %dma_start3A_119 = arith.constant 2 : i32
    %dma_start3A_120 = arith.constant 0 : i32
    %dma_start3A_121 = tpu.memref_slice %arg6[%dma_start3A_119, %dma_start3A_120] : memref<26x128xi32, #tpu.memory_space<vmem>> -> memref<1x128xi32, #tpu.memory_space<vmem>>
    %dma_start3A_122 = tpu.memref_squeeze %dma_start3A_121 : memref<1x128xi32, #tpu.memory_space<vmem>> -> memref<128xi32, #tpu.memory_space<vmem>>
    %dma_start3A_123 = arith.constant 0 : i32
    %dma_start3A_124 = arith.constant 0 : i32
    %dma_start3A_125 = tpu.memref_slice %arg10[%dma_start3A_123, %dma_start3A_124] : memref<10240x224xbf16, #tpu.memory_space<vmem_shared>> -> memref<10240x224xbf16, #tpu.memory_space<vmem_shared>>
    tpu.enqueue_indirect_dma source(%arg9 : memref<128x224xbf16, #tpu.memory_space<vmem>>) target(%dma_start3A_125 : memref<10240x224xbf16, #tpu.memory_space<vmem_shared>>) offsets(%dma_start3A_122 : memref<128xi32, #tpu.memory_space<vmem>>) semaphore(%arg16 : memref<!tpu.dma_semaphore, #tpu.memory_space<semaphore_mem>>) {add = true}
    %dma_wait3A_126 = arith.constant 2 : i32
    %dma_wait3A_127 = arith.constant 0 : i32
    %dma_wait3A_128 = tpu.memref_slice %arg6[%dma_wait3A_126, %dma_wait3A_127] : memref<26x128xi32, #tpu.memory_space<vmem>> -> memref<1x128xi32, #tpu.memory_space<vmem>>
    %dma_wait3A_129 = tpu.memref_squeeze %dma_wait3A_128 : memref<1x128xi32, #tpu.memory_space<vmem>> -> memref<128xi32, #tpu.memory_space<vmem>>
    %dma_wait3A_130 = arith.constant 0 : i32
    %dma_wait3A_131 = arith.constant 0 : i32
    %dma_wait3A_132 = tpu.memref_slice %arg10[%dma_wait3A_130, %dma_wait3A_131] : memref<10240x224xbf16, #tpu.memory_space<vmem_shared>> -> memref<10240x224xbf16, #tpu.memory_space<vmem_shared>>
    tpu.wait_indirect_dma semaphore(%arg16 : memref<!tpu.dma_semaphore, #tpu.memory_space<semaphore_mem>>) src(%arg9 : memref<128x224xbf16, #tpu.memory_space<vmem>>) dst(%dma_wait3A_132 : memref<10240x224xbf16, #tpu.memory_space<vmem_shared>>)
    %dma_start3A_133 = arith.constant 5 : i32
    %dma_start3A_134 = arith.constant 0 : i32
    %dma_start3A_135 = tpu.memref_slice %arg5[%dma_start3A_133, %dma_start3A_134] : memref<26x128xi32, #tpu.memory_space<vmem>> -> memref<1x128xi32, #tpu.memory_space<vmem>>
    %dma_start3A_136 = tpu.memref_squeeze %dma_start3A_135 : memref<1x128xi32, #tpu.memory_space<vmem>> -> memref<128xi32, #tpu.memory_space<vmem>>
    %dma_start3A_137 = arith.constant 0 : i32
    %dma_start3A_138 = arith.constant 0 : i32
    %dma_start3A_139 = tpu.memref_slice %arg2[%add3A_4, %dma_start3A_137, %dma_start3A_138] : memref<4x10240x224xbf16, #tpu.memory_space<hbm>> -> memref<1x10240x224xbf16, #tpu.memory_space<hbm>>
    %dma_start3A_140 = tpu.memref_squeeze %dma_start3A_139 : memref<1x10240x224xbf16, #tpu.memory_space<hbm>> -> memref<10240x224xbf16, #tpu.memory_space<hbm>>
    %dma_start3A_141 = arith.constant 0 : i32
    %dma_start3A_142 = arith.constant 0 : i32
    %dma_start3A_143 = tpu.memref_slice %dma_start3A_140[%dma_start3A_141, %dma_start3A_142] : memref<10240x224xbf16, #tpu.memory_space<hbm>> -> memref<10240x224xbf16, #tpu.memory_space<hbm>>
    tpu.enqueue_indirect_dma source(%dma_start3A_143 : memref<10240x224xbf16, #tpu.memory_space<hbm>>) target(%arg9 : memref<128x224xbf16, #tpu.memory_space<vmem>>) offsets(%dma_start3A_136 : memref<128xi32, #tpu.memory_space<vmem>>) semaphore(%arg13 : memref<!tpu.dma_semaphore, #tpu.memory_space<semaphore_mem>>)
    %dma_wait3A_144 = arith.constant 3 : i32
    %dma_wait3A_145 = arith.constant 0 : i32
    %dma_wait3A_146 = tpu.memref_slice %arg5[%dma_wait3A_144, %dma_wait3A_145] : memref<26x128xi32, #tpu.memory_space<vmem>> -> memref<1x128xi32, #tpu.memory_space<vmem>>
    %dma_wait3A_147 = tpu.memref_squeeze %dma_wait3A_146 : memref<1x128xi32, #tpu.memory_space<vmem>> -> memref<128xi32, #tpu.memory_space<vmem>>
    %dma_wait3A_148 = arith.constant 0 : i32
    %dma_wait3A_149 = arith.constant 0 : i32
    %dma_wait3A_150 = tpu.memref_slice %arg2[%add3A_4, %dma_wait3A_148, %dma_wait3A_149] : memref<4x10240x224xbf16, #tpu.memory_space<hbm>> -> memref<1x10240x224xbf16, #tpu.memory_space<hbm>>
    %dma_wait3A_151 = tpu.memref_squeeze %dma_wait3A_150 : memref<1x10240x224xbf16, #tpu.memory_space<hbm>> -> memref<10240x224xbf16, #tpu.memory_space<hbm>>
    %dma_wait3A_152 = arith.constant 0 : i32
    %dma_wait3A_153 = arith.constant 0 : i32
    %dma_wait3A_154 = tpu.memref_slice %dma_wait3A_151[%dma_wait3A_152, %dma_wait3A_153] : memref<10240x224xbf16, #tpu.memory_space<hbm>> -> memref<10240x224xbf16, #tpu.memory_space<hbm>>
    tpu.wait_indirect_dma semaphore(%arg11 : memref<!tpu.dma_semaphore, #tpu.memory_space<semaphore_mem>>) src(%dma_wait3A_154 : memref<10240x224xbf16, #tpu.memory_space<hbm>>) dst(%arg7 : memref<128x224xbf16, #tpu.memory_space<vmem>>)
    %dma_start3A_155 = arith.constant 3 : i32
    %dma_start3A_156 = arith.constant 0 : i32
    %dma_start3A_157 = tpu.memref_slice %arg6[%dma_start3A_155, %dma_start3A_156] : memref<26x128xi32, #tpu.memory_space<vmem>> -> memref<1x128xi32, #tpu.memory_space<vmem>>
    %dma_start3A_158 = tpu.memref_squeeze %dma_start3A_157 : memref<1x128xi32, #tpu.memory_space<vmem>> -> memref<128xi32, #tpu.memory_space<vmem>>
    %dma_start3A_159 = arith.constant 0 : i32
    %dma_start3A_160 = arith.constant 0 : i32
    %dma_start3A_161 = tpu.memref_slice %arg10[%dma_start3A_159, %dma_start3A_160] : memref<10240x224xbf16, #tpu.memory_space<vmem_shared>> -> memref<10240x224xbf16, #tpu.memory_space<vmem_shared>>
    tpu.enqueue_indirect_dma source(%arg7 : memref<128x224xbf16, #tpu.memory_space<vmem>>) target(%dma_start3A_161 : memref<10240x224xbf16, #tpu.memory_space<vmem_shared>>) offsets(%dma_start3A_158 : memref<128xi32, #tpu.memory_space<vmem>>) semaphore(%arg14 : memref<!tpu.dma_semaphore, #tpu.memory_space<semaphore_mem>>) {add = true}
    %dma_wait3A_162 = arith.constant 3 : i32
    %dma_wait3A_163 = arith.constant 0 : i32
    %dma_wait3A_164 = tpu.memref_slice %arg6[%dma_wait3A_162, %dma_wait3A_163] : memref<26x128xi32, #tpu.memory_space<vmem>> -> memref<1x128xi32, #tpu.memory_space<vmem>>
    %dma_wait3A_165 = tpu.memref_squeeze %dma_wait3A_164 : memref<1x128xi32, #tpu.memory_space<vmem>> -> memref<128xi32, #tpu.memory_space<vmem>>
    %dma_wait3A_166 = arith.constant 0 : i32
    %dma_wait3A_167 = arith.constant 0 : i32
    %dma_wait3A_168 = tpu.memref_slice %arg10[%dma_wait3A_166, %dma_wait3A_167] : memref<10240x224xbf16, #tpu.memory_space<vmem_shared>> -> memref<10240x224xbf16, #tpu.memory_space<vmem_shared>>
    tpu.wait_indirect_dma semaphore(%arg14 : memref<!tpu.dma_semaphore, #tpu.memory_space<semaphore_mem>>) src(%arg7 : memref<128x224xbf16, #tpu.memory_space<vmem>>) dst(%dma_wait3A_168 : memref<10240x224xbf16, #tpu.memory_space<vmem_shared>>)
    %dma_start3A_169 = arith.constant 6 : i32
    %dma_start3A_170 = arith.constant 0 : i32
    %dma_start3A_171 = tpu.memref_slice %arg5[%dma_start3A_169, %dma_start3A_170] : memref<26x128xi32, #tpu.memory_space<vmem>> -> memref<1x128xi32, #tpu.memory_space<vmem>>
    %dma_start3A_172 = tpu.memref_squeeze %dma_start3A_171 : memref<1x128xi32, #tpu.memory_space<vmem>> -> memref<128xi32, #tpu.memory_space<vmem>>
    %dma_start3A_173 = arith.constant 0 : i32
    %dma_start3A_174 = arith.constant 0 : i32
    %dma_start3A_175 = tpu.memref_slice %arg2[%add3A_4, %dma_start3A_173, %dma_start3A_174] : memref<4x10240x224xbf16, #tpu.memory_space<hbm>> -> memref<1x10240x224xbf16, #tpu.memory_space<hbm>>
    %dma_start3A_176 = tpu.memref_squeeze %dma_start3A_175 : memref<1x10240x224xbf16, #tpu.memory_space<hbm>> -> memref<10240x224xbf16, #tpu.memory_space<hbm>>
    %dma_start3A_177 = arith.constant 0 : i32
    %dma_start3A_178 = arith.constant 0 : i32
    %dma_start3A_179 = tpu.memref_slice %dma_start3A_176[%dma_start3A_177, %dma_start3A_178] : memref<10240x224xbf16, #tpu.memory_space<hbm>> -> memref<10240x224xbf16, #tpu.memory_space<hbm>>
    tpu.enqueue_indirect_dma source(%dma_start3A_179 : memref<10240x224xbf16, #tpu.memory_space<hbm>>) target(%arg7 : memref<128x224xbf16, #tpu.memory_space<vmem>>) offsets(%dma_start3A_172 : memref<128xi32, #tpu.memory_space<vmem>>) semaphore(%arg11 : memref<!tpu.dma_semaphore, #tpu.memory_space<semaphore_mem>>)
    %dma_wait3A_180 = arith.constant 4 : i32
    %dma_wait3A_181 = arith.constant 0 : i32
    %dma_wait3A_182 = tpu.memref_slice %arg5[%dma_wait3A_180, %dma_wait3A_181] : memref<26x128xi32, #tpu.memory_space<vmem>> -> memref<1x128xi32, #tpu.memory_space<vmem>>
    %dma_wait3A_183 = tpu.memref_squeeze %dma_wait3A_182 : memref<1x128xi32, #tpu.memory_space<vmem>> -> memref<128xi32, #tpu.memory_space<vmem>>
    %dma_wait3A_184 = arith.constant 0 : i32
    %dma_wait3A_185 = arith.constant 0 : i32
    %dma_wait3A_186 = tpu.memref_slice %arg2[%add3A_4, %dma_wait3A_184, %dma_wait3A_185] : memref<4x10240x224xbf16, #tpu.memory_space<hbm>> -> memref<1x10240x224xbf16, #tpu.memory_space<hbm>>
    %dma_wait3A_187 = tpu.memref_squeeze %dma_wait3A_186 : memref<1x10240x224xbf16, #tpu.memory_space<hbm>> -> memref<10240x224xbf16, #tpu.memory_space<hbm>>
    %dma_wait3A_188 = arith.constant 0 : i32
    %dma_wait3A_189 = arith.constant 0 : i32
    %dma_wait3A_190 = tpu.memref_slice %dma_wait3A_187[%dma_wait3A_188, %dma_wait3A_189] : memref<10240x224xbf16, #tpu.memory_space<hbm>> -> memref<10240x224xbf16, #tpu.memory_space<hbm>>
    tpu.wait_indirect_dma semaphore(%arg12 : memref<!tpu.dma_semaphore, #tpu.memory_space<semaphore_mem>>) src(%dma_wait3A_190 : memref<10240x224xbf16, #tpu.memory_space<hbm>>) dst(%arg8 : memref<128x224xbf16, #tpu.memory_space<vmem>>)
    %dma_start3A_191 = arith.constant 4 : i32
    %dma_start3A_192 = arith.constant 0 : i32
    %dma_start3A_193 = tpu.memref_slice %arg6[%dma_start3A_191, %dma_start3A_192] : memref<26x128xi32, #tpu.memory_space<vmem>> -> memref<1x128xi32, #tpu.memory_space<vmem>>
    %dma_start3A_194 = tpu.memref_squeeze %dma_start3A_193 : memref<1x128xi32, #tpu.memory_space<vmem>> -> memref<128xi32, #tpu.memory_space<vmem>>
    %dma_start3A_195 = arith.constant 0 : i32
    %dma_start3A_196 = arith.constant 0 : i32
    %dma_start3A_197 = tpu.memref_slice %arg10[%dma_start3A_195, %dma_start3A_196] : memref<10240x224xbf16, #tpu.memory_space<vmem_shared>> -> memref<10240x224xbf16, #tpu.memory_space<vmem_shared>>
    tpu.enqueue_indirect_dma source(%arg8 : memref<128x224xbf16, #tpu.memory_space<vmem>>) target(%dma_start3A_197 : memref<10240x224xbf16, #tpu.memory_space<vmem_shared>>) offsets(%dma_start3A_194 : memref<128xi32, #tpu.memory_space<vmem>>) semaphore(%arg15 : memref<!tpu.dma_semaphore, #tpu.memory_space<semaphore_mem>>) {add = true}
    %dma_wait3A_198 = arith.constant 4 : i32
    %dma_wait3A_199 = arith.constant 0 : i32
    %dma_wait3A_200 = tpu.memref_slice %arg6[%dma_wait3A_198, %dma_wait3A_199] : memref<26x128xi32, #tpu.memory_space<vmem>> -> memref<1x128xi32, #tpu.memory_space<vmem>>
    %dma_wait3A_201 = tpu.memref_squeeze %dma_wait3A_200 : memref<1x128xi32, #tpu.memory_space<vmem>> -> memref<128xi32, #tpu.memory_space<vmem>>
    %dma_wait3A_202 = arith.constant 0 : i32
    %dma_wait3A_203 = arith.constant 0 : i32
    %dma_wait3A_204 = tpu.memref_slice %arg10[%dma_wait3A_202, %dma_wait3A_203] : memref<10240x224xbf16, #tpu.memory_space<vmem_shared>> -> memref<10240x224xbf16, #tpu.memory_space<vmem_shared>>
    tpu.wait_indirect_dma semaphore(%arg15 : memref<!tpu.dma_semaphore, #tpu.memory_space<semaphore_mem>>) src(%arg8 : memref<128x224xbf16, #tpu.memory_space<vmem>>) dst(%dma_wait3A_204 : memref<10240x224xbf16, #tpu.memory_space<vmem_shared>>)
    %dma_start3A_205 = arith.constant 7 : i32
    %dma_start3A_206 = arith.constant 0 : i32
    %dma_start3A_207 = tpu.memref_slice %arg5[%dma_start3A_205, %dma_start3A_206] : memref<26x128xi32, #tpu.memory_space<vmem>> -> memref<1x128xi32, #tpu.memory_space<vmem>>
    %dma_start3A_208 = tpu.memref_squeeze %dma_start3A_207 : memref<1x128xi32, #tpu.memory_space<vmem>> -> memref<128xi32, #tpu.memory_space<vmem>>
    %dma_start3A_209 = arith.constant 0 : i32
    %dma_start3A_210 = arith.constant 0 : i32
    %dma_start3A_211 = tpu.memref_slice %arg2[%add3A_4, %dma_start3A_209, %dma_start3A_210] : memref<4x10240x224xbf16, #tpu.memory_space<hbm>> -> memref<1x10240x224xbf16, #tpu.memory_space<hbm>>
    %dma_start3A_212 = tpu.memref_squeeze %dma_start3A_211 : memref<1x10240x224xbf16, #tpu.memory_space<hbm>> -> memref<10240x224xbf16, #tpu.memory_space<hbm>>
    %dma_start3A_213 = arith.constant 0 : i32
    %dma_start3A_214 = arith.constant 0 : i32
    %dma_start3A_215 = tpu.memref_slice %dma_start3A_212[%dma_start3A_213, %dma_start3A_214] : memref<10240x224xbf16, #tpu.memory_space<hbm>> -> memref<10240x224xbf16, #tpu.memory_space<hbm>>
    tpu.enqueue_indirect_dma source(%dma_start3A_215 : memref<10240x224xbf16, #tpu.memory_space<hbm>>) target(%arg8 : memref<128x224xbf16, #tpu.memory_space<vmem>>) offsets(%dma_start3A_208 : memref<128xi32, #tpu.memory_space<vmem>>) semaphore(%arg12 : memref<!tpu.dma_semaphore, #tpu.memory_space<semaphore_mem>>)
    %dma_wait3A_216 = arith.constant 5 : i32
    %dma_wait3A_217 = arith.constant 0 : i32
    %dma_wait3A_218 = tpu.memref_slice %arg5[%dma_wait3A_216, %dma_wait3A_217] : memref<26x128xi32, #tpu.memory_space<vmem>> -> memref<1x128xi32, #tpu.memory_space<vmem>>
    %dma_wait3A_219 = tpu.memref_squeeze %dma_wait3A_218 : memref<1x128xi32, #tpu.memory_space<vmem>> -> memref<128xi32, #tpu.memory_space<vmem>>
    %dma_wait3A_220 = arith.constant 0 : i32
    %dma_wait3A_221 = arith.constant 0 : i32
    %dma_wait3A_222 = tpu.memref_slice %arg2[%add3A_4, %dma_wait3A_220, %dma_wait3A_221] : memref<4x10240x224xbf16, #tpu.memory_space<hbm>> -> memref<1x10240x224xbf16, #tpu.memory_space<hbm>>
    %dma_wait3A_223 = tpu.memref_squeeze %dma_wait3A_222 : memref<1x10240x224xbf16, #tpu.memory_space<hbm>> -> memref<10240x224xbf16, #tpu.memory_space<hbm>>
    %dma_wait3A_224 = arith.constant 0 : i32
    %dma_wait3A_225 = arith.constant 0 : i32
    %dma_wait3A_226 = tpu.memref_slice %dma_wait3A_223[%dma_wait3A_224, %dma_wait3A_225] : memref<10240x224xbf16, #tpu.memory_space<hbm>> -> memref<10240x224xbf16, #tpu.memory_space<hbm>>
    tpu.wait_indirect_dma semaphore(%arg13 : memref<!tpu.dma_semaphore, #tpu.memory_space<semaphore_mem>>) src(%dma_wait3A_226 : memref<10240x224xbf16, #tpu.memory_space<hbm>>) dst(%arg9 : memref<128x224xbf16, #tpu.memory_space<vmem>>)
    %dma_start3A_227 = arith.constant 5 : i32
    %dma_start3A_228 = arith.constant 0 : i32
    %dma_start3A_229 = tpu.memref_slice %arg6[%dma_start3A_227, %dma_start3A_228] : memref<26x128xi32, #tpu.memory_space<vmem>> -> memref<1x128xi32, #tpu.memory_space<vmem>>
    %dma_start3A_230 = tpu.memref_squeeze %dma_start3A_229 : memref<1x128xi32, #tpu.memory_space<vmem>> -> memref<128xi32, #tpu.memory_space<vmem>>
    %dma_start3A_231 = arith.constant 0 : i32
    %dma_start3A_232 = arith.constant 0 : i32
    %dma_start3A_233 = tpu.memref_slice %arg10[%dma_start3A_231, %dma_start3A_232] : memref<10240x224xbf16, #tpu.memory_space<vmem_shared>> -> memref<10240x224xbf16, #tpu.memory_space<vmem_shared>>
    tpu.enqueue_indirect_dma source(%arg9 : memref<128x224xbf16, #tpu.memory_space<vmem>>) target(%dma_start3A_233 : memref<10240x224xbf16, #tpu.memory_space<vmem_shared>>) offsets(%dma_start3A_230 : memref<128xi32, #tpu.memory_space<vmem>>) semaphore(%arg16 : memref<!tpu.dma_semaphore, #tpu.memory_space<semaphore_mem>>) {add = true}
    %dma_wait3A_234 = arith.constant 5 : i32
    %dma_wait3A_235 = arith.constant 0 : i32
    %dma_wait3A_236 = tpu.memref_slice %arg6[%dma_wait3A_234, %dma_wait3A_235] : memref<26x128xi32, #tpu.memory_space<vmem>> -> memref<1x128xi32, #tpu.memory_space<vmem>>
    %dma_wait3A_237 = tpu.memref_squeeze %dma_wait3A_236 : memref<1x128xi32, #tpu.memory_space<vmem>> -> memref<128xi32, #tpu.memory_space<vmem>>
    %dma_wait3A_238 = arith.constant 0 : i32
    %dma_wait3A_239 = arith.constant 0 : i32
    %dma_wait3A_240 = tpu.memref_slice %arg10[%dma_wait3A_238, %dma_wait3A_239] : memref<10240x224xbf16, #tpu.memory_space<vmem_shared>> -> memref<10240x224xbf16, #tpu.memory_space<vmem_shared>>
    tpu.wait_indirect_dma semaphore(%arg16 : memref<!tpu.dma_semaphore, #tpu.memory_space<semaphore_mem>>) src(%arg9 : memref<128x224xbf16, #tpu.memory_space<vmem>>) dst(%dma_wait3A_240 : memref<10240x224xbf16, #tpu.memory_space<vmem_shared>>)
    %dma_start3A_241 = arith.constant 8 : i32
    %dma_start3A_242 = arith.constant 0 : i32
    %dma_start3A_243 = tpu.memref_slice %arg5[%dma_start3A_241, %dma_start3A_242] : memref<26x128xi32, #tpu.memory_space<vmem>> -> memref<1x128xi32, #tpu.memory_space<vmem>>
    %dma_start3A_244 = tpu.memref_squeeze %dma_start3A_243 : memref<1x128xi32, #tpu.memory_space<vmem>> -> memref<128xi32, #tpu.memory_space<vmem>>
    %dma_start3A_245 = arith.constant 0 : i32
    %dma_start3A_246 = arith.constant 0 : i32
    %dma_start3A_247 = tpu.memref_slice %arg2[%add3A_4, %dma_start3A_245, %dma_start3A_246] : memref<4x10240x224xbf16, #tpu.memory_space<hbm>> -> memref<1x10240x224xbf16, #tpu.memory_space<hbm>>
    %dma_start3A_248 = tpu.memref_squeeze %dma_start3A_247 : memref<1x10240x224xbf16, #tpu.memory_space<hbm>> -> memref<10240x224xbf16, #tpu.memory_space<hbm>>
    %dma_start3A_249 = arith.constant 0 : i32
    %dma_start3A_250 = arith.constant 0 : i32
    %dma_start3A_251 = tpu.memref_slice %dma_start3A_248[%dma_start3A_249, %dma_start3A_250] : memref<10240x224xbf16, #tpu.memory_space<hbm>> -> memref<10240x224xbf16, #tpu.memory_space<hbm>>
    tpu.enqueue_indirect_dma source(%dma_start3A_251 : memref<10240x224xbf16, #tpu.memory_space<hbm>>) target(%arg9 : memref<128x224xbf16, #tpu.memory_space<vmem>>) offsets(%dma_start3A_244 : memref<128xi32, #tpu.memory_space<vmem>>) semaphore(%arg13 : memref<!tpu.dma_semaphore, #tpu.memory_space<semaphore_mem>>)
    %dma_wait3A_252 = arith.constant 6 : i32
    %dma_wait3A_253 = arith.constant 0 : i32
    %dma_wait3A_254 = tpu.memref_slice %arg5[%dma_wait3A_252, %dma_wait3A_253] : memref<26x128xi32, #tpu.memory_space<vmem>> -> memref<1x128xi32, #tpu.memory_space<vmem>>
    %dma_wait3A_255 = tpu.memref_squeeze %dma_wait3A_254 : memref<1x128xi32, #tpu.memory_space<vmem>> -> memref<128xi32, #tpu.memory_space<vmem>>
    %dma_wait3A_256 = arith.constant 0 : i32
    %dma_wait3A_257 = arith.constant 0 : i32
    %dma_wait3A_258 = tpu.memref_slice %arg2[%add3A_4, %dma_wait3A_256, %dma_wait3A_257] : memref<4x10240x224xbf16, #tpu.memory_space<hbm>> -> memref<1x10240x224xbf16, #tpu.memory_space<hbm>>
    %dma_wait3A_259 = tpu.memref_squeeze %dma_wait3A_258 : memref<1x10240x224xbf16, #tpu.memory_space<hbm>> -> memref<10240x224xbf16, #tpu.memory_space<hbm>>
    %dma_wait3A_260 = arith.constant 0 : i32
    %dma_wait3A_261 = arith.constant 0 : i32
    %dma_wait3A_262 = tpu.memref_slice %dma_wait3A_259[%dma_wait3A_260, %dma_wait3A_261] : memref<10240x224xbf16, #tpu.memory_space<hbm>> -> memref<10240x224xbf16, #tpu.memory_space<hbm>>
    tpu.wait_indirect_dma semaphore(%arg11 : memref<!tpu.dma_semaphore, #tpu.memory_space<semaphore_mem>>) src(%dma_wait3A_262 : memref<10240x224xbf16, #tpu.memory_space<hbm>>) dst(%arg7 : memref<128x224xbf16, #tpu.memory_space<vmem>>)
    %dma_start3A_263 = arith.constant 6 : i32
    %dma_start3A_264 = arith.constant 0 : i32
    %dma_start3A_265 = tpu.memref_slice %arg6[%dma_start3A_263, %dma_start3A_264] : memref<26x128xi32, #tpu.memory_space<vmem>> -> memref<1x128xi32, #tpu.memory_space<vmem>>
    %dma_start3A_266 = tpu.memref_squeeze %dma_start3A_265 : memref<1x128xi32, #tpu.memory_space<vmem>> -> memref<128xi32, #tpu.memory_space<vmem>>
    %dma_start3A_267 = arith.constant 0 : i32
    %dma_start3A_268 = arith.constant 0 : i32
    %dma_start3A_269 = tpu.memref_slice %arg10[%dma_start3A_267, %dma_start3A_268] : memref<10240x224xbf16, #tpu.memory_space<vmem_shared>> -> memref<10240x224xbf16, #tpu.memory_space<vmem_shared>>
    tpu.enqueue_indirect_dma source(%arg7 : memref<128x224xbf16, #tpu.memory_space<vmem>>) target(%dma_start3A_269 : memref<10240x224xbf16, #tpu.memory_space<vmem_shared>>) offsets(%dma_start3A_266 : memref<128xi32, #tpu.memory_space<vmem>>) semaphore(%arg14 : memref<!tpu.dma_semaphore, #tpu.memory_space<semaphore_mem>>) {add = true}
    %dma_wait3A_270 = arith.constant 6 : i32
    %dma_wait3A_271 = arith.constant 0 : i32
    %dma_wait3A_272 = tpu.memref_slice %arg6[%dma_wait3A_270, %dma_wait3A_271] : memref<26x128xi32, #tpu.memory_space<vmem>> -> memref<1x128xi32, #tpu.memory_space<vmem>>
    %dma_wait3A_273 = tpu.memref_squeeze %dma_wait3A_272 : memref<1x128xi32, #tpu.memory_space<vmem>> -> memref<128xi32, #tpu.memory_space<vmem>>
    %dma_wait3A_274 = arith.constant 0 : i32
    %dma_wait3A_275 = arith.constant 0 : i32
    %dma_wait3A_276 = tpu.memref_slice %arg10[%dma_wait3A_274, %dma_wait3A_275] : memref<10240x224xbf16, #tpu.memory_space<vmem_shared>> -> memref<10240x224xbf16, #tpu.memory_space<vmem_shared>>
    tpu.wait_indirect_dma semaphore(%arg14 : memref<!tpu.dma_semaphore, #tpu.memory_space<semaphore_mem>>) src(%arg7 : memref<128x224xbf16, #tpu.memory_space<vmem>>) dst(%dma_wait3A_276 : memref<10240x224xbf16, #tpu.memory_space<vmem_shared>>)
    %dma_start3A_277 = arith.constant 9 : i32
    %dma_start3A_278 = arith.constant 0 : i32
    %dma_start3A_279 = tpu.memref_slice %arg5[%dma_start3A_277, %dma_start3A_278] : memref<26x128xi32, #tpu.memory_space<vmem>> -> memref<1x128xi32, #tpu.memory_space<vmem>>
    %dma_start3A_280 = tpu.memref_squeeze %dma_start3A_279 : memref<1x128xi32, #tpu.memory_space<vmem>> -> memref<128xi32, #tpu.memory_space<vmem>>
    %dma_start3A_281 = arith.constant 0 : i32
    %dma_start3A_282 = arith.constant 0 : i32
    %dma_start3A_283 = tpu.memref_slice %arg2[%add3A_4, %dma_start3A_281, %dma_start3A_282] : memref<4x10240x224xbf16, #tpu.memory_space<hbm>> -> memref<1x10240x224xbf16, #tpu.memory_space<hbm>>
    %dma_start3A_284 = tpu.memref_squeeze %dma_start3A_283 : memref<1x10240x224xbf16, #tpu.memory_space<hbm>> -> memref<10240x224xbf16, #tpu.memory_space<hbm>>
    %dma_start3A_285 = arith.constant 0 : i32
    %dma_start3A_286 = arith.constant 0 : i32
    %dma_start3A_287 = tpu.memref_slice %dma_start3A_284[%dma_start3A_285, %dma_start3A_286] : memref<10240x224xbf16, #tpu.memory_space<hbm>> -> memref<10240x224xbf16, #tpu.memory_space<hbm>>
    tpu.enqueue_indirect_dma source(%dma_start3A_287 : memref<10240x224xbf16, #tpu.memory_space<hbm>>) target(%arg7 : memref<128x224xbf16, #tpu.memory_space<vmem>>) offsets(%dma_start3A_280 : memref<128xi32, #tpu.memory_space<vmem>>) semaphore(%arg11 : memref<!tpu.dma_semaphore, #tpu.memory_space<semaphore_mem>>)
    %dma_wait3A_288 = arith.constant 7 : i32
    %dma_wait3A_289 = arith.constant 0 : i32
    %dma_wait3A_290 = tpu.memref_slice %arg5[%dma_wait3A_288, %dma_wait3A_289] : memref<26x128xi32, #tpu.memory_space<vmem>> -> memref<1x128xi32, #tpu.memory_space<vmem>>
    %dma_wait3A_291 = tpu.memref_squeeze %dma_wait3A_290 : memref<1x128xi32, #tpu.memory_space<vmem>> -> memref<128xi32, #tpu.memory_space<vmem>>
    %dma_wait3A_292 = arith.constant 0 : i32
    %dma_wait3A_293 = arith.constant 0 : i32
    %dma_wait3A_294 = tpu.memref_slice %arg2[%add3A_4, %dma_wait3A_292, %dma_wait3A_293] : memref<4x10240x224xbf16, #tpu.memory_space<hbm>> -> memref<1x10240x224xbf16, #tpu.memory_space<hbm>>
    %dma_wait3A_295 = tpu.memref_squeeze %dma_wait3A_294 : memref<1x10240x224xbf16, #tpu.memory_space<hbm>> -> memref<10240x224xbf16, #tpu.memory_space<hbm>>
    %dma_wait3A_296 = arith.constant 0 : i32
    %dma_wait3A_297 = arith.constant 0 : i32
    %dma_wait3A_298 = tpu.memref_slice %dma_wait3A_295[%dma_wait3A_296, %dma_wait3A_297] : memref<10240x224xbf16, #tpu.memory_space<hbm>> -> memref<10240x224xbf16, #tpu.memory_space<hbm>>
    tpu.wait_indirect_dma semaphore(%arg12 : memref<!tpu.dma_semaphore, #tpu.memory_space<semaphore_mem>>) src(%dma_wait3A_298 : memref<10240x224xbf16, #tpu.memory_space<hbm>>) dst(%arg8 : memref<128x224xbf16, #tpu.memory_space<vmem>>)
    %dma_start3A_299 = arith.constant 7 : i32
    %dma_start3A_300 = arith.constant 0 : i32
    %dma_start3A_301 = tpu.memref_slice %arg6[%dma_start3A_299, %dma_start3A_300] : memref<26x128xi32, #tpu.memory_space<vmem>> -> memref<1x128xi32, #tpu.memory_space<vmem>>
    %dma_start3A_302 = tpu.memref_squeeze %dma_start3A_301 : memref<1x128xi32, #tpu.memory_space<vmem>> -> memref<128xi32, #tpu.memory_space<vmem>>
    %dma_start3A_303 = arith.constant 0 : i32
    %dma_start3A_304 = arith.constant 0 : i32
    %dma_start3A_305 = tpu.memref_slice %arg10[%dma_start3A_303, %dma_start3A_304] : memref<10240x224xbf16, #tpu.memory_space<vmem_shared>> -> memref<10240x224xbf16, #tpu.memory_space<vmem_shared>>
    tpu.enqueue_indirect_dma source(%arg8 : memref<128x224xbf16, #tpu.memory_space<vmem>>) target(%dma_start3A_305 : memref<10240x224xbf16, #tpu.memory_space<vmem_shared>>) offsets(%dma_start3A_302 : memref<128xi32, #tpu.memory_space<vmem>>) semaphore(%arg15 : memref<!tpu.dma_semaphore, #tpu.memory_space<semaphore_mem>>) {add = true}
    %dma_wait3A_306 = arith.constant 7 : i32
    %dma_wait3A_307 = arith.constant 0 : i32
    %dma_wait3A_308 = tpu.memref_slice %arg6[%dma_wait3A_306, %dma_wait3A_307] : memref<26x128xi32, #tpu.memory_space<vmem>> -> memref<1x128xi32, #tpu.memory_space<vmem>>
    %dma_wait3A_309 = tpu.memref_squeeze %dma_wait3A_308 : memref<1x128xi32, #tpu.memory_space<vmem>> -> memref<128xi32, #tpu.memory_space<vmem>>
    %dma_wait3A_310 = arith.constant 0 : i32
    %dma_wait3A_311 = arith.constant 0 : i32
    %dma_wait3A_312 = tpu.memref_slice %arg10[%dma_wait3A_310, %dma_wait3A_311] : memref<10240x224xbf16, #tpu.memory_space<vmem_shared>> -> memref<10240x224xbf16, #tpu.memory_space<vmem_shared>>
    tpu.wait_indirect_dma semaphore(%arg15 : memref<!tpu.dma_semaphore, #tpu.memory_space<semaphore_mem>>) src(%arg8 : memref<128x224xbf16, #tpu.memory_space<vmem>>) dst(%dma_wait3A_312 : memref<10240x224xbf16, #tpu.memory_space<vmem_shared>>)
    %dma_start3A_313 = arith.constant 10 : i32
    %dma_start3A_314 = arith.constant 0 : i32
    %dma_start3A_315 = tpu.memref_slice %arg5[%dma_start3A_313, %dma_start3A_314] : memref<26x128xi32, #tpu.memory_space<vmem>> -> memref<1x128xi32, #tpu.memory_space<vmem>>
    %dma_start3A_316 = tpu.memref_squeeze %dma_start3A_315 : memref<1x128xi32, #tpu.memory_space<vmem>> -> memref<128xi32, #tpu.memory_space<vmem>>
    %dma_start3A_317 = arith.constant 0 : i32
    %dma_start3A_318 = arith.constant 0 : i32
    %dma_start3A_319 = tpu.memref_slice %arg2[%add3A_4, %dma_start3A_317, %dma_start3A_318] : memref<4x10240x224xbf16, #tpu.memory_space<hbm>> -> memref<1x10240x224xbf16, #tpu.memory_space<hbm>>
    %dma_start3A_320 = tpu.memref_squeeze %dma_start3A_319 : memref<1x10240x224xbf16, #tpu.memory_space<hbm>> -> memref<10240x224xbf16, #tpu.memory_space<hbm>>
    %dma_start3A_321 = arith.constant 0 : i32
    %dma_start3A_322 = arith.constant 0 : i32
    %dma_start3A_323 = tpu.memref_slice %dma_start3A_320[%dma_start3A_321, %dma_start3A_322] : memref<10240x224xbf16, #tpu.memory_space<hbm>> -> memref<10240x224xbf16, #tpu.memory_space<hbm>>
    tpu.enqueue_indirect_dma source(%dma_start3A_323 : memref<10240x224xbf16, #tpu.memory_space<hbm>>) target(%arg8 : memref<128x224xbf16, #tpu.memory_space<vmem>>) offsets(%dma_start3A_316 : memref<128xi32, #tpu.memory_space<vmem>>) semaphore(%arg12 : memref<!tpu.dma_semaphore, #tpu.memory_space<semaphore_mem>>)
    %dma_wait3A_324 = arith.constant 8 : i32
    %dma_wait3A_325 = arith.constant 0 : i32
    %dma_wait3A_326 = tpu.memref_slice %arg5[%dma_wait3A_324, %dma_wait3A_325] : memref<26x128xi32, #tpu.memory_space<vmem>> -> memref<1x128xi32, #tpu.memory_space<vmem>>
    %dma_wait3A_327 = tpu.memref_squeeze %dma_wait3A_326 : memref<1x128xi32, #tpu.memory_space<vmem>> -> memref<128xi32, #tpu.memory_space<vmem>>
    %dma_wait3A_328 = arith.constant 0 : i32
    %dma_wait3A_329 = arith.constant 0 : i32
    %dma_wait3A_330 = tpu.memref_slice %arg2[%add3A_4, %dma_wait3A_328, %dma_wait3A_329] : memref<4x10240x224xbf16, #tpu.memory_space<hbm>> -> memref<1x10240x224xbf16, #tpu.memory_space<hbm>>
    %dma_wait3A_331 = tpu.memref_squeeze %dma_wait3A_330 : memref<1x10240x224xbf16, #tpu.memory_space<hbm>> -> memref<10240x224xbf16, #tpu.memory_space<hbm>>
    %dma_wait3A_332 = arith.constant 0 : i32
    %dma_wait3A_333 = arith.constant 0 : i32
    %dma_wait3A_334 = tpu.memref_slice %dma_wait3A_331[%dma_wait3A_332, %dma_wait3A_333] : memref<10240x224xbf16, #tpu.memory_space<hbm>> -> memref<10240x224xbf16, #tpu.memory_space<hbm>>
    tpu.wait_indirect_dma semaphore(%arg13 : memref<!tpu.dma_semaphore, #tpu.memory_space<semaphore_mem>>) src(%dma_wait3A_334 : memref<10240x224xbf16, #tpu.memory_space<hbm>>) dst(%arg9 : memref<128x224xbf16, #tpu.memory_space<vmem>>)
    %dma_start3A_335 = arith.constant 8 : i32
    %dma_start3A_336 = arith.constant 0 : i32
    %dma_start3A_337 = tpu.memref_slice %arg6[%dma_start3A_335, %dma_start3A_336] : memref<26x128xi32, #tpu.memory_space<vmem>> -> memref<1x128xi32, #tpu.memory_space<vmem>>
    %dma_start3A_338 = tpu.memref_squeeze %dma_start3A_337 : memref<1x128xi32, #tpu.memory_space<vmem>> -> memref<128xi32, #tpu.memory_space<vmem>>
    %dma_start3A_339 = arith.constant 0 : i32
    %dma_start3A_340 = arith.constant 0 : i32
    %dma_start3A_341 = tpu.memref_slice %arg10[%dma_start3A_339, %dma_start3A_340] : memref<10240x224xbf16, #tpu.memory_space<vmem_shared>> -> memref<10240x224xbf16, #tpu.memory_space<vmem_shared>>
    tpu.enqueue_indirect_dma source(%arg9 : memref<128x224xbf16, #tpu.memory_space<vmem>>) target(%dma_start3A_341 : memref<10240x224xbf16, #tpu.memory_space<vmem_shared>>) offsets(%dma_start3A_338 : memref<128xi32, #tpu.memory_space<vmem>>) semaphore(%arg16 : memref<!tpu.dma_semaphore, #tpu.memory_space<semaphore_mem>>) {add = true}
    %dma_wait3A_342 = arith.constant 8 : i32
    %dma_wait3A_343 = arith.constant 0 : i32
    %dma_wait3A_344 = tpu.memref_slice %arg6[%dma_wait3A_342, %dma_wait3A_343] : memref<26x128xi32, #tpu.memory_space<vmem>> -> memref<1x128xi32, #tpu.memory_space<vmem>>
    %dma_wait3A_345 = tpu.memref_squeeze %dma_wait3A_344 : memref<1x128xi32, #tpu.memory_space<vmem>> -> memref<128xi32, #tpu.memory_space<vmem>>
    %dma_wait3A_346 = arith.constant 0 : i32
    %dma_wait3A_347 = arith.constant 0 : i32
    %dma_wait3A_348 = tpu.memref_slice %arg10[%dma_wait3A_346, %dma_wait3A_347] : memref<10240x224xbf16, #tpu.memory_space<vmem_shared>> -> memref<10240x224xbf16, #tpu.memory_space<vmem_shared>>
    tpu.wait_indirect_dma semaphore(%arg16 : memref<!tpu.dma_semaphore, #tpu.memory_space<semaphore_mem>>) src(%arg9 : memref<128x224xbf16, #tpu.memory_space<vmem>>) dst(%dma_wait3A_348 : memref<10240x224xbf16, #tpu.memory_space<vmem_shared>>)
    %dma_start3A_349 = arith.constant 11 : i32
    %dma_start3A_350 = arith.constant 0 : i32
    %dma_start3A_351 = tpu.memref_slice %arg5[%dma_start3A_349, %dma_start3A_350] : memref<26x128xi32, #tpu.memory_space<vmem>> -> memref<1x128xi32, #tpu.memory_space<vmem>>
    %dma_start3A_352 = tpu.memref_squeeze %dma_start3A_351 : memref<1x128xi32, #tpu.memory_space<vmem>> -> memref<128xi32, #tpu.memory_space<vmem>>
    %dma_start3A_353 = arith.constant 0 : i32
    %dma_start3A_354 = arith.constant 0 : i32
    %dma_start3A_355 = tpu.memref_slice %arg2[%add3A_4, %dma_start3A_353, %dma_start3A_354] : memref<4x10240x224xbf16, #tpu.memory_space<hbm>> -> memref<1x10240x224xbf16, #tpu.memory_space<hbm>>
    %dma_start3A_356 = tpu.memref_squeeze %dma_start3A_355 : memref<1x10240x224xbf16, #tpu.memory_space<hbm>> -> memref<10240x224xbf16, #tpu.memory_space<hbm>>
    %dma_start3A_357 = arith.constant 0 : i32
    %dma_start3A_358 = arith.constant 0 : i32
    %dma_start3A_359 = tpu.memref_slice %dma_start3A_356[%dma_start3A_357, %dma_start3A_358] : memref<10240x224xbf16, #tpu.memory_space<hbm>> -> memref<10240x224xbf16, #tpu.memory_space<hbm>>
    tpu.enqueue_indirect_dma source(%dma_start3A_359 : memref<10240x224xbf16, #tpu.memory_space<hbm>>) target(%arg9 : memref<128x224xbf16, #tpu.memory_space<vmem>>) offsets(%dma_start3A_352 : memref<128xi32, #tpu.memory_space<vmem>>) semaphore(%arg13 : memref<!tpu.dma_semaphore, #tpu.memory_space<semaphore_mem>>)
    %dma_wait3A_360 = arith.constant 9 : i32
    %dma_wait3A_361 = arith.constant 0 : i32
    %dma_wait3A_362 = tpu.memref_slice %arg5[%dma_wait3A_360, %dma_wait3A_361] : memref<26x128xi32, #tpu.memory_space<vmem>> -> memref<1x128xi32, #tpu.memory_space<vmem>>
    %dma_wait3A_363 = tpu.memref_squeeze %dma_wait3A_362 : memref<1x128xi32, #tpu.memory_space<vmem>> -> memref<128xi32, #tpu.memory_space<vmem>>
    %dma_wait3A_364 = arith.constant 0 : i32
    %dma_wait3A_365 = arith.constant 0 : i32
    %dma_wait3A_366 = tpu.memref_slice %arg2[%add3A_4, %dma_wait3A_364, %dma_wait3A_365] : memref<4x10240x224xbf16, #tpu.memory_space<hbm>> -> memref<1x10240x224xbf16, #tpu.memory_space<hbm>>
    %dma_wait3A_367 = tpu.memref_squeeze %dma_wait3A_366 : memref<1x10240x224xbf16, #tpu.memory_space<hbm>> -> memref<10240x224xbf16, #tpu.memory_space<hbm>>
    %dma_wait3A_368 = arith.constant 0 : i32
    %dma_wait3A_369 = arith.constant 0 : i32
    %dma_wait3A_370 = tpu.memref_slice %dma_wait3A_367[%dma_wait3A_368, %dma_wait3A_369] : memref<10240x224xbf16, #tpu.memory_space<hbm>> -> memref<10240x224xbf16, #tpu.memory_space<hbm>>
    tpu.wait_indirect_dma semaphore(%arg11 : memref<!tpu.dma_semaphore, #tpu.memory_space<semaphore_mem>>) src(%dma_wait3A_370 : memref<10240x224xbf16, #tpu.memory_space<hbm>>) dst(%arg7 : memref<128x224xbf16, #tpu.memory_space<vmem>>)
    %dma_start3A_371 = arith.constant 9 : i32
    %dma_start3A_372 = arith.constant 0 : i32
    %dma_start3A_373 = tpu.memref_slice %arg6[%dma_start3A_371, %dma_start3A_372] : memref<26x128xi32, #tpu.memory_space<vmem>> -> memref<1x128xi32, #tpu.memory_space<vmem>>
    %dma_start3A_374 = tpu.memref_squeeze %dma_start3A_373 : memref<1x128xi32, #tpu.memory_space<vmem>> -> memref<128xi32, #tpu.memory_space<vmem>>
    %dma_start3A_375 = arith.constant 0 : i32
    %dma_start3A_376 = arith.constant 0 : i32
    %dma_start3A_377 = tpu.memref_slice %arg10[%dma_start3A_375, %dma_start3A_376] : memref<10240x224xbf16, #tpu.memory_space<vmem_shared>> -> memref<10240x224xbf16, #tpu.memory_space<vmem_shared>>
    tpu.enqueue_indirect_dma source(%arg7 : memref<128x224xbf16, #tpu.memory_space<vmem>>) target(%dma_start3A_377 : memref<10240x224xbf16, #tpu.memory_space<vmem_shared>>) offsets(%dma_start3A_374 : memref<128xi32, #tpu.memory_space<vmem>>) semaphore(%arg14 : memref<!tpu.dma_semaphore, #tpu.memory_space<semaphore_mem>>) {add = true}
    %dma_wait3A_378 = arith.constant 9 : i32
    %dma_wait3A_379 = arith.constant 0 : i32
    %dma_wait3A_380 = tpu.memref_slice %arg6[%dma_wait3A_378, %dma_wait3A_379] : memref<26x128xi32, #tpu.memory_space<vmem>> -> memref<1x128xi32, #tpu.memory_space<vmem>>
    %dma_wait3A_381 = tpu.memref_squeeze %dma_wait3A_380 : memref<1x128xi32, #tpu.memory_space<vmem>> -> memref<128xi32, #tpu.memory_space<vmem>>
    %dma_wait3A_382 = arith.constant 0 : i32
    %dma_wait3A_383 = arith.constant 0 : i32
    %dma_wait3A_384 = tpu.memref_slice %arg10[%dma_wait3A_382, %dma_wait3A_383] : memref<10240x224xbf16, #tpu.memory_space<vmem_shared>> -> memref<10240x224xbf16, #tpu.memory_space<vmem_shared>>
    tpu.wait_indirect_dma semaphore(%arg14 : memref<!tpu.dma_semaphore, #tpu.memory_space<semaphore_mem>>) src(%arg7 : memref<128x224xbf16, #tpu.memory_space<vmem>>) dst(%dma_wait3A_384 : memref<10240x224xbf16, #tpu.memory_space<vmem_shared>>)
    %dma_start3A_385 = arith.constant 12 : i32
    %dma_start3A_386 = arith.constant 0 : i32
    %dma_start3A_387 = tpu.memref_slice %arg5[%dma_start3A_385, %dma_start3A_386] : memref<26x128xi32, #tpu.memory_space<vmem>> -> memref<1x128xi32, #tpu.memory_space<vmem>>
    %dma_start3A_388 = tpu.memref_squeeze %dma_start3A_387 : memref<1x128xi32, #tpu.memory_space<vmem>> -> memref<128xi32, #tpu.memory_space<vmem>>
    %dma_start3A_389 = arith.constant 0 : i32
    %dma_start3A_390 = arith.constant 0 : i32
    %dma_start3A_391 = tpu.memref_slice %arg2[%add3A_4, %dma_start3A_389, %dma_start3A_390] : memref<4x10240x224xbf16, #tpu.memory_space<hbm>> -> memref<1x10240x224xbf16, #tpu.memory_space<hbm>>
    %dma_start3A_392 = tpu.memref_squeeze %dma_start3A_391 : memref<1x10240x224xbf16, #tpu.memory_space<hbm>> -> memref<10240x224xbf16, #tpu.memory_space<hbm>>
    %dma_start3A_393 = arith.constant 0 : i32
    %dma_start3A_394 = arith.constant 0 : i32
    %dma_start3A_395 = tpu.memref_slice %dma_start3A_392[%dma_start3A_393, %dma_start3A_394] : memref<10240x224xbf16, #tpu.memory_space<hbm>> -> memref<10240x224xbf16, #tpu.memory_space<hbm>>
    tpu.enqueue_indirect_dma source(%dma_start3A_395 : memref<10240x224xbf16, #tpu.memory_space<hbm>>) target(%arg7 : memref<128x224xbf16, #tpu.memory_space<vmem>>) offsets(%dma_start3A_388 : memref<128xi32, #tpu.memory_space<vmem>>) semaphore(%arg11 : memref<!tpu.dma_semaphore, #tpu.memory_space<semaphore_mem>>)
    %dma_wait3A_396 = arith.constant 10 : i32
    %dma_wait3A_397 = arith.constant 0 : i32
    %dma_wait3A_398 = tpu.memref_slice %arg5[%dma_wait3A_396, %dma_wait3A_397] : memref<26x128xi32, #tpu.memory_space<vmem>> -> memref<1x128xi32, #tpu.memory_space<vmem>>
    %dma_wait3A_399 = tpu.memref_squeeze %dma_wait3A_398 : memref<1x128xi32, #tpu.memory_space<vmem>> -> memref<128xi32, #tpu.memory_space<vmem>>
    %dma_wait3A_400 = arith.constant 0 : i32
    %dma_wait3A_401 = arith.constant 0 : i32
    %dma_wait3A_402 = tpu.memref_slice %arg2[%add3A_4, %dma_wait3A_400, %dma_wait3A_401] : memref<4x10240x224xbf16, #tpu.memory_space<hbm>> -> memref<1x10240x224xbf16, #tpu.memory_space<hbm>>
    %dma_wait3A_403 = tpu.memref_squeeze %dma_wait3A_402 : memref<1x10240x224xbf16, #tpu.memory_space<hbm>> -> memref<10240x224xbf16, #tpu.memory_space<hbm>>
    %dma_wait3A_404 = arith.constant 0 : i32
    %dma_wait3A_405 = arith.constant 0 : i32
    %dma_wait3A_406 = tpu.memref_slice %dma_wait3A_403[%dma_wait3A_404, %dma_wait3A_405] : memref<10240x224xbf16, #tpu.memory_space<hbm>> -> memref<10240x224xbf16, #tpu.memory_space<hbm>>
    tpu.wait_indirect_dma semaphore(%arg12 : memref<!tpu.dma_semaphore, #tpu.memory_space<semaphore_mem>>) src(%dma_wait3A_406 : memref<10240x224xbf16, #tpu.memory_space<hbm>>) dst(%arg8 : memref<128x224xbf16, #tpu.memory_space<vmem>>)
    %dma_start3A_407 = arith.constant 10 : i32
    %dma_start3A_408 = arith.constant 0 : i32
    %dma_start3A_409 = tpu.memref_slice %arg6[%dma_start3A_407, %dma_start3A_408] : memref<26x128xi32, #tpu.memory_space<vmem>> -> memref<1x128xi32, #tpu.memory_space<vmem>>
    %dma_start3A_410 = tpu.memref_squeeze %dma_start3A_409 : memref<1x128xi32, #tpu.memory_space<vmem>> -> memref<128xi32, #tpu.memory_space<vmem>>
    %dma_start3A_411 = arith.constant 0 : i32
    %dma_start3A_412 = arith.constant 0 : i32
    %dma_start3A_413 = tpu.memref_slice %arg10[%dma_start3A_411, %dma_start3A_412] : memref<10240x224xbf16, #tpu.memory_space<vmem_shared>> -> memref<10240x224xbf16, #tpu.memory_space<vmem_shared>>
    tpu.enqueue_indirect_dma source(%arg8 : memref<128x224xbf16, #tpu.memory_space<vmem>>) target(%dma_start3A_413 : memref<10240x224xbf16, #tpu.memory_space<vmem_shared>>) offsets(%dma_start3A_410 : memref<128xi32, #tpu.memory_space<vmem>>) semaphore(%arg15 : memref<!tpu.dma_semaphore, #tpu.memory_space<semaphore_mem>>) {add = true}
    %dma_wait3A_414 = arith.constant 10 : i32
    %dma_wait3A_415 = arith.constant 0 : i32
    %dma_wait3A_416 = tpu.memref_slice %arg6[%dma_wait3A_414, %dma_wait3A_415] : memref<26x128xi32, #tpu.memory_space<vmem>> -> memref<1x128xi32, #tpu.memory_space<vmem>>
    %dma_wait3A_417 = tpu.memref_squeeze %dma_wait3A_416 : memref<1x128xi32, #tpu.memory_space<vmem>> -> memref<128xi32, #tpu.memory_space<vmem>>
    %dma_wait3A_418 = arith.constant 0 : i32
    %dma_wait3A_419 = arith.constant 0 : i32
    %dma_wait3A_420 = tpu.memref_slice %arg10[%dma_wait3A_418, %dma_wait3A_419] : memref<10240x224xbf16, #tpu.memory_space<vmem_shared>> -> memref<10240x224xbf16, #tpu.memory_space<vmem_shared>>
    tpu.wait_indirect_dma semaphore(%arg15 : memref<!tpu.dma_semaphore, #tpu.memory_space<semaphore_mem>>) src(%arg8 : memref<128x224xbf16, #tpu.memory_space<vmem>>) dst(%dma_wait3A_420 : memref<10240x224xbf16, #tpu.memory_space<vmem_shared>>)
    %dma_start3A_421 = arith.constant 13 : i32
    %dma_start3A_422 = arith.constant 0 : i32
    %dma_start3A_423 = tpu.memref_slice %arg5[%dma_start3A_421, %dma_start3A_422] : memref<26x128xi32, #tpu.memory_space<vmem>> -> memref<1x128xi32, #tpu.memory_space<vmem>>
    %dma_start3A_424 = tpu.memref_squeeze %dma_start3A_423 : memref<1x128xi32, #tpu.memory_space<vmem>> -> memref<128xi32, #tpu.memory_space<vmem>>
    %dma_start3A_425 = arith.constant 0 : i32
    %dma_start3A_426 = arith.constant 0 : i32
    %dma_start3A_427 = tpu.memref_slice %arg2[%add3A_4, %dma_start3A_425, %dma_start3A_426] : memref<4x10240x224xbf16, #tpu.memory_space<hbm>> -> memref<1x10240x224xbf16, #tpu.memory_space<hbm>>
    %dma_start3A_428 = tpu.memref_squeeze %dma_start3A_427 : memref<1x10240x224xbf16, #tpu.memory_space<hbm>> -> memref<10240x224xbf16, #tpu.memory_space<hbm>>
    %dma_start3A_429 = arith.constant 0 : i32
    %dma_start3A_430 = arith.constant 0 : i32
    %dma_start3A_431 = tpu.memref_slice %dma_start3A_428[%dma_start3A_429, %dma_start3A_430] : memref<10240x224xbf16, #tpu.memory_space<hbm>> -> memref<10240x224xbf16, #tpu.memory_space<hbm>>
    tpu.enqueue_indirect_dma source(%dma_start3A_431 : memref<10240x224xbf16, #tpu.memory_space<hbm>>) target(%arg8 : memref<128x224xbf16, #tpu.memory_space<vmem>>) offsets(%dma_start3A_424 : memref<128xi32, #tpu.memory_space<vmem>>) semaphore(%arg12 : memref<!tpu.dma_semaphore, #tpu.memory_space<semaphore_mem>>)
    %dma_wait3A_432 = arith.constant 11 : i32
    %dma_wait3A_433 = arith.constant 0 : i32
    %dma_wait3A_434 = tpu.memref_slice %arg5[%dma_wait3A_432, %dma_wait3A_433] : memref<26x128xi32, #tpu.memory_space<vmem>> -> memref<1x128xi32, #tpu.memory_space<vmem>>
    %dma_wait3A_435 = tpu.memref_squeeze %dma_wait3A_434 : memref<1x128xi32, #tpu.memory_space<vmem>> -> memref<128xi32, #tpu.memory_space<vmem>>
    %dma_wait3A_436 = arith.constant 0 : i32
    %dma_wait3A_437 = arith.constant 0 : i32
    %dma_wait3A_438 = tpu.memref_slice %arg2[%add3A_4, %dma_wait3A_436, %dma_wait3A_437] : memref<4x10240x224xbf16, #tpu.memory_space<hbm>> -> memref<1x10240x224xbf16, #tpu.memory_space<hbm>>
    %dma_wait3A_439 = tpu.memref_squeeze %dma_wait3A_438 : memref<1x10240x224xbf16, #tpu.memory_space<hbm>> -> memref<10240x224xbf16, #tpu.memory_space<hbm>>
    %dma_wait3A_440 = arith.constant 0 : i32
    %dma_wait3A_441 = arith.constant 0 : i32
    %dma_wait3A_442 = tpu.memref_slice %dma_wait3A_439[%dma_wait3A_440, %dma_wait3A_441] : memref<10240x224xbf16, #tpu.memory_space<hbm>> -> memref<10240x224xbf16, #tpu.memory_space<hbm>>
    tpu.wait_indirect_dma semaphore(%arg13 : memref<!tpu.dma_semaphore, #tpu.memory_space<semaphore_mem>>) src(%dma_wait3A_442 : memref<10240x224xbf16, #tpu.memory_space<hbm>>) dst(%arg9 : memref<128x224xbf16, #tpu.memory_space<vmem>>)
    %dma_start3A_443 = arith.constant 11 : i32
    %dma_start3A_444 = arith.constant 0 : i32
    %dma_start3A_445 = tpu.memref_slice %arg6[%dma_start3A_443, %dma_start3A_444] : memref<26x128xi32, #tpu.memory_space<vmem>> -> memref<1x128xi32, #tpu.memory_space<vmem>>
    %dma_start3A_446 = tpu.memref_squeeze %dma_start3A_445 : memref<1x128xi32, #tpu.memory_space<vmem>> -> memref<128xi32, #tpu.memory_space<vmem>>
    %dma_start3A_447 = arith.constant 0 : i32
    %dma_start3A_448 = arith.constant 0 : i32
    %dma_start3A_449 = tpu.memref_slice %arg10[%dma_start3A_447, %dma_start3A_448] : memref<10240x224xbf16, #tpu.memory_space<vmem_shared>> -> memref<10240x224xbf16, #tpu.memory_space<vmem_shared>>
    tpu.enqueue_indirect_dma source(%arg9 : memref<128x224xbf16, #tpu.memory_space<vmem>>) target(%dma_start3A_449 : memref<10240x224xbf16, #tpu.memory_space<vmem_shared>>) offsets(%dma_start3A_446 : memref<128xi32, #tpu.memory_space<vmem>>) semaphore(%arg16 : memref<!tpu.dma_semaphore, #tpu.memory_space<semaphore_mem>>) {add = true}
    %dma_wait3A_450 = arith.constant 11 : i32
    %dma_wait3A_451 = arith.constant 0 : i32
    %dma_wait3A_452 = tpu.memref_slice %arg6[%dma_wait3A_450, %dma_wait3A_451] : memref<26x128xi32, #tpu.memory_space<vmem>> -> memref<1x128xi32, #tpu.memory_space<vmem>>
    %dma_wait3A_453 = tpu.memref_squeeze %dma_wait3A_452 : memref<1x128xi32, #tpu.memory_space<vmem>> -> memref<128xi32, #tpu.memory_space<vmem>>
    %dma_wait3A_454 = arith.constant 0 : i32
    %dma_wait3A_455 = arith.constant 0 : i32
    %dma_wait3A_456 = tpu.memref_slice %arg10[%dma_wait3A_454, %dma_wait3A_455] : memref<10240x224xbf16, #tpu.memory_space<vmem_shared>> -> memref<10240x224xbf16, #tpu.memory_space<vmem_shared>>
    tpu.wait_indirect_dma semaphore(%arg16 : memref<!tpu.dma_semaphore, #tpu.memory_space<semaphore_mem>>) src(%arg9 : memref<128x224xbf16, #tpu.memory_space<vmem>>) dst(%dma_wait3A_456 : memref<10240x224xbf16, #tpu.memory_space<vmem_shared>>)
    %dma_start3A_457 = arith.constant 14 : i32
    %dma_start3A_458 = arith.constant 0 : i32
    %dma_start3A_459 = tpu.memref_slice %arg5[%dma_start3A_457, %dma_start3A_458] : memref<26x128xi32, #tpu.memory_space<vmem>> -> memref<1x128xi32, #tpu.memory_space<vmem>>
    %dma_start3A_460 = tpu.memref_squeeze %dma_start3A_459 : memref<1x128xi32, #tpu.memory_space<vmem>> -> memref<128xi32, #tpu.memory_space<vmem>>
    %dma_start3A_461 = arith.constant 0 : i32
    %dma_start3A_462 = arith.constant 0 : i32
    %dma_start3A_463 = tpu.memref_slice %arg2[%add3A_4, %dma_start3A_461, %dma_start3A_462] : memref<4x10240x224xbf16, #tpu.memory_space<hbm>> -> memref<1x10240x224xbf16, #tpu.memory_space<hbm>>
    %dma_start3A_464 = tpu.memref_squeeze %dma_start3A_463 : memref<1x10240x224xbf16, #tpu.memory_space<hbm>> -> memref<10240x224xbf16, #tpu.memory_space<hbm>>
    %dma_start3A_465 = arith.constant 0 : i32
    %dma_start3A_466 = arith.constant 0 : i32
    %dma_start3A_467 = tpu.memref_slice %dma_start3A_464[%dma_start3A_465, %dma_start3A_466] : memref<10240x224xbf16, #tpu.memory_space<hbm>> -> memref<10240x224xbf16, #tpu.memory_space<hbm>>
    tpu.enqueue_indirect_dma source(%dma_start3A_467 : memref<10240x224xbf16, #tpu.memory_space<hbm>>) target(%arg9 : memref<128x224xbf16, #tpu.memory_space<vmem>>) offsets(%dma_start3A_460 : memref<128xi32, #tpu.memory_space<vmem>>) semaphore(%arg13 : memref<!tpu.dma_semaphore, #tpu.memory_space<semaphore_mem>>)
    %dma_wait3A_468 = arith.constant 12 : i32
    %dma_wait3A_469 = arith.constant 0 : i32
    %dma_wait3A_470 = tpu.memref_slice %arg5[%dma_wait3A_468, %dma_wait3A_469] : memref<26x128xi32, #tpu.memory_space<vmem>> -> memref<1x128xi32, #tpu.memory_space<vmem>>
    %dma_wait3A_471 = tpu.memref_squeeze %dma_wait3A_470 : memref<1x128xi32, #tpu.memory_space<vmem>> -> memref<128xi32, #tpu.memory_space<vmem>>
    %dma_wait3A_472 = arith.constant 0 : i32
    %dma_wait3A_473 = arith.constant 0 : i32
    %dma_wait3A_474 = tpu.memref_slice %arg2[%add3A_4, %dma_wait3A_472, %dma_wait3A_473] : memref<4x10240x224xbf16, #tpu.memory_space<hbm>> -> memref<1x10240x224xbf16, #tpu.memory_space<hbm>>
    %dma_wait3A_475 = tpu.memref_squeeze %dma_wait3A_474 : memref<1x10240x224xbf16, #tpu.memory_space<hbm>> -> memref<10240x224xbf16, #tpu.memory_space<hbm>>
    %dma_wait3A_476 = arith.constant 0 : i32
    %dma_wait3A_477 = arith.constant 0 : i32
    %dma_wait3A_478 = tpu.memref_slice %dma_wait3A_475[%dma_wait3A_476, %dma_wait3A_477] : memref<10240x224xbf16, #tpu.memory_space<hbm>> -> memref<10240x224xbf16, #tpu.memory_space<hbm>>
    tpu.wait_indirect_dma semaphore(%arg11 : memref<!tpu.dma_semaphore, #tpu.memory_space<semaphore_mem>>) src(%dma_wait3A_478 : memref<10240x224xbf16, #tpu.memory_space<hbm>>) dst(%arg7 : memref<128x224xbf16, #tpu.memory_space<vmem>>)
    %dma_start3A_479 = arith.constant 12 : i32
    %dma_start3A_480 = arith.constant 0 : i32
    %dma_start3A_481 = tpu.memref_slice %arg6[%dma_start3A_479, %dma_start3A_480] : memref<26x128xi32, #tpu.memory_space<vmem>> -> memref<1x128xi32, #tpu.memory_space<vmem>>
    %dma_start3A_482 = tpu.memref_squeeze %dma_start3A_481 : memref<1x128xi32, #tpu.memory_space<vmem>> -> memref<128xi32, #tpu.memory_space<vmem>>
    %dma_start3A_483 = arith.constant 0 : i32
    %dma_start3A_484 = arith.constant 0 : i32
    %dma_start3A_485 = tpu.memref_slice %arg10[%dma_start3A_483, %dma_start3A_484] : memref<10240x224xbf16, #tpu.memory_space<vmem_shared>> -> memref<10240x224xbf16, #tpu.memory_space<vmem_shared>>
    tpu.enqueue_indirect_dma source(%arg7 : memref<128x224xbf16, #tpu.memory_space<vmem>>) target(%dma_start3A_485 : memref<10240x224xbf16, #tpu.memory_space<vmem_shared>>) offsets(%dma_start3A_482 : memref<128xi32, #tpu.memory_space<vmem>>) semaphore(%arg14 : memref<!tpu.dma_semaphore, #tpu.memory_space<semaphore_mem>>) {add = true}
    %dma_wait3A_486 = arith.constant 12 : i32
    %dma_wait3A_487 = arith.constant 0 : i32
    %dma_wait3A_488 = tpu.memref_slice %arg6[%dma_wait3A_486, %dma_wait3A_487] : memref<26x128xi32, #tpu.memory_space<vmem>> -> memref<1x128xi32, #tpu.memory_space<vmem>>
    %dma_wait3A_489 = tpu.memref_squeeze %dma_wait3A_488 : memref<1x128xi32, #tpu.memory_space<vmem>> -> memref<128xi32, #tpu.memory_space<vmem>>
    %dma_wait3A_490 = arith.constant 0 : i32
    %dma_wait3A_491 = arith.constant 0 : i32
    %dma_wait3A_492 = tpu.memref_slice %arg10[%dma_wait3A_490, %dma_wait3A_491] : memref<10240x224xbf16, #tpu.memory_space<vmem_shared>> -> memref<10240x224xbf16, #tpu.memory_space<vmem_shared>>
    tpu.wait_indirect_dma semaphore(%arg14 : memref<!tpu.dma_semaphore, #tpu.memory_space<semaphore_mem>>) src(%arg7 : memref<128x224xbf16, #tpu.memory_space<vmem>>) dst(%dma_wait3A_492 : memref<10240x224xbf16, #tpu.memory_space<vmem_shared>>)
    %dma_start3A_493 = arith.constant 15 : i32
    %dma_start3A_494 = arith.constant 0 : i32
    %dma_start3A_495 = tpu.memref_slice %arg5[%dma_start3A_493, %dma_start3A_494] : memref<26x128xi32, #tpu.memory_space<vmem>> -> memref<1x128xi32, #tpu.memory_space<vmem>>
    %dma_start3A_496 = tpu.memref_squeeze %dma_start3A_495 : memref<1x128xi32, #tpu.memory_space<vmem>> -> memref<128xi32, #tpu.memory_space<vmem>>
    %dma_start3A_497 = arith.constant 0 : i32
    %dma_start3A_498 = arith.constant 0 : i32
    %dma_start3A_499 = tpu.memref_slice %arg2[%add3A_4, %dma_start3A_497, %dma_start3A_498] : memref<4x10240x224xbf16, #tpu.memory_space<hbm>> -> memref<1x10240x224xbf16, #tpu.memory_space<hbm>>
    %dma_start3A_500 = tpu.memref_squeeze %dma_start3A_499 : memref<1x10240x224xbf16, #tpu.memory_space<hbm>> -> memref<10240x224xbf16, #tpu.memory_space<hbm>>
    %dma_start3A_501 = arith.constant 0 : i32
    %dma_start3A_502 = arith.constant 0 : i32
    %dma_start3A_503 = tpu.memref_slice %dma_start3A_500[%dma_start3A_501, %dma_start3A_502] : memref<10240x224xbf16, #tpu.memory_space<hbm>> -> memref<10240x224xbf16, #tpu.memory_space<hbm>>
    tpu.enqueue_indirect_dma source(%dma_start3A_503 : memref<10240x224xbf16, #tpu.memory_space<hbm>>) target(%arg7 : memref<128x224xbf16, #tpu.memory_space<vmem>>) offsets(%dma_start3A_496 : memref<128xi32, #tpu.memory_space<vmem>>) semaphore(%arg11 : memref<!tpu.dma_semaphore, #tpu.memory_space<semaphore_mem>>)
    %dma_wait3A_504 = arith.constant 13 : i32
    %dma_wait3A_505 = arith.constant 0 : i32
    %dma_wait3A_506 = tpu.memref_slice %arg5[%dma_wait3A_504, %dma_wait3A_505] : memref<26x128xi32, #tpu.memory_space<vmem>> -> memref<1x128xi32, #tpu.memory_space<vmem>>
    %dma_wait3A_507 = tpu.memref_squeeze %dma_wait3A_506 : memref<1x128xi32, #tpu.memory_space<vmem>> -> memref<128xi32, #tpu.memory_space<vmem>>
    %dma_wait3A_508 = arith.constant 0 : i32
    %dma_wait3A_509 = arith.constant 0 : i32
    %dma_wait3A_510 = tpu.memref_slice %arg2[%add3A_4, %dma_wait3A_508, %dma_wait3A_509] : memref<4x10240x224xbf16, #tpu.memory_space<hbm>> -> memref<1x10240x224xbf16, #tpu.memory_space<hbm>>
    %dma_wait3A_511 = tpu.memref_squeeze %dma_wait3A_510 : memref<1x10240x224xbf16, #tpu.memory_space<hbm>> -> memref<10240x224xbf16, #tpu.memory_space<hbm>>
    %dma_wait3A_512 = arith.constant 0 : i32
    %dma_wait3A_513 = arith.constant 0 : i32
    %dma_wait3A_514 = tpu.memref_slice %dma_wait3A_511[%dma_wait3A_512, %dma_wait3A_513] : memref<10240x224xbf16, #tpu.memory_space<hbm>> -> memref<10240x224xbf16, #tpu.memory_space<hbm>>
    tpu.wait_indirect_dma semaphore(%arg12 : memref<!tpu.dma_semaphore, #tpu.memory_space<semaphore_mem>>) src(%dma_wait3A_514 : memref<10240x224xbf16, #tpu.memory_space<hbm>>) dst(%arg8 : memref<128x224xbf16, #tpu.memory_space<vmem>>)
    %dma_start3A_515 = arith.constant 13 : i32
    %dma_start3A_516 = arith.constant 0 : i32
    %dma_start3A_517 = tpu.memref_slice %arg6[%dma_start3A_515, %dma_start3A_516] : memref<26x128xi32, #tpu.memory_space<vmem>> -> memref<1x128xi32, #tpu.memory_space<vmem>>
    %dma_start3A_518 = tpu.memref_squeeze %dma_start3A_517 : memref<1x128xi32, #tpu.memory_space<vmem>> -> memref<128xi32, #tpu.memory_space<vmem>>
    %dma_start3A_519 = arith.constant 0 : i32
    %dma_start3A_520 = arith.constant 0 : i32
    %dma_start3A_521 = tpu.memref_slice %arg10[%dma_start3A_519, %dma_start3A_520] : memref<10240x224xbf16, #tpu.memory_space<vmem_shared>> -> memref<10240x224xbf16, #tpu.memory_space<vmem_shared>>
    tpu.enqueue_indirect_dma source(%arg8 : memref<128x224xbf16, #tpu.memory_space<vmem>>) target(%dma_start3A_521 : memref<10240x224xbf16, #tpu.memory_space<vmem_shared>>) offsets(%dma_start3A_518 : memref<128xi32, #tpu.memory_space<vmem>>) semaphore(%arg15 : memref<!tpu.dma_semaphore, #tpu.memory_space<semaphore_mem>>) {add = true}
    %dma_wait3A_522 = arith.constant 13 : i32
    %dma_wait3A_523 = arith.constant 0 : i32
    %dma_wait3A_524 = tpu.memref_slice %arg6[%dma_wait3A_522, %dma_wait3A_523] : memref<26x128xi32, #tpu.memory_space<vmem>> -> memref<1x128xi32, #tpu.memory_space<vmem>>
    %dma_wait3A_525 = tpu.memref_squeeze %dma_wait3A_524 : memref<1x128xi32, #tpu.memory_space<vmem>> -> memref<128xi32, #tpu.memory_space<vmem>>
    %dma_wait3A_526 = arith.constant 0 : i32
    %dma_wait3A_527 = arith.constant 0 : i32
    %dma_wait3A_528 = tpu.memref_slice %arg10[%dma_wait3A_526, %dma_wait3A_527] : memref<10240x224xbf16, #tpu.memory_space<vmem_shared>> -> memref<10240x224xbf16, #tpu.memory_space<vmem_shared>>
    tpu.wait_indirect_dma semaphore(%arg15 : memref<!tpu.dma_semaphore, #tpu.memory_space<semaphore_mem>>) src(%arg8 : memref<128x224xbf16, #tpu.memory_space<vmem>>) dst(%dma_wait3A_528 : memref<10240x224xbf16, #tpu.memory_space<vmem_shared>>)
    %dma_start3A_529 = arith.constant 16 : i32
    %dma_start3A_530 = arith.constant 0 : i32
    %dma_start3A_531 = tpu.memref_slice %arg5[%dma_start3A_529, %dma_start3A_530] : memref<26x128xi32, #tpu.memory_space<vmem>> -> memref<1x128xi32, #tpu.memory_space<vmem>>
    %dma_start3A_532 = tpu.memref_squeeze %dma_start3A_531 : memref<1x128xi32, #tpu.memory_space<vmem>> -> memref<128xi32, #tpu.memory_space<vmem>>
    %dma_start3A_533 = arith.constant 0 : i32
    %dma_start3A_534 = arith.constant 0 : i32
    %dma_start3A_535 = tpu.memref_slice %arg2[%add3A_4, %dma_start3A_533, %dma_start3A_534] : memref<4x10240x224xbf16, #tpu.memory_space<hbm>> -> memref<1x10240x224xbf16, #tpu.memory_space<hbm>>
    %dma_start3A_536 = tpu.memref_squeeze %dma_start3A_535 : memref<1x10240x224xbf16, #tpu.memory_space<hbm>> -> memref<10240x224xbf16, #tpu.memory_space<hbm>>
    %dma_start3A_537 = arith.constant 0 : i32
    %dma_start3A_538 = arith.constant 0 : i32
    %dma_start3A_539 = tpu.memref_slice %dma_start3A_536[%dma_start3A_537, %dma_start3A_538] : memref<10240x224xbf16, #tpu.memory_space<hbm>> -> memref<10240x224xbf16, #tpu.memory_space<hbm>>
    tpu.enqueue_indirect_dma source(%dma_start3A_539 : memref<10240x224xbf16, #tpu.memory_space<hbm>>) target(%arg8 : memref<128x224xbf16, #tpu.memory_space<vmem>>) offsets(%dma_start3A_532 : memref<128xi32, #tpu.memory_space<vmem>>) semaphore(%arg12 : memref<!tpu.dma_semaphore, #tpu.memory_space<semaphore_mem>>)
    %dma_wait3A_540 = arith.constant 14 : i32
    %dma_wait3A_541 = arith.constant 0 : i32
    %dma_wait3A_542 = tpu.memref_slice %arg5[%dma_wait3A_540, %dma_wait3A_541] : memref<26x128xi32, #tpu.memory_space<vmem>> -> memref<1x128xi32, #tpu.memory_space<vmem>>
    %dma_wait3A_543 = tpu.memref_squeeze %dma_wait3A_542 : memref<1x128xi32, #tpu.memory_space<vmem>> -> memref<128xi32, #tpu.memory_space<vmem>>
    %dma_wait3A_544 = arith.constant 0 : i32
    %dma_wait3A_545 = arith.constant 0 : i32
    %dma_wait3A_546 = tpu.memref_slice %arg2[%add3A_4, %dma_wait3A_544, %dma_wait3A_545] : memref<4x10240x224xbf16, #tpu.memory_space<hbm>> -> memref<1x10240x224xbf16, #tpu.memory_space<hbm>>
    %dma_wait3A_547 = tpu.memref_squeeze %dma_wait3A_546 : memref<1x10240x224xbf16, #tpu.memory_space<hbm>> -> memref<10240x224xbf16, #tpu.memory_space<hbm>>
    %dma_wait3A_548 = arith.constant 0 : i32
    %dma_wait3A_549 = arith.constant 0 : i32
    %dma_wait3A_550 = tpu.memref_slice %dma_wait3A_547[%dma_wait3A_548, %dma_wait3A_549] : memref<10240x224xbf16, #tpu.memory_space<hbm>> -> memref<10240x224xbf16, #tpu.memory_space<hbm>>
    tpu.wait_indirect_dma semaphore(%arg13 : memref<!tpu.dma_semaphore, #tpu.memory_space<semaphore_mem>>) src(%dma_wait3A_550 : memref<10240x224xbf16, #tpu.memory_space<hbm>>) dst(%arg9 : memref<128x224xbf16, #tpu.memory_space<vmem>>)
    %dma_start3A_551 = arith.constant 14 : i32
    %dma_start3A_552 = arith.constant 0 : i32
    %dma_start3A_553 = tpu.memref_slice %arg6[%dma_start3A_551, %dma_start3A_552] : memref<26x128xi32, #tpu.memory_space<vmem>> -> memref<1x128xi32, #tpu.memory_space<vmem>>
    %dma_start3A_554 = tpu.memref_squeeze %dma_start3A_553 : memref<1x128xi32, #tpu.memory_space<vmem>> -> memref<128xi32, #tpu.memory_space<vmem>>
    %dma_start3A_555 = arith.constant 0 : i32
    %dma_start3A_556 = arith.constant 0 : i32
    %dma_start3A_557 = tpu.memref_slice %arg10[%dma_start3A_555, %dma_start3A_556] : memref<10240x224xbf16, #tpu.memory_space<vmem_shared>> -> memref<10240x224xbf16, #tpu.memory_space<vmem_shared>>
    tpu.enqueue_indirect_dma source(%arg9 : memref<128x224xbf16, #tpu.memory_space<vmem>>) target(%dma_start3A_557 : memref<10240x224xbf16, #tpu.memory_space<vmem_shared>>) offsets(%dma_start3A_554 : memref<128xi32, #tpu.memory_space<vmem>>) semaphore(%arg16 : memref<!tpu.dma_semaphore, #tpu.memory_space<semaphore_mem>>) {add = true}
    %dma_wait3A_558 = arith.constant 14 : i32
    %dma_wait3A_559 = arith.constant 0 : i32
    %dma_wait3A_560 = tpu.memref_slice %arg6[%dma_wait3A_558, %dma_wait3A_559] : memref<26x128xi32, #tpu.memory_space<vmem>> -> memref<1x128xi32, #tpu.memory_space<vmem>>
    %dma_wait3A_561 = tpu.memref_squeeze %dma_wait3A_560 : memref<1x128xi32, #tpu.memory_space<vmem>> -> memref<128xi32, #tpu.memory_space<vmem>>
    %dma_wait3A_562 = arith.constant 0 : i32
    %dma_wait3A_563 = arith.constant 0 : i32
    %dma_wait3A_564 = tpu.memref_slice %arg10[%dma_wait3A_562, %dma_wait3A_563] : memref<10240x224xbf16, #tpu.memory_space<vmem_shared>> -> memref<10240x224xbf16, #tpu.memory_space<vmem_shared>>
    tpu.wait_indirect_dma semaphore(%arg16 : memref<!tpu.dma_semaphore, #tpu.memory_space<semaphore_mem>>) src(%arg9 : memref<128x224xbf16, #tpu.memory_space<vmem>>) dst(%dma_wait3A_564 : memref<10240x224xbf16, #tpu.memory_space<vmem_shared>>)
    %dma_start3A_565 = arith.constant 17 : i32
    %dma_start3A_566 = arith.constant 0 : i32
    %dma_start3A_567 = tpu.memref_slice %arg5[%dma_start3A_565, %dma_start3A_566] : memref<26x128xi32, #tpu.memory_space<vmem>> -> memref<1x128xi32, #tpu.memory_space<vmem>>
    %dma_start3A_568 = tpu.memref_squeeze %dma_start3A_567 : memref<1x128xi32, #tpu.memory_space<vmem>> -> memref<128xi32, #tpu.memory_space<vmem>>
    %dma_start3A_569 = arith.constant 0 : i32
    %dma_start3A_570 = arith.constant 0 : i32
    %dma_start3A_571 = tpu.memref_slice %arg2[%add3A_4, %dma_start3A_569, %dma_start3A_570] : memref<4x10240x224xbf16, #tpu.memory_space<hbm>> -> memref<1x10240x224xbf16, #tpu.memory_space<hbm>>
    %dma_start3A_572 = tpu.memref_squeeze %dma_start3A_571 : memref<1x10240x224xbf16, #tpu.memory_space<hbm>> -> memref<10240x224xbf16, #tpu.memory_space<hbm>>
    %dma_start3A_573 = arith.constant 0 : i32
    %dma_start3A_574 = arith.constant 0 : i32
    %dma_start3A_575 = tpu.memref_slice %dma_start3A_572[%dma_start3A_573, %dma_start3A_574] : memref<10240x224xbf16, #tpu.memory_space<hbm>> -> memref<10240x224xbf16, #tpu.memory_space<hbm>>
    tpu.enqueue_indirect_dma source(%dma_start3A_575 : memref<10240x224xbf16, #tpu.memory_space<hbm>>) target(%arg9 : memref<128x224xbf16, #tpu.memory_space<vmem>>) offsets(%dma_start3A_568 : memref<128xi32, #tpu.memory_space<vmem>>) semaphore(%arg13 : memref<!tpu.dma_semaphore, #tpu.memory_space<semaphore_mem>>)
    %dma_wait3A_576 = arith.constant 15 : i32
    %dma_wait3A_577 = arith.constant 0 : i32
    %dma_wait3A_578 = tpu.memref_slice %arg5[%dma_wait3A_576, %dma_wait3A_577] : memref<26x128xi32, #tpu.memory_space<vmem>> -> memref<1x128xi32, #tpu.memory_space<vmem>>
    %dma_wait3A_579 = tpu.memref_squeeze %dma_wait3A_578 : memref<1x128xi32, #tpu.memory_space<vmem>> -> memref<128xi32, #tpu.memory_space<vmem>>
    %dma_wait3A_580 = arith.constant 0 : i32
    %dma_wait3A_581 = arith.constant 0 : i32
    %dma_wait3A_582 = tpu.memref_slice %arg2[%add3A_4, %dma_wait3A_580, %dma_wait3A_581] : memref<4x10240x224xbf16, #tpu.memory_space<hbm>> -> memref<1x10240x224xbf16, #tpu.memory_space<hbm>>
    %dma_wait3A_583 = tpu.memref_squeeze %dma_wait3A_582 : memref<1x10240x224xbf16, #tpu.memory_space<hbm>> -> memref<10240x224xbf16, #tpu.memory_space<hbm>>
    %dma_wait3A_584 = arith.constant 0 : i32
    %dma_wait3A_585 = arith.constant 0 : i32
    %dma_wait3A_586 = tpu.memref_slice %dma_wait3A_583[%dma_wait3A_584, %dma_wait3A_585] : memref<10240x224xbf16, #tpu.memory_space<hbm>> -> memref<10240x224xbf16, #tpu.memory_space<hbm>>
    tpu.wait_indirect_dma semaphore(%arg11 : memref<!tpu.dma_semaphore, #tpu.memory_space<semaphore_mem>>) src(%dma_wait3A_586 : memref<10240x224xbf16, #tpu.memory_space<hbm>>) dst(%arg7 : memref<128x224xbf16, #tpu.memory_space<vmem>>)
    %dma_start3A_587 = arith.constant 15 : i32
    %dma_start3A_588 = arith.constant 0 : i32
    %dma_start3A_589 = tpu.memref_slice %arg6[%dma_start3A_587, %dma_start3A_588] : memref<26x128xi32, #tpu.memory_space<vmem>> -> memref<1x128xi32, #tpu.memory_space<vmem>>
    %dma_start3A_590 = tpu.memref_squeeze %dma_start3A_589 : memref<1x128xi32, #tpu.memory_space<vmem>> -> memref<128xi32, #tpu.memory_space<vmem>>
    %dma_start3A_591 = arith.constant 0 : i32
    %dma_start3A_592 = arith.constant 0 : i32
    %dma_start3A_593 = tpu.memref_slice %arg10[%dma_start3A_591, %dma_start3A_592] : memref<10240x224xbf16, #tpu.memory_space<vmem_shared>> -> memref<10240x224xbf16, #tpu.memory_space<vmem_shared>>
    tpu.enqueue_indirect_dma source(%arg7 : memref<128x224xbf16, #tpu.memory_space<vmem>>) target(%dma_start3A_593 : memref<10240x224xbf16, #tpu.memory_space<vmem_shared>>) offsets(%dma_start3A_590 : memref<128xi32, #tpu.memory_space<vmem>>) semaphore(%arg14 : memref<!tpu.dma_semaphore, #tpu.memory_space<semaphore_mem>>) {add = true}
    %dma_wait3A_594 = arith.constant 15 : i32
    %dma_wait3A_595 = arith.constant 0 : i32
    %dma_wait3A_596 = tpu.memref_slice %arg6[%dma_wait3A_594, %dma_wait3A_595] : memref<26x128xi32, #tpu.memory_space<vmem>> -> memref<1x128xi32, #tpu.memory_space<vmem>>
    %dma_wait3A_597 = tpu.memref_squeeze %dma_wait3A_596 : memref<1x128xi32, #tpu.memory_space<vmem>> -> memref<128xi32, #tpu.memory_space<vmem>>
    %dma_wait3A_598 = arith.constant 0 : i32
    %dma_wait3A_599 = arith.constant 0 : i32
    %dma_wait3A_600 = tpu.memref_slice %arg10[%dma_wait3A_598, %dma_wait3A_599] : memref<10240x224xbf16, #tpu.memory_space<vmem_shared>> -> memref<10240x224xbf16, #tpu.memory_space<vmem_shared>>
    tpu.wait_indirect_dma semaphore(%arg14 : memref<!tpu.dma_semaphore, #tpu.memory_space<semaphore_mem>>) src(%arg7 : memref<128x224xbf16, #tpu.memory_space<vmem>>) dst(%dma_wait3A_600 : memref<10240x224xbf16, #tpu.memory_space<vmem_shared>>)
    %dma_start3A_601 = arith.constant 18 : i32
    %dma_start3A_602 = arith.constant 0 : i32
    %dma_start3A_603 = tpu.memref_slice %arg5[%dma_start3A_601, %dma_start3A_602] : memref<26x128xi32, #tpu.memory_space<vmem>> -> memref<1x128xi32, #tpu.memory_space<vmem>>
    %dma_start3A_604 = tpu.memref_squeeze %dma_start3A_603 : memref<1x128xi32, #tpu.memory_space<vmem>> -> memref<128xi32, #tpu.memory_space<vmem>>
    %dma_start3A_605 = arith.constant 0 : i32
    %dma_start3A_606 = arith.constant 0 : i32
    %dma_start3A_607 = tpu.memref_slice %arg2[%add3A_4, %dma_start3A_605, %dma_start3A_606] : memref<4x10240x224xbf16, #tpu.memory_space<hbm>> -> memref<1x10240x224xbf16, #tpu.memory_space<hbm>>
    %dma_start3A_608 = tpu.memref_squeeze %dma_start3A_607 : memref<1x10240x224xbf16, #tpu.memory_space<hbm>> -> memref<10240x224xbf16, #tpu.memory_space<hbm>>
    %dma_start3A_609 = arith.constant 0 : i32
    %dma_start3A_610 = arith.constant 0 : i32
    %dma_start3A_611 = tpu.memref_slice %dma_start3A_608[%dma_start3A_609, %dma_start3A_610] : memref<10240x224xbf16, #tpu.memory_space<hbm>> -> memref<10240x224xbf16, #tpu.memory_space<hbm>>
    tpu.enqueue_indirect_dma source(%dma_start3A_611 : memref<10240x224xbf16, #tpu.memory_space<hbm>>) target(%arg7 : memref<128x224xbf16, #tpu.memory_space<vmem>>) offsets(%dma_start3A_604 : memref<128xi32, #tpu.memory_space<vmem>>) semaphore(%arg11 : memref<!tpu.dma_semaphore, #tpu.memory_space<semaphore_mem>>)
    %dma_wait3A_612 = arith.constant 16 : i32
    %dma_wait3A_613 = arith.constant 0 : i32
    %dma_wait3A_614 = tpu.memref_slice %arg5[%dma_wait3A_612, %dma_wait3A_613] : memref<26x128xi32, #tpu.memory_space<vmem>> -> memref<1x128xi32, #tpu.memory_space<vmem>>
    %dma_wait3A_615 = tpu.memref_squeeze %dma_wait3A_614 : memref<1x128xi32, #tpu.memory_space<vmem>> -> memref<128xi32, #tpu.memory_space<vmem>>
    %dma_wait3A_616 = arith.constant 0 : i32
    %dma_wait3A_617 = arith.constant 0 : i32
    %dma_wait3A_618 = tpu.memref_slice %arg2[%add3A_4, %dma_wait3A_616, %dma_wait3A_617] : memref<4x10240x224xbf16, #tpu.memory_space<hbm>> -> memref<1x10240x224xbf16, #tpu.memory_space<hbm>>
    %dma_wait3A_619 = tpu.memref_squeeze %dma_wait3A_618 : memref<1x10240x224xbf16, #tpu.memory_space<hbm>> -> memref<10240x224xbf16, #tpu.memory_space<hbm>>
    %dma_wait3A_620 = arith.constant 0 : i32
    %dma_wait3A_621 = arith.constant 0 : i32
    %dma_wait3A_622 = tpu.memref_slice %dma_wait3A_619[%dma_wait3A_620, %dma_wait3A_621] : memref<10240x224xbf16, #tpu.memory_space<hbm>> -> memref<10240x224xbf16, #tpu.memory_space<hbm>>
    tpu.wait_indirect_dma semaphore(%arg12 : memref<!tpu.dma_semaphore, #tpu.memory_space<semaphore_mem>>) src(%dma_wait3A_622 : memref<10240x224xbf16, #tpu.memory_space<hbm>>) dst(%arg8 : memref<128x224xbf16, #tpu.memory_space<vmem>>)
    %dma_start3A_623 = arith.constant 16 : i32
    %dma_start3A_624 = arith.constant 0 : i32
    %dma_start3A_625 = tpu.memref_slice %arg6[%dma_start3A_623, %dma_start3A_624] : memref<26x128xi32, #tpu.memory_space<vmem>> -> memref<1x128xi32, #tpu.memory_space<vmem>>
    %dma_start3A_626 = tpu.memref_squeeze %dma_start3A_625 : memref<1x128xi32, #tpu.memory_space<vmem>> -> memref<128xi32, #tpu.memory_space<vmem>>
    %dma_start3A_627 = arith.constant 0 : i32
    %dma_start3A_628 = arith.constant 0 : i32
    %dma_start3A_629 = tpu.memref_slice %arg10[%dma_start3A_627, %dma_start3A_628] : memref<10240x224xbf16, #tpu.memory_space<vmem_shared>> -> memref<10240x224xbf16, #tpu.memory_space<vmem_shared>>
    tpu.enqueue_indirect_dma source(%arg8 : memref<128x224xbf16, #tpu.memory_space<vmem>>) target(%dma_start3A_629 : memref<10240x224xbf16, #tpu.memory_space<vmem_shared>>) offsets(%dma_start3A_626 : memref<128xi32, #tpu.memory_space<vmem>>) semaphore(%arg15 : memref<!tpu.dma_semaphore, #tpu.memory_space<semaphore_mem>>) {add = true}
    %dma_wait3A_630 = arith.constant 16 : i32
    %dma_wait3A_631 = arith.constant 0 : i32
    %dma_wait3A_632 = tpu.memref_slice %arg6[%dma_wait3A_630, %dma_wait3A_631] : memref<26x128xi32, #tpu.memory_space<vmem>> -> memref<1x128xi32, #tpu.memory_space<vmem>>
    %dma_wait3A_633 = tpu.memref_squeeze %dma_wait3A_632 : memref<1x128xi32, #tpu.memory_space<vmem>> -> memref<128xi32, #tpu.memory_space<vmem>>
    %dma_wait3A_634 = arith.constant 0 : i32
    %dma_wait3A_635 = arith.constant 0 : i32
    %dma_wait3A_636 = tpu.memref_slice %arg10[%dma_wait3A_634, %dma_wait3A_635] : memref<10240x224xbf16, #tpu.memory_space<vmem_shared>> -> memref<10240x224xbf16, #tpu.memory_space<vmem_shared>>
    tpu.wait_indirect_dma semaphore(%arg15 : memref<!tpu.dma_semaphore, #tpu.memory_space<semaphore_mem>>) src(%arg8 : memref<128x224xbf16, #tpu.memory_space<vmem>>) dst(%dma_wait3A_636 : memref<10240x224xbf16, #tpu.memory_space<vmem_shared>>)
    %dma_start3A_637 = arith.constant 19 : i32
    %dma_start3A_638 = arith.constant 0 : i32
    %dma_start3A_639 = tpu.memref_slice %arg5[%dma_start3A_637, %dma_start3A_638] : memref<26x128xi32, #tpu.memory_space<vmem>> -> memref<1x128xi32, #tpu.memory_space<vmem>>
    %dma_start3A_640 = tpu.memref_squeeze %dma_start3A_639 : memref<1x128xi32, #tpu.memory_space<vmem>> -> memref<128xi32, #tpu.memory_space<vmem>>
    %dma_start3A_641 = arith.constant 0 : i32
    %dma_start3A_642 = arith.constant 0 : i32
    %dma_start3A_643 = tpu.memref_slice %arg2[%add3A_4, %dma_start3A_641, %dma_start3A_642] : memref<4x10240x224xbf16, #tpu.memory_space<hbm>> -> memref<1x10240x224xbf16, #tpu.memory_space<hbm>>
    %dma_start3A_644 = tpu.memref_squeeze %dma_start3A_643 : memref<1x10240x224xbf16, #tpu.memory_space<hbm>> -> memref<10240x224xbf16, #tpu.memory_space<hbm>>
    %dma_start3A_645 = arith.constant 0 : i32
    %dma_start3A_646 = arith.constant 0 : i32
    %dma_start3A_647 = tpu.memref_slice %dma_start3A_644[%dma_start3A_645, %dma_start3A_646] : memref<10240x224xbf16, #tpu.memory_space<hbm>> -> memref<10240x224xbf16, #tpu.memory_space<hbm>>
    tpu.enqueue_indirect_dma source(%dma_start3A_647 : memref<10240x224xbf16, #tpu.memory_space<hbm>>) target(%arg8 : memref<128x224xbf16, #tpu.memory_space<vmem>>) offsets(%dma_start3A_640 : memref<128xi32, #tpu.memory_space<vmem>>) semaphore(%arg12 : memref<!tpu.dma_semaphore, #tpu.memory_space<semaphore_mem>>)
    %dma_wait3A_648 = arith.constant 17 : i32
    %dma_wait3A_649 = arith.constant 0 : i32
    %dma_wait3A_650 = tpu.memref_slice %arg5[%dma_wait3A_648, %dma_wait3A_649] : memref<26x128xi32, #tpu.memory_space<vmem>> -> memref<1x128xi32, #tpu.memory_space<vmem>>
    %dma_wait3A_651 = tpu.memref_squeeze %dma_wait3A_650 : memref<1x128xi32, #tpu.memory_space<vmem>> -> memref<128xi32, #tpu.memory_space<vmem>>
    %dma_wait3A_652 = arith.constant 0 : i32
    %dma_wait3A_653 = arith.constant 0 : i32
    %dma_wait3A_654 = tpu.memref_slice %arg2[%add3A_4, %dma_wait3A_652, %dma_wait3A_653] : memref<4x10240x224xbf16, #tpu.memory_space<hbm>> -> memref<1x10240x224xbf16, #tpu.memory_space<hbm>>
    %dma_wait3A_655 = tpu.memref_squeeze %dma_wait3A_654 : memref<1x10240x224xbf16, #tpu.memory_space<hbm>> -> memref<10240x224xbf16, #tpu.memory_space<hbm>>
    %dma_wait3A_656 = arith.constant 0 : i32
    %dma_wait3A_657 = arith.constant 0 : i32
    %dma_wait3A_658 = tpu.memref_slice %dma_wait3A_655[%dma_wait3A_656, %dma_wait3A_657] : memref<10240x224xbf16, #tpu.memory_space<hbm>> -> memref<10240x224xbf16, #tpu.memory_space<hbm>>
    tpu.wait_indirect_dma semaphore(%arg13 : memref<!tpu.dma_semaphore, #tpu.memory_space<semaphore_mem>>) src(%dma_wait3A_658 : memref<10240x224xbf16, #tpu.memory_space<hbm>>) dst(%arg9 : memref<128x224xbf16, #tpu.memory_space<vmem>>)
    %dma_start3A_659 = arith.constant 17 : i32
    %dma_start3A_660 = arith.constant 0 : i32
    %dma_start3A_661 = tpu.memref_slice %arg6[%dma_start3A_659, %dma_start3A_660] : memref<26x128xi32, #tpu.memory_space<vmem>> -> memref<1x128xi32, #tpu.memory_space<vmem>>
    %dma_start3A_662 = tpu.memref_squeeze %dma_start3A_661 : memref<1x128xi32, #tpu.memory_space<vmem>> -> memref<128xi32, #tpu.memory_space<vmem>>
    %dma_start3A_663 = arith.constant 0 : i32
    %dma_start3A_664 = arith.constant 0 : i32
    %dma_start3A_665 = tpu.memref_slice %arg10[%dma_start3A_663, %dma_start3A_664] : memref<10240x224xbf16, #tpu.memory_space<vmem_shared>> -> memref<10240x224xbf16, #tpu.memory_space<vmem_shared>>
    tpu.enqueue_indirect_dma source(%arg9 : memref<128x224xbf16, #tpu.memory_space<vmem>>) target(%dma_start3A_665 : memref<10240x224xbf16, #tpu.memory_space<vmem_shared>>) offsets(%dma_start3A_662 : memref<128xi32, #tpu.memory_space<vmem>>) semaphore(%arg16 : memref<!tpu.dma_semaphore, #tpu.memory_space<semaphore_mem>>) {add = true}
    %dma_wait3A_666 = arith.constant 17 : i32
    %dma_wait3A_667 = arith.constant 0 : i32
    %dma_wait3A_668 = tpu.memref_slice %arg6[%dma_wait3A_666, %dma_wait3A_667] : memref<26x128xi32, #tpu.memory_space<vmem>> -> memref<1x128xi32, #tpu.memory_space<vmem>>
    %dma_wait3A_669 = tpu.memref_squeeze %dma_wait3A_668 : memref<1x128xi32, #tpu.memory_space<vmem>> -> memref<128xi32, #tpu.memory_space<vmem>>
    %dma_wait3A_670 = arith.constant 0 : i32
    %dma_wait3A_671 = arith.constant 0 : i32
    %dma_wait3A_672 = tpu.memref_slice %arg10[%dma_wait3A_670, %dma_wait3A_671] : memref<10240x224xbf16, #tpu.memory_space<vmem_shared>> -> memref<10240x224xbf16, #tpu.memory_space<vmem_shared>>
    tpu.wait_indirect_dma semaphore(%arg16 : memref<!tpu.dma_semaphore, #tpu.memory_space<semaphore_mem>>) src(%arg9 : memref<128x224xbf16, #tpu.memory_space<vmem>>) dst(%dma_wait3A_672 : memref<10240x224xbf16, #tpu.memory_space<vmem_shared>>)
    %dma_start3A_673 = arith.constant 20 : i32
    %dma_start3A_674 = arith.constant 0 : i32
    %dma_start3A_675 = tpu.memref_slice %arg5[%dma_start3A_673, %dma_start3A_674] : memref<26x128xi32, #tpu.memory_space<vmem>> -> memref<1x128xi32, #tpu.memory_space<vmem>>
    %dma_start3A_676 = tpu.memref_squeeze %dma_start3A_675 : memref<1x128xi32, #tpu.memory_space<vmem>> -> memref<128xi32, #tpu.memory_space<vmem>>
    %dma_start3A_677 = arith.constant 0 : i32
    %dma_start3A_678 = arith.constant 0 : i32
    %dma_start3A_679 = tpu.memref_slice %arg2[%add3A_4, %dma_start3A_677, %dma_start3A_678] : memref<4x10240x224xbf16, #tpu.memory_space<hbm>> -> memref<1x10240x224xbf16, #tpu.memory_space<hbm>>
    %dma_start3A_680 = tpu.memref_squeeze %dma_start3A_679 : memref<1x10240x224xbf16, #tpu.memory_space<hbm>> -> memref<10240x224xbf16, #tpu.memory_space<hbm>>
    %dma_start3A_681 = arith.constant 0 : i32
    %dma_start3A_682 = arith.constant 0 : i32
    %dma_start3A_683 = tpu.memref_slice %dma_start3A_680[%dma_start3A_681, %dma_start3A_682] : memref<10240x224xbf16, #tpu.memory_space<hbm>> -> memref<10240x224xbf16, #tpu.memory_space<hbm>>
    tpu.enqueue_indirect_dma source(%dma_start3A_683 : memref<10240x224xbf16, #tpu.memory_space<hbm>>) target(%arg9 : memref<128x224xbf16, #tpu.memory_space<vmem>>) offsets(%dma_start3A_676 : memref<128xi32, #tpu.memory_space<vmem>>) semaphore(%arg13 : memref<!tpu.dma_semaphore, #tpu.memory_space<semaphore_mem>>)
    %dma_wait3A_684 = arith.constant 18 : i32
    %dma_wait3A_685 = arith.constant 0 : i32
    %dma_wait3A_686 = tpu.memref_slice %arg5[%dma_wait3A_684, %dma_wait3A_685] : memref<26x128xi32, #tpu.memory_space<vmem>> -> memref<1x128xi32, #tpu.memory_space<vmem>>
    %dma_wait3A_687 = tpu.memref_squeeze %dma_wait3A_686 : memref<1x128xi32, #tpu.memory_space<vmem>> -> memref<128xi32, #tpu.memory_space<vmem>>
    %dma_wait3A_688 = arith.constant 0 : i32
    %dma_wait3A_689 = arith.constant 0 : i32
    %dma_wait3A_690 = tpu.memref_slice %arg2[%add3A_4, %dma_wait3A_688, %dma_wait3A_689] : memref<4x10240x224xbf16, #tpu.memory_space<hbm>> -> memref<1x10240x224xbf16, #tpu.memory_space<hbm>>
    %dma_wait3A_691 = tpu.memref_squeeze %dma_wait3A_690 : memref<1x10240x224xbf16, #tpu.memory_space<hbm>> -> memref<10240x224xbf16, #tpu.memory_space<hbm>>
    %dma_wait3A_692 = arith.constant 0 : i32
    %dma_wait3A_693 = arith.constant 0 : i32
    %dma_wait3A_694 = tpu.memref_slice %dma_wait3A_691[%dma_wait3A_692, %dma_wait3A_693] : memref<10240x224xbf16, #tpu.memory_space<hbm>> -> memref<10240x224xbf16, #tpu.memory_space<hbm>>
    tpu.wait_indirect_dma semaphore(%arg11 : memref<!tpu.dma_semaphore, #tpu.memory_space<semaphore_mem>>) src(%dma_wait3A_694 : memref<10240x224xbf16, #tpu.memory_space<hbm>>) dst(%arg7 : memref<128x224xbf16, #tpu.memory_space<vmem>>)
    %dma_start3A_695 = arith.constant 18 : i32
    %dma_start3A_696 = arith.constant 0 : i32
    %dma_start3A_697 = tpu.memref_slice %arg6[%dma_start3A_695, %dma_start3A_696] : memref<26x128xi32, #tpu.memory_space<vmem>> -> memref<1x128xi32, #tpu.memory_space<vmem>>
    %dma_start3A_698 = tpu.memref_squeeze %dma_start3A_697 : memref<1x128xi32, #tpu.memory_space<vmem>> -> memref<128xi32, #tpu.memory_space<vmem>>
    %dma_start3A_699 = arith.constant 0 : i32
    %dma_start3A_700 = arith.constant 0 : i32
    %dma_start3A_701 = tpu.memref_slice %arg10[%dma_start3A_699, %dma_start3A_700] : memref<10240x224xbf16, #tpu.memory_space<vmem_shared>> -> memref<10240x224xbf16, #tpu.memory_space<vmem_shared>>
    tpu.enqueue_indirect_dma source(%arg7 : memref<128x224xbf16, #tpu.memory_space<vmem>>) target(%dma_start3A_701 : memref<10240x224xbf16, #tpu.memory_space<vmem_shared>>) offsets(%dma_start3A_698 : memref<128xi32, #tpu.memory_space<vmem>>) semaphore(%arg14 : memref<!tpu.dma_semaphore, #tpu.memory_space<semaphore_mem>>) {add = true}
    %dma_wait3A_702 = arith.constant 18 : i32
    %dma_wait3A_703 = arith.constant 0 : i32
    %dma_wait3A_704 = tpu.memref_slice %arg6[%dma_wait3A_702, %dma_wait3A_703] : memref<26x128xi32, #tpu.memory_space<vmem>> -> memref<1x128xi32, #tpu.memory_space<vmem>>
    %dma_wait3A_705 = tpu.memref_squeeze %dma_wait3A_704 : memref<1x128xi32, #tpu.memory_space<vmem>> -> memref<128xi32, #tpu.memory_space<vmem>>
    %dma_wait3A_706 = arith.constant 0 : i32
    %dma_wait3A_707 = arith.constant 0 : i32
    %dma_wait3A_708 = tpu.memref_slice %arg10[%dma_wait3A_706, %dma_wait3A_707] : memref<10240x224xbf16, #tpu.memory_space<vmem_shared>> -> memref<10240x224xbf16, #tpu.memory_space<vmem_shared>>
    tpu.wait_indirect_dma semaphore(%arg14 : memref<!tpu.dma_semaphore, #tpu.memory_space<semaphore_mem>>) src(%arg7 : memref<128x224xbf16, #tpu.memory_space<vmem>>) dst(%dma_wait3A_708 : memref<10240x224xbf16, #tpu.memory_space<vmem_shared>>)
    %dma_start3A_709 = arith.constant 21 : i32
    %dma_start3A_710 = arith.constant 0 : i32
    %dma_start3A_711 = tpu.memref_slice %arg5[%dma_start3A_709, %dma_start3A_710] : memref<26x128xi32, #tpu.memory_space<vmem>> -> memref<1x128xi32, #tpu.memory_space<vmem>>
    %dma_start3A_712 = tpu.memref_squeeze %dma_start3A_711 : memref<1x128xi32, #tpu.memory_space<vmem>> -> memref<128xi32, #tpu.memory_space<vmem>>
    %dma_start3A_713 = arith.constant 0 : i32
    %dma_start3A_714 = arith.constant 0 : i32
    %dma_start3A_715 = tpu.memref_slice %arg2[%add3A_4, %dma_start3A_713, %dma_start3A_714] : memref<4x10240x224xbf16, #tpu.memory_space<hbm>> -> memref<1x10240x224xbf16, #tpu.memory_space<hbm>>
    %dma_start3A_716 = tpu.memref_squeeze %dma_start3A_715 : memref<1x10240x224xbf16, #tpu.memory_space<hbm>> -> memref<10240x224xbf16, #tpu.memory_space<hbm>>
    %dma_start3A_717 = arith.constant 0 : i32
    %dma_start3A_718 = arith.constant 0 : i32
    %dma_start3A_719 = tpu.memref_slice %dma_start3A_716[%dma_start3A_717, %dma_start3A_718] : memref<10240x224xbf16, #tpu.memory_space<hbm>> -> memref<10240x224xbf16, #tpu.memory_space<hbm>>
    tpu.enqueue_indirect_dma source(%dma_start3A_719 : memref<10240x224xbf16, #tpu.memory_space<hbm>>) target(%arg7 : memref<128x224xbf16, #tpu.memory_space<vmem>>) offsets(%dma_start3A_712 : memref<128xi32, #tpu.memory_space<vmem>>) semaphore(%arg11 : memref<!tpu.dma_semaphore, #tpu.memory_space<semaphore_mem>>)
    %dma_wait3A_720 = arith.constant 19 : i32
    %dma_wait3A_721 = arith.constant 0 : i32
    %dma_wait3A_722 = tpu.memref_slice %arg5[%dma_wait3A_720, %dma_wait3A_721] : memref<26x128xi32, #tpu.memory_space<vmem>> -> memref<1x128xi32, #tpu.memory_space<vmem>>
    %dma_wait3A_723 = tpu.memref_squeeze %dma_wait3A_722 : memref<1x128xi32, #tpu.memory_space<vmem>> -> memref<128xi32, #tpu.memory_space<vmem>>
    %dma_wait3A_724 = arith.constant 0 : i32
    %dma_wait3A_725 = arith.constant 0 : i32
    %dma_wait3A_726 = tpu.memref_slice %arg2[%add3A_4, %dma_wait3A_724, %dma_wait3A_725] : memref<4x10240x224xbf16, #tpu.memory_space<hbm>> -> memref<1x10240x224xbf16, #tpu.memory_space<hbm>>
    %dma_wait3A_727 = tpu.memref_squeeze %dma_wait3A_726 : memref<1x10240x224xbf16, #tpu.memory_space<hbm>> -> memref<10240x224xbf16, #tpu.memory_space<hbm>>
    %dma_wait3A_728 = arith.constant 0 : i32
    %dma_wait3A_729 = arith.constant 0 : i32
    %dma_wait3A_730 = tpu.memref_slice %dma_wait3A_727[%dma_wait3A_728, %dma_wait3A_729] : memref<10240x224xbf16, #tpu.memory_space<hbm>> -> memref<10240x224xbf16, #tpu.memory_space<hbm>>
    tpu.wait_indirect_dma semaphore(%arg12 : memref<!tpu.dma_semaphore, #tpu.memory_space<semaphore_mem>>) src(%dma_wait3A_730 : memref<10240x224xbf16, #tpu.memory_space<hbm>>) dst(%arg8 : memref<128x224xbf16, #tpu.memory_space<vmem>>)
    %dma_start3A_731 = arith.constant 19 : i32
    %dma_start3A_732 = arith.constant 0 : i32
    %dma_start3A_733 = tpu.memref_slice %arg6[%dma_start3A_731, %dma_start3A_732] : memref<26x128xi32, #tpu.memory_space<vmem>> -> memref<1x128xi32, #tpu.memory_space<vmem>>
    %dma_start3A_734 = tpu.memref_squeeze %dma_start3A_733 : memref<1x128xi32, #tpu.memory_space<vmem>> -> memref<128xi32, #tpu.memory_space<vmem>>
    %dma_start3A_735 = arith.constant 0 : i32
    %dma_start3A_736 = arith.constant 0 : i32
    %dma_start3A_737 = tpu.memref_slice %arg10[%dma_start3A_735, %dma_start3A_736] : memref<10240x224xbf16, #tpu.memory_space<vmem_shared>> -> memref<10240x224xbf16, #tpu.memory_space<vmem_shared>>
    tpu.enqueue_indirect_dma source(%arg8 : memref<128x224xbf16, #tpu.memory_space<vmem>>) target(%dma_start3A_737 : memref<10240x224xbf16, #tpu.memory_space<vmem_shared>>) offsets(%dma_start3A_734 : memref<128xi32, #tpu.memory_space<vmem>>) semaphore(%arg15 : memref<!tpu.dma_semaphore, #tpu.memory_space<semaphore_mem>>) {add = true}
    %dma_wait3A_738 = arith.constant 19 : i32
    %dma_wait3A_739 = arith.constant 0 : i32
    %dma_wait3A_740 = tpu.memref_slice %arg6[%dma_wait3A_738, %dma_wait3A_739] : memref<26x128xi32, #tpu.memory_space<vmem>> -> memref<1x128xi32, #tpu.memory_space<vmem>>
    %dma_wait3A_741 = tpu.memref_squeeze %dma_wait3A_740 : memref<1x128xi32, #tpu.memory_space<vmem>> -> memref<128xi32, #tpu.memory_space<vmem>>
    %dma_wait3A_742 = arith.constant 0 : i32
    %dma_wait3A_743 = arith.constant 0 : i32
    %dma_wait3A_744 = tpu.memref_slice %arg10[%dma_wait3A_742, %dma_wait3A_743] : memref<10240x224xbf16, #tpu.memory_space<vmem_shared>> -> memref<10240x224xbf16, #tpu.memory_space<vmem_shared>>
    tpu.wait_indirect_dma semaphore(%arg15 : memref<!tpu.dma_semaphore, #tpu.memory_space<semaphore_mem>>) src(%arg8 : memref<128x224xbf16, #tpu.memory_space<vmem>>) dst(%dma_wait3A_744 : memref<10240x224xbf16, #tpu.memory_space<vmem_shared>>)
    %dma_start3A_745 = arith.constant 22 : i32
    %dma_start3A_746 = arith.constant 0 : i32
    %dma_start3A_747 = tpu.memref_slice %arg5[%dma_start3A_745, %dma_start3A_746] : memref<26x128xi32, #tpu.memory_space<vmem>> -> memref<1x128xi32, #tpu.memory_space<vmem>>
    %dma_start3A_748 = tpu.memref_squeeze %dma_start3A_747 : memref<1x128xi32, #tpu.memory_space<vmem>> -> memref<128xi32, #tpu.memory_space<vmem>>
    %dma_start3A_749 = arith.constant 0 : i32
    %dma_start3A_750 = arith.constant 0 : i32
    %dma_start3A_751 = tpu.memref_slice %arg2[%add3A_4, %dma_start3A_749, %dma_start3A_750] : memref<4x10240x224xbf16, #tpu.memory_space<hbm>> -> memref<1x10240x224xbf16, #tpu.memory_space<hbm>>
    %dma_start3A_752 = tpu.memref_squeeze %dma_start3A_751 : memref<1x10240x224xbf16, #tpu.memory_space<hbm>> -> memref<10240x224xbf16, #tpu.memory_space<hbm>>
    %dma_start3A_753 = arith.constant 0 : i32
    %dma_start3A_754 = arith.constant 0 : i32
    %dma_start3A_755 = tpu.memref_slice %dma_start3A_752[%dma_start3A_753, %dma_start3A_754] : memref<10240x224xbf16, #tpu.memory_space<hbm>> -> memref<10240x224xbf16, #tpu.memory_space<hbm>>
    tpu.enqueue_indirect_dma source(%dma_start3A_755 : memref<10240x224xbf16, #tpu.memory_space<hbm>>) target(%arg8 : memref<128x224xbf16, #tpu.memory_space<vmem>>) offsets(%dma_start3A_748 : memref<128xi32, #tpu.memory_space<vmem>>) semaphore(%arg12 : memref<!tpu.dma_semaphore, #tpu.memory_space<semaphore_mem>>)
    %dma_wait3A_756 = arith.constant 20 : i32
    %dma_wait3A_757 = arith.constant 0 : i32
    %dma_wait3A_758 = tpu.memref_slice %arg5[%dma_wait3A_756, %dma_wait3A_757] : memref<26x128xi32, #tpu.memory_space<vmem>> -> memref<1x128xi32, #tpu.memory_space<vmem>>
    %dma_wait3A_759 = tpu.memref_squeeze %dma_wait3A_758 : memref<1x128xi32, #tpu.memory_space<vmem>> -> memref<128xi32, #tpu.memory_space<vmem>>
    %dma_wait3A_760 = arith.constant 0 : i32
    %dma_wait3A_761 = arith.constant 0 : i32
    %dma_wait3A_762 = tpu.memref_slice %arg2[%add3A_4, %dma_wait3A_760, %dma_wait3A_761] : memref<4x10240x224xbf16, #tpu.memory_space<hbm>> -> memref<1x10240x224xbf16, #tpu.memory_space<hbm>>
    %dma_wait3A_763 = tpu.memref_squeeze %dma_wait3A_762 : memref<1x10240x224xbf16, #tpu.memory_space<hbm>> -> memref<10240x224xbf16, #tpu.memory_space<hbm>>
    %dma_wait3A_764 = arith.constant 0 : i32
    %dma_wait3A_765 = arith.constant 0 : i32
    %dma_wait3A_766 = tpu.memref_slice %dma_wait3A_763[%dma_wait3A_764, %dma_wait3A_765] : memref<10240x224xbf16, #tpu.memory_space<hbm>> -> memref<10240x224xbf16, #tpu.memory_space<hbm>>
    tpu.wait_indirect_dma semaphore(%arg13 : memref<!tpu.dma_semaphore, #tpu.memory_space<semaphore_mem>>) src(%dma_wait3A_766 : memref<10240x224xbf16, #tpu.memory_space<hbm>>) dst(%arg9 : memref<128x224xbf16, #tpu.memory_space<vmem>>)
    %dma_start3A_767 = arith.constant 20 : i32
    %dma_start3A_768 = arith.constant 0 : i32
    %dma_start3A_769 = tpu.memref_slice %arg6[%dma_start3A_767, %dma_start3A_768] : memref<26x128xi32, #tpu.memory_space<vmem>> -> memref<1x128xi32, #tpu.memory_space<vmem>>
    %dma_start3A_770 = tpu.memref_squeeze %dma_start3A_769 : memref<1x128xi32, #tpu.memory_space<vmem>> -> memref<128xi32, #tpu.memory_space<vmem>>
    %dma_start3A_771 = arith.constant 0 : i32
    %dma_start3A_772 = arith.constant 0 : i32
    %dma_start3A_773 = tpu.memref_slice %arg10[%dma_start3A_771, %dma_start3A_772] : memref<10240x224xbf16, #tpu.memory_space<vmem_shared>> -> memref<10240x224xbf16, #tpu.memory_space<vmem_shared>>
    tpu.enqueue_indirect_dma source(%arg9 : memref<128x224xbf16, #tpu.memory_space<vmem>>) target(%dma_start3A_773 : memref<10240x224xbf16, #tpu.memory_space<vmem_shared>>) offsets(%dma_start3A_770 : memref<128xi32, #tpu.memory_space<vmem>>) semaphore(%arg16 : memref<!tpu.dma_semaphore, #tpu.memory_space<semaphore_mem>>) {add = true}
    %dma_wait3A_774 = arith.constant 20 : i32
    %dma_wait3A_775 = arith.constant 0 : i32
    %dma_wait3A_776 = tpu.memref_slice %arg6[%dma_wait3A_774, %dma_wait3A_775] : memref<26x128xi32, #tpu.memory_space<vmem>> -> memref<1x128xi32, #tpu.memory_space<vmem>>
    %dma_wait3A_777 = tpu.memref_squeeze %dma_wait3A_776 : memref<1x128xi32, #tpu.memory_space<vmem>> -> memref<128xi32, #tpu.memory_space<vmem>>
    %dma_wait3A_778 = arith.constant 0 : i32
    %dma_wait3A_779 = arith.constant 0 : i32
    %dma_wait3A_780 = tpu.memref_slice %arg10[%dma_wait3A_778, %dma_wait3A_779] : memref<10240x224xbf16, #tpu.memory_space<vmem_shared>> -> memref<10240x224xbf16, #tpu.memory_space<vmem_shared>>
    tpu.wait_indirect_dma semaphore(%arg16 : memref<!tpu.dma_semaphore, #tpu.memory_space<semaphore_mem>>) src(%arg9 : memref<128x224xbf16, #tpu.memory_space<vmem>>) dst(%dma_wait3A_780 : memref<10240x224xbf16, #tpu.memory_space<vmem_shared>>)
    %dma_start3A_781 = arith.constant 23 : i32
    %dma_start3A_782 = arith.constant 0 : i32
    %dma_start3A_783 = tpu.memref_slice %arg5[%dma_start3A_781, %dma_start3A_782] : memref<26x128xi32, #tpu.memory_space<vmem>> -> memref<1x128xi32, #tpu.memory_space<vmem>>
    %dma_start3A_784 = tpu.memref_squeeze %dma_start3A_783 : memref<1x128xi32, #tpu.memory_space<vmem>> -> memref<128xi32, #tpu.memory_space<vmem>>
    %dma_start3A_785 = arith.constant 0 : i32
    %dma_start3A_786 = arith.constant 0 : i32
    %dma_start3A_787 = tpu.memref_slice %arg2[%add3A_4, %dma_start3A_785, %dma_start3A_786] : memref<4x10240x224xbf16, #tpu.memory_space<hbm>> -> memref<1x10240x224xbf16, #tpu.memory_space<hbm>>
    %dma_start3A_788 = tpu.memref_squeeze %dma_start3A_787 : memref<1x10240x224xbf16, #tpu.memory_space<hbm>> -> memref<10240x224xbf16, #tpu.memory_space<hbm>>
    %dma_start3A_789 = arith.constant 0 : i32
    %dma_start3A_790 = arith.constant 0 : i32
    %dma_start3A_791 = tpu.memref_slice %dma_start3A_788[%dma_start3A_789, %dma_start3A_790] : memref<10240x224xbf16, #tpu.memory_space<hbm>> -> memref<10240x224xbf16, #tpu.memory_space<hbm>>
    tpu.enqueue_indirect_dma source(%dma_start3A_791 : memref<10240x224xbf16, #tpu.memory_space<hbm>>) target(%arg9 : memref<128x224xbf16, #tpu.memory_space<vmem>>) offsets(%dma_start3A_784 : memref<128xi32, #tpu.memory_space<vmem>>) semaphore(%arg13 : memref<!tpu.dma_semaphore, #tpu.memory_space<semaphore_mem>>)
    %dma_wait3A_792 = arith.constant 21 : i32
    %dma_wait3A_793 = arith.constant 0 : i32
    %dma_wait3A_794 = tpu.memref_slice %arg5[%dma_wait3A_792, %dma_wait3A_793] : memref<26x128xi32, #tpu.memory_space<vmem>> -> memref<1x128xi32, #tpu.memory_space<vmem>>
    %dma_wait3A_795 = tpu.memref_squeeze %dma_wait3A_794 : memref<1x128xi32, #tpu.memory_space<vmem>> -> memref<128xi32, #tpu.memory_space<vmem>>
    %dma_wait3A_796 = arith.constant 0 : i32
    %dma_wait3A_797 = arith.constant 0 : i32
    %dma_wait3A_798 = tpu.memref_slice %arg2[%add3A_4, %dma_wait3A_796, %dma_wait3A_797] : memref<4x10240x224xbf16, #tpu.memory_space<hbm>> -> memref<1x10240x224xbf16, #tpu.memory_space<hbm>>
    %dma_wait3A_799 = tpu.memref_squeeze %dma_wait3A_798 : memref<1x10240x224xbf16, #tpu.memory_space<hbm>> -> memref<10240x224xbf16, #tpu.memory_space<hbm>>
    %dma_wait3A_800 = arith.constant 0 : i32
    %dma_wait3A_801 = arith.constant 0 : i32
    %dma_wait3A_802 = tpu.memref_slice %dma_wait3A_799[%dma_wait3A_800, %dma_wait3A_801] : memref<10240x224xbf16, #tpu.memory_space<hbm>> -> memref<10240x224xbf16, #tpu.memory_space<hbm>>
    tpu.wait_indirect_dma semaphore(%arg11 : memref<!tpu.dma_semaphore, #tpu.memory_space<semaphore_mem>>) src(%dma_wait3A_802 : memref<10240x224xbf16, #tpu.memory_space<hbm>>) dst(%arg7 : memref<128x224xbf16, #tpu.memory_space<vmem>>)
    %dma_start3A_803 = arith.constant 21 : i32
    %dma_start3A_804 = arith.constant 0 : i32
    %dma_start3A_805 = tpu.memref_slice %arg6[%dma_start3A_803, %dma_start3A_804] : memref<26x128xi32, #tpu.memory_space<vmem>> -> memref<1x128xi32, #tpu.memory_space<vmem>>
    %dma_start3A_806 = tpu.memref_squeeze %dma_start3A_805 : memref<1x128xi32, #tpu.memory_space<vmem>> -> memref<128xi32, #tpu.memory_space<vmem>>
    %dma_start3A_807 = arith.constant 0 : i32
    %dma_start3A_808 = arith.constant 0 : i32
    %dma_start3A_809 = tpu.memref_slice %arg10[%dma_start3A_807, %dma_start3A_808] : memref<10240x224xbf16, #tpu.memory_space<vmem_shared>> -> memref<10240x224xbf16, #tpu.memory_space<vmem_shared>>
    tpu.enqueue_indirect_dma source(%arg7 : memref<128x224xbf16, #tpu.memory_space<vmem>>) target(%dma_start3A_809 : memref<10240x224xbf16, #tpu.memory_space<vmem_shared>>) offsets(%dma_start3A_806 : memref<128xi32, #tpu.memory_space<vmem>>) semaphore(%arg14 : memref<!tpu.dma_semaphore, #tpu.memory_space<semaphore_mem>>) {add = true}
    %dma_wait3A_810 = arith.constant 21 : i32
    %dma_wait3A_811 = arith.constant 0 : i32
    %dma_wait3A_812 = tpu.memref_slice %arg6[%dma_wait3A_810, %dma_wait3A_811] : memref<26x128xi32, #tpu.memory_space<vmem>> -> memref<1x128xi32, #tpu.memory_space<vmem>>
    %dma_wait3A_813 = tpu.memref_squeeze %dma_wait3A_812 : memref<1x128xi32, #tpu.memory_space<vmem>> -> memref<128xi32, #tpu.memory_space<vmem>>
    %dma_wait3A_814 = arith.constant 0 : i32
    %dma_wait3A_815 = arith.constant 0 : i32
    %dma_wait3A_816 = tpu.memref_slice %arg10[%dma_wait3A_814, %dma_wait3A_815] : memref<10240x224xbf16, #tpu.memory_space<vmem_shared>> -> memref<10240x224xbf16, #tpu.memory_space<vmem_shared>>
    tpu.wait_indirect_dma semaphore(%arg14 : memref<!tpu.dma_semaphore, #tpu.memory_space<semaphore_mem>>) src(%arg7 : memref<128x224xbf16, #tpu.memory_space<vmem>>) dst(%dma_wait3A_816 : memref<10240x224xbf16, #tpu.memory_space<vmem_shared>>)
    %dma_start3A_817 = arith.constant 24 : i32
    %dma_start3A_818 = arith.constant 0 : i32
    %dma_start3A_819 = tpu.memref_slice %arg5[%dma_start3A_817, %dma_start3A_818] : memref<26x128xi32, #tpu.memory_space<vmem>> -> memref<1x128xi32, #tpu.memory_space<vmem>>
    %dma_start3A_820 = tpu.memref_squeeze %dma_start3A_819 : memref<1x128xi32, #tpu.memory_space<vmem>> -> memref<128xi32, #tpu.memory_space<vmem>>
    %dma_start3A_821 = arith.constant 0 : i32
    %dma_start3A_822 = arith.constant 0 : i32
    %dma_start3A_823 = tpu.memref_slice %arg2[%add3A_4, %dma_start3A_821, %dma_start3A_822] : memref<4x10240x224xbf16, #tpu.memory_space<hbm>> -> memref<1x10240x224xbf16, #tpu.memory_space<hbm>>
    %dma_start3A_824 = tpu.memref_squeeze %dma_start3A_823 : memref<1x10240x224xbf16, #tpu.memory_space<hbm>> -> memref<10240x224xbf16, #tpu.memory_space<hbm>>
    %dma_start3A_825 = arith.constant 0 : i32
    %dma_start3A_826 = arith.constant 0 : i32
    %dma_start3A_827 = tpu.memref_slice %dma_start3A_824[%dma_start3A_825, %dma_start3A_826] : memref<10240x224xbf16, #tpu.memory_space<hbm>> -> memref<10240x224xbf16, #tpu.memory_space<hbm>>
    tpu.enqueue_indirect_dma source(%dma_start3A_827 : memref<10240x224xbf16, #tpu.memory_space<hbm>>) target(%arg7 : memref<128x224xbf16, #tpu.memory_space<vmem>>) offsets(%dma_start3A_820 : memref<128xi32, #tpu.memory_space<vmem>>) semaphore(%arg11 : memref<!tpu.dma_semaphore, #tpu.memory_space<semaphore_mem>>)
    %dma_wait3A_828 = arith.constant 22 : i32
    %dma_wait3A_829 = arith.constant 0 : i32
    %dma_wait3A_830 = tpu.memref_slice %arg5[%dma_wait3A_828, %dma_wait3A_829] : memref<26x128xi32, #tpu.memory_space<vmem>> -> memref<1x128xi32, #tpu.memory_space<vmem>>
    %dma_wait3A_831 = tpu.memref_squeeze %dma_wait3A_830 : memref<1x128xi32, #tpu.memory_space<vmem>> -> memref<128xi32, #tpu.memory_space<vmem>>
    %dma_wait3A_832 = arith.constant 0 : i32
    %dma_wait3A_833 = arith.constant 0 : i32
    %dma_wait3A_834 = tpu.memref_slice %arg2[%add3A_4, %dma_wait3A_832, %dma_wait3A_833] : memref<4x10240x224xbf16, #tpu.memory_space<hbm>> -> memref<1x10240x224xbf16, #tpu.memory_space<hbm>>
    %dma_wait3A_835 = tpu.memref_squeeze %dma_wait3A_834 : memref<1x10240x224xbf16, #tpu.memory_space<hbm>> -> memref<10240x224xbf16, #tpu.memory_space<hbm>>
    %dma_wait3A_836 = arith.constant 0 : i32
    %dma_wait3A_837 = arith.constant 0 : i32
    %dma_wait3A_838 = tpu.memref_slice %dma_wait3A_835[%dma_wait3A_836, %dma_wait3A_837] : memref<10240x224xbf16, #tpu.memory_space<hbm>> -> memref<10240x224xbf16, #tpu.memory_space<hbm>>
    tpu.wait_indirect_dma semaphore(%arg12 : memref<!tpu.dma_semaphore, #tpu.memory_space<semaphore_mem>>) src(%dma_wait3A_838 : memref<10240x224xbf16, #tpu.memory_space<hbm>>) dst(%arg8 : memref<128x224xbf16, #tpu.memory_space<vmem>>)
    %dma_start3A_839 = arith.constant 22 : i32
    %dma_start3A_840 = arith.constant 0 : i32
    %dma_start3A_841 = tpu.memref_slice %arg6[%dma_start3A_839, %dma_start3A_840] : memref<26x128xi32, #tpu.memory_space<vmem>> -> memref<1x128xi32, #tpu.memory_space<vmem>>
    %dma_start3A_842 = tpu.memref_squeeze %dma_start3A_841 : memref<1x128xi32, #tpu.memory_space<vmem>> -> memref<128xi32, #tpu.memory_space<vmem>>
    %dma_start3A_843 = arith.constant 0 : i32
    %dma_start3A_844 = arith.constant 0 : i32
    %dma_start3A_845 = tpu.memref_slice %arg10[%dma_start3A_843, %dma_start3A_844] : memref<10240x224xbf16, #tpu.memory_space<vmem_shared>> -> memref<10240x224xbf16, #tpu.memory_space<vmem_shared>>
    tpu.enqueue_indirect_dma source(%arg8 : memref<128x224xbf16, #tpu.memory_space<vmem>>) target(%dma_start3A_845 : memref<10240x224xbf16, #tpu.memory_space<vmem_shared>>) offsets(%dma_start3A_842 : memref<128xi32, #tpu.memory_space<vmem>>) semaphore(%arg15 : memref<!tpu.dma_semaphore, #tpu.memory_space<semaphore_mem>>) {add = true}
    %dma_wait3A_846 = arith.constant 22 : i32
    %dma_wait3A_847 = arith.constant 0 : i32
    %dma_wait3A_848 = tpu.memref_slice %arg6[%dma_wait3A_846, %dma_wait3A_847] : memref<26x128xi32, #tpu.memory_space<vmem>> -> memref<1x128xi32, #tpu.memory_space<vmem>>
    %dma_wait3A_849 = tpu.memref_squeeze %dma_wait3A_848 : memref<1x128xi32, #tpu.memory_space<vmem>> -> memref<128xi32, #tpu.memory_space<vmem>>
    %dma_wait3A_850 = arith.constant 0 : i32
    %dma_wait3A_851 = arith.constant 0 : i32
    %dma_wait3A_852 = tpu.memref_slice %arg10[%dma_wait3A_850, %dma_wait3A_851] : memref<10240x224xbf16, #tpu.memory_space<vmem_shared>> -> memref<10240x224xbf16, #tpu.memory_space<vmem_shared>>
    tpu.wait_indirect_dma semaphore(%arg15 : memref<!tpu.dma_semaphore, #tpu.memory_space<semaphore_mem>>) src(%arg8 : memref<128x224xbf16, #tpu.memory_space<vmem>>) dst(%dma_wait3A_852 : memref<10240x224xbf16, #tpu.memory_space<vmem_shared>>)
    %dma_start3A_853 = arith.constant 25 : i32
    %dma_start3A_854 = arith.constant 0 : i32
    %dma_start3A_855 = tpu.memref_slice %arg5[%dma_start3A_853, %dma_start3A_854] : memref<26x128xi32, #tpu.memory_space<vmem>> -> memref<1x128xi32, #tpu.memory_space<vmem>>
    %dma_start3A_856 = tpu.memref_squeeze %dma_start3A_855 : memref<1x128xi32, #tpu.memory_space<vmem>> -> memref<128xi32, #tpu.memory_space<vmem>>
    %dma_start3A_857 = arith.constant 0 : i32
    %dma_start3A_858 = arith.constant 0 : i32
    %dma_start3A_859 = tpu.memref_slice %arg2[%add3A_4, %dma_start3A_857, %dma_start3A_858] : memref<4x10240x224xbf16, #tpu.memory_space<hbm>> -> memref<1x10240x224xbf16, #tpu.memory_space<hbm>>
    %dma_start3A_860 = tpu.memref_squeeze %dma_start3A_859 : memref<1x10240x224xbf16, #tpu.memory_space<hbm>> -> memref<10240x224xbf16, #tpu.memory_space<hbm>>
    %dma_start3A_861 = arith.constant 0 : i32
    %dma_start3A_862 = arith.constant 0 : i32
    %dma_start3A_863 = tpu.memref_slice %dma_start3A_860[%dma_start3A_861, %dma_start3A_862] : memref<10240x224xbf16, #tpu.memory_space<hbm>> -> memref<10240x224xbf16, #tpu.memory_space<hbm>>
    tpu.enqueue_indirect_dma source(%dma_start3A_863 : memref<10240x224xbf16, #tpu.memory_space<hbm>>) target(%arg8 : memref<128x224xbf16, #tpu.memory_space<vmem>>) offsets(%dma_start3A_856 : memref<128xi32, #tpu.memory_space<vmem>>) semaphore(%arg12 : memref<!tpu.dma_semaphore, #tpu.memory_space<semaphore_mem>>)
    %dma_wait3A_864 = arith.constant 23 : i32
    %dma_wait3A_865 = arith.constant 0 : i32
    %dma_wait3A_866 = tpu.memref_slice %arg5[%dma_wait3A_864, %dma_wait3A_865] : memref<26x128xi32, #tpu.memory_space<vmem>> -> memref<1x128xi32, #tpu.memory_space<vmem>>
    %dma_wait3A_867 = tpu.memref_squeeze %dma_wait3A_866 : memref<1x128xi32, #tpu.memory_space<vmem>> -> memref<128xi32, #tpu.memory_space<vmem>>
    %dma_wait3A_868 = arith.constant 0 : i32
    %dma_wait3A_869 = arith.constant 0 : i32
    %dma_wait3A_870 = tpu.memref_slice %arg2[%add3A_4, %dma_wait3A_868, %dma_wait3A_869] : memref<4x10240x224xbf16, #tpu.memory_space<hbm>> -> memref<1x10240x224xbf16, #tpu.memory_space<hbm>>
    %dma_wait3A_871 = tpu.memref_squeeze %dma_wait3A_870 : memref<1x10240x224xbf16, #tpu.memory_space<hbm>> -> memref<10240x224xbf16, #tpu.memory_space<hbm>>
    %dma_wait3A_872 = arith.constant 0 : i32
    %dma_wait3A_873 = arith.constant 0 : i32
    %dma_wait3A_874 = tpu.memref_slice %dma_wait3A_871[%dma_wait3A_872, %dma_wait3A_873] : memref<10240x224xbf16, #tpu.memory_space<hbm>> -> memref<10240x224xbf16, #tpu.memory_space<hbm>>
    tpu.wait_indirect_dma semaphore(%arg13 : memref<!tpu.dma_semaphore, #tpu.memory_space<semaphore_mem>>) src(%dma_wait3A_874 : memref<10240x224xbf16, #tpu.memory_space<hbm>>) dst(%arg9 : memref<128x224xbf16, #tpu.memory_space<vmem>>)
    %dma_start3A_875 = arith.constant 23 : i32
    %dma_start3A_876 = arith.constant 0 : i32
    %dma_start3A_877 = tpu.memref_slice %arg6[%dma_start3A_875, %dma_start3A_876] : memref<26x128xi32, #tpu.memory_space<vmem>> -> memref<1x128xi32, #tpu.memory_space<vmem>>
    %dma_start3A_878 = tpu.memref_squeeze %dma_start3A_877 : memref<1x128xi32, #tpu.memory_space<vmem>> -> memref<128xi32, #tpu.memory_space<vmem>>
    %dma_start3A_879 = arith.constant 0 : i32
    %dma_start3A_880 = arith.constant 0 : i32
    %dma_start3A_881 = tpu.memref_slice %arg10[%dma_start3A_879, %dma_start3A_880] : memref<10240x224xbf16, #tpu.memory_space<vmem_shared>> -> memref<10240x224xbf16, #tpu.memory_space<vmem_shared>>
    tpu.enqueue_indirect_dma source(%arg9 : memref<128x224xbf16, #tpu.memory_space<vmem>>) target(%dma_start3A_881 : memref<10240x224xbf16, #tpu.memory_space<vmem_shared>>) offsets(%dma_start3A_878 : memref<128xi32, #tpu.memory_space<vmem>>) semaphore(%arg16 : memref<!tpu.dma_semaphore, #tpu.memory_space<semaphore_mem>>) {add = true}
    %dma_wait3A_882 = arith.constant 24 : i32
    %dma_wait3A_883 = arith.constant 0 : i32
    %dma_wait3A_884 = tpu.memref_slice %arg5[%dma_wait3A_882, %dma_wait3A_883] : memref<26x128xi32, #tpu.memory_space<vmem>> -> memref<1x128xi32, #tpu.memory_space<vmem>>
    %dma_wait3A_885 = tpu.memref_squeeze %dma_wait3A_884 : memref<1x128xi32, #tpu.memory_space<vmem>> -> memref<128xi32, #tpu.memory_space<vmem>>
    %dma_wait3A_886 = arith.constant 0 : i32
    %dma_wait3A_887 = arith.constant 0 : i32
    %dma_wait3A_888 = tpu.memref_slice %arg2[%add3A_4, %dma_wait3A_886, %dma_wait3A_887] : memref<4x10240x224xbf16, #tpu.memory_space<hbm>> -> memref<1x10240x224xbf16, #tpu.memory_space<hbm>>
    %dma_wait3A_889 = tpu.memref_squeeze %dma_wait3A_888 : memref<1x10240x224xbf16, #tpu.memory_space<hbm>> -> memref<10240x224xbf16, #tpu.memory_space<hbm>>
    %dma_wait3A_890 = arith.constant 0 : i32
    %dma_wait3A_891 = arith.constant 0 : i32
    %dma_wait3A_892 = tpu.memref_slice %dma_wait3A_889[%dma_wait3A_890, %dma_wait3A_891] : memref<10240x224xbf16, #tpu.memory_space<hbm>> -> memref<10240x224xbf16, #tpu.memory_space<hbm>>
    tpu.wait_indirect_dma semaphore(%arg11 : memref<!tpu.dma_semaphore, #tpu.memory_space<semaphore_mem>>) src(%dma_wait3A_892 : memref<10240x224xbf16, #tpu.memory_space<hbm>>) dst(%arg7 : memref<128x224xbf16, #tpu.memory_space<vmem>>)
    %dma_start3A_893 = arith.constant 24 : i32
    %dma_start3A_894 = arith.constant 0 : i32
    %dma_start3A_895 = tpu.memref_slice %arg6[%dma_start3A_893, %dma_start3A_894] : memref<26x128xi32, #tpu.memory_space<vmem>> -> memref<1x128xi32, #tpu.memory_space<vmem>>
    %dma_start3A_896 = tpu.memref_squeeze %dma_start3A_895 : memref<1x128xi32, #tpu.memory_space<vmem>> -> memref<128xi32, #tpu.memory_space<vmem>>
    %dma_start3A_897 = arith.constant 0 : i32
    %dma_start3A_898 = arith.constant 0 : i32
    %dma_start3A_899 = tpu.memref_slice %arg10[%dma_start3A_897, %dma_start3A_898] : memref<10240x224xbf16, #tpu.memory_space<vmem_shared>> -> memref<10240x224xbf16, #tpu.memory_space<vmem_shared>>
    tpu.enqueue_indirect_dma source(%arg7 : memref<128x224xbf16, #tpu.memory_space<vmem>>) target(%dma_start3A_899 : memref<10240x224xbf16, #tpu.memory_space<vmem_shared>>) offsets(%dma_start3A_896 : memref<128xi32, #tpu.memory_space<vmem>>) semaphore(%arg14 : memref<!tpu.dma_semaphore, #tpu.memory_space<semaphore_mem>>) {add = true}
    %dma_wait3A_900 = arith.constant 25 : i32
    %dma_wait3A_901 = arith.constant 0 : i32
    %dma_wait3A_902 = tpu.memref_slice %arg5[%dma_wait3A_900, %dma_wait3A_901] : memref<26x128xi32, #tpu.memory_space<vmem>> -> memref<1x128xi32, #tpu.memory_space<vmem>>
    %dma_wait3A_903 = tpu.memref_squeeze %dma_wait3A_902 : memref<1x128xi32, #tpu.memory_space<vmem>> -> memref<128xi32, #tpu.memory_space<vmem>>
    %dma_wait3A_904 = arith.constant 0 : i32
    %dma_wait3A_905 = arith.constant 0 : i32
    %dma_wait3A_906 = tpu.memref_slice %arg2[%add3A_4, %dma_wait3A_904, %dma_wait3A_905] : memref<4x10240x224xbf16, #tpu.memory_space<hbm>> -> memref<1x10240x224xbf16, #tpu.memory_space<hbm>>
    %dma_wait3A_907 = tpu.memref_squeeze %dma_wait3A_906 : memref<1x10240x224xbf16, #tpu.memory_space<hbm>> -> memref<10240x224xbf16, #tpu.memory_space<hbm>>
    %dma_wait3A_908 = arith.constant 0 : i32
    %dma_wait3A_909 = arith.constant 0 : i32
    %dma_wait3A_910 = tpu.memref_slice %dma_wait3A_907[%dma_wait3A_908, %dma_wait3A_909] : memref<10240x224xbf16, #tpu.memory_space<hbm>> -> memref<10240x224xbf16, #tpu.memory_space<hbm>>
    tpu.wait_indirect_dma semaphore(%arg12 : memref<!tpu.dma_semaphore, #tpu.memory_space<semaphore_mem>>) src(%dma_wait3A_910 : memref<10240x224xbf16, #tpu.memory_space<hbm>>) dst(%arg8 : memref<128x224xbf16, #tpu.memory_space<vmem>>)
    %dma_start3A_911 = arith.constant 25 : i32
    %dma_start3A_912 = arith.constant 0 : i32
    %dma_start3A_913 = tpu.memref_slice %arg6[%dma_start3A_911, %dma_start3A_912] : memref<26x128xi32, #tpu.memory_space<vmem>> -> memref<1x128xi32, #tpu.memory_space<vmem>>
    %dma_start3A_914 = tpu.memref_squeeze %dma_start3A_913 : memref<1x128xi32, #tpu.memory_space<vmem>> -> memref<128xi32, #tpu.memory_space<vmem>>
    %dma_start3A_915 = arith.constant 0 : i32
    %dma_start3A_916 = arith.constant 0 : i32
    %dma_start3A_917 = tpu.memref_slice %arg10[%dma_start3A_915, %dma_start3A_916] : memref<10240x224xbf16, #tpu.memory_space<vmem_shared>> -> memref<10240x224xbf16, #tpu.memory_space<vmem_shared>>
    tpu.enqueue_indirect_dma source(%arg8 : memref<128x224xbf16, #tpu.memory_space<vmem>>) target(%dma_start3A_917 : memref<10240x224xbf16, #tpu.memory_space<vmem_shared>>) offsets(%dma_start3A_914 : memref<128xi32, #tpu.memory_space<vmem>>) semaphore(%arg15 : memref<!tpu.dma_semaphore, #tpu.memory_space<semaphore_mem>>) {add = true}
    %dma_wait3A_918 = arith.constant 23 : i32
    %dma_wait3A_919 = arith.constant 0 : i32
    %dma_wait3A_920 = tpu.memref_slice %arg6[%dma_wait3A_918, %dma_wait3A_919] : memref<26x128xi32, #tpu.memory_space<vmem>> -> memref<1x128xi32, #tpu.memory_space<vmem>>
    %dma_wait3A_921 = tpu.memref_squeeze %dma_wait3A_920 : memref<1x128xi32, #tpu.memory_space<vmem>> -> memref<128xi32, #tpu.memory_space<vmem>>
    %dma_wait3A_922 = arith.constant 0 : i32
    %dma_wait3A_923 = arith.constant 0 : i32
    %dma_wait3A_924 = tpu.memref_slice %arg10[%dma_wait3A_922, %dma_wait3A_923] : memref<10240x224xbf16, #tpu.memory_space<vmem_shared>> -> memref<10240x224xbf16, #tpu.memory_space<vmem_shared>>
    tpu.wait_indirect_dma semaphore(%arg16 : memref<!tpu.dma_semaphore, #tpu.memory_space<semaphore_mem>>) src(%arg9 : memref<128x224xbf16, #tpu.memory_space<vmem>>) dst(%dma_wait3A_924 : memref<10240x224xbf16, #tpu.memory_space<vmem_shared>>)
    %dma_wait3A_925 = arith.constant 24 : i32
    %dma_wait3A_926 = arith.constant 0 : i32
    %dma_wait3A_927 = tpu.memref_slice %arg6[%dma_wait3A_925, %dma_wait3A_926] : memref<26x128xi32, #tpu.memory_space<vmem>> -> memref<1x128xi32, #tpu.memory_space<vmem>>
    %dma_wait3A_928 = tpu.memref_squeeze %dma_wait3A_927 : memref<1x128xi32, #tpu.memory_space<vmem>> -> memref<128xi32, #tpu.memory_space<vmem>>
    %dma_wait3A_929 = arith.constant 0 : i32
    %dma_wait3A_930 = arith.constant 0 : i32
    %dma_wait3A_931 = tpu.memref_slice %arg10[%dma_wait3A_929, %dma_wait3A_930] : memref<10240x224xbf16, #tpu.memory_space<vmem_shared>> -> memref<10240x224xbf16, #tpu.memory_space<vmem_shared>>
    tpu.wait_indirect_dma semaphore(%arg14 : memref<!tpu.dma_semaphore, #tpu.memory_space<semaphore_mem>>) src(%arg7 : memref<128x224xbf16, #tpu.memory_space<vmem>>) dst(%dma_wait3A_931 : memref<10240x224xbf16, #tpu.memory_space<vmem_shared>>)
    %dma_wait3A_932 = arith.constant 25 : i32
    %dma_wait3A_933 = arith.constant 0 : i32
    %dma_wait3A_934 = tpu.memref_slice %arg6[%dma_wait3A_932, %dma_wait3A_933] : memref<26x128xi32, #tpu.memory_space<vmem>> -> memref<1x128xi32, #tpu.memory_space<vmem>>
    %dma_wait3A_935 = tpu.memref_squeeze %dma_wait3A_934 : memref<1x128xi32, #tpu.memory_space<vmem>> -> memref<128xi32, #tpu.memory_space<vmem>>
    %dma_wait3A_936 = arith.constant 0 : i32
    %dma_wait3A_937 = arith.constant 0 : i32
    %dma_wait3A_938 = tpu.memref_slice %arg10[%dma_wait3A_936, %dma_wait3A_937] : memref<10240x224xbf16, #tpu.memory_space<vmem_shared>> -> memref<10240x224xbf16, #tpu.memory_space<vmem_shared>>
    tpu.wait_indirect_dma semaphore(%arg15 : memref<!tpu.dma_semaphore, #tpu.memory_space<semaphore_mem>>) src(%arg8 : memref<128x224xbf16, #tpu.memory_space<vmem>>) dst(%dma_wait3A_938 : memref<10240x224xbf16, #tpu.memory_space<vmem_shared>>)
    %barrier3A_939 = arith.constant 0 : index
    tpu.barrier barrier_id(%barrier3A_939)
    "tpu.region"() ({
      %run_scoped3A_1884 = tpu.sem_alloc : memref<!tpu.dma_semaphore, #tpu.memory_space<semaphore_mem>>
      %dma_start3A_1885 = arith.constant 0 : i32
      %dma_start3A_1886 = arith.constant 0 : i32
      %dma_start3A_1887 = tpu.memref_slice %arg4[%add3A_4, %dma_start3A_1885, %dma_start3A_1886] : memref<4x10240x224xbf16, #tpu.memory_space<hbm>> -> memref<1x10240x224xbf16, #tpu.memory_space<hbm>>
      %dma_start3A_1888 = tpu.memref_squeeze %dma_start3A_1887 : memref<1x10240x224xbf16, #tpu.memory_space<hbm>> -> memref<10240x224xbf16, #tpu.memory_space<hbm>>
      %dma_start3A_1889 = arith.constant 0 : i32
      %dma_start3A_1890 = tpu.memref_slice %dma_start3A_1888[%mul3A_0, %dma_start3A_1889] : memref<10240x224xbf16, #tpu.memory_space<hbm>> -> memref<640x224xbf16, #tpu.memory_space<hbm>>
      %dma_start3A_1891 = arith.constant 0 : i32
      %dma_start3A_1892 = tpu.memref_slice %arg10[%mul3A_0, %dma_start3A_1891] : memref<10240x224xbf16, #tpu.memory_space<vmem_shared>> -> memref<640x224xbf16, #tpu.memory_space<vmem_shared>>
      tpu.enqueue_dma source(%dma_start3A_1892 : memref<640x224xbf16, #tpu.memory_space<vmem_shared>>) target(%dma_start3A_1890 : memref<640x224xbf16, #tpu.memory_space<hbm>>) target_semaphore(%run_scoped3A_1884 : memref<!tpu.dma_semaphore, #tpu.memory_space<semaphore_mem>>)
      %dma_wait3A_1893 = arith.constant 0 : i32
      %dma_wait3A_1894 = arith.constant 0 : i32
      %dma_wait3A_1895 = tpu.memref_slice %arg4[%add3A_4, %dma_wait3A_1893, %dma_wait3A_1894] : memref<4x10240x224xbf16, #tpu.memory_space<hbm>> -> memref<1x10240x224xbf16, #tpu.memory_space<hbm>>
      %dma_wait3A_1896 = tpu.memref_squeeze %dma_wait3A_1895 : memref<1x10240x224xbf16, #tpu.memory_space<hbm>> -> memref<10240x224xbf16, #tpu.memory_space<hbm>>
      %dma_wait3A_1897 = arith.constant 0 : i32
      %dma_wait3A_1898 = tpu.memref_slice %dma_wait3A_1896[%mul3A_0, %dma_wait3A_1897] : memref<10240x224xbf16, #tpu.memory_space<hbm>> -> memref<640x224xbf16, #tpu.memory_space<hbm>>
      %dma_wait3A_1899 = arith.constant 0 : i32
      %dma_wait3A_1900 = tpu.memref_slice %arg10[%mul3A_0, %dma_wait3A_1899] : memref<10240x224xbf16, #tpu.memory_space<vmem_shared>> -> memref<640x224xbf16, #tpu.memory_space<vmem_shared>>
      tpu.wait_dma2 semaphore(%run_scoped3A_1884 : memref<!tpu.dma_semaphore, #tpu.memory_space<semaphore_mem>>) src(%dma_wait3A_1900 : memref<640x224xbf16, #tpu.memory_space<vmem_shared>>) dst(%dma_wait3A_1898 : memref<640x224xbf16, #tpu.memory_space<hbm>>)
      tpu.yield
    }) : () -> ()
    %barrier3A_940 = arith.constant 0 : index
    tpu.barrier barrier_id(%barrier3A_940)
    %mul3A_941 = arith.constant 2 : i32
    %mul3A_942 = arith.muli %arg0, %mul3A_941 : i32
    %add3A_943 = arith.constant 1 : i32
    %add3A_944 = arith.addi %mul3A_942, %add3A_943 : i32
    "tpu.region"() ({
      %run_scoped3A_1884 = tpu.sem_alloc : memref<!tpu.dma_semaphore, #tpu.memory_space<semaphore_mem>>
      %dma_start3A_1885 = arith.constant 0 : i32
      %dma_start3A_1886 = tpu.memref_slice %arg10[%mul3A_0, %dma_start3A_1885] : memref<10240x224xbf16, #tpu.memory_space<vmem_shared>> -> memref<640x224xbf16, #tpu.memory_space<vmem_shared>>
      %dma_start3A_1887 = arith.constant 0 : i32
      %dma_start3A_1888 = arith.constant 0 : i32
      %dma_start3A_1889 = tpu.memref_slice %arg2[%add3A_944, %dma_start3A_1887, %dma_start3A_1888] : memref<4x10240x224xbf16, #tpu.memory_space<hbm>> -> memref<1x10240x224xbf16, #tpu.memory_space<hbm>>
      %dma_start3A_1890 = tpu.memref_squeeze %dma_start3A_1889 : memref<1x10240x224xbf16, #tpu.memory_space<hbm>> -> memref<10240x224xbf16, #tpu.memory_space<hbm>>
      %dma_start3A_1891 = arith.constant 0 : i32
      %dma_start3A_1892 = tpu.memref_slice %dma_start3A_1890[%mul3A_0, %dma_start3A_1891] : memref<10240x224xbf16, #tpu.memory_space<hbm>> -> memref<640x224xbf16, #tpu.memory_space<hbm>>
      tpu.enqueue_dma source(%dma_start3A_1892 : memref<640x224xbf16, #tpu.memory_space<hbm>>) target(%dma_start3A_1886 : memref<640x224xbf16, #tpu.memory_space<vmem_shared>>) target_semaphore(%run_scoped3A_1884 : memref<!tpu.dma_semaphore, #tpu.memory_space<semaphore_mem>>)
      %dma_wait3A_1893 = arith.constant 0 : i32
      %dma_wait3A_1894 = tpu.memref_slice %arg10[%mul3A_0, %dma_wait3A_1893] : memref<10240x224xbf16, #tpu.memory_space<vmem_shared>> -> memref<640x224xbf16, #tpu.memory_space<vmem_shared>>
      %dma_wait3A_1895 = arith.constant 0 : i32
      %dma_wait3A_1896 = arith.constant 0 : i32
      %dma_wait3A_1897 = tpu.memref_slice %arg2[%add3A_944, %dma_wait3A_1895, %dma_wait3A_1896] : memref<4x10240x224xbf16, #tpu.memory_space<hbm>> -> memref<1x10240x224xbf16, #tpu.memory_space<hbm>>
      %dma_wait3A_1898 = tpu.memref_squeeze %dma_wait3A_1897 : memref<1x10240x224xbf16, #tpu.memory_space<hbm>> -> memref<10240x224xbf16, #tpu.memory_space<hbm>>
      %dma_wait3A_1899 = arith.constant 0 : i32
      %dma_wait3A_1900 = tpu.memref_slice %dma_wait3A_1898[%mul3A_0, %dma_wait3A_1899] : memref<10240x224xbf16, #tpu.memory_space<hbm>> -> memref<640x224xbf16, #tpu.memory_space<hbm>>
      tpu.wait_dma2 semaphore(%run_scoped3A_1884 : memref<!tpu.dma_semaphore, #tpu.memory_space<semaphore_mem>>) src(%dma_wait3A_1900 : memref<640x224xbf16, #tpu.memory_space<hbm>>) dst(%dma_wait3A_1894 : memref<640x224xbf16, #tpu.memory_space<vmem_shared>>)
      tpu.yield
    }) : () -> ()
    %barrier3A_945 = arith.constant 0 : index
    tpu.barrier barrier_id(%barrier3A_945)
    %dma_start3A_946 = arith.constant 0 : i32
    %dma_start3A_947 = arith.constant 0 : i32
    %dma_start3A_948 = tpu.memref_slice %arg5[%dma_start3A_946, %dma_start3A_947] : memref<26x128xi32, #tpu.memory_space<vmem>> -> memref<1x128xi32, #tpu.memory_space<vmem>>
    %dma_start3A_949 = tpu.memref_squeeze %dma_start3A_948 : memref<1x128xi32, #tpu.memory_space<vmem>> -> memref<128xi32, #tpu.memory_space<vmem>>
    %dma_start3A_950 = arith.constant 0 : i32
    %dma_start3A_951 = arith.constant 0 : i32
    %dma_start3A_952 = tpu.memref_slice %arg2[%add3A_944, %dma_start3A_950, %dma_start3A_951] : memref<4x10240x224xbf16, #tpu.memory_space<hbm>> -> memref<1x10240x224xbf16, #tpu.memory_space<hbm>>
    %dma_start3A_953 = tpu.memref_squeeze %dma_start3A_952 : memref<1x10240x224xbf16, #tpu.memory_space<hbm>> -> memref<10240x224xbf16, #tpu.memory_space<hbm>>
    %dma_start3A_954 = arith.constant 0 : i32
    %dma_start3A_955 = arith.constant 0 : i32
    %dma_start3A_956 = tpu.memref_slice %dma_start3A_953[%dma_start3A_954, %dma_start3A_955] : memref<10240x224xbf16, #tpu.memory_space<hbm>> -> memref<10240x224xbf16, #tpu.memory_space<hbm>>
    tpu.enqueue_indirect_dma source(%dma_start3A_956 : memref<10240x224xbf16, #tpu.memory_space<hbm>>) target(%arg7 : memref<128x224xbf16, #tpu.memory_space<vmem>>) offsets(%dma_start3A_949 : memref<128xi32, #tpu.memory_space<vmem>>) semaphore(%arg11 : memref<!tpu.dma_semaphore, #tpu.memory_space<semaphore_mem>>)
    %dma_start3A_957 = arith.constant 1 : i32
    %dma_start3A_958 = arith.constant 0 : i32
    %dma_start3A_959 = tpu.memref_slice %arg5[%dma_start3A_957, %dma_start3A_958] : memref<26x128xi32, #tpu.memory_space<vmem>> -> memref<1x128xi32, #tpu.memory_space<vmem>>
    %dma_start3A_960 = tpu.memref_squeeze %dma_start3A_959 : memref<1x128xi32, #tpu.memory_space<vmem>> -> memref<128xi32, #tpu.memory_space<vmem>>
    %dma_start3A_961 = arith.constant 0 : i32
    %dma_start3A_962 = arith.constant 0 : i32
    %dma_start3A_963 = tpu.memref_slice %arg2[%add3A_944, %dma_start3A_961, %dma_start3A_962] : memref<4x10240x224xbf16, #tpu.memory_space<hbm>> -> memref<1x10240x224xbf16, #tpu.memory_space<hbm>>
    %dma_start3A_964 = tpu.memref_squeeze %dma_start3A_963 : memref<1x10240x224xbf16, #tpu.memory_space<hbm>> -> memref<10240x224xbf16, #tpu.memory_space<hbm>>
    %dma_start3A_965 = arith.constant 0 : i32
    %dma_start3A_966 = arith.constant 0 : i32
    %dma_start3A_967 = tpu.memref_slice %dma_start3A_964[%dma_start3A_965, %dma_start3A_966] : memref<10240x224xbf16, #tpu.memory_space<hbm>> -> memref<10240x224xbf16, #tpu.memory_space<hbm>>
    tpu.enqueue_indirect_dma source(%dma_start3A_967 : memref<10240x224xbf16, #tpu.memory_space<hbm>>) target(%arg8 : memref<128x224xbf16, #tpu.memory_space<vmem>>) offsets(%dma_start3A_960 : memref<128xi32, #tpu.memory_space<vmem>>) semaphore(%arg12 : memref<!tpu.dma_semaphore, #tpu.memory_space<semaphore_mem>>)
    %dma_start3A_968 = arith.constant 2 : i32
    %dma_start3A_969 = arith.constant 0 : i32
    %dma_start3A_970 = tpu.memref_slice %arg5[%dma_start3A_968, %dma_start3A_969] : memref<26x128xi32, #tpu.memory_space<vmem>> -> memref<1x128xi32, #tpu.memory_space<vmem>>
    %dma_start3A_971 = tpu.memref_squeeze %dma_start3A_970 : memref<1x128xi32, #tpu.memory_space<vmem>> -> memref<128xi32, #tpu.memory_space<vmem>>
    %dma_start3A_972 = arith.constant 0 : i32
    %dma_start3A_973 = arith.constant 0 : i32
    %dma_start3A_974 = tpu.memref_slice %arg2[%add3A_944, %dma_start3A_972, %dma_start3A_973] : memref<4x10240x224xbf16, #tpu.memory_space<hbm>> -> memref<1x10240x224xbf16, #tpu.memory_space<hbm>>
    %dma_start3A_975 = tpu.memref_squeeze %dma_start3A_974 : memref<1x10240x224xbf16, #tpu.memory_space<hbm>> -> memref<10240x224xbf16, #tpu.memory_space<hbm>>
    %dma_start3A_976 = arith.constant 0 : i32
    %dma_start3A_977 = arith.constant 0 : i32
    %dma_start3A_978 = tpu.memref_slice %dma_start3A_975[%dma_start3A_976, %dma_start3A_977] : memref<10240x224xbf16, #tpu.memory_space<hbm>> -> memref<10240x224xbf16, #tpu.memory_space<hbm>>
    tpu.enqueue_indirect_dma source(%dma_start3A_978 : memref<10240x224xbf16, #tpu.memory_space<hbm>>) target(%arg9 : memref<128x224xbf16, #tpu.memory_space<vmem>>) offsets(%dma_start3A_971 : memref<128xi32, #tpu.memory_space<vmem>>) semaphore(%arg13 : memref<!tpu.dma_semaphore, #tpu.memory_space<semaphore_mem>>)
    %dma_wait3A_979 = arith.constant 0 : i32
    %dma_wait3A_980 = arith.constant 0 : i32
    %dma_wait3A_981 = tpu.memref_slice %arg5[%dma_wait3A_979, %dma_wait3A_980] : memref<26x128xi32, #tpu.memory_space<vmem>> -> memref<1x128xi32, #tpu.memory_space<vmem>>
    %dma_wait3A_982 = tpu.memref_squeeze %dma_wait3A_981 : memref<1x128xi32, #tpu.memory_space<vmem>> -> memref<128xi32, #tpu.memory_space<vmem>>
    %dma_wait3A_983 = arith.constant 0 : i32
    %dma_wait3A_984 = arith.constant 0 : i32
    %dma_wait3A_985 = tpu.memref_slice %arg2[%add3A_944, %dma_wait3A_983, %dma_wait3A_984] : memref<4x10240x224xbf16, #tpu.memory_space<hbm>> -> memref<1x10240x224xbf16, #tpu.memory_space<hbm>>
    %dma_wait3A_986 = tpu.memref_squeeze %dma_wait3A_985 : memref<1x10240x224xbf16, #tpu.memory_space<hbm>> -> memref<10240x224xbf16, #tpu.memory_space<hbm>>
    %dma_wait3A_987 = arith.constant 0 : i32
    %dma_wait3A_988 = arith.constant 0 : i32
    %dma_wait3A_989 = tpu.memref_slice %dma_wait3A_986[%dma_wait3A_987, %dma_wait3A_988] : memref<10240x224xbf16, #tpu.memory_space<hbm>> -> memref<10240x224xbf16, #tpu.memory_space<hbm>>
    tpu.wait_indirect_dma semaphore(%arg11 : memref<!tpu.dma_semaphore, #tpu.memory_space<semaphore_mem>>) src(%dma_wait3A_989 : memref<10240x224xbf16, #tpu.memory_space<hbm>>) dst(%arg7 : memref<128x224xbf16, #tpu.memory_space<vmem>>)
    %dma_start3A_990 = arith.constant 0 : i32
    %dma_start3A_991 = arith.constant 0 : i32
    %dma_start3A_992 = tpu.memref_slice %arg6[%dma_start3A_990, %dma_start3A_991] : memref<26x128xi32, #tpu.memory_space<vmem>> -> memref<1x128xi32, #tpu.memory_space<vmem>>
    %dma_start3A_993 = tpu.memref_squeeze %dma_start3A_992 : memref<1x128xi32, #tpu.memory_space<vmem>> -> memref<128xi32, #tpu.memory_space<vmem>>
    %dma_start3A_994 = arith.constant 0 : i32
    %dma_start3A_995 = arith.constant 0 : i32
    %dma_start3A_996 = tpu.memref_slice %arg10[%dma_start3A_994, %dma_start3A_995] : memref<10240x224xbf16, #tpu.memory_space<vmem_shared>> -> memref<10240x224xbf16, #tpu.memory_space<vmem_shared>>
    tpu.enqueue_indirect_dma source(%arg7 : memref<128x224xbf16, #tpu.memory_space<vmem>>) target(%dma_start3A_996 : memref<10240x224xbf16, #tpu.memory_space<vmem_shared>>) offsets(%dma_start3A_993 : memref<128xi32, #tpu.memory_space<vmem>>) semaphore(%arg14 : memref<!tpu.dma_semaphore, #tpu.memory_space<semaphore_mem>>) {add = true}
    %dma_wait3A_997 = arith.constant 0 : i32
    %dma_wait3A_998 = arith.constant 0 : i32
    %dma_wait3A_999 = tpu.memref_slice %arg6[%dma_wait3A_997, %dma_wait3A_998] : memref<26x128xi32, #tpu.memory_space<vmem>> -> memref<1x128xi32, #tpu.memory_space<vmem>>
    %dma_wait3A_1000 = tpu.memref_squeeze %dma_wait3A_999 : memref<1x128xi32, #tpu.memory_space<vmem>> -> memref<128xi32, #tpu.memory_space<vmem>>
    %dma_wait3A_1001 = arith.constant 0 : i32
    %dma_wait3A_1002 = arith.constant 0 : i32
    %dma_wait3A_1003 = tpu.memref_slice %arg10[%dma_wait3A_1001, %dma_wait3A_1002] : memref<10240x224xbf16, #tpu.memory_space<vmem_shared>> -> memref<10240x224xbf16, #tpu.memory_space<vmem_shared>>
    tpu.wait_indirect_dma semaphore(%arg14 : memref<!tpu.dma_semaphore, #tpu.memory_space<semaphore_mem>>) src(%arg7 : memref<128x224xbf16, #tpu.memory_space<vmem>>) dst(%dma_wait3A_1003 : memref<10240x224xbf16, #tpu.memory_space<vmem_shared>>)
    %dma_start3A_1004 = arith.constant 3 : i32
    %dma_start3A_1005 = arith.constant 0 : i32
    %dma_start3A_1006 = tpu.memref_slice %arg5[%dma_start3A_1004, %dma_start3A_1005] : memref<26x128xi32, #tpu.memory_space<vmem>> -> memref<1x128xi32, #tpu.memory_space<vmem>>
    %dma_start3A_1007 = tpu.memref_squeeze %dma_start3A_1006 : memref<1x128xi32, #tpu.memory_space<vmem>> -> memref<128xi32, #tpu.memory_space<vmem>>
    %dma_start3A_1008 = arith.constant 0 : i32
    %dma_start3A_1009 = arith.constant 0 : i32
    %dma_start3A_1010 = tpu.memref_slice %arg2[%add3A_944, %dma_start3A_1008, %dma_start3A_1009] : memref<4x10240x224xbf16, #tpu.memory_space<hbm>> -> memref<1x10240x224xbf16, #tpu.memory_space<hbm>>
    %dma_start3A_1011 = tpu.memref_squeeze %dma_start3A_1010 : memref<1x10240x224xbf16, #tpu.memory_space<hbm>> -> memref<10240x224xbf16, #tpu.memory_space<hbm>>
    %dma_start3A_1012 = arith.constant 0 : i32
    %dma_start3A_1013 = arith.constant 0 : i32
    %dma_start3A_1014 = tpu.memref_slice %dma_start3A_1011[%dma_start3A_1012, %dma_start3A_1013] : memref<10240x224xbf16, #tpu.memory_space<hbm>> -> memref<10240x224xbf16, #tpu.memory_space<hbm>>
    tpu.enqueue_indirect_dma source(%dma_start3A_1014 : memref<10240x224xbf16, #tpu.memory_space<hbm>>) target(%arg7 : memref<128x224xbf16, #tpu.memory_space<vmem>>) offsets(%dma_start3A_1007 : memref<128xi32, #tpu.memory_space<vmem>>) semaphore(%arg11 : memref<!tpu.dma_semaphore, #tpu.memory_space<semaphore_mem>>)
    %dma_wait3A_1015 = arith.constant 1 : i32
    %dma_wait3A_1016 = arith.constant 0 : i32
    %dma_wait3A_1017 = tpu.memref_slice %arg5[%dma_wait3A_1015, %dma_wait3A_1016] : memref<26x128xi32, #tpu.memory_space<vmem>> -> memref<1x128xi32, #tpu.memory_space<vmem>>
    %dma_wait3A_1018 = tpu.memref_squeeze %dma_wait3A_1017 : memref<1x128xi32, #tpu.memory_space<vmem>> -> memref<128xi32, #tpu.memory_space<vmem>>
    %dma_wait3A_1019 = arith.constant 0 : i32
    %dma_wait3A_1020 = arith.constant 0 : i32
    %dma_wait3A_1021 = tpu.memref_slice %arg2[%add3A_944, %dma_wait3A_1019, %dma_wait3A_1020] : memref<4x10240x224xbf16, #tpu.memory_space<hbm>> -> memref<1x10240x224xbf16, #tpu.memory_space<hbm>>
    %dma_wait3A_1022 = tpu.memref_squeeze %dma_wait3A_1021 : memref<1x10240x224xbf16, #tpu.memory_space<hbm>> -> memref<10240x224xbf16, #tpu.memory_space<hbm>>
    %dma_wait3A_1023 = arith.constant 0 : i32
    %dma_wait3A_1024 = arith.constant 0 : i32
    %dma_wait3A_1025 = tpu.memref_slice %dma_wait3A_1022[%dma_wait3A_1023, %dma_wait3A_1024] : memref<10240x224xbf16, #tpu.memory_space<hbm>> -> memref<10240x224xbf16, #tpu.memory_space<hbm>>
    tpu.wait_indirect_dma semaphore(%arg12 : memref<!tpu.dma_semaphore, #tpu.memory_space<semaphore_mem>>) src(%dma_wait3A_1025 : memref<10240x224xbf16, #tpu.memory_space<hbm>>) dst(%arg8 : memref<128x224xbf16, #tpu.memory_space<vmem>>)
    %dma_start3A_1026 = arith.constant 1 : i32
    %dma_start3A_1027 = arith.constant 0 : i32
    %dma_start3A_1028 = tpu.memref_slice %arg6[%dma_start3A_1026, %dma_start3A_1027] : memref<26x128xi32, #tpu.memory_space<vmem>> -> memref<1x128xi32, #tpu.memory_space<vmem>>
    %dma_start3A_1029 = tpu.memref_squeeze %dma_start3A_1028 : memref<1x128xi32, #tpu.memory_space<vmem>> -> memref<128xi32, #tpu.memory_space<vmem>>
    %dma_start3A_1030 = arith.constant 0 : i32
    %dma_start3A_1031 = arith.constant 0 : i32
    %dma_start3A_1032 = tpu.memref_slice %arg10[%dma_start3A_1030, %dma_start3A_1031] : memref<10240x224xbf16, #tpu.memory_space<vmem_shared>> -> memref<10240x224xbf16, #tpu.memory_space<vmem_shared>>
    tpu.enqueue_indirect_dma source(%arg8 : memref<128x224xbf16, #tpu.memory_space<vmem>>) target(%dma_start3A_1032 : memref<10240x224xbf16, #tpu.memory_space<vmem_shared>>) offsets(%dma_start3A_1029 : memref<128xi32, #tpu.memory_space<vmem>>) semaphore(%arg15 : memref<!tpu.dma_semaphore, #tpu.memory_space<semaphore_mem>>) {add = true}
    %dma_wait3A_1033 = arith.constant 1 : i32
    %dma_wait3A_1034 = arith.constant 0 : i32
    %dma_wait3A_1035 = tpu.memref_slice %arg6[%dma_wait3A_1033, %dma_wait3A_1034] : memref<26x128xi32, #tpu.memory_space<vmem>> -> memref<1x128xi32, #tpu.memory_space<vmem>>
    %dma_wait3A_1036 = tpu.memref_squeeze %dma_wait3A_1035 : memref<1x128xi32, #tpu.memory_space<vmem>> -> memref<128xi32, #tpu.memory_space<vmem>>
    %dma_wait3A_1037 = arith.constant 0 : i32
    %dma_wait3A_1038 = arith.constant 0 : i32
    %dma_wait3A_1039 = tpu.memref_slice %arg10[%dma_wait3A_1037, %dma_wait3A_1038] : memref<10240x224xbf16, #tpu.memory_space<vmem_shared>> -> memref<10240x224xbf16, #tpu.memory_space<vmem_shared>>
    tpu.wait_indirect_dma semaphore(%arg15 : memref<!tpu.dma_semaphore, #tpu.memory_space<semaphore_mem>>) src(%arg8 : memref<128x224xbf16, #tpu.memory_space<vmem>>) dst(%dma_wait3A_1039 : memref<10240x224xbf16, #tpu.memory_space<vmem_shared>>)
    %dma_start3A_1040 = arith.constant 4 : i32
    %dma_start3A_1041 = arith.constant 0 : i32
    %dma_start3A_1042 = tpu.memref_slice %arg5[%dma_start3A_1040, %dma_start3A_1041] : memref<26x128xi32, #tpu.memory_space<vmem>> -> memref<1x128xi32, #tpu.memory_space<vmem>>
    %dma_start3A_1043 = tpu.memref_squeeze %dma_start3A_1042 : memref<1x128xi32, #tpu.memory_space<vmem>> -> memref<128xi32, #tpu.memory_space<vmem>>
    %dma_start3A_1044 = arith.constant 0 : i32
    %dma_start3A_1045 = arith.constant 0 : i32
    %dma_start3A_1046 = tpu.memref_slice %arg2[%add3A_944, %dma_start3A_1044, %dma_start3A_1045] : memref<4x10240x224xbf16, #tpu.memory_space<hbm>> -> memref<1x10240x224xbf16, #tpu.memory_space<hbm>>
    %dma_start3A_1047 = tpu.memref_squeeze %dma_start3A_1046 : memref<1x10240x224xbf16, #tpu.memory_space<hbm>> -> memref<10240x224xbf16, #tpu.memory_space<hbm>>
    %dma_start3A_1048 = arith.constant 0 : i32
    %dma_start3A_1049 = arith.constant 0 : i32
    %dma_start3A_1050 = tpu.memref_slice %dma_start3A_1047[%dma_start3A_1048, %dma_start3A_1049] : memref<10240x224xbf16, #tpu.memory_space<hbm>> -> memref<10240x224xbf16, #tpu.memory_space<hbm>>
    tpu.enqueue_indirect_dma source(%dma_start3A_1050 : memref<10240x224xbf16, #tpu.memory_space<hbm>>) target(%arg8 : memref<128x224xbf16, #tpu.memory_space<vmem>>) offsets(%dma_start3A_1043 : memref<128xi32, #tpu.memory_space<vmem>>) semaphore(%arg12 : memref<!tpu.dma_semaphore, #tpu.memory_space<semaphore_mem>>)
    %dma_wait3A_1051 = arith.constant 2 : i32
    %dma_wait3A_1052 = arith.constant 0 : i32
    %dma_wait3A_1053 = tpu.memref_slice %arg5[%dma_wait3A_1051, %dma_wait3A_1052] : memref<26x128xi32, #tpu.memory_space<vmem>> -> memref<1x128xi32, #tpu.memory_space<vmem>>
    %dma_wait3A_1054 = tpu.memref_squeeze %dma_wait3A_1053 : memref<1x128xi32, #tpu.memory_space<vmem>> -> memref<128xi32, #tpu.memory_space<vmem>>
    %dma_wait3A_1055 = arith.constant 0 : i32
    %dma_wait3A_1056 = arith.constant 0 : i32
    %dma_wait3A_1057 = tpu.memref_slice %arg2[%add3A_944, %dma_wait3A_1055, %dma_wait3A_1056] : memref<4x10240x224xbf16, #tpu.memory_space<hbm>> -> memref<1x10240x224xbf16, #tpu.memory_space<hbm>>
    %dma_wait3A_1058 = tpu.memref_squeeze %dma_wait3A_1057 : memref<1x10240x224xbf16, #tpu.memory_space<hbm>> -> memref<10240x224xbf16, #tpu.memory_space<hbm>>
    %dma_wait3A_1059 = arith.constant 0 : i32
    %dma_wait3A_1060 = arith.constant 0 : i32
    %dma_wait3A_1061 = tpu.memref_slice %dma_wait3A_1058[%dma_wait3A_1059, %dma_wait3A_1060] : memref<10240x224xbf16, #tpu.memory_space<hbm>> -> memref<10240x224xbf16, #tpu.memory_space<hbm>>
    tpu.wait_indirect_dma semaphore(%arg13 : memref<!tpu.dma_semaphore, #tpu.memory_space<semaphore_mem>>) src(%dma_wait3A_1061 : memref<10240x224xbf16, #tpu.memory_space<hbm>>) dst(%arg9 : memref<128x224xbf16, #tpu.memory_space<vmem>>)
    %dma_start3A_1062 = arith.constant 2 : i32
    %dma_start3A_1063 = arith.constant 0 : i32
    %dma_start3A_1064 = tpu.memref_slice %arg6[%dma_start3A_1062, %dma_start3A_1063] : memref<26x128xi32, #tpu.memory_space<vmem>> -> memref<1x128xi32, #tpu.memory_space<vmem>>
    %dma_start3A_1065 = tpu.memref_squeeze %dma_start3A_1064 : memref<1x128xi32, #tpu.memory_space<vmem>> -> memref<128xi32, #tpu.memory_space<vmem>>
    %dma_start3A_1066 = arith.constant 0 : i32
    %dma_start3A_1067 = arith.constant 0 : i32
    %dma_start3A_1068 = tpu.memref_slice %arg10[%dma_start3A_1066, %dma_start3A_1067] : memref<10240x224xbf16, #tpu.memory_space<vmem_shared>> -> memref<10240x224xbf16, #tpu.memory_space<vmem_shared>>
    tpu.enqueue_indirect_dma source(%arg9 : memref<128x224xbf16, #tpu.memory_space<vmem>>) target(%dma_start3A_1068 : memref<10240x224xbf16, #tpu.memory_space<vmem_shared>>) offsets(%dma_start3A_1065 : memref<128xi32, #tpu.memory_space<vmem>>) semaphore(%arg16 : memref<!tpu.dma_semaphore, #tpu.memory_space<semaphore_mem>>) {add = true}
    %dma_wait3A_1069 = arith.constant 2 : i32
    %dma_wait3A_1070 = arith.constant 0 : i32
    %dma_wait3A_1071 = tpu.memref_slice %arg6[%dma_wait3A_1069, %dma_wait3A_1070] : memref<26x128xi32, #tpu.memory_space<vmem>> -> memref<1x128xi32, #tpu.memory_space<vmem>>
    %dma_wait3A_1072 = tpu.memref_squeeze %dma_wait3A_1071 : memref<1x128xi32, #tpu.memory_space<vmem>> -> memref<128xi32, #tpu.memory_space<vmem>>
    %dma_wait3A_1073 = arith.constant 0 : i32
    %dma_wait3A_1074 = arith.constant 0 : i32
    %dma_wait3A_1075 = tpu.memref_slice %arg10[%dma_wait3A_1073, %dma_wait3A_1074] : memref<10240x224xbf16, #tpu.memory_space<vmem_shared>> -> memref<10240x224xbf16, #tpu.memory_space<vmem_shared>>
    tpu.wait_indirect_dma semaphore(%arg16 : memref<!tpu.dma_semaphore, #tpu.memory_space<semaphore_mem>>) src(%arg9 : memref<128x224xbf16, #tpu.memory_space<vmem>>) dst(%dma_wait3A_1075 : memref<10240x224xbf16, #tpu.memory_space<vmem_shared>>)
    %dma_start3A_1076 = arith.constant 5 : i32
    %dma_start3A_1077 = arith.constant 0 : i32
    %dma_start3A_1078 = tpu.memref_slice %arg5[%dma_start3A_1076, %dma_start3A_1077] : memref<26x128xi32, #tpu.memory_space<vmem>> -> memref<1x128xi32, #tpu.memory_space<vmem>>
    %dma_start3A_1079 = tpu.memref_squeeze %dma_start3A_1078 : memref<1x128xi32, #tpu.memory_space<vmem>> -> memref<128xi32, #tpu.memory_space<vmem>>
    %dma_start3A_1080 = arith.constant 0 : i32
    %dma_start3A_1081 = arith.constant 0 : i32
    %dma_start3A_1082 = tpu.memref_slice %arg2[%add3A_944, %dma_start3A_1080, %dma_start3A_1081] : memref<4x10240x224xbf16, #tpu.memory_space<hbm>> -> memref<1x10240x224xbf16, #tpu.memory_space<hbm>>
    %dma_start3A_1083 = tpu.memref_squeeze %dma_start3A_1082 : memref<1x10240x224xbf16, #tpu.memory_space<hbm>> -> memref<10240x224xbf16, #tpu.memory_space<hbm>>
    %dma_start3A_1084 = arith.constant 0 : i32
    %dma_start3A_1085 = arith.constant 0 : i32
    %dma_start3A_1086 = tpu.memref_slice %dma_start3A_1083[%dma_start3A_1084, %dma_start3A_1085] : memref<10240x224xbf16, #tpu.memory_space<hbm>> -> memref<10240x224xbf16, #tpu.memory_space<hbm>>
    tpu.enqueue_indirect_dma source(%dma_start3A_1086 : memref<10240x224xbf16, #tpu.memory_space<hbm>>) target(%arg9 : memref<128x224xbf16, #tpu.memory_space<vmem>>) offsets(%dma_start3A_1079 : memref<128xi32, #tpu.memory_space<vmem>>) semaphore(%arg13 : memref<!tpu.dma_semaphore, #tpu.memory_space<semaphore_mem>>)
    %dma_wait3A_1087 = arith.constant 3 : i32
    %dma_wait3A_1088 = arith.constant 0 : i32
    %dma_wait3A_1089 = tpu.memref_slice %arg5[%dma_wait3A_1087, %dma_wait3A_1088] : memref<26x128xi32, #tpu.memory_space<vmem>> -> memref<1x128xi32, #tpu.memory_space<vmem>>
    %dma_wait3A_1090 = tpu.memref_squeeze %dma_wait3A_1089 : memref<1x128xi32, #tpu.memory_space<vmem>> -> memref<128xi32, #tpu.memory_space<vmem>>
    %dma_wait3A_1091 = arith.constant 0 : i32
    %dma_wait3A_1092 = arith.constant 0 : i32
    %dma_wait3A_1093 = tpu.memref_slice %arg2[%add3A_944, %dma_wait3A_1091, %dma_wait3A_1092] : memref<4x10240x224xbf16, #tpu.memory_space<hbm>> -> memref<1x10240x224xbf16, #tpu.memory_space<hbm>>
    %dma_wait3A_1094 = tpu.memref_squeeze %dma_wait3A_1093 : memref<1x10240x224xbf16, #tpu.memory_space<hbm>> -> memref<10240x224xbf16, #tpu.memory_space<hbm>>
    %dma_wait3A_1095 = arith.constant 0 : i32
    %dma_wait3A_1096 = arith.constant 0 : i32
    %dma_wait3A_1097 = tpu.memref_slice %dma_wait3A_1094[%dma_wait3A_1095, %dma_wait3A_1096] : memref<10240x224xbf16, #tpu.memory_space<hbm>> -> memref<10240x224xbf16, #tpu.memory_space<hbm>>
    tpu.wait_indirect_dma semaphore(%arg11 : memref<!tpu.dma_semaphore, #tpu.memory_space<semaphore_mem>>) src(%dma_wait3A_1097 : memref<10240x224xbf16, #tpu.memory_space<hbm>>) dst(%arg7 : memref<128x224xbf16, #tpu.memory_space<vmem>>)
    %dma_start3A_1098 = arith.constant 3 : i32
    %dma_start3A_1099 = arith.constant 0 : i32
    %dma_start3A_1100 = tpu.memref_slice %arg6[%dma_start3A_1098, %dma_start3A_1099] : memref<26x128xi32, #tpu.memory_space<vmem>> -> memref<1x128xi32, #tpu.memory_space<vmem>>
    %dma_start3A_1101 = tpu.memref_squeeze %dma_start3A_1100 : memref<1x128xi32, #tpu.memory_space<vmem>> -> memref<128xi32, #tpu.memory_space<vmem>>
    %dma_start3A_1102 = arith.constant 0 : i32
    %dma_start3A_1103 = arith.constant 0 : i32
    %dma_start3A_1104 = tpu.memref_slice %arg10[%dma_start3A_1102, %dma_start3A_1103] : memref<10240x224xbf16, #tpu.memory_space<vmem_shared>> -> memref<10240x224xbf16, #tpu.memory_space<vmem_shared>>
    tpu.enqueue_indirect_dma source(%arg7 : memref<128x224xbf16, #tpu.memory_space<vmem>>) target(%dma_start3A_1104 : memref<10240x224xbf16, #tpu.memory_space<vmem_shared>>) offsets(%dma_start3A_1101 : memref<128xi32, #tpu.memory_space<vmem>>) semaphore(%arg14 : memref<!tpu.dma_semaphore, #tpu.memory_space<semaphore_mem>>) {add = true}
    %dma_wait3A_1105 = arith.constant 3 : i32
    %dma_wait3A_1106 = arith.constant 0 : i32
    %dma_wait3A_1107 = tpu.memref_slice %arg6[%dma_wait3A_1105, %dma_wait3A_1106] : memref<26x128xi32, #tpu.memory_space<vmem>> -> memref<1x128xi32, #tpu.memory_space<vmem>>
    %dma_wait3A_1108 = tpu.memref_squeeze %dma_wait3A_1107 : memref<1x128xi32, #tpu.memory_space<vmem>> -> memref<128xi32, #tpu.memory_space<vmem>>
    %dma_wait3A_1109 = arith.constant 0 : i32
    %dma_wait3A_1110 = arith.constant 0 : i32
    %dma_wait3A_1111 = tpu.memref_slice %arg10[%dma_wait3A_1109, %dma_wait3A_1110] : memref<10240x224xbf16, #tpu.memory_space<vmem_shared>> -> memref<10240x224xbf16, #tpu.memory_space<vmem_shared>>
    tpu.wait_indirect_dma semaphore(%arg14 : memref<!tpu.dma_semaphore, #tpu.memory_space<semaphore_mem>>) src(%arg7 : memref<128x224xbf16, #tpu.memory_space<vmem>>) dst(%dma_wait3A_1111 : memref<10240x224xbf16, #tpu.memory_space<vmem_shared>>)
    %dma_start3A_1112 = arith.constant 6 : i32
    %dma_start3A_1113 = arith.constant 0 : i32
    %dma_start3A_1114 = tpu.memref_slice %arg5[%dma_start3A_1112, %dma_start3A_1113] : memref<26x128xi32, #tpu.memory_space<vmem>> -> memref<1x128xi32, #tpu.memory_space<vmem>>
    %dma_start3A_1115 = tpu.memref_squeeze %dma_start3A_1114 : memref<1x128xi32, #tpu.memory_space<vmem>> -> memref<128xi32, #tpu.memory_space<vmem>>
    %dma_start3A_1116 = arith.constant 0 : i32
    %dma_start3A_1117 = arith.constant 0 : i32
    %dma_start3A_1118 = tpu.memref_slice %arg2[%add3A_944, %dma_start3A_1116, %dma_start3A_1117] : memref<4x10240x224xbf16, #tpu.memory_space<hbm>> -> memref<1x10240x224xbf16, #tpu.memory_space<hbm>>
    %dma_start3A_1119 = tpu.memref_squeeze %dma_start3A_1118 : memref<1x10240x224xbf16, #tpu.memory_space<hbm>> -> memref<10240x224xbf16, #tpu.memory_space<hbm>>
    %dma_start3A_1120 = arith.constant 0 : i32
    %dma_start3A_1121 = arith.constant 0 : i32
    %dma_start3A_1122 = tpu.memref_slice %dma_start3A_1119[%dma_start3A_1120, %dma_start3A_1121] : memref<10240x224xbf16, #tpu.memory_space<hbm>> -> memref<10240x224xbf16, #tpu.memory_space<hbm>>
    tpu.enqueue_indirect_dma source(%dma_start3A_1122 : memref<10240x224xbf16, #tpu.memory_space<hbm>>) target(%arg7 : memref<128x224xbf16, #tpu.memory_space<vmem>>) offsets(%dma_start3A_1115 : memref<128xi32, #tpu.memory_space<vmem>>) semaphore(%arg11 : memref<!tpu.dma_semaphore, #tpu.memory_space<semaphore_mem>>)
    %dma_wait3A_1123 = arith.constant 4 : i32
    %dma_wait3A_1124 = arith.constant 0 : i32
    %dma_wait3A_1125 = tpu.memref_slice %arg5[%dma_wait3A_1123, %dma_wait3A_1124] : memref<26x128xi32, #tpu.memory_space<vmem>> -> memref<1x128xi32, #tpu.memory_space<vmem>>
    %dma_wait3A_1126 = tpu.memref_squeeze %dma_wait3A_1125 : memref<1x128xi32, #tpu.memory_space<vmem>> -> memref<128xi32, #tpu.memory_space<vmem>>
    %dma_wait3A_1127 = arith.constant 0 : i32
    %dma_wait3A_1128 = arith.constant 0 : i32
    %dma_wait3A_1129 = tpu.memref_slice %arg2[%add3A_944, %dma_wait3A_1127, %dma_wait3A_1128] : memref<4x10240x224xbf16, #tpu.memory_space<hbm>> -> memref<1x10240x224xbf16, #tpu.memory_space<hbm>>
    %dma_wait3A_1130 = tpu.memref_squeeze %dma_wait3A_1129 : memref<1x10240x224xbf16, #tpu.memory_space<hbm>> -> memref<10240x224xbf16, #tpu.memory_space<hbm>>
    %dma_wait3A_1131 = arith.constant 0 : i32
    %dma_wait3A_1132 = arith.constant 0 : i32
    %dma_wait3A_1133 = tpu.memref_slice %dma_wait3A_1130[%dma_wait3A_1131, %dma_wait3A_1132] : memref<10240x224xbf16, #tpu.memory_space<hbm>> -> memref<10240x224xbf16, #tpu.memory_space<hbm>>
    tpu.wait_indirect_dma semaphore(%arg12 : memref<!tpu.dma_semaphore, #tpu.memory_space<semaphore_mem>>) src(%dma_wait3A_1133 : memref<10240x224xbf16, #tpu.memory_space<hbm>>) dst(%arg8 : memref<128x224xbf16, #tpu.memory_space<vmem>>)
    %dma_start3A_1134 = arith.constant 4 : i32
    %dma_start3A_1135 = arith.constant 0 : i32
    %dma_start3A_1136 = tpu.memref_slice %arg6[%dma_start3A_1134, %dma_start3A_1135] : memref<26x128xi32, #tpu.memory_space<vmem>> -> memref<1x128xi32, #tpu.memory_space<vmem>>
    %dma_start3A_1137 = tpu.memref_squeeze %dma_start3A_1136 : memref<1x128xi32, #tpu.memory_space<vmem>> -> memref<128xi32, #tpu.memory_space<vmem>>
    %dma_start3A_1138 = arith.constant 0 : i32
    %dma_start3A_1139 = arith.constant 0 : i32
    %dma_start3A_1140 = tpu.memref_slice %arg10[%dma_start3A_1138, %dma_start3A_1139] : memref<10240x224xbf16, #tpu.memory_space<vmem_shared>> -> memref<10240x224xbf16, #tpu.memory_space<vmem_shared>>
    tpu.enqueue_indirect_dma source(%arg8 : memref<128x224xbf16, #tpu.memory_space<vmem>>) target(%dma_start3A_1140 : memref<10240x224xbf16, #tpu.memory_space<vmem_shared>>) offsets(%dma_start3A_1137 : memref<128xi32, #tpu.memory_space<vmem>>) semaphore(%arg15 : memref<!tpu.dma_semaphore, #tpu.memory_space<semaphore_mem>>) {add = true}
    %dma_wait3A_1141 = arith.constant 4 : i32
    %dma_wait3A_1142 = arith.constant 0 : i32
    %dma_wait3A_1143 = tpu.memref_slice %arg6[%dma_wait3A_1141, %dma_wait3A_1142] : memref<26x128xi32, #tpu.memory_space<vmem>> -> memref<1x128xi32, #tpu.memory_space<vmem>>
    %dma_wait3A_1144 = tpu.memref_squeeze %dma_wait3A_1143 : memref<1x128xi32, #tpu.memory_space<vmem>> -> memref<128xi32, #tpu.memory_space<vmem>>
    %dma_wait3A_1145 = arith.constant 0 : i32
    %dma_wait3A_1146 = arith.constant 0 : i32
    %dma_wait3A_1147 = tpu.memref_slice %arg10[%dma_wait3A_1145, %dma_wait3A_1146] : memref<10240x224xbf16, #tpu.memory_space<vmem_shared>> -> memref<10240x224xbf16, #tpu.memory_space<vmem_shared>>
    tpu.wait_indirect_dma semaphore(%arg15 : memref<!tpu.dma_semaphore, #tpu.memory_space<semaphore_mem>>) src(%arg8 : memref<128x224xbf16, #tpu.memory_space<vmem>>) dst(%dma_wait3A_1147 : memref<10240x224xbf16, #tpu.memory_space<vmem_shared>>)
    %dma_start3A_1148 = arith.constant 7 : i32
    %dma_start3A_1149 = arith.constant 0 : i32
    %dma_start3A_1150 = tpu.memref_slice %arg5[%dma_start3A_1148, %dma_start3A_1149] : memref<26x128xi32, #tpu.memory_space<vmem>> -> memref<1x128xi32, #tpu.memory_space<vmem>>
    %dma_start3A_1151 = tpu.memref_squeeze %dma_start3A_1150 : memref<1x128xi32, #tpu.memory_space<vmem>> -> memref<128xi32, #tpu.memory_space<vmem>>
    %dma_start3A_1152 = arith.constant 0 : i32
    %dma_start3A_1153 = arith.constant 0 : i32
    %dma_start3A_1154 = tpu.memref_slice %arg2[%add3A_944, %dma_start3A_1152, %dma_start3A_1153] : memref<4x10240x224xbf16, #tpu.memory_space<hbm>> -> memref<1x10240x224xbf16, #tpu.memory_space<hbm>>
    %dma_start3A_1155 = tpu.memref_squeeze %dma_start3A_1154 : memref<1x10240x224xbf16, #tpu.memory_space<hbm>> -> memref<10240x224xbf16, #tpu.memory_space<hbm>>
    %dma_start3A_1156 = arith.constant 0 : i32
    %dma_start3A_1157 = arith.constant 0 : i32
    %dma_start3A_1158 = tpu.memref_slice %dma_start3A_1155[%dma_start3A_1156, %dma_start3A_1157] : memref<10240x224xbf16, #tpu.memory_space<hbm>> -> memref<10240x224xbf16, #tpu.memory_space<hbm>>
    tpu.enqueue_indirect_dma source(%dma_start3A_1158 : memref<10240x224xbf16, #tpu.memory_space<hbm>>) target(%arg8 : memref<128x224xbf16, #tpu.memory_space<vmem>>) offsets(%dma_start3A_1151 : memref<128xi32, #tpu.memory_space<vmem>>) semaphore(%arg12 : memref<!tpu.dma_semaphore, #tpu.memory_space<semaphore_mem>>)
    %dma_wait3A_1159 = arith.constant 5 : i32
    %dma_wait3A_1160 = arith.constant 0 : i32
    %dma_wait3A_1161 = tpu.memref_slice %arg5[%dma_wait3A_1159, %dma_wait3A_1160] : memref<26x128xi32, #tpu.memory_space<vmem>> -> memref<1x128xi32, #tpu.memory_space<vmem>>
    %dma_wait3A_1162 = tpu.memref_squeeze %dma_wait3A_1161 : memref<1x128xi32, #tpu.memory_space<vmem>> -> memref<128xi32, #tpu.memory_space<vmem>>
    %dma_wait3A_1163 = arith.constant 0 : i32
    %dma_wait3A_1164 = arith.constant 0 : i32
    %dma_wait3A_1165 = tpu.memref_slice %arg2[%add3A_944, %dma_wait3A_1163, %dma_wait3A_1164] : memref<4x10240x224xbf16, #tpu.memory_space<hbm>> -> memref<1x10240x224xbf16, #tpu.memory_space<hbm>>
    %dma_wait3A_1166 = tpu.memref_squeeze %dma_wait3A_1165 : memref<1x10240x224xbf16, #tpu.memory_space<hbm>> -> memref<10240x224xbf16, #tpu.memory_space<hbm>>
    %dma_wait3A_1167 = arith.constant 0 : i32
    %dma_wait3A_1168 = arith.constant 0 : i32
    %dma_wait3A_1169 = tpu.memref_slice %dma_wait3A_1166[%dma_wait3A_1167, %dma_wait3A_1168] : memref<10240x224xbf16, #tpu.memory_space<hbm>> -> memref<10240x224xbf16, #tpu.memory_space<hbm>>
    tpu.wait_indirect_dma semaphore(%arg13 : memref<!tpu.dma_semaphore, #tpu.memory_space<semaphore_mem>>) src(%dma_wait3A_1169 : memref<10240x224xbf16, #tpu.memory_space<hbm>>) dst(%arg9 : memref<128x224xbf16, #tpu.memory_space<vmem>>)
    %dma_start3A_1170 = arith.constant 5 : i32
    %dma_start3A_1171 = arith.constant 0 : i32
    %dma_start3A_1172 = tpu.memref_slice %arg6[%dma_start3A_1170, %dma_start3A_1171] : memref<26x128xi32, #tpu.memory_space<vmem>> -> memref<1x128xi32, #tpu.memory_space<vmem>>
    %dma_start3A_1173 = tpu.memref_squeeze %dma_start3A_1172 : memref<1x128xi32, #tpu.memory_space<vmem>> -> memref<128xi32, #tpu.memory_space<vmem>>
    %dma_start3A_1174 = arith.constant 0 : i32
    %dma_start3A_1175 = arith.constant 0 : i32
    %dma_start3A_1176 = tpu.memref_slice %arg10[%dma_start3A_1174, %dma_start3A_1175] : memref<10240x224xbf16, #tpu.memory_space<vmem_shared>> -> memref<10240x224xbf16, #tpu.memory_space<vmem_shared>>
    tpu.enqueue_indirect_dma source(%arg9 : memref<128x224xbf16, #tpu.memory_space<vmem>>) target(%dma_start3A_1176 : memref<10240x224xbf16, #tpu.memory_space<vmem_shared>>) offsets(%dma_start3A_1173 : memref<128xi32, #tpu.memory_space<vmem>>) semaphore(%arg16 : memref<!tpu.dma_semaphore, #tpu.memory_space<semaphore_mem>>) {add = true}
    %dma_wait3A_1177 = arith.constant 5 : i32
    %dma_wait3A_1178 = arith.constant 0 : i32
    %dma_wait3A_1179 = tpu.memref_slice %arg6[%dma_wait3A_1177, %dma_wait3A_1178] : memref<26x128xi32, #tpu.memory_space<vmem>> -> memref<1x128xi32, #tpu.memory_space<vmem>>
    %dma_wait3A_1180 = tpu.memref_squeeze %dma_wait3A_1179 : memref<1x128xi32, #tpu.memory_space<vmem>> -> memref<128xi32, #tpu.memory_space<vmem>>
    %dma_wait3A_1181 = arith.constant 0 : i32
    %dma_wait3A_1182 = arith.constant 0 : i32
    %dma_wait3A_1183 = tpu.memref_slice %arg10[%dma_wait3A_1181, %dma_wait3A_1182] : memref<10240x224xbf16, #tpu.memory_space<vmem_shared>> -> memref<10240x224xbf16, #tpu.memory_space<vmem_shared>>
    tpu.wait_indirect_dma semaphore(%arg16 : memref<!tpu.dma_semaphore, #tpu.memory_space<semaphore_mem>>) src(%arg9 : memref<128x224xbf16, #tpu.memory_space<vmem>>) dst(%dma_wait3A_1183 : memref<10240x224xbf16, #tpu.memory_space<vmem_shared>>)
    %dma_start3A_1184 = arith.constant 8 : i32
    %dma_start3A_1185 = arith.constant 0 : i32
    %dma_start3A_1186 = tpu.memref_slice %arg5[%dma_start3A_1184, %dma_start3A_1185] : memref<26x128xi32, #tpu.memory_space<vmem>> -> memref<1x128xi32, #tpu.memory_space<vmem>>
    %dma_start3A_1187 = tpu.memref_squeeze %dma_start3A_1186 : memref<1x128xi32, #tpu.memory_space<vmem>> -> memref<128xi32, #tpu.memory_space<vmem>>
    %dma_start3A_1188 = arith.constant 0 : i32
    %dma_start3A_1189 = arith.constant 0 : i32
    %dma_start3A_1190 = tpu.memref_slice %arg2[%add3A_944, %dma_start3A_1188, %dma_start3A_1189] : memref<4x10240x224xbf16, #tpu.memory_space<hbm>> -> memref<1x10240x224xbf16, #tpu.memory_space<hbm>>
    %dma_start3A_1191 = tpu.memref_squeeze %dma_start3A_1190 : memref<1x10240x224xbf16, #tpu.memory_space<hbm>> -> memref<10240x224xbf16, #tpu.memory_space<hbm>>
    %dma_start3A_1192 = arith.constant 0 : i32
    %dma_start3A_1193 = arith.constant 0 : i32
    %dma_start3A_1194 = tpu.memref_slice %dma_start3A_1191[%dma_start3A_1192, %dma_start3A_1193] : memref<10240x224xbf16, #tpu.memory_space<hbm>> -> memref<10240x224xbf16, #tpu.memory_space<hbm>>
    tpu.enqueue_indirect_dma source(%dma_start3A_1194 : memref<10240x224xbf16, #tpu.memory_space<hbm>>) target(%arg9 : memref<128x224xbf16, #tpu.memory_space<vmem>>) offsets(%dma_start3A_1187 : memref<128xi32, #tpu.memory_space<vmem>>) semaphore(%arg13 : memref<!tpu.dma_semaphore, #tpu.memory_space<semaphore_mem>>)
    %dma_wait3A_1195 = arith.constant 6 : i32
    %dma_wait3A_1196 = arith.constant 0 : i32
    %dma_wait3A_1197 = tpu.memref_slice %arg5[%dma_wait3A_1195, %dma_wait3A_1196] : memref<26x128xi32, #tpu.memory_space<vmem>> -> memref<1x128xi32, #tpu.memory_space<vmem>>
    %dma_wait3A_1198 = tpu.memref_squeeze %dma_wait3A_1197 : memref<1x128xi32, #tpu.memory_space<vmem>> -> memref<128xi32, #tpu.memory_space<vmem>>
    %dma_wait3A_1199 = arith.constant 0 : i32
    %dma_wait3A_1200 = arith.constant 0 : i32
    %dma_wait3A_1201 = tpu.memref_slice %arg2[%add3A_944, %dma_wait3A_1199, %dma_wait3A_1200] : memref<4x10240x224xbf16, #tpu.memory_space<hbm>> -> memref<1x10240x224xbf16, #tpu.memory_space<hbm>>
    %dma_wait3A_1202 = tpu.memref_squeeze %dma_wait3A_1201 : memref<1x10240x224xbf16, #tpu.memory_space<hbm>> -> memref<10240x224xbf16, #tpu.memory_space<hbm>>
    %dma_wait3A_1203 = arith.constant 0 : i32
    %dma_wait3A_1204 = arith.constant 0 : i32
    %dma_wait3A_1205 = tpu.memref_slice %dma_wait3A_1202[%dma_wait3A_1203, %dma_wait3A_1204] : memref<10240x224xbf16, #tpu.memory_space<hbm>> -> memref<10240x224xbf16, #tpu.memory_space<hbm>>
    tpu.wait_indirect_dma semaphore(%arg11 : memref<!tpu.dma_semaphore, #tpu.memory_space<semaphore_mem>>) src(%dma_wait3A_1205 : memref<10240x224xbf16, #tpu.memory_space<hbm>>) dst(%arg7 : memref<128x224xbf16, #tpu.memory_space<vmem>>)
    %dma_start3A_1206 = arith.constant 6 : i32
    %dma_start3A_1207 = arith.constant 0 : i32
    %dma_start3A_1208 = tpu.memref_slice %arg6[%dma_start3A_1206, %dma_start3A_1207] : memref<26x128xi32, #tpu.memory_space<vmem>> -> memref<1x128xi32, #tpu.memory_space<vmem>>
    %dma_start3A_1209 = tpu.memref_squeeze %dma_start3A_1208 : memref<1x128xi32, #tpu.memory_space<vmem>> -> memref<128xi32, #tpu.memory_space<vmem>>
    %dma_start3A_1210 = arith.constant 0 : i32
    %dma_start3A_1211 = arith.constant 0 : i32
    %dma_start3A_1212 = tpu.memref_slice %arg10[%dma_start3A_1210, %dma_start3A_1211] : memref<10240x224xbf16, #tpu.memory_space<vmem_shared>> -> memref<10240x224xbf16, #tpu.memory_space<vmem_shared>>
    tpu.enqueue_indirect_dma source(%arg7 : memref<128x224xbf16, #tpu.memory_space<vmem>>) target(%dma_start3A_1212 : memref<10240x224xbf16, #tpu.memory_space<vmem_shared>>) offsets(%dma_start3A_1209 : memref<128xi32, #tpu.memory_space<vmem>>) semaphore(%arg14 : memref<!tpu.dma_semaphore, #tpu.memory_space<semaphore_mem>>) {add = true}
    %dma_wait3A_1213 = arith.constant 6 : i32
    %dma_wait3A_1214 = arith.constant 0 : i32
    %dma_wait3A_1215 = tpu.memref_slice %arg6[%dma_wait3A_1213, %dma_wait3A_1214] : memref<26x128xi32, #tpu.memory_space<vmem>> -> memref<1x128xi32, #tpu.memory_space<vmem>>
    %dma_wait3A_1216 = tpu.memref_squeeze %dma_wait3A_1215 : memref<1x128xi32, #tpu.memory_space<vmem>> -> memref<128xi32, #tpu.memory_space<vmem>>
    %dma_wait3A_1217 = arith.constant 0 : i32
    %dma_wait3A_1218 = arith.constant 0 : i32
    %dma_wait3A_1219 = tpu.memref_slice %arg10[%dma_wait3A_1217, %dma_wait3A_1218] : memref<10240x224xbf16, #tpu.memory_space<vmem_shared>> -> memref<10240x224xbf16, #tpu.memory_space<vmem_shared>>
    tpu.wait_indirect_dma semaphore(%arg14 : memref<!tpu.dma_semaphore, #tpu.memory_space<semaphore_mem>>) src(%arg7 : memref<128x224xbf16, #tpu.memory_space<vmem>>) dst(%dma_wait3A_1219 : memref<10240x224xbf16, #tpu.memory_space<vmem_shared>>)
    %dma_start3A_1220 = arith.constant 9 : i32
    %dma_start3A_1221 = arith.constant 0 : i32
    %dma_start3A_1222 = tpu.memref_slice %arg5[%dma_start3A_1220, %dma_start3A_1221] : memref<26x128xi32, #tpu.memory_space<vmem>> -> memref<1x128xi32, #tpu.memory_space<vmem>>
    %dma_start3A_1223 = tpu.memref_squeeze %dma_start3A_1222 : memref<1x128xi32, #tpu.memory_space<vmem>> -> memref<128xi32, #tpu.memory_space<vmem>>
    %dma_start3A_1224 = arith.constant 0 : i32
    %dma_start3A_1225 = arith.constant 0 : i32
    %dma_start3A_1226 = tpu.memref_slice %arg2[%add3A_944, %dma_start3A_1224, %dma_start3A_1225] : memref<4x10240x224xbf16, #tpu.memory_space<hbm>> -> memref<1x10240x224xbf16, #tpu.memory_space<hbm>>
    %dma_start3A_1227 = tpu.memref_squeeze %dma_start3A_1226 : memref<1x10240x224xbf16, #tpu.memory_space<hbm>> -> memref<10240x224xbf16, #tpu.memory_space<hbm>>
    %dma_start3A_1228 = arith.constant 0 : i32
    %dma_start3A_1229 = arith.constant 0 : i32
    %dma_start3A_1230 = tpu.memref_slice %dma_start3A_1227[%dma_start3A_1228, %dma_start3A_1229] : memref<10240x224xbf16, #tpu.memory_space<hbm>> -> memref<10240x224xbf16, #tpu.memory_space<hbm>>
    tpu.enqueue_indirect_dma source(%dma_start3A_1230 : memref<10240x224xbf16, #tpu.memory_space<hbm>>) target(%arg7 : memref<128x224xbf16, #tpu.memory_space<vmem>>) offsets(%dma_start3A_1223 : memref<128xi32, #tpu.memory_space<vmem>>) semaphore(%arg11 : memref<!tpu.dma_semaphore, #tpu.memory_space<semaphore_mem>>)
    %dma_wait3A_1231 = arith.constant 7 : i32
    %dma_wait3A_1232 = arith.constant 0 : i32
    %dma_wait3A_1233 = tpu.memref_slice %arg5[%dma_wait3A_1231, %dma_wait3A_1232] : memref<26x128xi32, #tpu.memory_space<vmem>> -> memref<1x128xi32, #tpu.memory_space<vmem>>
    %dma_wait3A_1234 = tpu.memref_squeeze %dma_wait3A_1233 : memref<1x128xi32, #tpu.memory_space<vmem>> -> memref<128xi32, #tpu.memory_space<vmem>>
    %dma_wait3A_1235 = arith.constant 0 : i32
    %dma_wait3A_1236 = arith.constant 0 : i32
    %dma_wait3A_1237 = tpu.memref_slice %arg2[%add3A_944, %dma_wait3A_1235, %dma_wait3A_1236] : memref<4x10240x224xbf16, #tpu.memory_space<hbm>> -> memref<1x10240x224xbf16, #tpu.memory_space<hbm>>
    %dma_wait3A_1238 = tpu.memref_squeeze %dma_wait3A_1237 : memref<1x10240x224xbf16, #tpu.memory_space<hbm>> -> memref<10240x224xbf16, #tpu.memory_space<hbm>>
    %dma_wait3A_1239 = arith.constant 0 : i32
    %dma_wait3A_1240 = arith.constant 0 : i32
    %dma_wait3A_1241 = tpu.memref_slice %dma_wait3A_1238[%dma_wait3A_1239, %dma_wait3A_1240] : memref<10240x224xbf16, #tpu.memory_space<hbm>> -> memref<10240x224xbf16, #tpu.memory_space<hbm>>
    tpu.wait_indirect_dma semaphore(%arg12 : memref<!tpu.dma_semaphore, #tpu.memory_space<semaphore_mem>>) src(%dma_wait3A_1241 : memref<10240x224xbf16, #tpu.memory_space<hbm>>) dst(%arg8 : memref<128x224xbf16, #tpu.memory_space<vmem>>)
    %dma_start3A_1242 = arith.constant 7 : i32
    %dma_start3A_1243 = arith.constant 0 : i32
    %dma_start3A_1244 = tpu.memref_slice %arg6[%dma_start3A_1242, %dma_start3A_1243] : memref<26x128xi32, #tpu.memory_space<vmem>> -> memref<1x128xi32, #tpu.memory_space<vmem>>
    %dma_start3A_1245 = tpu.memref_squeeze %dma_start3A_1244 : memref<1x128xi32, #tpu.memory_space<vmem>> -> memref<128xi32, #tpu.memory_space<vmem>>
    %dma_start3A_1246 = arith.constant 0 : i32
    %dma_start3A_1247 = arith.constant 0 : i32
    %dma_start3A_1248 = tpu.memref_slice %arg10[%dma_start3A_1246, %dma_start3A_1247] : memref<10240x224xbf16, #tpu.memory_space<vmem_shared>> -> memref<10240x224xbf16, #tpu.memory_space<vmem_shared>>
    tpu.enqueue_indirect_dma source(%arg8 : memref<128x224xbf16, #tpu.memory_space<vmem>>) target(%dma_start3A_1248 : memref<10240x224xbf16, #tpu.memory_space<vmem_shared>>) offsets(%dma_start3A_1245 : memref<128xi32, #tpu.memory_space<vmem>>) semaphore(%arg15 : memref<!tpu.dma_semaphore, #tpu.memory_space<semaphore_mem>>) {add = true}
    %dma_wait3A_1249 = arith.constant 7 : i32
    %dma_wait3A_1250 = arith.constant 0 : i32
    %dma_wait3A_1251 = tpu.memref_slice %arg6[%dma_wait3A_1249, %dma_wait3A_1250] : memref<26x128xi32, #tpu.memory_space<vmem>> -> memref<1x128xi32, #tpu.memory_space<vmem>>
    %dma_wait3A_1252 = tpu.memref_squeeze %dma_wait3A_1251 : memref<1x128xi32, #tpu.memory_space<vmem>> -> memref<128xi32, #tpu.memory_space<vmem>>
    %dma_wait3A_1253 = arith.constant 0 : i32
    %dma_wait3A_1254 = arith.constant 0 : i32
    %dma_wait3A_1255 = tpu.memref_slice %arg10[%dma_wait3A_1253, %dma_wait3A_1254] : memref<10240x224xbf16, #tpu.memory_space<vmem_shared>> -> memref<10240x224xbf16, #tpu.memory_space<vmem_shared>>
    tpu.wait_indirect_dma semaphore(%arg15 : memref<!tpu.dma_semaphore, #tpu.memory_space<semaphore_mem>>) src(%arg8 : memref<128x224xbf16, #tpu.memory_space<vmem>>) dst(%dma_wait3A_1255 : memref<10240x224xbf16, #tpu.memory_space<vmem_shared>>)
    %dma_start3A_1256 = arith.constant 10 : i32
    %dma_start3A_1257 = arith.constant 0 : i32
    %dma_start3A_1258 = tpu.memref_slice %arg5[%dma_start3A_1256, %dma_start3A_1257] : memref<26x128xi32, #tpu.memory_space<vmem>> -> memref<1x128xi32, #tpu.memory_space<vmem>>
    %dma_start3A_1259 = tpu.memref_squeeze %dma_start3A_1258 : memref<1x128xi32, #tpu.memory_space<vmem>> -> memref<128xi32, #tpu.memory_space<vmem>>
    %dma_start3A_1260 = arith.constant 0 : i32
    %dma_start3A_1261 = arith.constant 0 : i32
    %dma_start3A_1262 = tpu.memref_slice %arg2[%add3A_944, %dma_start3A_1260, %dma_start3A_1261] : memref<4x10240x224xbf16, #tpu.memory_space<hbm>> -> memref<1x10240x224xbf16, #tpu.memory_space<hbm>>
    %dma_start3A_1263 = tpu.memref_squeeze %dma_start3A_1262 : memref<1x10240x224xbf16, #tpu.memory_space<hbm>> -> memref<10240x224xbf16, #tpu.memory_space<hbm>>
    %dma_start3A_1264 = arith.constant 0 : i32
    %dma_start3A_1265 = arith.constant 0 : i32
    %dma_start3A_1266 = tpu.memref_slice %dma_start3A_1263[%dma_start3A_1264, %dma_start3A_1265] : memref<10240x224xbf16, #tpu.memory_space<hbm>> -> memref<10240x224xbf16, #tpu.memory_space<hbm>>
    tpu.enqueue_indirect_dma source(%dma_start3A_1266 : memref<10240x224xbf16, #tpu.memory_space<hbm>>) target(%arg8 : memref<128x224xbf16, #tpu.memory_space<vmem>>) offsets(%dma_start3A_1259 : memref<128xi32, #tpu.memory_space<vmem>>) semaphore(%arg12 : memref<!tpu.dma_semaphore, #tpu.memory_space<semaphore_mem>>)
    %dma_wait3A_1267 = arith.constant 8 : i32
    %dma_wait3A_1268 = arith.constant 0 : i32
    %dma_wait3A_1269 = tpu.memref_slice %arg5[%dma_wait3A_1267, %dma_wait3A_1268] : memref<26x128xi32, #tpu.memory_space<vmem>> -> memref<1x128xi32, #tpu.memory_space<vmem>>
    %dma_wait3A_1270 = tpu.memref_squeeze %dma_wait3A_1269 : memref<1x128xi32, #tpu.memory_space<vmem>> -> memref<128xi32, #tpu.memory_space<vmem>>
    %dma_wait3A_1271 = arith.constant 0 : i32
    %dma_wait3A_1272 = arith.constant 0 : i32
    %dma_wait3A_1273 = tpu.memref_slice %arg2[%add3A_944, %dma_wait3A_1271, %dma_wait3A_1272] : memref<4x10240x224xbf16, #tpu.memory_space<hbm>> -> memref<1x10240x224xbf16, #tpu.memory_space<hbm>>
    %dma_wait3A_1274 = tpu.memref_squeeze %dma_wait3A_1273 : memref<1x10240x224xbf16, #tpu.memory_space<hbm>> -> memref<10240x224xbf16, #tpu.memory_space<hbm>>
    %dma_wait3A_1275 = arith.constant 0 : i32
    %dma_wait3A_1276 = arith.constant 0 : i32
    %dma_wait3A_1277 = tpu.memref_slice %dma_wait3A_1274[%dma_wait3A_1275, %dma_wait3A_1276] : memref<10240x224xbf16, #tpu.memory_space<hbm>> -> memref<10240x224xbf16, #tpu.memory_space<hbm>>
    tpu.wait_indirect_dma semaphore(%arg13 : memref<!tpu.dma_semaphore, #tpu.memory_space<semaphore_mem>>) src(%dma_wait3A_1277 : memref<10240x224xbf16, #tpu.memory_space<hbm>>) dst(%arg9 : memref<128x224xbf16, #tpu.memory_space<vmem>>)
    %dma_start3A_1278 = arith.constant 8 : i32
    %dma_start3A_1279 = arith.constant 0 : i32
    %dma_start3A_1280 = tpu.memref_slice %arg6[%dma_start3A_1278, %dma_start3A_1279] : memref<26x128xi32, #tpu.memory_space<vmem>> -> memref<1x128xi32, #tpu.memory_space<vmem>>
    %dma_start3A_1281 = tpu.memref_squeeze %dma_start3A_1280 : memref<1x128xi32, #tpu.memory_space<vmem>> -> memref<128xi32, #tpu.memory_space<vmem>>
    %dma_start3A_1282 = arith.constant 0 : i32
    %dma_start3A_1283 = arith.constant 0 : i32
    %dma_start3A_1284 = tpu.memref_slice %arg10[%dma_start3A_1282, %dma_start3A_1283] : memref<10240x224xbf16, #tpu.memory_space<vmem_shared>> -> memref<10240x224xbf16, #tpu.memory_space<vmem_shared>>
    tpu.enqueue_indirect_dma source(%arg9 : memref<128x224xbf16, #tpu.memory_space<vmem>>) target(%dma_start3A_1284 : memref<10240x224xbf16, #tpu.memory_space<vmem_shared>>) offsets(%dma_start3A_1281 : memref<128xi32, #tpu.memory_space<vmem>>) semaphore(%arg16 : memref<!tpu.dma_semaphore, #tpu.memory_space<semaphore_mem>>) {add = true}
    %dma_wait3A_1285 = arith.constant 8 : i32
    %dma_wait3A_1286 = arith.constant 0 : i32
    %dma_wait3A_1287 = tpu.memref_slice %arg6[%dma_wait3A_1285, %dma_wait3A_1286] : memref<26x128xi32, #tpu.memory_space<vmem>> -> memref<1x128xi32, #tpu.memory_space<vmem>>
    %dma_wait3A_1288 = tpu.memref_squeeze %dma_wait3A_1287 : memref<1x128xi32, #tpu.memory_space<vmem>> -> memref<128xi32, #tpu.memory_space<vmem>>
    %dma_wait3A_1289 = arith.constant 0 : i32
    %dma_wait3A_1290 = arith.constant 0 : i32
    %dma_wait3A_1291 = tpu.memref_slice %arg10[%dma_wait3A_1289, %dma_wait3A_1290] : memref<10240x224xbf16, #tpu.memory_space<vmem_shared>> -> memref<10240x224xbf16, #tpu.memory_space<vmem_shared>>
    tpu.wait_indirect_dma semaphore(%arg16 : memref<!tpu.dma_semaphore, #tpu.memory_space<semaphore_mem>>) src(%arg9 : memref<128x224xbf16, #tpu.memory_space<vmem>>) dst(%dma_wait3A_1291 : memref<10240x224xbf16, #tpu.memory_space<vmem_shared>>)
    %dma_start3A_1292 = arith.constant 11 : i32
    %dma_start3A_1293 = arith.constant 0 : i32
    %dma_start3A_1294 = tpu.memref_slice %arg5[%dma_start3A_1292, %dma_start3A_1293] : memref<26x128xi32, #tpu.memory_space<vmem>> -> memref<1x128xi32, #tpu.memory_space<vmem>>
    %dma_start3A_1295 = tpu.memref_squeeze %dma_start3A_1294 : memref<1x128xi32, #tpu.memory_space<vmem>> -> memref<128xi32, #tpu.memory_space<vmem>>
    %dma_start3A_1296 = arith.constant 0 : i32
    %dma_start3A_1297 = arith.constant 0 : i32
    %dma_start3A_1298 = tpu.memref_slice %arg2[%add3A_944, %dma_start3A_1296, %dma_start3A_1297] : memref<4x10240x224xbf16, #tpu.memory_space<hbm>> -> memref<1x10240x224xbf16, #tpu.memory_space<hbm>>
    %dma_start3A_1299 = tpu.memref_squeeze %dma_start3A_1298 : memref<1x10240x224xbf16, #tpu.memory_space<hbm>> -> memref<10240x224xbf16, #tpu.memory_space<hbm>>
    %dma_start3A_1300 = arith.constant 0 : i32
    %dma_start3A_1301 = arith.constant 0 : i32
    %dma_start3A_1302 = tpu.memref_slice %dma_start3A_1299[%dma_start3A_1300, %dma_start3A_1301] : memref<10240x224xbf16, #tpu.memory_space<hbm>> -> memref<10240x224xbf16, #tpu.memory_space<hbm>>
    tpu.enqueue_indirect_dma source(%dma_start3A_1302 : memref<10240x224xbf16, #tpu.memory_space<hbm>>) target(%arg9 : memref<128x224xbf16, #tpu.memory_space<vmem>>) offsets(%dma_start3A_1295 : memref<128xi32, #tpu.memory_space<vmem>>) semaphore(%arg13 : memref<!tpu.dma_semaphore, #tpu.memory_space<semaphore_mem>>)
    %dma_wait3A_1303 = arith.constant 9 : i32
    %dma_wait3A_1304 = arith.constant 0 : i32
    %dma_wait3A_1305 = tpu.memref_slice %arg5[%dma_wait3A_1303, %dma_wait3A_1304] : memref<26x128xi32, #tpu.memory_space<vmem>> -> memref<1x128xi32, #tpu.memory_space<vmem>>
    %dma_wait3A_1306 = tpu.memref_squeeze %dma_wait3A_1305 : memref<1x128xi32, #tpu.memory_space<vmem>> -> memref<128xi32, #tpu.memory_space<vmem>>
    %dma_wait3A_1307 = arith.constant 0 : i32
    %dma_wait3A_1308 = arith.constant 0 : i32
    %dma_wait3A_1309 = tpu.memref_slice %arg2[%add3A_944, %dma_wait3A_1307, %dma_wait3A_1308] : memref<4x10240x224xbf16, #tpu.memory_space<hbm>> -> memref<1x10240x224xbf16, #tpu.memory_space<hbm>>
    %dma_wait3A_1310 = tpu.memref_squeeze %dma_wait3A_1309 : memref<1x10240x224xbf16, #tpu.memory_space<hbm>> -> memref<10240x224xbf16, #tpu.memory_space<hbm>>
    %dma_wait3A_1311 = arith.constant 0 : i32
    %dma_wait3A_1312 = arith.constant 0 : i32
    %dma_wait3A_1313 = tpu.memref_slice %dma_wait3A_1310[%dma_wait3A_1311, %dma_wait3A_1312] : memref<10240x224xbf16, #tpu.memory_space<hbm>> -> memref<10240x224xbf16, #tpu.memory_space<hbm>>
    tpu.wait_indirect_dma semaphore(%arg11 : memref<!tpu.dma_semaphore, #tpu.memory_space<semaphore_mem>>) src(%dma_wait3A_1313 : memref<10240x224xbf16, #tpu.memory_space<hbm>>) dst(%arg7 : memref<128x224xbf16, #tpu.memory_space<vmem>>)
    %dma_start3A_1314 = arith.constant 9 : i32
    %dma_start3A_1315 = arith.constant 0 : i32
    %dma_start3A_1316 = tpu.memref_slice %arg6[%dma_start3A_1314, %dma_start3A_1315] : memref<26x128xi32, #tpu.memory_space<vmem>> -> memref<1x128xi32, #tpu.memory_space<vmem>>
    %dma_start3A_1317 = tpu.memref_squeeze %dma_start3A_1316 : memref<1x128xi32, #tpu.memory_space<vmem>> -> memref<128xi32, #tpu.memory_space<vmem>>
    %dma_start3A_1318 = arith.constant 0 : i32
    %dma_start3A_1319 = arith.constant 0 : i32
    %dma_start3A_1320 = tpu.memref_slice %arg10[%dma_start3A_1318, %dma_start3A_1319] : memref<10240x224xbf16, #tpu.memory_space<vmem_shared>> -> memref<10240x224xbf16, #tpu.memory_space<vmem_shared>>
    tpu.enqueue_indirect_dma source(%arg7 : memref<128x224xbf16, #tpu.memory_space<vmem>>) target(%dma_start3A_1320 : memref<10240x224xbf16, #tpu.memory_space<vmem_shared>>) offsets(%dma_start3A_1317 : memref<128xi32, #tpu.memory_space<vmem>>) semaphore(%arg14 : memref<!tpu.dma_semaphore, #tpu.memory_space<semaphore_mem>>) {add = true}
    %dma_wait3A_1321 = arith.constant 9 : i32
    %dma_wait3A_1322 = arith.constant 0 : i32
    %dma_wait3A_1323 = tpu.memref_slice %arg6[%dma_wait3A_1321, %dma_wait3A_1322] : memref<26x128xi32, #tpu.memory_space<vmem>> -> memref<1x128xi32, #tpu.memory_space<vmem>>
    %dma_wait3A_1324 = tpu.memref_squeeze %dma_wait3A_1323 : memref<1x128xi32, #tpu.memory_space<vmem>> -> memref<128xi32, #tpu.memory_space<vmem>>
    %dma_wait3A_1325 = arith.constant 0 : i32
    %dma_wait3A_1326 = arith.constant 0 : i32
    %dma_wait3A_1327 = tpu.memref_slice %arg10[%dma_wait3A_1325, %dma_wait3A_1326] : memref<10240x224xbf16, #tpu.memory_space<vmem_shared>> -> memref<10240x224xbf16, #tpu.memory_space<vmem_shared>>
    tpu.wait_indirect_dma semaphore(%arg14 : memref<!tpu.dma_semaphore, #tpu.memory_space<semaphore_mem>>) src(%arg7 : memref<128x224xbf16, #tpu.memory_space<vmem>>) dst(%dma_wait3A_1327 : memref<10240x224xbf16, #tpu.memory_space<vmem_shared>>)
    %dma_start3A_1328 = arith.constant 12 : i32
    %dma_start3A_1329 = arith.constant 0 : i32
    %dma_start3A_1330 = tpu.memref_slice %arg5[%dma_start3A_1328, %dma_start3A_1329] : memref<26x128xi32, #tpu.memory_space<vmem>> -> memref<1x128xi32, #tpu.memory_space<vmem>>
    %dma_start3A_1331 = tpu.memref_squeeze %dma_start3A_1330 : memref<1x128xi32, #tpu.memory_space<vmem>> -> memref<128xi32, #tpu.memory_space<vmem>>
    %dma_start3A_1332 = arith.constant 0 : i32
    %dma_start3A_1333 = arith.constant 0 : i32
    %dma_start3A_1334 = tpu.memref_slice %arg2[%add3A_944, %dma_start3A_1332, %dma_start3A_1333] : memref<4x10240x224xbf16, #tpu.memory_space<hbm>> -> memref<1x10240x224xbf16, #tpu.memory_space<hbm>>
    %dma_start3A_1335 = tpu.memref_squeeze %dma_start3A_1334 : memref<1x10240x224xbf16, #tpu.memory_space<hbm>> -> memref<10240x224xbf16, #tpu.memory_space<hbm>>
    %dma_start3A_1336 = arith.constant 0 : i32
    %dma_start3A_1337 = arith.constant 0 : i32
    %dma_start3A_1338 = tpu.memref_slice %dma_start3A_1335[%dma_start3A_1336, %dma_start3A_1337] : memref<10240x224xbf16, #tpu.memory_space<hbm>> -> memref<10240x224xbf16, #tpu.memory_space<hbm>>
    tpu.enqueue_indirect_dma source(%dma_start3A_1338 : memref<10240x224xbf16, #tpu.memory_space<hbm>>) target(%arg7 : memref<128x224xbf16, #tpu.memory_space<vmem>>) offsets(%dma_start3A_1331 : memref<128xi32, #tpu.memory_space<vmem>>) semaphore(%arg11 : memref<!tpu.dma_semaphore, #tpu.memory_space<semaphore_mem>>)
    %dma_wait3A_1339 = arith.constant 10 : i32
    %dma_wait3A_1340 = arith.constant 0 : i32
    %dma_wait3A_1341 = tpu.memref_slice %arg5[%dma_wait3A_1339, %dma_wait3A_1340] : memref<26x128xi32, #tpu.memory_space<vmem>> -> memref<1x128xi32, #tpu.memory_space<vmem>>
    %dma_wait3A_1342 = tpu.memref_squeeze %dma_wait3A_1341 : memref<1x128xi32, #tpu.memory_space<vmem>> -> memref<128xi32, #tpu.memory_space<vmem>>
    %dma_wait3A_1343 = arith.constant 0 : i32
    %dma_wait3A_1344 = arith.constant 0 : i32
    %dma_wait3A_1345 = tpu.memref_slice %arg2[%add3A_944, %dma_wait3A_1343, %dma_wait3A_1344] : memref<4x10240x224xbf16, #tpu.memory_space<hbm>> -> memref<1x10240x224xbf16, #tpu.memory_space<hbm>>
    %dma_wait3A_1346 = tpu.memref_squeeze %dma_wait3A_1345 : memref<1x10240x224xbf16, #tpu.memory_space<hbm>> -> memref<10240x224xbf16, #tpu.memory_space<hbm>>
    %dma_wait3A_1347 = arith.constant 0 : i32
    %dma_wait3A_1348 = arith.constant 0 : i32
    %dma_wait3A_1349 = tpu.memref_slice %dma_wait3A_1346[%dma_wait3A_1347, %dma_wait3A_1348] : memref<10240x224xbf16, #tpu.memory_space<hbm>> -> memref<10240x224xbf16, #tpu.memory_space<hbm>>
    tpu.wait_indirect_dma semaphore(%arg12 : memref<!tpu.dma_semaphore, #tpu.memory_space<semaphore_mem>>) src(%dma_wait3A_1349 : memref<10240x224xbf16, #tpu.memory_space<hbm>>) dst(%arg8 : memref<128x224xbf16, #tpu.memory_space<vmem>>)
    %dma_start3A_1350 = arith.constant 10 : i32
    %dma_start3A_1351 = arith.constant 0 : i32
    %dma_start3A_1352 = tpu.memref_slice %arg6[%dma_start3A_1350, %dma_start3A_1351] : memref<26x128xi32, #tpu.memory_space<vmem>> -> memref<1x128xi32, #tpu.memory_space<vmem>>
    %dma_start3A_1353 = tpu.memref_squeeze %dma_start3A_1352 : memref<1x128xi32, #tpu.memory_space<vmem>> -> memref<128xi32, #tpu.memory_space<vmem>>
    %dma_start3A_1354 = arith.constant 0 : i32
    %dma_start3A_1355 = arith.constant 0 : i32
    %dma_start3A_1356 = tpu.memref_slice %arg10[%dma_start3A_1354, %dma_start3A_1355] : memref<10240x224xbf16, #tpu.memory_space<vmem_shared>> -> memref<10240x224xbf16, #tpu.memory_space<vmem_shared>>
    tpu.enqueue_indirect_dma source(%arg8 : memref<128x224xbf16, #tpu.memory_space<vmem>>) target(%dma_start3A_1356 : memref<10240x224xbf16, #tpu.memory_space<vmem_shared>>) offsets(%dma_start3A_1353 : memref<128xi32, #tpu.memory_space<vmem>>) semaphore(%arg15 : memref<!tpu.dma_semaphore, #tpu.memory_space<semaphore_mem>>) {add = true}
    %dma_wait3A_1357 = arith.constant 10 : i32
    %dma_wait3A_1358 = arith.constant 0 : i32
    %dma_wait3A_1359 = tpu.memref_slice %arg6[%dma_wait3A_1357, %dma_wait3A_1358] : memref<26x128xi32, #tpu.memory_space<vmem>> -> memref<1x128xi32, #tpu.memory_space<vmem>>
    %dma_wait3A_1360 = tpu.memref_squeeze %dma_wait3A_1359 : memref<1x128xi32, #tpu.memory_space<vmem>> -> memref<128xi32, #tpu.memory_space<vmem>>
    %dma_wait3A_1361 = arith.constant 0 : i32
    %dma_wait3A_1362 = arith.constant 0 : i32
    %dma_wait3A_1363 = tpu.memref_slice %arg10[%dma_wait3A_1361, %dma_wait3A_1362] : memref<10240x224xbf16, #tpu.memory_space<vmem_shared>> -> memref<10240x224xbf16, #tpu.memory_space<vmem_shared>>
    tpu.wait_indirect_dma semaphore(%arg15 : memref<!tpu.dma_semaphore, #tpu.memory_space<semaphore_mem>>) src(%arg8 : memref<128x224xbf16, #tpu.memory_space<vmem>>) dst(%dma_wait3A_1363 : memref<10240x224xbf16, #tpu.memory_space<vmem_shared>>)
    %dma_start3A_1364 = arith.constant 13 : i32
    %dma_start3A_1365 = arith.constant 0 : i32
    %dma_start3A_1366 = tpu.memref_slice %arg5[%dma_start3A_1364, %dma_start3A_1365] : memref<26x128xi32, #tpu.memory_space<vmem>> -> memref<1x128xi32, #tpu.memory_space<vmem>>
    %dma_start3A_1367 = tpu.memref_squeeze %dma_start3A_1366 : memref<1x128xi32, #tpu.memory_space<vmem>> -> memref<128xi32, #tpu.memory_space<vmem>>
    %dma_start3A_1368 = arith.constant 0 : i32
    %dma_start3A_1369 = arith.constant 0 : i32
    %dma_start3A_1370 = tpu.memref_slice %arg2[%add3A_944, %dma_start3A_1368, %dma_start3A_1369] : memref<4x10240x224xbf16, #tpu.memory_space<hbm>> -> memref<1x10240x224xbf16, #tpu.memory_space<hbm>>
    %dma_start3A_1371 = tpu.memref_squeeze %dma_start3A_1370 : memref<1x10240x224xbf16, #tpu.memory_space<hbm>> -> memref<10240x224xbf16, #tpu.memory_space<hbm>>
    %dma_start3A_1372 = arith.constant 0 : i32
    %dma_start3A_1373 = arith.constant 0 : i32
    %dma_start3A_1374 = tpu.memref_slice %dma_start3A_1371[%dma_start3A_1372, %dma_start3A_1373] : memref<10240x224xbf16, #tpu.memory_space<hbm>> -> memref<10240x224xbf16, #tpu.memory_space<hbm>>
    tpu.enqueue_indirect_dma source(%dma_start3A_1374 : memref<10240x224xbf16, #tpu.memory_space<hbm>>) target(%arg8 : memref<128x224xbf16, #tpu.memory_space<vmem>>) offsets(%dma_start3A_1367 : memref<128xi32, #tpu.memory_space<vmem>>) semaphore(%arg12 : memref<!tpu.dma_semaphore, #tpu.memory_space<semaphore_mem>>)
    %dma_wait3A_1375 = arith.constant 11 : i32
    %dma_wait3A_1376 = arith.constant 0 : i32
    %dma_wait3A_1377 = tpu.memref_slice %arg5[%dma_wait3A_1375, %dma_wait3A_1376] : memref<26x128xi32, #tpu.memory_space<vmem>> -> memref<1x128xi32, #tpu.memory_space<vmem>>
    %dma_wait3A_1378 = tpu.memref_squeeze %dma_wait3A_1377 : memref<1x128xi32, #tpu.memory_space<vmem>> -> memref<128xi32, #tpu.memory_space<vmem>>
    %dma_wait3A_1379 = arith.constant 0 : i32
    %dma_wait3A_1380 = arith.constant 0 : i32
    %dma_wait3A_1381 = tpu.memref_slice %arg2[%add3A_944, %dma_wait3A_1379, %dma_wait3A_1380] : memref<4x10240x224xbf16, #tpu.memory_space<hbm>> -> memref<1x10240x224xbf16, #tpu.memory_space<hbm>>
    %dma_wait3A_1382 = tpu.memref_squeeze %dma_wait3A_1381 : memref<1x10240x224xbf16, #tpu.memory_space<hbm>> -> memref<10240x224xbf16, #tpu.memory_space<hbm>>
    %dma_wait3A_1383 = arith.constant 0 : i32
    %dma_wait3A_1384 = arith.constant 0 : i32
    %dma_wait3A_1385 = tpu.memref_slice %dma_wait3A_1382[%dma_wait3A_1383, %dma_wait3A_1384] : memref<10240x224xbf16, #tpu.memory_space<hbm>> -> memref<10240x224xbf16, #tpu.memory_space<hbm>>
    tpu.wait_indirect_dma semaphore(%arg13 : memref<!tpu.dma_semaphore, #tpu.memory_space<semaphore_mem>>) src(%dma_wait3A_1385 : memref<10240x224xbf16, #tpu.memory_space<hbm>>) dst(%arg9 : memref<128x224xbf16, #tpu.memory_space<vmem>>)
    %dma_start3A_1386 = arith.constant 11 : i32
    %dma_start3A_1387 = arith.constant 0 : i32
    %dma_start3A_1388 = tpu.memref_slice %arg6[%dma_start3A_1386, %dma_start3A_1387] : memref<26x128xi32, #tpu.memory_space<vmem>> -> memref<1x128xi32, #tpu.memory_space<vmem>>
    %dma_start3A_1389 = tpu.memref_squeeze %dma_start3A_1388 : memref<1x128xi32, #tpu.memory_space<vmem>> -> memref<128xi32, #tpu.memory_space<vmem>>
    %dma_start3A_1390 = arith.constant 0 : i32
    %dma_start3A_1391 = arith.constant 0 : i32
    %dma_start3A_1392 = tpu.memref_slice %arg10[%dma_start3A_1390, %dma_start3A_1391] : memref<10240x224xbf16, #tpu.memory_space<vmem_shared>> -> memref<10240x224xbf16, #tpu.memory_space<vmem_shared>>
    tpu.enqueue_indirect_dma source(%arg9 : memref<128x224xbf16, #tpu.memory_space<vmem>>) target(%dma_start3A_1392 : memref<10240x224xbf16, #tpu.memory_space<vmem_shared>>) offsets(%dma_start3A_1389 : memref<128xi32, #tpu.memory_space<vmem>>) semaphore(%arg16 : memref<!tpu.dma_semaphore, #tpu.memory_space<semaphore_mem>>) {add = true}
    %dma_wait3A_1393 = arith.constant 11 : i32
    %dma_wait3A_1394 = arith.constant 0 : i32
    %dma_wait3A_1395 = tpu.memref_slice %arg6[%dma_wait3A_1393, %dma_wait3A_1394] : memref<26x128xi32, #tpu.memory_space<vmem>> -> memref<1x128xi32, #tpu.memory_space<vmem>>
    %dma_wait3A_1396 = tpu.memref_squeeze %dma_wait3A_1395 : memref<1x128xi32, #tpu.memory_space<vmem>> -> memref<128xi32, #tpu.memory_space<vmem>>
    %dma_wait3A_1397 = arith.constant 0 : i32
    %dma_wait3A_1398 = arith.constant 0 : i32
    %dma_wait3A_1399 = tpu.memref_slice %arg10[%dma_wait3A_1397, %dma_wait3A_1398] : memref<10240x224xbf16, #tpu.memory_space<vmem_shared>> -> memref<10240x224xbf16, #tpu.memory_space<vmem_shared>>
    tpu.wait_indirect_dma semaphore(%arg16 : memref<!tpu.dma_semaphore, #tpu.memory_space<semaphore_mem>>) src(%arg9 : memref<128x224xbf16, #tpu.memory_space<vmem>>) dst(%dma_wait3A_1399 : memref<10240x224xbf16, #tpu.memory_space<vmem_shared>>)
    %dma_start3A_1400 = arith.constant 14 : i32
    %dma_start3A_1401 = arith.constant 0 : i32
    %dma_start3A_1402 = tpu.memref_slice %arg5[%dma_start3A_1400, %dma_start3A_1401] : memref<26x128xi32, #tpu.memory_space<vmem>> -> memref<1x128xi32, #tpu.memory_space<vmem>>
    %dma_start3A_1403 = tpu.memref_squeeze %dma_start3A_1402 : memref<1x128xi32, #tpu.memory_space<vmem>> -> memref<128xi32, #tpu.memory_space<vmem>>
    %dma_start3A_1404 = arith.constant 0 : i32
    %dma_start3A_1405 = arith.constant 0 : i32
    %dma_start3A_1406 = tpu.memref_slice %arg2[%add3A_944, %dma_start3A_1404, %dma_start3A_1405] : memref<4x10240x224xbf16, #tpu.memory_space<hbm>> -> memref<1x10240x224xbf16, #tpu.memory_space<hbm>>
    %dma_start3A_1407 = tpu.memref_squeeze %dma_start3A_1406 : memref<1x10240x224xbf16, #tpu.memory_space<hbm>> -> memref<10240x224xbf16, #tpu.memory_space<hbm>>
    %dma_start3A_1408 = arith.constant 0 : i32
    %dma_start3A_1409 = arith.constant 0 : i32
    %dma_start3A_1410 = tpu.memref_slice %dma_start3A_1407[%dma_start3A_1408, %dma_start3A_1409] : memref<10240x224xbf16, #tpu.memory_space<hbm>> -> memref<10240x224xbf16, #tpu.memory_space<hbm>>
    tpu.enqueue_indirect_dma source(%dma_start3A_1410 : memref<10240x224xbf16, #tpu.memory_space<hbm>>) target(%arg9 : memref<128x224xbf16, #tpu.memory_space<vmem>>) offsets(%dma_start3A_1403 : memref<128xi32, #tpu.memory_space<vmem>>) semaphore(%arg13 : memref<!tpu.dma_semaphore, #tpu.memory_space<semaphore_mem>>)
    %dma_wait3A_1411 = arith.constant 12 : i32
    %dma_wait3A_1412 = arith.constant 0 : i32
    %dma_wait3A_1413 = tpu.memref_slice %arg5[%dma_wait3A_1411, %dma_wait3A_1412] : memref<26x128xi32, #tpu.memory_space<vmem>> -> memref<1x128xi32, #tpu.memory_space<vmem>>
    %dma_wait3A_1414 = tpu.memref_squeeze %dma_wait3A_1413 : memref<1x128xi32, #tpu.memory_space<vmem>> -> memref<128xi32, #tpu.memory_space<vmem>>
    %dma_wait3A_1415 = arith.constant 0 : i32
    %dma_wait3A_1416 = arith.constant 0 : i32
    %dma_wait3A_1417 = tpu.memref_slice %arg2[%add3A_944, %dma_wait3A_1415, %dma_wait3A_1416] : memref<4x10240x224xbf16, #tpu.memory_space<hbm>> -> memref<1x10240x224xbf16, #tpu.memory_space<hbm>>
    %dma_wait3A_1418 = tpu.memref_squeeze %dma_wait3A_1417 : memref<1x10240x224xbf16, #tpu.memory_space<hbm>> -> memref<10240x224xbf16, #tpu.memory_space<hbm>>
    %dma_wait3A_1419 = arith.constant 0 : i32
    %dma_wait3A_1420 = arith.constant 0 : i32
    %dma_wait3A_1421 = tpu.memref_slice %dma_wait3A_1418[%dma_wait3A_1419, %dma_wait3A_1420] : memref<10240x224xbf16, #tpu.memory_space<hbm>> -> memref<10240x224xbf16, #tpu.memory_space<hbm>>
    tpu.wait_indirect_dma semaphore(%arg11 : memref<!tpu.dma_semaphore, #tpu.memory_space<semaphore_mem>>) src(%dma_wait3A_1421 : memref<10240x224xbf16, #tpu.memory_space<hbm>>) dst(%arg7 : memref<128x224xbf16, #tpu.memory_space<vmem>>)
    %dma_start3A_1422 = arith.constant 12 : i32
    %dma_start3A_1423 = arith.constant 0 : i32
    %dma_start3A_1424 = tpu.memref_slice %arg6[%dma_start3A_1422, %dma_start3A_1423] : memref<26x128xi32, #tpu.memory_space<vmem>> -> memref<1x128xi32, #tpu.memory_space<vmem>>
    %dma_start3A_1425 = tpu.memref_squeeze %dma_start3A_1424 : memref<1x128xi32, #tpu.memory_space<vmem>> -> memref<128xi32, #tpu.memory_space<vmem>>
    %dma_start3A_1426 = arith.constant 0 : i32
    %dma_start3A_1427 = arith.constant 0 : i32
    %dma_start3A_1428 = tpu.memref_slice %arg10[%dma_start3A_1426, %dma_start3A_1427] : memref<10240x224xbf16, #tpu.memory_space<vmem_shared>> -> memref<10240x224xbf16, #tpu.memory_space<vmem_shared>>
    tpu.enqueue_indirect_dma source(%arg7 : memref<128x224xbf16, #tpu.memory_space<vmem>>) target(%dma_start3A_1428 : memref<10240x224xbf16, #tpu.memory_space<vmem_shared>>) offsets(%dma_start3A_1425 : memref<128xi32, #tpu.memory_space<vmem>>) semaphore(%arg14 : memref<!tpu.dma_semaphore, #tpu.memory_space<semaphore_mem>>) {add = true}
    %dma_wait3A_1429 = arith.constant 12 : i32
    %dma_wait3A_1430 = arith.constant 0 : i32
    %dma_wait3A_1431 = tpu.memref_slice %arg6[%dma_wait3A_1429, %dma_wait3A_1430] : memref<26x128xi32, #tpu.memory_space<vmem>> -> memref<1x128xi32, #tpu.memory_space<vmem>>
    %dma_wait3A_1432 = tpu.memref_squeeze %dma_wait3A_1431 : memref<1x128xi32, #tpu.memory_space<vmem>> -> memref<128xi32, #tpu.memory_space<vmem>>
    %dma_wait3A_1433 = arith.constant 0 : i32
    %dma_wait3A_1434 = arith.constant 0 : i32
    %dma_wait3A_1435 = tpu.memref_slice %arg10[%dma_wait3A_1433, %dma_wait3A_1434] : memref<10240x224xbf16, #tpu.memory_space<vmem_shared>> -> memref<10240x224xbf16, #tpu.memory_space<vmem_shared>>
    tpu.wait_indirect_dma semaphore(%arg14 : memref<!tpu.dma_semaphore, #tpu.memory_space<semaphore_mem>>) src(%arg7 : memref<128x224xbf16, #tpu.memory_space<vmem>>) dst(%dma_wait3A_1435 : memref<10240x224xbf16, #tpu.memory_space<vmem_shared>>)
    %dma_start3A_1436 = arith.constant 15 : i32
    %dma_start3A_1437 = arith.constant 0 : i32
    %dma_start3A_1438 = tpu.memref_slice %arg5[%dma_start3A_1436, %dma_start3A_1437] : memref<26x128xi32, #tpu.memory_space<vmem>> -> memref<1x128xi32, #tpu.memory_space<vmem>>
    %dma_start3A_1439 = tpu.memref_squeeze %dma_start3A_1438 : memref<1x128xi32, #tpu.memory_space<vmem>> -> memref<128xi32, #tpu.memory_space<vmem>>
    %dma_start3A_1440 = arith.constant 0 : i32
    %dma_start3A_1441 = arith.constant 0 : i32
    %dma_start3A_1442 = tpu.memref_slice %arg2[%add3A_944, %dma_start3A_1440, %dma_start3A_1441] : memref<4x10240x224xbf16, #tpu.memory_space<hbm>> -> memref<1x10240x224xbf16, #tpu.memory_space<hbm>>
    %dma_start3A_1443 = tpu.memref_squeeze %dma_start3A_1442 : memref<1x10240x224xbf16, #tpu.memory_space<hbm>> -> memref<10240x224xbf16, #tpu.memory_space<hbm>>
    %dma_start3A_1444 = arith.constant 0 : i32
    %dma_start3A_1445 = arith.constant 0 : i32
    %dma_start3A_1446 = tpu.memref_slice %dma_start3A_1443[%dma_start3A_1444, %dma_start3A_1445] : memref<10240x224xbf16, #tpu.memory_space<hbm>> -> memref<10240x224xbf16, #tpu.memory_space<hbm>>
    tpu.enqueue_indirect_dma source(%dma_start3A_1446 : memref<10240x224xbf16, #tpu.memory_space<hbm>>) target(%arg7 : memref<128x224xbf16, #tpu.memory_space<vmem>>) offsets(%dma_start3A_1439 : memref<128xi32, #tpu.memory_space<vmem>>) semaphore(%arg11 : memref<!tpu.dma_semaphore, #tpu.memory_space<semaphore_mem>>)
    %dma_wait3A_1447 = arith.constant 13 : i32
    %dma_wait3A_1448 = arith.constant 0 : i32
    %dma_wait3A_1449 = tpu.memref_slice %arg5[%dma_wait3A_1447, %dma_wait3A_1448] : memref<26x128xi32, #tpu.memory_space<vmem>> -> memref<1x128xi32, #tpu.memory_space<vmem>>
    %dma_wait3A_1450 = tpu.memref_squeeze %dma_wait3A_1449 : memref<1x128xi32, #tpu.memory_space<vmem>> -> memref<128xi32, #tpu.memory_space<vmem>>
    %dma_wait3A_1451 = arith.constant 0 : i32
    %dma_wait3A_1452 = arith.constant 0 : i32
    %dma_wait3A_1453 = tpu.memref_slice %arg2[%add3A_944, %dma_wait3A_1451, %dma_wait3A_1452] : memref<4x10240x224xbf16, #tpu.memory_space<hbm>> -> memref<1x10240x224xbf16, #tpu.memory_space<hbm>>
    %dma_wait3A_1454 = tpu.memref_squeeze %dma_wait3A_1453 : memref<1x10240x224xbf16, #tpu.memory_space<hbm>> -> memref<10240x224xbf16, #tpu.memory_space<hbm>>
    %dma_wait3A_1455 = arith.constant 0 : i32
    %dma_wait3A_1456 = arith.constant 0 : i32
    %dma_wait3A_1457 = tpu.memref_slice %dma_wait3A_1454[%dma_wait3A_1455, %dma_wait3A_1456] : memref<10240x224xbf16, #tpu.memory_space<hbm>> -> memref<10240x224xbf16, #tpu.memory_space<hbm>>
    tpu.wait_indirect_dma semaphore(%arg12 : memref<!tpu.dma_semaphore, #tpu.memory_space<semaphore_mem>>) src(%dma_wait3A_1457 : memref<10240x224xbf16, #tpu.memory_space<hbm>>) dst(%arg8 : memref<128x224xbf16, #tpu.memory_space<vmem>>)
    %dma_start3A_1458 = arith.constant 13 : i32
    %dma_start3A_1459 = arith.constant 0 : i32
    %dma_start3A_1460 = tpu.memref_slice %arg6[%dma_start3A_1458, %dma_start3A_1459] : memref<26x128xi32, #tpu.memory_space<vmem>> -> memref<1x128xi32, #tpu.memory_space<vmem>>
    %dma_start3A_1461 = tpu.memref_squeeze %dma_start3A_1460 : memref<1x128xi32, #tpu.memory_space<vmem>> -> memref<128xi32, #tpu.memory_space<vmem>>
    %dma_start3A_1462 = arith.constant 0 : i32
    %dma_start3A_1463 = arith.constant 0 : i32
    %dma_start3A_1464 = tpu.memref_slice %arg10[%dma_start3A_1462, %dma_start3A_1463] : memref<10240x224xbf16, #tpu.memory_space<vmem_shared>> -> memref<10240x224xbf16, #tpu.memory_space<vmem_shared>>
    tpu.enqueue_indirect_dma source(%arg8 : memref<128x224xbf16, #tpu.memory_space<vmem>>) target(%dma_start3A_1464 : memref<10240x224xbf16, #tpu.memory_space<vmem_shared>>) offsets(%dma_start3A_1461 : memref<128xi32, #tpu.memory_space<vmem>>) semaphore(%arg15 : memref<!tpu.dma_semaphore, #tpu.memory_space<semaphore_mem>>) {add = true}
    %dma_wait3A_1465 = arith.constant 13 : i32
    %dma_wait3A_1466 = arith.constant 0 : i32
    %dma_wait3A_1467 = tpu.memref_slice %arg6[%dma_wait3A_1465, %dma_wait3A_1466] : memref<26x128xi32, #tpu.memory_space<vmem>> -> memref<1x128xi32, #tpu.memory_space<vmem>>
    %dma_wait3A_1468 = tpu.memref_squeeze %dma_wait3A_1467 : memref<1x128xi32, #tpu.memory_space<vmem>> -> memref<128xi32, #tpu.memory_space<vmem>>
    %dma_wait3A_1469 = arith.constant 0 : i32
    %dma_wait3A_1470 = arith.constant 0 : i32
    %dma_wait3A_1471 = tpu.memref_slice %arg10[%dma_wait3A_1469, %dma_wait3A_1470] : memref<10240x224xbf16, #tpu.memory_space<vmem_shared>> -> memref<10240x224xbf16, #tpu.memory_space<vmem_shared>>
    tpu.wait_indirect_dma semaphore(%arg15 : memref<!tpu.dma_semaphore, #tpu.memory_space<semaphore_mem>>) src(%arg8 : memref<128x224xbf16, #tpu.memory_space<vmem>>) dst(%dma_wait3A_1471 : memref<10240x224xbf16, #tpu.memory_space<vmem_shared>>)
    %dma_start3A_1472 = arith.constant 16 : i32
    %dma_start3A_1473 = arith.constant 0 : i32
    %dma_start3A_1474 = tpu.memref_slice %arg5[%dma_start3A_1472, %dma_start3A_1473] : memref<26x128xi32, #tpu.memory_space<vmem>> -> memref<1x128xi32, #tpu.memory_space<vmem>>
    %dma_start3A_1475 = tpu.memref_squeeze %dma_start3A_1474 : memref<1x128xi32, #tpu.memory_space<vmem>> -> memref<128xi32, #tpu.memory_space<vmem>>
    %dma_start3A_1476 = arith.constant 0 : i32
    %dma_start3A_1477 = arith.constant 0 : i32
    %dma_start3A_1478 = tpu.memref_slice %arg2[%add3A_944, %dma_start3A_1476, %dma_start3A_1477] : memref<4x10240x224xbf16, #tpu.memory_space<hbm>> -> memref<1x10240x224xbf16, #tpu.memory_space<hbm>>
    %dma_start3A_1479 = tpu.memref_squeeze %dma_start3A_1478 : memref<1x10240x224xbf16, #tpu.memory_space<hbm>> -> memref<10240x224xbf16, #tpu.memory_space<hbm>>
    %dma_start3A_1480 = arith.constant 0 : i32
    %dma_start3A_1481 = arith.constant 0 : i32
    %dma_start3A_1482 = tpu.memref_slice %dma_start3A_1479[%dma_start3A_1480, %dma_start3A_1481] : memref<10240x224xbf16, #tpu.memory_space<hbm>> -> memref<10240x224xbf16, #tpu.memory_space<hbm>>
    tpu.enqueue_indirect_dma source(%dma_start3A_1482 : memref<10240x224xbf16, #tpu.memory_space<hbm>>) target(%arg8 : memref<128x224xbf16, #tpu.memory_space<vmem>>) offsets(%dma_start3A_1475 : memref<128xi32, #tpu.memory_space<vmem>>) semaphore(%arg12 : memref<!tpu.dma_semaphore, #tpu.memory_space<semaphore_mem>>)
    %dma_wait3A_1483 = arith.constant 14 : i32
    %dma_wait3A_1484 = arith.constant 0 : i32
    %dma_wait3A_1485 = tpu.memref_slice %arg5[%dma_wait3A_1483, %dma_wait3A_1484] : memref<26x128xi32, #tpu.memory_space<vmem>> -> memref<1x128xi32, #tpu.memory_space<vmem>>
    %dma_wait3A_1486 = tpu.memref_squeeze %dma_wait3A_1485 : memref<1x128xi32, #tpu.memory_space<vmem>> -> memref<128xi32, #tpu.memory_space<vmem>>
    %dma_wait3A_1487 = arith.constant 0 : i32
    %dma_wait3A_1488 = arith.constant 0 : i32
    %dma_wait3A_1489 = tpu.memref_slice %arg2[%add3A_944, %dma_wait3A_1487, %dma_wait3A_1488] : memref<4x10240x224xbf16, #tpu.memory_space<hbm>> -> memref<1x10240x224xbf16, #tpu.memory_space<hbm>>
    %dma_wait3A_1490 = tpu.memref_squeeze %dma_wait3A_1489 : memref<1x10240x224xbf16, #tpu.memory_space<hbm>> -> memref<10240x224xbf16, #tpu.memory_space<hbm>>
    %dma_wait3A_1491 = arith.constant 0 : i32
    %dma_wait3A_1492 = arith.constant 0 : i32
    %dma_wait3A_1493 = tpu.memref_slice %dma_wait3A_1490[%dma_wait3A_1491, %dma_wait3A_1492] : memref<10240x224xbf16, #tpu.memory_space<hbm>> -> memref<10240x224xbf16, #tpu.memory_space<hbm>>
    tpu.wait_indirect_dma semaphore(%arg13 : memref<!tpu.dma_semaphore, #tpu.memory_space<semaphore_mem>>) src(%dma_wait3A_1493 : memref<10240x224xbf16, #tpu.memory_space<hbm>>) dst(%arg9 : memref<128x224xbf16, #tpu.memory_space<vmem>>)
    %dma_start3A_1494 = arith.constant 14 : i32
    %dma_start3A_1495 = arith.constant 0 : i32
    %dma_start3A_1496 = tpu.memref_slice %arg6[%dma_start3A_1494, %dma_start3A_1495] : memref<26x128xi32, #tpu.memory_space<vmem>> -> memref<1x128xi32, #tpu.memory_space<vmem>>
    %dma_start3A_1497 = tpu.memref_squeeze %dma_start3A_1496 : memref<1x128xi32, #tpu.memory_space<vmem>> -> memref<128xi32, #tpu.memory_space<vmem>>
    %dma_start3A_1498 = arith.constant 0 : i32
    %dma_start3A_1499 = arith.constant 0 : i32
    %dma_start3A_1500 = tpu.memref_slice %arg10[%dma_start3A_1498, %dma_start3A_1499] : memref<10240x224xbf16, #tpu.memory_space<vmem_shared>> -> memref<10240x224xbf16, #tpu.memory_space<vmem_shared>>
    tpu.enqueue_indirect_dma source(%arg9 : memref<128x224xbf16, #tpu.memory_space<vmem>>) target(%dma_start3A_1500 : memref<10240x224xbf16, #tpu.memory_space<vmem_shared>>) offsets(%dma_start3A_1497 : memref<128xi32, #tpu.memory_space<vmem>>) semaphore(%arg16 : memref<!tpu.dma_semaphore, #tpu.memory_space<semaphore_mem>>) {add = true}
    %dma_wait3A_1501 = arith.constant 14 : i32
    %dma_wait3A_1502 = arith.constant 0 : i32
    %dma_wait3A_1503 = tpu.memref_slice %arg6[%dma_wait3A_1501, %dma_wait3A_1502] : memref<26x128xi32, #tpu.memory_space<vmem>> -> memref<1x128xi32, #tpu.memory_space<vmem>>
    %dma_wait3A_1504 = tpu.memref_squeeze %dma_wait3A_1503 : memref<1x128xi32, #tpu.memory_space<vmem>> -> memref<128xi32, #tpu.memory_space<vmem>>
    %dma_wait3A_1505 = arith.constant 0 : i32
    %dma_wait3A_1506 = arith.constant 0 : i32
    %dma_wait3A_1507 = tpu.memref_slice %arg10[%dma_wait3A_1505, %dma_wait3A_1506] : memref<10240x224xbf16, #tpu.memory_space<vmem_shared>> -> memref<10240x224xbf16, #tpu.memory_space<vmem_shared>>
    tpu.wait_indirect_dma semaphore(%arg16 : memref<!tpu.dma_semaphore, #tpu.memory_space<semaphore_mem>>) src(%arg9 : memref<128x224xbf16, #tpu.memory_space<vmem>>) dst(%dma_wait3A_1507 : memref<10240x224xbf16, #tpu.memory_space<vmem_shared>>)
    %dma_start3A_1508 = arith.constant 17 : i32
    %dma_start3A_1509 = arith.constant 0 : i32
    %dma_start3A_1510 = tpu.memref_slice %arg5[%dma_start3A_1508, %dma_start3A_1509] : memref<26x128xi32, #tpu.memory_space<vmem>> -> memref<1x128xi32, #tpu.memory_space<vmem>>
    %dma_start3A_1511 = tpu.memref_squeeze %dma_start3A_1510 : memref<1x128xi32, #tpu.memory_space<vmem>> -> memref<128xi32, #tpu.memory_space<vmem>>
    %dma_start3A_1512 = arith.constant 0 : i32
    %dma_start3A_1513 = arith.constant 0 : i32
    %dma_start3A_1514 = tpu.memref_slice %arg2[%add3A_944, %dma_start3A_1512, %dma_start3A_1513] : memref<4x10240x224xbf16, #tpu.memory_space<hbm>> -> memref<1x10240x224xbf16, #tpu.memory_space<hbm>>
    %dma_start3A_1515 = tpu.memref_squeeze %dma_start3A_1514 : memref<1x10240x224xbf16, #tpu.memory_space<hbm>> -> memref<10240x224xbf16, #tpu.memory_space<hbm>>
    %dma_start3A_1516 = arith.constant 0 : i32
    %dma_start3A_1517 = arith.constant 0 : i32
    %dma_start3A_1518 = tpu.memref_slice %dma_start3A_1515[%dma_start3A_1516, %dma_start3A_1517] : memref<10240x224xbf16, #tpu.memory_space<hbm>> -> memref<10240x224xbf16, #tpu.memory_space<hbm>>
    tpu.enqueue_indirect_dma source(%dma_start3A_1518 : memref<10240x224xbf16, #tpu.memory_space<hbm>>) target(%arg9 : memref<128x224xbf16, #tpu.memory_space<vmem>>) offsets(%dma_start3A_1511 : memref<128xi32, #tpu.memory_space<vmem>>) semaphore(%arg13 : memref<!tpu.dma_semaphore, #tpu.memory_space<semaphore_mem>>)
    %dma_wait3A_1519 = arith.constant 15 : i32
    %dma_wait3A_1520 = arith.constant 0 : i32
    %dma_wait3A_1521 = tpu.memref_slice %arg5[%dma_wait3A_1519, %dma_wait3A_1520] : memref<26x128xi32, #tpu.memory_space<vmem>> -> memref<1x128xi32, #tpu.memory_space<vmem>>
    %dma_wait3A_1522 = tpu.memref_squeeze %dma_wait3A_1521 : memref<1x128xi32, #tpu.memory_space<vmem>> -> memref<128xi32, #tpu.memory_space<vmem>>
    %dma_wait3A_1523 = arith.constant 0 : i32
    %dma_wait3A_1524 = arith.constant 0 : i32
    %dma_wait3A_1525 = tpu.memref_slice %arg2[%add3A_944, %dma_wait3A_1523, %dma_wait3A_1524] : memref<4x10240x224xbf16, #tpu.memory_space<hbm>> -> memref<1x10240x224xbf16, #tpu.memory_space<hbm>>
    %dma_wait3A_1526 = tpu.memref_squeeze %dma_wait3A_1525 : memref<1x10240x224xbf16, #tpu.memory_space<hbm>> -> memref<10240x224xbf16, #tpu.memory_space<hbm>>
    %dma_wait3A_1527 = arith.constant 0 : i32
    %dma_wait3A_1528 = arith.constant 0 : i32
    %dma_wait3A_1529 = tpu.memref_slice %dma_wait3A_1526[%dma_wait3A_1527, %dma_wait3A_1528] : memref<10240x224xbf16, #tpu.memory_space<hbm>> -> memref<10240x224xbf16, #tpu.memory_space<hbm>>
    tpu.wait_indirect_dma semaphore(%arg11 : memref<!tpu.dma_semaphore, #tpu.memory_space<semaphore_mem>>) src(%dma_wait3A_1529 : memref<10240x224xbf16, #tpu.memory_space<hbm>>) dst(%arg7 : memref<128x224xbf16, #tpu.memory_space<vmem>>)
    %dma_start3A_1530 = arith.constant 15 : i32
    %dma_start3A_1531 = arith.constant 0 : i32
    %dma_start3A_1532 = tpu.memref_slice %arg6[%dma_start3A_1530, %dma_start3A_1531] : memref<26x128xi32, #tpu.memory_space<vmem>> -> memref<1x128xi32, #tpu.memory_space<vmem>>
    %dma_start3A_1533 = tpu.memref_squeeze %dma_start3A_1532 : memref<1x128xi32, #tpu.memory_space<vmem>> -> memref<128xi32, #tpu.memory_space<vmem>>
    %dma_start3A_1534 = arith.constant 0 : i32
    %dma_start3A_1535 = arith.constant 0 : i32
    %dma_start3A_1536 = tpu.memref_slice %arg10[%dma_start3A_1534, %dma_start3A_1535] : memref<10240x224xbf16, #tpu.memory_space<vmem_shared>> -> memref<10240x224xbf16, #tpu.memory_space<vmem_shared>>
    tpu.enqueue_indirect_dma source(%arg7 : memref<128x224xbf16, #tpu.memory_space<vmem>>) target(%dma_start3A_1536 : memref<10240x224xbf16, #tpu.memory_space<vmem_shared>>) offsets(%dma_start3A_1533 : memref<128xi32, #tpu.memory_space<vmem>>) semaphore(%arg14 : memref<!tpu.dma_semaphore, #tpu.memory_space<semaphore_mem>>) {add = true}
    %dma_wait3A_1537 = arith.constant 15 : i32
    %dma_wait3A_1538 = arith.constant 0 : i32
    %dma_wait3A_1539 = tpu.memref_slice %arg6[%dma_wait3A_1537, %dma_wait3A_1538] : memref<26x128xi32, #tpu.memory_space<vmem>> -> memref<1x128xi32, #tpu.memory_space<vmem>>
    %dma_wait3A_1540 = tpu.memref_squeeze %dma_wait3A_1539 : memref<1x128xi32, #tpu.memory_space<vmem>> -> memref<128xi32, #tpu.memory_space<vmem>>
    %dma_wait3A_1541 = arith.constant 0 : i32
    %dma_wait3A_1542 = arith.constant 0 : i32
    %dma_wait3A_1543 = tpu.memref_slice %arg10[%dma_wait3A_1541, %dma_wait3A_1542] : memref<10240x224xbf16, #tpu.memory_space<vmem_shared>> -> memref<10240x224xbf16, #tpu.memory_space<vmem_shared>>
    tpu.wait_indirect_dma semaphore(%arg14 : memref<!tpu.dma_semaphore, #tpu.memory_space<semaphore_mem>>) src(%arg7 : memref<128x224xbf16, #tpu.memory_space<vmem>>) dst(%dma_wait3A_1543 : memref<10240x224xbf16, #tpu.memory_space<vmem_shared>>)
    %dma_start3A_1544 = arith.constant 18 : i32
    %dma_start3A_1545 = arith.constant 0 : i32
    %dma_start3A_1546 = tpu.memref_slice %arg5[%dma_start3A_1544, %dma_start3A_1545] : memref<26x128xi32, #tpu.memory_space<vmem>> -> memref<1x128xi32, #tpu.memory_space<vmem>>
    %dma_start3A_1547 = tpu.memref_squeeze %dma_start3A_1546 : memref<1x128xi32, #tpu.memory_space<vmem>> -> memref<128xi32, #tpu.memory_space<vmem>>
    %dma_start3A_1548 = arith.constant 0 : i32
    %dma_start3A_1549 = arith.constant 0 : i32
    %dma_start3A_1550 = tpu.memref_slice %arg2[%add3A_944, %dma_start3A_1548, %dma_start3A_1549] : memref<4x10240x224xbf16, #tpu.memory_space<hbm>> -> memref<1x10240x224xbf16, #tpu.memory_space<hbm>>
    %dma_start3A_1551 = tpu.memref_squeeze %dma_start3A_1550 : memref<1x10240x224xbf16, #tpu.memory_space<hbm>> -> memref<10240x224xbf16, #tpu.memory_space<hbm>>
    %dma_start3A_1552 = arith.constant 0 : i32
    %dma_start3A_1553 = arith.constant 0 : i32
    %dma_start3A_1554 = tpu.memref_slice %dma_start3A_1551[%dma_start3A_1552, %dma_start3A_1553] : memref<10240x224xbf16, #tpu.memory_space<hbm>> -> memref<10240x224xbf16, #tpu.memory_space<hbm>>
    tpu.enqueue_indirect_dma source(%dma_start3A_1554 : memref<10240x224xbf16, #tpu.memory_space<hbm>>) target(%arg7 : memref<128x224xbf16, #tpu.memory_space<vmem>>) offsets(%dma_start3A_1547 : memref<128xi32, #tpu.memory_space<vmem>>) semaphore(%arg11 : memref<!tpu.dma_semaphore, #tpu.memory_space<semaphore_mem>>)
    %dma_wait3A_1555 = arith.constant 16 : i32
    %dma_wait3A_1556 = arith.constant 0 : i32
    %dma_wait3A_1557 = tpu.memref_slice %arg5[%dma_wait3A_1555, %dma_wait3A_1556] : memref<26x128xi32, #tpu.memory_space<vmem>> -> memref<1x128xi32, #tpu.memory_space<vmem>>
    %dma_wait3A_1558 = tpu.memref_squeeze %dma_wait3A_1557 : memref<1x128xi32, #tpu.memory_space<vmem>> -> memref<128xi32, #tpu.memory_space<vmem>>
    %dma_wait3A_1559 = arith.constant 0 : i32
    %dma_wait3A_1560 = arith.constant 0 : i32
    %dma_wait3A_1561 = tpu.memref_slice %arg2[%add3A_944, %dma_wait3A_1559, %dma_wait3A_1560] : memref<4x10240x224xbf16, #tpu.memory_space<hbm>> -> memref<1x10240x224xbf16, #tpu.memory_space<hbm>>
    %dma_wait3A_1562 = tpu.memref_squeeze %dma_wait3A_1561 : memref<1x10240x224xbf16, #tpu.memory_space<hbm>> -> memref<10240x224xbf16, #tpu.memory_space<hbm>>
    %dma_wait3A_1563 = arith.constant 0 : i32
    %dma_wait3A_1564 = arith.constant 0 : i32
    %dma_wait3A_1565 = tpu.memref_slice %dma_wait3A_1562[%dma_wait3A_1563, %dma_wait3A_1564] : memref<10240x224xbf16, #tpu.memory_space<hbm>> -> memref<10240x224xbf16, #tpu.memory_space<hbm>>
    tpu.wait_indirect_dma semaphore(%arg12 : memref<!tpu.dma_semaphore, #tpu.memory_space<semaphore_mem>>) src(%dma_wait3A_1565 : memref<10240x224xbf16, #tpu.memory_space<hbm>>) dst(%arg8 : memref<128x224xbf16, #tpu.memory_space<vmem>>)
    %dma_start3A_1566 = arith.constant 16 : i32
    %dma_start3A_1567 = arith.constant 0 : i32
    %dma_start3A_1568 = tpu.memref_slice %arg6[%dma_start3A_1566, %dma_start3A_1567] : memref<26x128xi32, #tpu.memory_space<vmem>> -> memref<1x128xi32, #tpu.memory_space<vmem>>
    %dma_start3A_1569 = tpu.memref_squeeze %dma_start3A_1568 : memref<1x128xi32, #tpu.memory_space<vmem>> -> memref<128xi32, #tpu.memory_space<vmem>>
    %dma_start3A_1570 = arith.constant 0 : i32
    %dma_start3A_1571 = arith.constant 0 : i32
    %dma_start3A_1572 = tpu.memref_slice %arg10[%dma_start3A_1570, %dma_start3A_1571] : memref<10240x224xbf16, #tpu.memory_space<vmem_shared>> -> memref<10240x224xbf16, #tpu.memory_space<vmem_shared>>
    tpu.enqueue_indirect_dma source(%arg8 : memref<128x224xbf16, #tpu.memory_space<vmem>>) target(%dma_start3A_1572 : memref<10240x224xbf16, #tpu.memory_space<vmem_shared>>) offsets(%dma_start3A_1569 : memref<128xi32, #tpu.memory_space<vmem>>) semaphore(%arg15 : memref<!tpu.dma_semaphore, #tpu.memory_space<semaphore_mem>>) {add = true}
    %dma_wait3A_1573 = arith.constant 16 : i32
    %dma_wait3A_1574 = arith.constant 0 : i32
    %dma_wait3A_1575 = tpu.memref_slice %arg6[%dma_wait3A_1573, %dma_wait3A_1574] : memref<26x128xi32, #tpu.memory_space<vmem>> -> memref<1x128xi32, #tpu.memory_space<vmem>>
    %dma_wait3A_1576 = tpu.memref_squeeze %dma_wait3A_1575 : memref<1x128xi32, #tpu.memory_space<vmem>> -> memref<128xi32, #tpu.memory_space<vmem>>
    %dma_wait3A_1577 = arith.constant 0 : i32
    %dma_wait3A_1578 = arith.constant 0 : i32
    %dma_wait3A_1579 = tpu.memref_slice %arg10[%dma_wait3A_1577, %dma_wait3A_1578] : memref<10240x224xbf16, #tpu.memory_space<vmem_shared>> -> memref<10240x224xbf16, #tpu.memory_space<vmem_shared>>
    tpu.wait_indirect_dma semaphore(%arg15 : memref<!tpu.dma_semaphore, #tpu.memory_space<semaphore_mem>>) src(%arg8 : memref<128x224xbf16, #tpu.memory_space<vmem>>) dst(%dma_wait3A_1579 : memref<10240x224xbf16, #tpu.memory_space<vmem_shared>>)
    %dma_start3A_1580 = arith.constant 19 : i32
    %dma_start3A_1581 = arith.constant 0 : i32
    %dma_start3A_1582 = tpu.memref_slice %arg5[%dma_start3A_1580, %dma_start3A_1581] : memref<26x128xi32, #tpu.memory_space<vmem>> -> memref<1x128xi32, #tpu.memory_space<vmem>>
    %dma_start3A_1583 = tpu.memref_squeeze %dma_start3A_1582 : memref<1x128xi32, #tpu.memory_space<vmem>> -> memref<128xi32, #tpu.memory_space<vmem>>
    %dma_start3A_1584 = arith.constant 0 : i32
    %dma_start3A_1585 = arith.constant 0 : i32
    %dma_start3A_1586 = tpu.memref_slice %arg2[%add3A_944, %dma_start3A_1584, %dma_start3A_1585] : memref<4x10240x224xbf16, #tpu.memory_space<hbm>> -> memref<1x10240x224xbf16, #tpu.memory_space<hbm>>
    %dma_start3A_1587 = tpu.memref_squeeze %dma_start3A_1586 : memref<1x10240x224xbf16, #tpu.memory_space<hbm>> -> memref<10240x224xbf16, #tpu.memory_space<hbm>>
    %dma_start3A_1588 = arith.constant 0 : i32
    %dma_start3A_1589 = arith.constant 0 : i32
    %dma_start3A_1590 = tpu.memref_slice %dma_start3A_1587[%dma_start3A_1588, %dma_start3A_1589] : memref<10240x224xbf16, #tpu.memory_space<hbm>> -> memref<10240x224xbf16, #tpu.memory_space<hbm>>
    tpu.enqueue_indirect_dma source(%dma_start3A_1590 : memref<10240x224xbf16, #tpu.memory_space<hbm>>) target(%arg8 : memref<128x224xbf16, #tpu.memory_space<vmem>>) offsets(%dma_start3A_1583 : memref<128xi32, #tpu.memory_space<vmem>>) semaphore(%arg12 : memref<!tpu.dma_semaphore, #tpu.memory_space<semaphore_mem>>)
    %dma_wait3A_1591 = arith.constant 17 : i32
    %dma_wait3A_1592 = arith.constant 0 : i32
    %dma_wait3A_1593 = tpu.memref_slice %arg5[%dma_wait3A_1591, %dma_wait3A_1592] : memref<26x128xi32, #tpu.memory_space<vmem>> -> memref<1x128xi32, #tpu.memory_space<vmem>>
    %dma_wait3A_1594 = tpu.memref_squeeze %dma_wait3A_1593 : memref<1x128xi32, #tpu.memory_space<vmem>> -> memref<128xi32, #tpu.memory_space<vmem>>
    %dma_wait3A_1595 = arith.constant 0 : i32
    %dma_wait3A_1596 = arith.constant 0 : i32
    %dma_wait3A_1597 = tpu.memref_slice %arg2[%add3A_944, %dma_wait3A_1595, %dma_wait3A_1596] : memref<4x10240x224xbf16, #tpu.memory_space<hbm>> -> memref<1x10240x224xbf16, #tpu.memory_space<hbm>>
    %dma_wait3A_1598 = tpu.memref_squeeze %dma_wait3A_1597 : memref<1x10240x224xbf16, #tpu.memory_space<hbm>> -> memref<10240x224xbf16, #tpu.memory_space<hbm>>
    %dma_wait3A_1599 = arith.constant 0 : i32
    %dma_wait3A_1600 = arith.constant 0 : i32
    %dma_wait3A_1601 = tpu.memref_slice %dma_wait3A_1598[%dma_wait3A_1599, %dma_wait3A_1600] : memref<10240x224xbf16, #tpu.memory_space<hbm>> -> memref<10240x224xbf16, #tpu.memory_space<hbm>>
    tpu.wait_indirect_dma semaphore(%arg13 : memref<!tpu.dma_semaphore, #tpu.memory_space<semaphore_mem>>) src(%dma_wait3A_1601 : memref<10240x224xbf16, #tpu.memory_space<hbm>>) dst(%arg9 : memref<128x224xbf16, #tpu.memory_space<vmem>>)
    %dma_start3A_1602 = arith.constant 17 : i32
    %dma_start3A_1603 = arith.constant 0 : i32
    %dma_start3A_1604 = tpu.memref_slice %arg6[%dma_start3A_1602, %dma_start3A_1603] : memref<26x128xi32, #tpu.memory_space<vmem>> -> memref<1x128xi32, #tpu.memory_space<vmem>>
    %dma_start3A_1605 = tpu.memref_squeeze %dma_start3A_1604 : memref<1x128xi32, #tpu.memory_space<vmem>> -> memref<128xi32, #tpu.memory_space<vmem>>
    %dma_start3A_1606 = arith.constant 0 : i32
    %dma_start3A_1607 = arith.constant 0 : i32
    %dma_start3A_1608 = tpu.memref_slice %arg10[%dma_start3A_1606, %dma_start3A_1607] : memref<10240x224xbf16, #tpu.memory_space<vmem_shared>> -> memref<10240x224xbf16, #tpu.memory_space<vmem_shared>>
    tpu.enqueue_indirect_dma source(%arg9 : memref<128x224xbf16, #tpu.memory_space<vmem>>) target(%dma_start3A_1608 : memref<10240x224xbf16, #tpu.memory_space<vmem_shared>>) offsets(%dma_start3A_1605 : memref<128xi32, #tpu.memory_space<vmem>>) semaphore(%arg16 : memref<!tpu.dma_semaphore, #tpu.memory_space<semaphore_mem>>) {add = true}
    %dma_wait3A_1609 = arith.constant 17 : i32
    %dma_wait3A_1610 = arith.constant 0 : i32
    %dma_wait3A_1611 = tpu.memref_slice %arg6[%dma_wait3A_1609, %dma_wait3A_1610] : memref<26x128xi32, #tpu.memory_space<vmem>> -> memref<1x128xi32, #tpu.memory_space<vmem>>
    %dma_wait3A_1612 = tpu.memref_squeeze %dma_wait3A_1611 : memref<1x128xi32, #tpu.memory_space<vmem>> -> memref<128xi32, #tpu.memory_space<vmem>>
    %dma_wait3A_1613 = arith.constant 0 : i32
    %dma_wait3A_1614 = arith.constant 0 : i32
    %dma_wait3A_1615 = tpu.memref_slice %arg10[%dma_wait3A_1613, %dma_wait3A_1614] : memref<10240x224xbf16, #tpu.memory_space<vmem_shared>> -> memref<10240x224xbf16, #tpu.memory_space<vmem_shared>>
    tpu.wait_indirect_dma semaphore(%arg16 : memref<!tpu.dma_semaphore, #tpu.memory_space<semaphore_mem>>) src(%arg9 : memref<128x224xbf16, #tpu.memory_space<vmem>>) dst(%dma_wait3A_1615 : memref<10240x224xbf16, #tpu.memory_space<vmem_shared>>)
    %dma_start3A_1616 = arith.constant 20 : i32
    %dma_start3A_1617 = arith.constant 0 : i32
    %dma_start3A_1618 = tpu.memref_slice %arg5[%dma_start3A_1616, %dma_start3A_1617] : memref<26x128xi32, #tpu.memory_space<vmem>> -> memref<1x128xi32, #tpu.memory_space<vmem>>
    %dma_start3A_1619 = tpu.memref_squeeze %dma_start3A_1618 : memref<1x128xi32, #tpu.memory_space<vmem>> -> memref<128xi32, #tpu.memory_space<vmem>>
    %dma_start3A_1620 = arith.constant 0 : i32
    %dma_start3A_1621 = arith.constant 0 : i32
    %dma_start3A_1622 = tpu.memref_slice %arg2[%add3A_944, %dma_start3A_1620, %dma_start3A_1621] : memref<4x10240x224xbf16, #tpu.memory_space<hbm>> -> memref<1x10240x224xbf16, #tpu.memory_space<hbm>>
    %dma_start3A_1623 = tpu.memref_squeeze %dma_start3A_1622 : memref<1x10240x224xbf16, #tpu.memory_space<hbm>> -> memref<10240x224xbf16, #tpu.memory_space<hbm>>
    %dma_start3A_1624 = arith.constant 0 : i32
    %dma_start3A_1625 = arith.constant 0 : i32
    %dma_start3A_1626 = tpu.memref_slice %dma_start3A_1623[%dma_start3A_1624, %dma_start3A_1625] : memref<10240x224xbf16, #tpu.memory_space<hbm>> -> memref<10240x224xbf16, #tpu.memory_space<hbm>>
    tpu.enqueue_indirect_dma source(%dma_start3A_1626 : memref<10240x224xbf16, #tpu.memory_space<hbm>>) target(%arg9 : memref<128x224xbf16, #tpu.memory_space<vmem>>) offsets(%dma_start3A_1619 : memref<128xi32, #tpu.memory_space<vmem>>) semaphore(%arg13 : memref<!tpu.dma_semaphore, #tpu.memory_space<semaphore_mem>>)
    %dma_wait3A_1627 = arith.constant 18 : i32
    %dma_wait3A_1628 = arith.constant 0 : i32
    %dma_wait3A_1629 = tpu.memref_slice %arg5[%dma_wait3A_1627, %dma_wait3A_1628] : memref<26x128xi32, #tpu.memory_space<vmem>> -> memref<1x128xi32, #tpu.memory_space<vmem>>
    %dma_wait3A_1630 = tpu.memref_squeeze %dma_wait3A_1629 : memref<1x128xi32, #tpu.memory_space<vmem>> -> memref<128xi32, #tpu.memory_space<vmem>>
    %dma_wait3A_1631 = arith.constant 0 : i32
    %dma_wait3A_1632 = arith.constant 0 : i32
    %dma_wait3A_1633 = tpu.memref_slice %arg2[%add3A_944, %dma_wait3A_1631, %dma_wait3A_1632] : memref<4x10240x224xbf16, #tpu.memory_space<hbm>> -> memref<1x10240x224xbf16, #tpu.memory_space<hbm>>
    %dma_wait3A_1634 = tpu.memref_squeeze %dma_wait3A_1633 : memref<1x10240x224xbf16, #tpu.memory_space<hbm>> -> memref<10240x224xbf16, #tpu.memory_space<hbm>>
    %dma_wait3A_1635 = arith.constant 0 : i32
    %dma_wait3A_1636 = arith.constant 0 : i32
    %dma_wait3A_1637 = tpu.memref_slice %dma_wait3A_1634[%dma_wait3A_1635, %dma_wait3A_1636] : memref<10240x224xbf16, #tpu.memory_space<hbm>> -> memref<10240x224xbf16, #tpu.memory_space<hbm>>
    tpu.wait_indirect_dma semaphore(%arg11 : memref<!tpu.dma_semaphore, #tpu.memory_space<semaphore_mem>>) src(%dma_wait3A_1637 : memref<10240x224xbf16, #tpu.memory_space<hbm>>) dst(%arg7 : memref<128x224xbf16, #tpu.memory_space<vmem>>)
    %dma_start3A_1638 = arith.constant 18 : i32
    %dma_start3A_1639 = arith.constant 0 : i32
    %dma_start3A_1640 = tpu.memref_slice %arg6[%dma_start3A_1638, %dma_start3A_1639] : memref<26x128xi32, #tpu.memory_space<vmem>> -> memref<1x128xi32, #tpu.memory_space<vmem>>
    %dma_start3A_1641 = tpu.memref_squeeze %dma_start3A_1640 : memref<1x128xi32, #tpu.memory_space<vmem>> -> memref<128xi32, #tpu.memory_space<vmem>>
    %dma_start3A_1642 = arith.constant 0 : i32
    %dma_start3A_1643 = arith.constant 0 : i32
    %dma_start3A_1644 = tpu.memref_slice %arg10[%dma_start3A_1642, %dma_start3A_1643] : memref<10240x224xbf16, #tpu.memory_space<vmem_shared>> -> memref<10240x224xbf16, #tpu.memory_space<vmem_shared>>
    tpu.enqueue_indirect_dma source(%arg7 : memref<128x224xbf16, #tpu.memory_space<vmem>>) target(%dma_start3A_1644 : memref<10240x224xbf16, #tpu.memory_space<vmem_shared>>) offsets(%dma_start3A_1641 : memref<128xi32, #tpu.memory_space<vmem>>) semaphore(%arg14 : memref<!tpu.dma_semaphore, #tpu.memory_space<semaphore_mem>>) {add = true}
    %dma_wait3A_1645 = arith.constant 18 : i32
    %dma_wait3A_1646 = arith.constant 0 : i32
    %dma_wait3A_1647 = tpu.memref_slice %arg6[%dma_wait3A_1645, %dma_wait3A_1646] : memref<26x128xi32, #tpu.memory_space<vmem>> -> memref<1x128xi32, #tpu.memory_space<vmem>>
    %dma_wait3A_1648 = tpu.memref_squeeze %dma_wait3A_1647 : memref<1x128xi32, #tpu.memory_space<vmem>> -> memref<128xi32, #tpu.memory_space<vmem>>
    %dma_wait3A_1649 = arith.constant 0 : i32
    %dma_wait3A_1650 = arith.constant 0 : i32
    %dma_wait3A_1651 = tpu.memref_slice %arg10[%dma_wait3A_1649, %dma_wait3A_1650] : memref<10240x224xbf16, #tpu.memory_space<vmem_shared>> -> memref<10240x224xbf16, #tpu.memory_space<vmem_shared>>
    tpu.wait_indirect_dma semaphore(%arg14 : memref<!tpu.dma_semaphore, #tpu.memory_space<semaphore_mem>>) src(%arg7 : memref<128x224xbf16, #tpu.memory_space<vmem>>) dst(%dma_wait3A_1651 : memref<10240x224xbf16, #tpu.memory_space<vmem_shared>>)
    %dma_start3A_1652 = arith.constant 21 : i32
    %dma_start3A_1653 = arith.constant 0 : i32
    %dma_start3A_1654 = tpu.memref_slice %arg5[%dma_start3A_1652, %dma_start3A_1653] : memref<26x128xi32, #tpu.memory_space<vmem>> -> memref<1x128xi32, #tpu.memory_space<vmem>>
    %dma_start3A_1655 = tpu.memref_squeeze %dma_start3A_1654 : memref<1x128xi32, #tpu.memory_space<vmem>> -> memref<128xi32, #tpu.memory_space<vmem>>
    %dma_start3A_1656 = arith.constant 0 : i32
    %dma_start3A_1657 = arith.constant 0 : i32
    %dma_start3A_1658 = tpu.memref_slice %arg2[%add3A_944, %dma_start3A_1656, %dma_start3A_1657] : memref<4x10240x224xbf16, #tpu.memory_space<hbm>> -> memref<1x10240x224xbf16, #tpu.memory_space<hbm>>
    %dma_start3A_1659 = tpu.memref_squeeze %dma_start3A_1658 : memref<1x10240x224xbf16, #tpu.memory_space<hbm>> -> memref<10240x224xbf16, #tpu.memory_space<hbm>>
    %dma_start3A_1660 = arith.constant 0 : i32
    %dma_start3A_1661 = arith.constant 0 : i32
    %dma_start3A_1662 = tpu.memref_slice %dma_start3A_1659[%dma_start3A_1660, %dma_start3A_1661] : memref<10240x224xbf16, #tpu.memory_space<hbm>> -> memref<10240x224xbf16, #tpu.memory_space<hbm>>
    tpu.enqueue_indirect_dma source(%dma_start3A_1662 : memref<10240x224xbf16, #tpu.memory_space<hbm>>) target(%arg7 : memref<128x224xbf16, #tpu.memory_space<vmem>>) offsets(%dma_start3A_1655 : memref<128xi32, #tpu.memory_space<vmem>>) semaphore(%arg11 : memref<!tpu.dma_semaphore, #tpu.memory_space<semaphore_mem>>)
    %dma_wait3A_1663 = arith.constant 19 : i32
    %dma_wait3A_1664 = arith.constant 0 : i32
    %dma_wait3A_1665 = tpu.memref_slice %arg5[%dma_wait3A_1663, %dma_wait3A_1664] : memref<26x128xi32, #tpu.memory_space<vmem>> -> memref<1x128xi32, #tpu.memory_space<vmem>>
    %dma_wait3A_1666 = tpu.memref_squeeze %dma_wait3A_1665 : memref<1x128xi32, #tpu.memory_space<vmem>> -> memref<128xi32, #tpu.memory_space<vmem>>
    %dma_wait3A_1667 = arith.constant 0 : i32
    %dma_wait3A_1668 = arith.constant 0 : i32
    %dma_wait3A_1669 = tpu.memref_slice %arg2[%add3A_944, %dma_wait3A_1667, %dma_wait3A_1668] : memref<4x10240x224xbf16, #tpu.memory_space<hbm>> -> memref<1x10240x224xbf16, #tpu.memory_space<hbm>>
    %dma_wait3A_1670 = tpu.memref_squeeze %dma_wait3A_1669 : memref<1x10240x224xbf16, #tpu.memory_space<hbm>> -> memref<10240x224xbf16, #tpu.memory_space<hbm>>
    %dma_wait3A_1671 = arith.constant 0 : i32
    %dma_wait3A_1672 = arith.constant 0 : i32
    %dma_wait3A_1673 = tpu.memref_slice %dma_wait3A_1670[%dma_wait3A_1671, %dma_wait3A_1672] : memref<10240x224xbf16, #tpu.memory_space<hbm>> -> memref<10240x224xbf16, #tpu.memory_space<hbm>>
    tpu.wait_indirect_dma semaphore(%arg12 : memref<!tpu.dma_semaphore, #tpu.memory_space<semaphore_mem>>) src(%dma_wait3A_1673 : memref<10240x224xbf16, #tpu.memory_space<hbm>>) dst(%arg8 : memref<128x224xbf16, #tpu.memory_space<vmem>>)
    %dma_start3A_1674 = arith.constant 19 : i32
    %dma_start3A_1675 = arith.constant 0 : i32
    %dma_start3A_1676 = tpu.memref_slice %arg6[%dma_start3A_1674, %dma_start3A_1675] : memref<26x128xi32, #tpu.memory_space<vmem>> -> memref<1x128xi32, #tpu.memory_space<vmem>>
    %dma_start3A_1677 = tpu.memref_squeeze %dma_start3A_1676 : memref<1x128xi32, #tpu.memory_space<vmem>> -> memref<128xi32, #tpu.memory_space<vmem>>
    %dma_start3A_1678 = arith.constant 0 : i32
    %dma_start3A_1679 = arith.constant 0 : i32
    %dma_start3A_1680 = tpu.memref_slice %arg10[%dma_start3A_1678, %dma_start3A_1679] : memref<10240x224xbf16, #tpu.memory_space<vmem_shared>> -> memref<10240x224xbf16, #tpu.memory_space<vmem_shared>>
    tpu.enqueue_indirect_dma source(%arg8 : memref<128x224xbf16, #tpu.memory_space<vmem>>) target(%dma_start3A_1680 : memref<10240x224xbf16, #tpu.memory_space<vmem_shared>>) offsets(%dma_start3A_1677 : memref<128xi32, #tpu.memory_space<vmem>>) semaphore(%arg15 : memref<!tpu.dma_semaphore, #tpu.memory_space<semaphore_mem>>) {add = true}
    %dma_wait3A_1681 = arith.constant 19 : i32
    %dma_wait3A_1682 = arith.constant 0 : i32
    %dma_wait3A_1683 = tpu.memref_slice %arg6[%dma_wait3A_1681, %dma_wait3A_1682] : memref<26x128xi32, #tpu.memory_space<vmem>> -> memref<1x128xi32, #tpu.memory_space<vmem>>
    %dma_wait3A_1684 = tpu.memref_squeeze %dma_wait3A_1683 : memref<1x128xi32, #tpu.memory_space<vmem>> -> memref<128xi32, #tpu.memory_space<vmem>>
    %dma_wait3A_1685 = arith.constant 0 : i32
    %dma_wait3A_1686 = arith.constant 0 : i32
    %dma_wait3A_1687 = tpu.memref_slice %arg10[%dma_wait3A_1685, %dma_wait3A_1686] : memref<10240x224xbf16, #tpu.memory_space<vmem_shared>> -> memref<10240x224xbf16, #tpu.memory_space<vmem_shared>>
    tpu.wait_indirect_dma semaphore(%arg15 : memref<!tpu.dma_semaphore, #tpu.memory_space<semaphore_mem>>) src(%arg8 : memref<128x224xbf16, #tpu.memory_space<vmem>>) dst(%dma_wait3A_1687 : memref<10240x224xbf16, #tpu.memory_space<vmem_shared>>)
    %dma_start3A_1688 = arith.constant 22 : i32
    %dma_start3A_1689 = arith.constant 0 : i32
    %dma_start3A_1690 = tpu.memref_slice %arg5[%dma_start3A_1688, %dma_start3A_1689] : memref<26x128xi32, #tpu.memory_space<vmem>> -> memref<1x128xi32, #tpu.memory_space<vmem>>
    %dma_start3A_1691 = tpu.memref_squeeze %dma_start3A_1690 : memref<1x128xi32, #tpu.memory_space<vmem>> -> memref<128xi32, #tpu.memory_space<vmem>>
    %dma_start3A_1692 = arith.constant 0 : i32
    %dma_start3A_1693 = arith.constant 0 : i32
    %dma_start3A_1694 = tpu.memref_slice %arg2[%add3A_944, %dma_start3A_1692, %dma_start3A_1693] : memref<4x10240x224xbf16, #tpu.memory_space<hbm>> -> memref<1x10240x224xbf16, #tpu.memory_space<hbm>>
    %dma_start3A_1695 = tpu.memref_squeeze %dma_start3A_1694 : memref<1x10240x224xbf16, #tpu.memory_space<hbm>> -> memref<10240x224xbf16, #tpu.memory_space<hbm>>
    %dma_start3A_1696 = arith.constant 0 : i32
    %dma_start3A_1697 = arith.constant 0 : i32
    %dma_start3A_1698 = tpu.memref_slice %dma_start3A_1695[%dma_start3A_1696, %dma_start3A_1697] : memref<10240x224xbf16, #tpu.memory_space<hbm>> -> memref<10240x224xbf16, #tpu.memory_space<hbm>>
    tpu.enqueue_indirect_dma source(%dma_start3A_1698 : memref<10240x224xbf16, #tpu.memory_space<hbm>>) target(%arg8 : memref<128x224xbf16, #tpu.memory_space<vmem>>) offsets(%dma_start3A_1691 : memref<128xi32, #tpu.memory_space<vmem>>) semaphore(%arg12 : memref<!tpu.dma_semaphore, #tpu.memory_space<semaphore_mem>>)
    %dma_wait3A_1699 = arith.constant 20 : i32
    %dma_wait3A_1700 = arith.constant 0 : i32
    %dma_wait3A_1701 = tpu.memref_slice %arg5[%dma_wait3A_1699, %dma_wait3A_1700] : memref<26x128xi32, #tpu.memory_space<vmem>> -> memref<1x128xi32, #tpu.memory_space<vmem>>
    %dma_wait3A_1702 = tpu.memref_squeeze %dma_wait3A_1701 : memref<1x128xi32, #tpu.memory_space<vmem>> -> memref<128xi32, #tpu.memory_space<vmem>>
    %dma_wait3A_1703 = arith.constant 0 : i32
    %dma_wait3A_1704 = arith.constant 0 : i32
    %dma_wait3A_1705 = tpu.memref_slice %arg2[%add3A_944, %dma_wait3A_1703, %dma_wait3A_1704] : memref<4x10240x224xbf16, #tpu.memory_space<hbm>> -> memref<1x10240x224xbf16, #tpu.memory_space<hbm>>
    %dma_wait3A_1706 = tpu.memref_squeeze %dma_wait3A_1705 : memref<1x10240x224xbf16, #tpu.memory_space<hbm>> -> memref<10240x224xbf16, #tpu.memory_space<hbm>>
    %dma_wait3A_1707 = arith.constant 0 : i32
    %dma_wait3A_1708 = arith.constant 0 : i32
    %dma_wait3A_1709 = tpu.memref_slice %dma_wait3A_1706[%dma_wait3A_1707, %dma_wait3A_1708] : memref<10240x224xbf16, #tpu.memory_space<hbm>> -> memref<10240x224xbf16, #tpu.memory_space<hbm>>
    tpu.wait_indirect_dma semaphore(%arg13 : memref<!tpu.dma_semaphore, #tpu.memory_space<semaphore_mem>>) src(%dma_wait3A_1709 : memref<10240x224xbf16, #tpu.memory_space<hbm>>) dst(%arg9 : memref<128x224xbf16, #tpu.memory_space<vmem>>)
    %dma_start3A_1710 = arith.constant 20 : i32
    %dma_start3A_1711 = arith.constant 0 : i32
    %dma_start3A_1712 = tpu.memref_slice %arg6[%dma_start3A_1710, %dma_start3A_1711] : memref<26x128xi32, #tpu.memory_space<vmem>> -> memref<1x128xi32, #tpu.memory_space<vmem>>
    %dma_start3A_1713 = tpu.memref_squeeze %dma_start3A_1712 : memref<1x128xi32, #tpu.memory_space<vmem>> -> memref<128xi32, #tpu.memory_space<vmem>>
    %dma_start3A_1714 = arith.constant 0 : i32
    %dma_start3A_1715 = arith.constant 0 : i32
    %dma_start3A_1716 = tpu.memref_slice %arg10[%dma_start3A_1714, %dma_start3A_1715] : memref<10240x224xbf16, #tpu.memory_space<vmem_shared>> -> memref<10240x224xbf16, #tpu.memory_space<vmem_shared>>
    tpu.enqueue_indirect_dma source(%arg9 : memref<128x224xbf16, #tpu.memory_space<vmem>>) target(%dma_start3A_1716 : memref<10240x224xbf16, #tpu.memory_space<vmem_shared>>) offsets(%dma_start3A_1713 : memref<128xi32, #tpu.memory_space<vmem>>) semaphore(%arg16 : memref<!tpu.dma_semaphore, #tpu.memory_space<semaphore_mem>>) {add = true}
    %dma_wait3A_1717 = arith.constant 20 : i32
    %dma_wait3A_1718 = arith.constant 0 : i32
    %dma_wait3A_1719 = tpu.memref_slice %arg6[%dma_wait3A_1717, %dma_wait3A_1718] : memref<26x128xi32, #tpu.memory_space<vmem>> -> memref<1x128xi32, #tpu.memory_space<vmem>>
    %dma_wait3A_1720 = tpu.memref_squeeze %dma_wait3A_1719 : memref<1x128xi32, #tpu.memory_space<vmem>> -> memref<128xi32, #tpu.memory_space<vmem>>
    %dma_wait3A_1721 = arith.constant 0 : i32
    %dma_wait3A_1722 = arith.constant 0 : i32
    %dma_wait3A_1723 = tpu.memref_slice %arg10[%dma_wait3A_1721, %dma_wait3A_1722] : memref<10240x224xbf16, #tpu.memory_space<vmem_shared>> -> memref<10240x224xbf16, #tpu.memory_space<vmem_shared>>
    tpu.wait_indirect_dma semaphore(%arg16 : memref<!tpu.dma_semaphore, #tpu.memory_space<semaphore_mem>>) src(%arg9 : memref<128x224xbf16, #tpu.memory_space<vmem>>) dst(%dma_wait3A_1723 : memref<10240x224xbf16, #tpu.memory_space<vmem_shared>>)
    %dma_start3A_1724 = arith.constant 23 : i32
    %dma_start3A_1725 = arith.constant 0 : i32
    %dma_start3A_1726 = tpu.memref_slice %arg5[%dma_start3A_1724, %dma_start3A_1725] : memref<26x128xi32, #tpu.memory_space<vmem>> -> memref<1x128xi32, #tpu.memory_space<vmem>>
    %dma_start3A_1727 = tpu.memref_squeeze %dma_start3A_1726 : memref<1x128xi32, #tpu.memory_space<vmem>> -> memref<128xi32, #tpu.memory_space<vmem>>
    %dma_start3A_1728 = arith.constant 0 : i32
    %dma_start3A_1729 = arith.constant 0 : i32
    %dma_start3A_1730 = tpu.memref_slice %arg2[%add3A_944, %dma_start3A_1728, %dma_start3A_1729] : memref<4x10240x224xbf16, #tpu.memory_space<hbm>> -> memref<1x10240x224xbf16, #tpu.memory_space<hbm>>
    %dma_start3A_1731 = tpu.memref_squeeze %dma_start3A_1730 : memref<1x10240x224xbf16, #tpu.memory_space<hbm>> -> memref<10240x224xbf16, #tpu.memory_space<hbm>>
    %dma_start3A_1732 = arith.constant 0 : i32
    %dma_start3A_1733 = arith.constant 0 : i32
    %dma_start3A_1734 = tpu.memref_slice %dma_start3A_1731[%dma_start3A_1732, %dma_start3A_1733] : memref<10240x224xbf16, #tpu.memory_space<hbm>> -> memref<10240x224xbf16, #tpu.memory_space<hbm>>
    tpu.enqueue_indirect_dma source(%dma_start3A_1734 : memref<10240x224xbf16, #tpu.memory_space<hbm>>) target(%arg9 : memref<128x224xbf16, #tpu.memory_space<vmem>>) offsets(%dma_start3A_1727 : memref<128xi32, #tpu.memory_space<vmem>>) semaphore(%arg13 : memref<!tpu.dma_semaphore, #tpu.memory_space<semaphore_mem>>)
    %dma_wait3A_1735 = arith.constant 21 : i32
    %dma_wait3A_1736 = arith.constant 0 : i32
    %dma_wait3A_1737 = tpu.memref_slice %arg5[%dma_wait3A_1735, %dma_wait3A_1736] : memref<26x128xi32, #tpu.memory_space<vmem>> -> memref<1x128xi32, #tpu.memory_space<vmem>>
    %dma_wait3A_1738 = tpu.memref_squeeze %dma_wait3A_1737 : memref<1x128xi32, #tpu.memory_space<vmem>> -> memref<128xi32, #tpu.memory_space<vmem>>
    %dma_wait3A_1739 = arith.constant 0 : i32
    %dma_wait3A_1740 = arith.constant 0 : i32
    %dma_wait3A_1741 = tpu.memref_slice %arg2[%add3A_944, %dma_wait3A_1739, %dma_wait3A_1740] : memref<4x10240x224xbf16, #tpu.memory_space<hbm>> -> memref<1x10240x224xbf16, #tpu.memory_space<hbm>>
    %dma_wait3A_1742 = tpu.memref_squeeze %dma_wait3A_1741 : memref<1x10240x224xbf16, #tpu.memory_space<hbm>> -> memref<10240x224xbf16, #tpu.memory_space<hbm>>
    %dma_wait3A_1743 = arith.constant 0 : i32
    %dma_wait3A_1744 = arith.constant 0 : i32
    %dma_wait3A_1745 = tpu.memref_slice %dma_wait3A_1742[%dma_wait3A_1743, %dma_wait3A_1744] : memref<10240x224xbf16, #tpu.memory_space<hbm>> -> memref<10240x224xbf16, #tpu.memory_space<hbm>>
    tpu.wait_indirect_dma semaphore(%arg11 : memref<!tpu.dma_semaphore, #tpu.memory_space<semaphore_mem>>) src(%dma_wait3A_1745 : memref<10240x224xbf16, #tpu.memory_space<hbm>>) dst(%arg7 : memref<128x224xbf16, #tpu.memory_space<vmem>>)
    %dma_start3A_1746 = arith.constant 21 : i32
    %dma_start3A_1747 = arith.constant 0 : i32
    %dma_start3A_1748 = tpu.memref_slice %arg6[%dma_start3A_1746, %dma_start3A_1747] : memref<26x128xi32, #tpu.memory_space<vmem>> -> memref<1x128xi32, #tpu.memory_space<vmem>>
    %dma_start3A_1749 = tpu.memref_squeeze %dma_start3A_1748 : memref<1x128xi32, #tpu.memory_space<vmem>> -> memref<128xi32, #tpu.memory_space<vmem>>
    %dma_start3A_1750 = arith.constant 0 : i32
    %dma_start3A_1751 = arith.constant 0 : i32
    %dma_start3A_1752 = tpu.memref_slice %arg10[%dma_start3A_1750, %dma_start3A_1751] : memref<10240x224xbf16, #tpu.memory_space<vmem_shared>> -> memref<10240x224xbf16, #tpu.memory_space<vmem_shared>>
    tpu.enqueue_indirect_dma source(%arg7 : memref<128x224xbf16, #tpu.memory_space<vmem>>) target(%dma_start3A_1752 : memref<10240x224xbf16, #tpu.memory_space<vmem_shared>>) offsets(%dma_start3A_1749 : memref<128xi32, #tpu.memory_space<vmem>>) semaphore(%arg14 : memref<!tpu.dma_semaphore, #tpu.memory_space<semaphore_mem>>) {add = true}
    %dma_wait3A_1753 = arith.constant 21 : i32
    %dma_wait3A_1754 = arith.constant 0 : i32
    %dma_wait3A_1755 = tpu.memref_slice %arg6[%dma_wait3A_1753, %dma_wait3A_1754] : memref<26x128xi32, #tpu.memory_space<vmem>> -> memref<1x128xi32, #tpu.memory_space<vmem>>
    %dma_wait3A_1756 = tpu.memref_squeeze %dma_wait3A_1755 : memref<1x128xi32, #tpu.memory_space<vmem>> -> memref<128xi32, #tpu.memory_space<vmem>>
    %dma_wait3A_1757 = arith.constant 0 : i32
    %dma_wait3A_1758 = arith.constant 0 : i32
    %dma_wait3A_1759 = tpu.memref_slice %arg10[%dma_wait3A_1757, %dma_wait3A_1758] : memref<10240x224xbf16, #tpu.memory_space<vmem_shared>> -> memref<10240x224xbf16, #tpu.memory_space<vmem_shared>>
    tpu.wait_indirect_dma semaphore(%arg14 : memref<!tpu.dma_semaphore, #tpu.memory_space<semaphore_mem>>) src(%arg7 : memref<128x224xbf16, #tpu.memory_space<vmem>>) dst(%dma_wait3A_1759 : memref<10240x224xbf16, #tpu.memory_space<vmem_shared>>)
    %dma_start3A_1760 = arith.constant 24 : i32
    %dma_start3A_1761 = arith.constant 0 : i32
    %dma_start3A_1762 = tpu.memref_slice %arg5[%dma_start3A_1760, %dma_start3A_1761] : memref<26x128xi32, #tpu.memory_space<vmem>> -> memref<1x128xi32, #tpu.memory_space<vmem>>
    %dma_start3A_1763 = tpu.memref_squeeze %dma_start3A_1762 : memref<1x128xi32, #tpu.memory_space<vmem>> -> memref<128xi32, #tpu.memory_space<vmem>>
    %dma_start3A_1764 = arith.constant 0 : i32
    %dma_start3A_1765 = arith.constant 0 : i32
    %dma_start3A_1766 = tpu.memref_slice %arg2[%add3A_944, %dma_start3A_1764, %dma_start3A_1765] : memref<4x10240x224xbf16, #tpu.memory_space<hbm>> -> memref<1x10240x224xbf16, #tpu.memory_space<hbm>>
    %dma_start3A_1767 = tpu.memref_squeeze %dma_start3A_1766 : memref<1x10240x224xbf16, #tpu.memory_space<hbm>> -> memref<10240x224xbf16, #tpu.memory_space<hbm>>
    %dma_start3A_1768 = arith.constant 0 : i32
    %dma_start3A_1769 = arith.constant 0 : i32
    %dma_start3A_1770 = tpu.memref_slice %dma_start3A_1767[%dma_start3A_1768, %dma_start3A_1769] : memref<10240x224xbf16, #tpu.memory_space<hbm>> -> memref<10240x224xbf16, #tpu.memory_space<hbm>>
    tpu.enqueue_indirect_dma source(%dma_start3A_1770 : memref<10240x224xbf16, #tpu.memory_space<hbm>>) target(%arg7 : memref<128x224xbf16, #tpu.memory_space<vmem>>) offsets(%dma_start3A_1763 : memref<128xi32, #tpu.memory_space<vmem>>) semaphore(%arg11 : memref<!tpu.dma_semaphore, #tpu.memory_space<semaphore_mem>>)
    %dma_wait3A_1771 = arith.constant 22 : i32
    %dma_wait3A_1772 = arith.constant 0 : i32
    %dma_wait3A_1773 = tpu.memref_slice %arg5[%dma_wait3A_1771, %dma_wait3A_1772] : memref<26x128xi32, #tpu.memory_space<vmem>> -> memref<1x128xi32, #tpu.memory_space<vmem>>
    %dma_wait3A_1774 = tpu.memref_squeeze %dma_wait3A_1773 : memref<1x128xi32, #tpu.memory_space<vmem>> -> memref<128xi32, #tpu.memory_space<vmem>>
    %dma_wait3A_1775 = arith.constant 0 : i32
    %dma_wait3A_1776 = arith.constant 0 : i32
    %dma_wait3A_1777 = tpu.memref_slice %arg2[%add3A_944, %dma_wait3A_1775, %dma_wait3A_1776] : memref<4x10240x224xbf16, #tpu.memory_space<hbm>> -> memref<1x10240x224xbf16, #tpu.memory_space<hbm>>
    %dma_wait3A_1778 = tpu.memref_squeeze %dma_wait3A_1777 : memref<1x10240x224xbf16, #tpu.memory_space<hbm>> -> memref<10240x224xbf16, #tpu.memory_space<hbm>>
    %dma_wait3A_1779 = arith.constant 0 : i32
    %dma_wait3A_1780 = arith.constant 0 : i32
    %dma_wait3A_1781 = tpu.memref_slice %dma_wait3A_1778[%dma_wait3A_1779, %dma_wait3A_1780] : memref<10240x224xbf16, #tpu.memory_space<hbm>> -> memref<10240x224xbf16, #tpu.memory_space<hbm>>
    tpu.wait_indirect_dma semaphore(%arg12 : memref<!tpu.dma_semaphore, #tpu.memory_space<semaphore_mem>>) src(%dma_wait3A_1781 : memref<10240x224xbf16, #tpu.memory_space<hbm>>) dst(%arg8 : memref<128x224xbf16, #tpu.memory_space<vmem>>)
    %dma_start3A_1782 = arith.constant 22 : i32
    %dma_start3A_1783 = arith.constant 0 : i32
    %dma_start3A_1784 = tpu.memref_slice %arg6[%dma_start3A_1782, %dma_start3A_1783] : memref<26x128xi32, #tpu.memory_space<vmem>> -> memref<1x128xi32, #tpu.memory_space<vmem>>
    %dma_start3A_1785 = tpu.memref_squeeze %dma_start3A_1784 : memref<1x128xi32, #tpu.memory_space<vmem>> -> memref<128xi32, #tpu.memory_space<vmem>>
    %dma_start3A_1786 = arith.constant 0 : i32
    %dma_start3A_1787 = arith.constant 0 : i32
    %dma_start3A_1788 = tpu.memref_slice %arg10[%dma_start3A_1786, %dma_start3A_1787] : memref<10240x224xbf16, #tpu.memory_space<vmem_shared>> -> memref<10240x224xbf16, #tpu.memory_space<vmem_shared>>
    tpu.enqueue_indirect_dma source(%arg8 : memref<128x224xbf16, #tpu.memory_space<vmem>>) target(%dma_start3A_1788 : memref<10240x224xbf16, #tpu.memory_space<vmem_shared>>) offsets(%dma_start3A_1785 : memref<128xi32, #tpu.memory_space<vmem>>) semaphore(%arg15 : memref<!tpu.dma_semaphore, #tpu.memory_space<semaphore_mem>>) {add = true}
    %dma_wait3A_1789 = arith.constant 22 : i32
    %dma_wait3A_1790 = arith.constant 0 : i32
    %dma_wait3A_1791 = tpu.memref_slice %arg6[%dma_wait3A_1789, %dma_wait3A_1790] : memref<26x128xi32, #tpu.memory_space<vmem>> -> memref<1x128xi32, #tpu.memory_space<vmem>>
    %dma_wait3A_1792 = tpu.memref_squeeze %dma_wait3A_1791 : memref<1x128xi32, #tpu.memory_space<vmem>> -> memref<128xi32, #tpu.memory_space<vmem>>
    %dma_wait3A_1793 = arith.constant 0 : i32
    %dma_wait3A_1794 = arith.constant 0 : i32
    %dma_wait3A_1795 = tpu.memref_slice %arg10[%dma_wait3A_1793, %dma_wait3A_1794] : memref<10240x224xbf16, #tpu.memory_space<vmem_shared>> -> memref<10240x224xbf16, #tpu.memory_space<vmem_shared>>
    tpu.wait_indirect_dma semaphore(%arg15 : memref<!tpu.dma_semaphore, #tpu.memory_space<semaphore_mem>>) src(%arg8 : memref<128x224xbf16, #tpu.memory_space<vmem>>) dst(%dma_wait3A_1795 : memref<10240x224xbf16, #tpu.memory_space<vmem_shared>>)
    %dma_start3A_1796 = arith.constant 25 : i32
    %dma_start3A_1797 = arith.constant 0 : i32
    %dma_start3A_1798 = tpu.memref_slice %arg5[%dma_start3A_1796, %dma_start3A_1797] : memref<26x128xi32, #tpu.memory_space<vmem>> -> memref<1x128xi32, #tpu.memory_space<vmem>>
    %dma_start3A_1799 = tpu.memref_squeeze %dma_start3A_1798 : memref<1x128xi32, #tpu.memory_space<vmem>> -> memref<128xi32, #tpu.memory_space<vmem>>
    %dma_start3A_1800 = arith.constant 0 : i32
    %dma_start3A_1801 = arith.constant 0 : i32
    %dma_start3A_1802 = tpu.memref_slice %arg2[%add3A_944, %dma_start3A_1800, %dma_start3A_1801] : memref<4x10240x224xbf16, #tpu.memory_space<hbm>> -> memref<1x10240x224xbf16, #tpu.memory_space<hbm>>
    %dma_start3A_1803 = tpu.memref_squeeze %dma_start3A_1802 : memref<1x10240x224xbf16, #tpu.memory_space<hbm>> -> memref<10240x224xbf16, #tpu.memory_space<hbm>>
    %dma_start3A_1804 = arith.constant 0 : i32
    %dma_start3A_1805 = arith.constant 0 : i32
    %dma_start3A_1806 = tpu.memref_slice %dma_start3A_1803[%dma_start3A_1804, %dma_start3A_1805] : memref<10240x224xbf16, #tpu.memory_space<hbm>> -> memref<10240x224xbf16, #tpu.memory_space<hbm>>
    tpu.enqueue_indirect_dma source(%dma_start3A_1806 : memref<10240x224xbf16, #tpu.memory_space<hbm>>) target(%arg8 : memref<128x224xbf16, #tpu.memory_space<vmem>>) offsets(%dma_start3A_1799 : memref<128xi32, #tpu.memory_space<vmem>>) semaphore(%arg12 : memref<!tpu.dma_semaphore, #tpu.memory_space<semaphore_mem>>)
    %dma_wait3A_1807 = arith.constant 23 : i32
    %dma_wait3A_1808 = arith.constant 0 : i32
    %dma_wait3A_1809 = tpu.memref_slice %arg5[%dma_wait3A_1807, %dma_wait3A_1808] : memref<26x128xi32, #tpu.memory_space<vmem>> -> memref<1x128xi32, #tpu.memory_space<vmem>>
    %dma_wait3A_1810 = tpu.memref_squeeze %dma_wait3A_1809 : memref<1x128xi32, #tpu.memory_space<vmem>> -> memref<128xi32, #tpu.memory_space<vmem>>
    %dma_wait3A_1811 = arith.constant 0 : i32
    %dma_wait3A_1812 = arith.constant 0 : i32
    %dma_wait3A_1813 = tpu.memref_slice %arg2[%add3A_944, %dma_wait3A_1811, %dma_wait3A_1812] : memref<4x10240x224xbf16, #tpu.memory_space<hbm>> -> memref<1x10240x224xbf16, #tpu.memory_space<hbm>>
    %dma_wait3A_1814 = tpu.memref_squeeze %dma_wait3A_1813 : memref<1x10240x224xbf16, #tpu.memory_space<hbm>> -> memref<10240x224xbf16, #tpu.memory_space<hbm>>
    %dma_wait3A_1815 = arith.constant 0 : i32
    %dma_wait3A_1816 = arith.constant 0 : i32
    %dma_wait3A_1817 = tpu.memref_slice %dma_wait3A_1814[%dma_wait3A_1815, %dma_wait3A_1816] : memref<10240x224xbf16, #tpu.memory_space<hbm>> -> memref<10240x224xbf16, #tpu.memory_space<hbm>>
    tpu.wait_indirect_dma semaphore(%arg13 : memref<!tpu.dma_semaphore, #tpu.memory_space<semaphore_mem>>) src(%dma_wait3A_1817 : memref<10240x224xbf16, #tpu.memory_space<hbm>>) dst(%arg9 : memref<128x224xbf16, #tpu.memory_space<vmem>>)
    %dma_start3A_1818 = arith.constant 23 : i32
    %dma_start3A_1819 = arith.constant 0 : i32
    %dma_start3A_1820 = tpu.memref_slice %arg6[%dma_start3A_1818, %dma_start3A_1819] : memref<26x128xi32, #tpu.memory_space<vmem>> -> memref<1x128xi32, #tpu.memory_space<vmem>>
    %dma_start3A_1821 = tpu.memref_squeeze %dma_start3A_1820 : memref<1x128xi32, #tpu.memory_space<vmem>> -> memref<128xi32, #tpu.memory_space<vmem>>
    %dma_start3A_1822 = arith.constant 0 : i32
    %dma_start3A_1823 = arith.constant 0 : i32
    %dma_start3A_1824 = tpu.memref_slice %arg10[%dma_start3A_1822, %dma_start3A_1823] : memref<10240x224xbf16, #tpu.memory_space<vmem_shared>> -> memref<10240x224xbf16, #tpu.memory_space<vmem_shared>>
    tpu.enqueue_indirect_dma source(%arg9 : memref<128x224xbf16, #tpu.memory_space<vmem>>) target(%dma_start3A_1824 : memref<10240x224xbf16, #tpu.memory_space<vmem_shared>>) offsets(%dma_start3A_1821 : memref<128xi32, #tpu.memory_space<vmem>>) semaphore(%arg16 : memref<!tpu.dma_semaphore, #tpu.memory_space<semaphore_mem>>) {add = true}
    %dma_wait3A_1825 = arith.constant 24 : i32
    %dma_wait3A_1826 = arith.constant 0 : i32
    %dma_wait3A_1827 = tpu.memref_slice %arg5[%dma_wait3A_1825, %dma_wait3A_1826] : memref<26x128xi32, #tpu.memory_space<vmem>> -> memref<1x128xi32, #tpu.memory_space<vmem>>
    %dma_wait3A_1828 = tpu.memref_squeeze %dma_wait3A_1827 : memref<1x128xi32, #tpu.memory_space<vmem>> -> memref<128xi32, #tpu.memory_space<vmem>>
    %dma_wait3A_1829 = arith.constant 0 : i32
    %dma_wait3A_1830 = arith.constant 0 : i32
    %dma_wait3A_1831 = tpu.memref_slice %arg2[%add3A_944, %dma_wait3A_1829, %dma_wait3A_1830] : memref<4x10240x224xbf16, #tpu.memory_space<hbm>> -> memref<1x10240x224xbf16, #tpu.memory_space<hbm>>
    %dma_wait3A_1832 = tpu.memref_squeeze %dma_wait3A_1831 : memref<1x10240x224xbf16, #tpu.memory_space<hbm>> -> memref<10240x224xbf16, #tpu.memory_space<hbm>>
    %dma_wait3A_1833 = arith.constant 0 : i32
    %dma_wait3A_1834 = arith.constant 0 : i32
    %dma_wait3A_1835 = tpu.memref_slice %dma_wait3A_1832[%dma_wait3A_1833, %dma_wait3A_1834] : memref<10240x224xbf16, #tpu.memory_space<hbm>> -> memref<10240x224xbf16, #tpu.memory_space<hbm>>
    tpu.wait_indirect_dma semaphore(%arg11 : memref<!tpu.dma_semaphore, #tpu.memory_space<semaphore_mem>>) src(%dma_wait3A_1835 : memref<10240x224xbf16, #tpu.memory_space<hbm>>) dst(%arg7 : memref<128x224xbf16, #tpu.memory_space<vmem>>)
    %dma_start3A_1836 = arith.constant 24 : i32
    %dma_start3A_1837 = arith.constant 0 : i32
    %dma_start3A_1838 = tpu.memref_slice %arg6[%dma_start3A_1836, %dma_start3A_1837] : memref<26x128xi32, #tpu.memory_space<vmem>> -> memref<1x128xi32, #tpu.memory_space<vmem>>
    %dma_start3A_1839 = tpu.memref_squeeze %dma_start3A_1838 : memref<1x128xi32, #tpu.memory_space<vmem>> -> memref<128xi32, #tpu.memory_space<vmem>>
    %dma_start3A_1840 = arith.constant 0 : i32
    %dma_start3A_1841 = arith.constant 0 : i32
    %dma_start3A_1842 = tpu.memref_slice %arg10[%dma_start3A_1840, %dma_start3A_1841] : memref<10240x224xbf16, #tpu.memory_space<vmem_shared>> -> memref<10240x224xbf16, #tpu.memory_space<vmem_shared>>
    tpu.enqueue_indirect_dma source(%arg7 : memref<128x224xbf16, #tpu.memory_space<vmem>>) target(%dma_start3A_1842 : memref<10240x224xbf16, #tpu.memory_space<vmem_shared>>) offsets(%dma_start3A_1839 : memref<128xi32, #tpu.memory_space<vmem>>) semaphore(%arg14 : memref<!tpu.dma_semaphore, #tpu.memory_space<semaphore_mem>>) {add = true}
    %dma_wait3A_1843 = arith.constant 25 : i32
    %dma_wait3A_1844 = arith.constant 0 : i32
    %dma_wait3A_1845 = tpu.memref_slice %arg5[%dma_wait3A_1843, %dma_wait3A_1844] : memref<26x128xi32, #tpu.memory_space<vmem>> -> memref<1x128xi32, #tpu.memory_space<vmem>>
    %dma_wait3A_1846 = tpu.memref_squeeze %dma_wait3A_1845 : memref<1x128xi32, #tpu.memory_space<vmem>> -> memref<128xi32, #tpu.memory_space<vmem>>
    %dma_wait3A_1847 = arith.constant 0 : i32
    %dma_wait3A_1848 = arith.constant 0 : i32
    %dma_wait3A_1849 = tpu.memref_slice %arg2[%add3A_944, %dma_wait3A_1847, %dma_wait3A_1848] : memref<4x10240x224xbf16, #tpu.memory_space<hbm>> -> memref<1x10240x224xbf16, #tpu.memory_space<hbm>>
    %dma_wait3A_1850 = tpu.memref_squeeze %dma_wait3A_1849 : memref<1x10240x224xbf16, #tpu.memory_space<hbm>> -> memref<10240x224xbf16, #tpu.memory_space<hbm>>
    %dma_wait3A_1851 = arith.constant 0 : i32
    %dma_wait3A_1852 = arith.constant 0 : i32
    %dma_wait3A_1853 = tpu.memref_slice %dma_wait3A_1850[%dma_wait3A_1851, %dma_wait3A_1852] : memref<10240x224xbf16, #tpu.memory_space<hbm>> -> memref<10240x224xbf16, #tpu.memory_space<hbm>>
    tpu.wait_indirect_dma semaphore(%arg12 : memref<!tpu.dma_semaphore, #tpu.memory_space<semaphore_mem>>) src(%dma_wait3A_1853 : memref<10240x224xbf16, #tpu.memory_space<hbm>>) dst(%arg8 : memref<128x224xbf16, #tpu.memory_space<vmem>>)
    %dma_start3A_1854 = arith.constant 25 : i32
    %dma_start3A_1855 = arith.constant 0 : i32
    %dma_start3A_1856 = tpu.memref_slice %arg6[%dma_start3A_1854, %dma_start3A_1855] : memref<26x128xi32, #tpu.memory_space<vmem>> -> memref<1x128xi32, #tpu.memory_space<vmem>>
    %dma_start3A_1857 = tpu.memref_squeeze %dma_start3A_1856 : memref<1x128xi32, #tpu.memory_space<vmem>> -> memref<128xi32, #tpu.memory_space<vmem>>
    %dma_start3A_1858 = arith.constant 0 : i32
    %dma_start3A_1859 = arith.constant 0 : i32
    %dma_start3A_1860 = tpu.memref_slice %arg10[%dma_start3A_1858, %dma_start3A_1859] : memref<10240x224xbf16, #tpu.memory_space<vmem_shared>> -> memref<10240x224xbf16, #tpu.memory_space<vmem_shared>>
    tpu.enqueue_indirect_dma source(%arg8 : memref<128x224xbf16, #tpu.memory_space<vmem>>) target(%dma_start3A_1860 : memref<10240x224xbf16, #tpu.memory_space<vmem_shared>>) offsets(%dma_start3A_1857 : memref<128xi32, #tpu.memory_space<vmem>>) semaphore(%arg15 : memref<!tpu.dma_semaphore, #tpu.memory_space<semaphore_mem>>) {add = true}
    %dma_wait3A_1861 = arith.constant 23 : i32
    %dma_wait3A_1862 = arith.constant 0 : i32
    %dma_wait3A_1863 = tpu.memref_slice %arg6[%dma_wait3A_1861, %dma_wait3A_1862] : memref<26x128xi32, #tpu.memory_space<vmem>> -> memref<1x128xi32, #tpu.memory_space<vmem>>
    %dma_wait3A_1864 = tpu.memref_squeeze %dma_wait3A_1863 : memref<1x128xi32, #tpu.memory_space<vmem>> -> memref<128xi32, #tpu.memory_space<vmem>>
    %dma_wait3A_1865 = arith.constant 0 : i32
    %dma_wait3A_1866 = arith.constant 0 : i32
    %dma_wait3A_1867 = tpu.memref_slice %arg10[%dma_wait3A_1865, %dma_wait3A_1866] : memref<10240x224xbf16, #tpu.memory_space<vmem_shared>> -> memref<10240x224xbf16, #tpu.memory_space<vmem_shared>>
    tpu.wait_indirect_dma semaphore(%arg16 : memref<!tpu.dma_semaphore, #tpu.memory_space<semaphore_mem>>) src(%arg9 : memref<128x224xbf16, #tpu.memory_space<vmem>>) dst(%dma_wait3A_1867 : memref<10240x224xbf16, #tpu.memory_space<vmem_shared>>)
    %dma_wait3A_1868 = arith.constant 24 : i32
    %dma_wait3A_1869 = arith.constant 0 : i32
    %dma_wait3A_1870 = tpu.memref_slice %arg6[%dma_wait3A_1868, %dma_wait3A_1869] : memref<26x128xi32, #tpu.memory_space<vmem>> -> memref<1x128xi32, #tpu.memory_space<vmem>>
    %dma_wait3A_1871 = tpu.memref_squeeze %dma_wait3A_1870 : memref<1x128xi32, #tpu.memory_space<vmem>> -> memref<128xi32, #tpu.memory_space<vmem>>
    %dma_wait3A_1872 = arith.constant 0 : i32
    %dma_wait3A_1873 = arith.constant 0 : i32
    %dma_wait3A_1874 = tpu.memref_slice %arg10[%dma_wait3A_1872, %dma_wait3A_1873] : memref<10240x224xbf16, #tpu.memory_space<vmem_shared>> -> memref<10240x224xbf16, #tpu.memory_space<vmem_shared>>
    tpu.wait_indirect_dma semaphore(%arg14 : memref<!tpu.dma_semaphore, #tpu.memory_space<semaphore_mem>>) src(%arg7 : memref<128x224xbf16, #tpu.memory_space<vmem>>) dst(%dma_wait3A_1874 : memref<10240x224xbf16, #tpu.memory_space<vmem_shared>>)
    %dma_wait3A_1875 = arith.constant 25 : i32
    %dma_wait3A_1876 = arith.constant 0 : i32
    %dma_wait3A_1877 = tpu.memref_slice %arg6[%dma_wait3A_1875, %dma_wait3A_1876] : memref<26x128xi32, #tpu.memory_space<vmem>> -> memref<1x128xi32, #tpu.memory_space<vmem>>
    %dma_wait3A_1878 = tpu.memref_squeeze %dma_wait3A_1877 : memref<1x128xi32, #tpu.memory_space<vmem>> -> memref<128xi32, #tpu.memory_space<vmem>>
    %dma_wait3A_1879 = arith.constant 0 : i32
    %dma_wait3A_1880 = arith.constant 0 : i32
    %dma_wait3A_1881 = tpu.memref_slice %arg10[%dma_wait3A_1879, %dma_wait3A_1880] : memref<10240x224xbf16, #tpu.memory_space<vmem_shared>> -> memref<10240x224xbf16, #tpu.memory_space<vmem_shared>>
    tpu.wait_indirect_dma semaphore(%arg15 : memref<!tpu.dma_semaphore, #tpu.memory_space<semaphore_mem>>) src(%arg8 : memref<128x224xbf16, #tpu.memory_space<vmem>>) dst(%dma_wait3A_1881 : memref<10240x224xbf16, #tpu.memory_space<vmem_shared>>)
    %barrier3A_1882 = arith.constant 0 : index
    tpu.barrier barrier_id(%barrier3A_1882)
    "tpu.region"() ({
      %run_scoped3A_1884 = tpu.sem_alloc : memref<!tpu.dma_semaphore, #tpu.memory_space<semaphore_mem>>
      %dma_start3A_1885 = arith.constant 0 : i32
      %dma_start3A_1886 = arith.constant 0 : i32
      %dma_start3A_1887 = tpu.memref_slice %arg4[%add3A_944, %dma_start3A_1885, %dma_start3A_1886] : memref<4x10240x224xbf16, #tpu.memory_space<hbm>> -> memref<1x10240x224xbf16, #tpu.memory_space<hbm>>
      %dma_start3A_1888 = tpu.memref_squeeze %dma_start3A_1887 : memref<1x10240x224xbf16, #tpu.memory_space<hbm>> -> memref<10240x224xbf16, #tpu.memory_space<hbm>>
      %dma_start3A_1889 = arith.constant 0 : i32
      %dma_start3A_1890 = tpu.memref_slice %dma_start3A_1888[%mul3A_0, %dma_start3A_1889] : memref<10240x224xbf16, #tpu.memory_space<hbm>> -> memref<640x224xbf16, #tpu.memory_space<hbm>>
      %dma_start3A_1891 = arith.constant 0 : i32
      %dma_start3A_1892 = tpu.memref_slice %arg10[%mul3A_0, %dma_start3A_1891] : memref<10240x224xbf16, #tpu.memory_space<vmem_shared>> -> memref<640x224xbf16, #tpu.memory_space<vmem_shared>>
      tpu.enqueue_dma source(%dma_start3A_1892 : memref<640x224xbf16, #tpu.memory_space<vmem_shared>>) target(%dma_start3A_1890 : memref<640x224xbf16, #tpu.memory_space<hbm>>) target_semaphore(%run_scoped3A_1884 : memref<!tpu.dma_semaphore, #tpu.memory_space<semaphore_mem>>)
      %dma_wait3A_1893 = arith.constant 0 : i32
      %dma_wait3A_1894 = arith.constant 0 : i32
      %dma_wait3A_1895 = tpu.memref_slice %arg4[%add3A_944, %dma_wait3A_1893, %dma_wait3A_1894] : memref<4x10240x224xbf16, #tpu.memory_space<hbm>> -> memref<1x10240x224xbf16, #tpu.memory_space<hbm>>
      %dma_wait3A_1896 = tpu.memref_squeeze %dma_wait3A_1895 : memref<1x10240x224xbf16, #tpu.memory_space<hbm>> -> memref<10240x224xbf16, #tpu.memory_space<hbm>>
      %dma_wait3A_1897 = arith.constant 0 : i32
      %dma_wait3A_1898 = tpu.memref_slice %dma_wait3A_1896[%mul3A_0, %dma_wait3A_1897] : memref<10240x224xbf16, #tpu.memory_space<hbm>> -> memref<640x224xbf16, #tpu.memory_space<hbm>>
      %dma_wait3A_1899 = arith.constant 0 : i32
      %dma_wait3A_1900 = tpu.memref_slice %arg10[%mul3A_0, %dma_wait3A_1899] : memref<10240x224xbf16, #tpu.memory_space<vmem_shared>> -> memref<640x224xbf16, #tpu.memory_space<vmem_shared>>
      tpu.wait_dma2 semaphore(%run_scoped3A_1884 : memref<!tpu.dma_semaphore, #tpu.memory_space<semaphore_mem>>) src(%dma_wait3A_1900 : memref<640x224xbf16, #tpu.memory_space<vmem_shared>>) dst(%dma_wait3A_1898 : memref<640x224xbf16, #tpu.memory_space<hbm>>)
      tpu.yield
    }) : () -> ()
    %barrier3A_1883 = arith.constant 0 : index
    tpu.barrier barrier_id(%barrier3A_1883)
    return
  }
}

#map = affine_map<(d0, d1) -> (0, 0, 0)>
#map1 = affine_map<(d0, d1) -> (0, 0, 0, 0)>
module attributes {stable_mosaic.version = 14 : i64} {
  func.func @_agg2_body(%arg0: i32, %arg1: i32, %arg2: memref<2x10240x16xf32, #tpu.memory_space<hbm>>, %arg3: memref<2x16x32x128xi32, #tpu.memory_space<hbm>>, %arg4: memref<2x10240x16xf32, #tpu.memory_space<hbm>>, %arg5: memref<26x128xi32, #tpu.memory_space<vmem>>, %arg6: memref<26x128xi32, #tpu.memory_space<vmem>>, %arg7: memref<128x16xf32, #tpu.memory_space<vmem>>, %arg8: memref<10240x16xf32, #tpu.memory_space<vmem_shared>>, %arg9: memref<!tpu.dma_semaphore, #tpu.memory_space<semaphore_mem>>) attributes {dimension_semantics = [#tpu.dimension_semantics<core_parallel>, #tpu.dimension_semantics<subcore_parallel>], iteration_bounds = array<i64: 2, 16>, scalar_prefetch = 0 : i64, scratch_operands = 5 : i64, tpu.core_type = #tpu.core_type<sc_vector_subcore>, window_params = [{transform_indices = #map}, {transform_indices = #map1}, {transform_indices = #map}]} {
    %mul3A = arith.constant 640 : i32
    %mul3A_0 = arith.muli %arg1, %mul3A : i32
    %run_scoped3A = arith.constant 0 : i32
    "tpu.region"() ({
      %run_scoped3A_9 = tpu.sem_alloc : memref<!tpu.dma_semaphore, #tpu.memory_space<semaphore_mem>>
      %dma_start3A = arith.constant 0 : i32
      %dma_start3A_10 = arith.constant 0 : i32
      %dma_start3A_11 = arith.constant 0 : i32
      %dma_start3A_12 = tpu.memref_slice %arg3[%run_scoped3A, %dma_start3A, %dma_start3A_10, %dma_start3A_11] : memref<2x16x32x128xi32, #tpu.memory_space<hbm>> -> memref<1x16x32x128xi32, #tpu.memory_space<hbm>>
      %dma_start3A_13 = tpu.memref_squeeze %dma_start3A_12 : memref<1x16x32x128xi32, #tpu.memory_space<hbm>> -> memref<16x32x128xi32, #tpu.memory_space<hbm>>
      %dma_start3A_14 = arith.constant 0 : i32
      %dma_start3A_15 = arith.constant 0 : i32
      %dma_start3A_16 = tpu.memref_slice %dma_start3A_13[%arg1, %dma_start3A_14, %dma_start3A_15] : memref<16x32x128xi32, #tpu.memory_space<hbm>> -> memref<1x32x128xi32, #tpu.memory_space<hbm>>
      %dma_start3A_17 = tpu.memref_squeeze %dma_start3A_16 : memref<1x32x128xi32, #tpu.memory_space<hbm>> -> memref<32x128xi32, #tpu.memory_space<hbm>>
      %dma_start3A_18 = arith.constant 0 : i32
      %dma_start3A_19 = arith.constant 0 : i32
      %dma_start3A_20 = tpu.memref_slice %dma_start3A_17[%dma_start3A_18, %dma_start3A_19] : memref<32x128xi32, #tpu.memory_space<hbm>> -> memref<26x128xi32, #tpu.memory_space<hbm>>
      %dma_start3A_21 = arith.constant 0 : i32
      %dma_start3A_22 = arith.constant 0 : i32
      %dma_start3A_23 = arith.constant 0 : i32
      %dma_start3A_24 = tpu.memref_slice %arg3[%run_scoped3A, %dma_start3A_21, %dma_start3A_22, %dma_start3A_23] : memref<2x16x32x128xi32, #tpu.memory_space<hbm>> -> memref<1x16x32x128xi32, #tpu.memory_space<hbm>>
      %dma_start3A_25 = tpu.memref_squeeze %dma_start3A_24 : memref<1x16x32x128xi32, #tpu.memory_space<hbm>> -> memref<16x32x128xi32, #tpu.memory_space<hbm>>
      %dma_start3A_26 = arith.constant 0 : i32
      %dma_start3A_27 = arith.constant 0 : i32
      %dma_start3A_28 = tpu.memref_slice %dma_start3A_25[%arg1, %dma_start3A_26, %dma_start3A_27] : memref<16x32x128xi32, #tpu.memory_space<hbm>> -> memref<1x32x128xi32, #tpu.memory_space<hbm>>
      %dma_start3A_29 = tpu.memref_squeeze %dma_start3A_28 : memref<1x32x128xi32, #tpu.memory_space<hbm>> -> memref<32x128xi32, #tpu.memory_space<hbm>>
      %dma_start3A_30 = arith.constant 0 : i32
      %dma_start3A_31 = arith.constant 0 : i32
      %dma_start3A_32 = tpu.memref_slice %dma_start3A_29[%dma_start3A_30, %dma_start3A_31] : memref<32x128xi32, #tpu.memory_space<hbm>> -> memref<26x128xi32, #tpu.memory_space<hbm>>
      tpu.enqueue_dma source(%dma_start3A_32 : memref<26x128xi32, #tpu.memory_space<hbm>>) target(%arg5 : memref<26x128xi32, #tpu.memory_space<vmem>>) target_semaphore(%run_scoped3A_9 : memref<!tpu.dma_semaphore, #tpu.memory_space<semaphore_mem>>)
      %dma_wait3A = arith.constant 0 : i32
      %dma_wait3A_33 = arith.constant 0 : i32
      %dma_wait3A_34 = arith.constant 0 : i32
      %dma_wait3A_35 = tpu.memref_slice %arg3[%run_scoped3A, %dma_wait3A, %dma_wait3A_33, %dma_wait3A_34] : memref<2x16x32x128xi32, #tpu.memory_space<hbm>> -> memref<1x16x32x128xi32, #tpu.memory_space<hbm>>
      %dma_wait3A_36 = tpu.memref_squeeze %dma_wait3A_35 : memref<1x16x32x128xi32, #tpu.memory_space<hbm>> -> memref<16x32x128xi32, #tpu.memory_space<hbm>>
      %dma_wait3A_37 = arith.constant 0 : i32
      %dma_wait3A_38 = arith.constant 0 : i32
      %dma_wait3A_39 = tpu.memref_slice %dma_wait3A_36[%arg1, %dma_wait3A_37, %dma_wait3A_38] : memref<16x32x128xi32, #tpu.memory_space<hbm>> -> memref<1x32x128xi32, #tpu.memory_space<hbm>>
      %dma_wait3A_40 = tpu.memref_squeeze %dma_wait3A_39 : memref<1x32x128xi32, #tpu.memory_space<hbm>> -> memref<32x128xi32, #tpu.memory_space<hbm>>
      %dma_wait3A_41 = arith.constant 0 : i32
      %dma_wait3A_42 = arith.constant 0 : i32
      %dma_wait3A_43 = tpu.memref_slice %dma_wait3A_40[%dma_wait3A_41, %dma_wait3A_42] : memref<32x128xi32, #tpu.memory_space<hbm>> -> memref<26x128xi32, #tpu.memory_space<hbm>>
      %dma_wait3A_44 = arith.constant 0 : i32
      %dma_wait3A_45 = arith.constant 0 : i32
      %dma_wait3A_46 = arith.constant 0 : i32
      %dma_wait3A_47 = tpu.memref_slice %arg3[%run_scoped3A, %dma_wait3A_44, %dma_wait3A_45, %dma_wait3A_46] : memref<2x16x32x128xi32, #tpu.memory_space<hbm>> -> memref<1x16x32x128xi32, #tpu.memory_space<hbm>>
      %dma_wait3A_48 = tpu.memref_squeeze %dma_wait3A_47 : memref<1x16x32x128xi32, #tpu.memory_space<hbm>> -> memref<16x32x128xi32, #tpu.memory_space<hbm>>
      %dma_wait3A_49 = arith.constant 0 : i32
      %dma_wait3A_50 = arith.constant 0 : i32
      %dma_wait3A_51 = tpu.memref_slice %dma_wait3A_48[%arg1, %dma_wait3A_49, %dma_wait3A_50] : memref<16x32x128xi32, #tpu.memory_space<hbm>> -> memref<1x32x128xi32, #tpu.memory_space<hbm>>
      %dma_wait3A_52 = tpu.memref_squeeze %dma_wait3A_51 : memref<1x32x128xi32, #tpu.memory_space<hbm>> -> memref<32x128xi32, #tpu.memory_space<hbm>>
      %dma_wait3A_53 = arith.constant 0 : i32
      %dma_wait3A_54 = arith.constant 0 : i32
      %dma_wait3A_55 = tpu.memref_slice %dma_wait3A_52[%dma_wait3A_53, %dma_wait3A_54] : memref<32x128xi32, #tpu.memory_space<hbm>> -> memref<26x128xi32, #tpu.memory_space<hbm>>
      tpu.wait_dma2 semaphore(%run_scoped3A_9 : memref<!tpu.dma_semaphore, #tpu.memory_space<semaphore_mem>>) src(%dma_wait3A_55 : memref<26x128xi32, #tpu.memory_space<hbm>>) dst(%arg5 : memref<26x128xi32, #tpu.memory_space<vmem>>)
      tpu.yield
    }) : () -> ()
    %run_scoped3A_1 = arith.constant 1 : i32
    "tpu.region"() ({
      %run_scoped3A_9 = tpu.sem_alloc : memref<!tpu.dma_semaphore, #tpu.memory_space<semaphore_mem>>
      %dma_start3A = arith.constant 0 : i32
      %dma_start3A_10 = arith.constant 0 : i32
      %dma_start3A_11 = arith.constant 0 : i32
      %dma_start3A_12 = tpu.memref_slice %arg3[%run_scoped3A_1, %dma_start3A, %dma_start3A_10, %dma_start3A_11] : memref<2x16x32x128xi32, #tpu.memory_space<hbm>> -> memref<1x16x32x128xi32, #tpu.memory_space<hbm>>
      %dma_start3A_13 = tpu.memref_squeeze %dma_start3A_12 : memref<1x16x32x128xi32, #tpu.memory_space<hbm>> -> memref<16x32x128xi32, #tpu.memory_space<hbm>>
      %dma_start3A_14 = arith.constant 0 : i32
      %dma_start3A_15 = arith.constant 0 : i32
      %dma_start3A_16 = tpu.memref_slice %dma_start3A_13[%arg1, %dma_start3A_14, %dma_start3A_15] : memref<16x32x128xi32, #tpu.memory_space<hbm>> -> memref<1x32x128xi32, #tpu.memory_space<hbm>>
      %dma_start3A_17 = tpu.memref_squeeze %dma_start3A_16 : memref<1x32x128xi32, #tpu.memory_space<hbm>> -> memref<32x128xi32, #tpu.memory_space<hbm>>
      %dma_start3A_18 = arith.constant 0 : i32
      %dma_start3A_19 = arith.constant 0 : i32
      %dma_start3A_20 = tpu.memref_slice %dma_start3A_17[%dma_start3A_18, %dma_start3A_19] : memref<32x128xi32, #tpu.memory_space<hbm>> -> memref<26x128xi32, #tpu.memory_space<hbm>>
      %dma_start3A_21 = arith.constant 0 : i32
      %dma_start3A_22 = arith.constant 0 : i32
      %dma_start3A_23 = arith.constant 0 : i32
      %dma_start3A_24 = tpu.memref_slice %arg3[%run_scoped3A_1, %dma_start3A_21, %dma_start3A_22, %dma_start3A_23] : memref<2x16x32x128xi32, #tpu.memory_space<hbm>> -> memref<1x16x32x128xi32, #tpu.memory_space<hbm>>
      %dma_start3A_25 = tpu.memref_squeeze %dma_start3A_24 : memref<1x16x32x128xi32, #tpu.memory_space<hbm>> -> memref<16x32x128xi32, #tpu.memory_space<hbm>>
      %dma_start3A_26 = arith.constant 0 : i32
      %dma_start3A_27 = arith.constant 0 : i32
      %dma_start3A_28 = tpu.memref_slice %dma_start3A_25[%arg1, %dma_start3A_26, %dma_start3A_27] : memref<16x32x128xi32, #tpu.memory_space<hbm>> -> memref<1x32x128xi32, #tpu.memory_space<hbm>>
      %dma_start3A_29 = tpu.memref_squeeze %dma_start3A_28 : memref<1x32x128xi32, #tpu.memory_space<hbm>> -> memref<32x128xi32, #tpu.memory_space<hbm>>
      %dma_start3A_30 = arith.constant 0 : i32
      %dma_start3A_31 = arith.constant 0 : i32
      %dma_start3A_32 = tpu.memref_slice %dma_start3A_29[%dma_start3A_30, %dma_start3A_31] : memref<32x128xi32, #tpu.memory_space<hbm>> -> memref<26x128xi32, #tpu.memory_space<hbm>>
      tpu.enqueue_dma source(%dma_start3A_32 : memref<26x128xi32, #tpu.memory_space<hbm>>) target(%arg6 : memref<26x128xi32, #tpu.memory_space<vmem>>) target_semaphore(%run_scoped3A_9 : memref<!tpu.dma_semaphore, #tpu.memory_space<semaphore_mem>>)
      %dma_wait3A = arith.constant 0 : i32
      %dma_wait3A_33 = arith.constant 0 : i32
      %dma_wait3A_34 = arith.constant 0 : i32
      %dma_wait3A_35 = tpu.memref_slice %arg3[%run_scoped3A_1, %dma_wait3A, %dma_wait3A_33, %dma_wait3A_34] : memref<2x16x32x128xi32, #tpu.memory_space<hbm>> -> memref<1x16x32x128xi32, #tpu.memory_space<hbm>>
      %dma_wait3A_36 = tpu.memref_squeeze %dma_wait3A_35 : memref<1x16x32x128xi32, #tpu.memory_space<hbm>> -> memref<16x32x128xi32, #tpu.memory_space<hbm>>
      %dma_wait3A_37 = arith.constant 0 : i32
      %dma_wait3A_38 = arith.constant 0 : i32
      %dma_wait3A_39 = tpu.memref_slice %dma_wait3A_36[%arg1, %dma_wait3A_37, %dma_wait3A_38] : memref<16x32x128xi32, #tpu.memory_space<hbm>> -> memref<1x32x128xi32, #tpu.memory_space<hbm>>
      %dma_wait3A_40 = tpu.memref_squeeze %dma_wait3A_39 : memref<1x32x128xi32, #tpu.memory_space<hbm>> -> memref<32x128xi32, #tpu.memory_space<hbm>>
      %dma_wait3A_41 = arith.constant 0 : i32
      %dma_wait3A_42 = arith.constant 0 : i32
      %dma_wait3A_43 = tpu.memref_slice %dma_wait3A_40[%dma_wait3A_41, %dma_wait3A_42] : memref<32x128xi32, #tpu.memory_space<hbm>> -> memref<26x128xi32, #tpu.memory_space<hbm>>
      %dma_wait3A_44 = arith.constant 0 : i32
      %dma_wait3A_45 = arith.constant 0 : i32
      %dma_wait3A_46 = arith.constant 0 : i32
      %dma_wait3A_47 = tpu.memref_slice %arg3[%run_scoped3A_1, %dma_wait3A_44, %dma_wait3A_45, %dma_wait3A_46] : memref<2x16x32x128xi32, #tpu.memory_space<hbm>> -> memref<1x16x32x128xi32, #tpu.memory_space<hbm>>
      %dma_wait3A_48 = tpu.memref_squeeze %dma_wait3A_47 : memref<1x16x32x128xi32, #tpu.memory_space<hbm>> -> memref<16x32x128xi32, #tpu.memory_space<hbm>>
      %dma_wait3A_49 = arith.constant 0 : i32
      %dma_wait3A_50 = arith.constant 0 : i32
      %dma_wait3A_51 = tpu.memref_slice %dma_wait3A_48[%arg1, %dma_wait3A_49, %dma_wait3A_50] : memref<16x32x128xi32, #tpu.memory_space<hbm>> -> memref<1x32x128xi32, #tpu.memory_space<hbm>>
      %dma_wait3A_52 = tpu.memref_squeeze %dma_wait3A_51 : memref<1x32x128xi32, #tpu.memory_space<hbm>> -> memref<32x128xi32, #tpu.memory_space<hbm>>
      %dma_wait3A_53 = arith.constant 0 : i32
      %dma_wait3A_54 = arith.constant 0 : i32
      %dma_wait3A_55 = tpu.memref_slice %dma_wait3A_52[%dma_wait3A_53, %dma_wait3A_54] : memref<32x128xi32, #tpu.memory_space<hbm>> -> memref<26x128xi32, #tpu.memory_space<hbm>>
      tpu.wait_dma2 semaphore(%run_scoped3A_9 : memref<!tpu.dma_semaphore, #tpu.memory_space<semaphore_mem>>) src(%dma_wait3A_55 : memref<26x128xi32, #tpu.memory_space<hbm>>) dst(%arg6 : memref<26x128xi32, #tpu.memory_space<vmem>>)
      tpu.yield
    }) : () -> ()
    "tpu.region"() ({
      %run_scoped3A_9 = tpu.sem_alloc : memref<!tpu.dma_semaphore, #tpu.memory_space<semaphore_mem>>
      %dma_start3A = arith.constant 0 : i32
      %dma_start3A_10 = tpu.memref_slice %arg8[%mul3A_0, %dma_start3A] : memref<10240x16xf32, #tpu.memory_space<vmem_shared>> -> memref<640x16xf32, #tpu.memory_space<vmem_shared>>
      %dma_start3A_11 = arith.constant 0 : i32
      %dma_start3A_12 = arith.constant 0 : i32
      %dma_start3A_13 = tpu.memref_slice %arg2[%arg0, %dma_start3A_11, %dma_start3A_12] : memref<2x10240x16xf32, #tpu.memory_space<hbm>> -> memref<1x10240x16xf32, #tpu.memory_space<hbm>>
      %dma_start3A_14 = tpu.memref_squeeze %dma_start3A_13 : memref<1x10240x16xf32, #tpu.memory_space<hbm>> -> memref<10240x16xf32, #tpu.memory_space<hbm>>
      %dma_start3A_15 = arith.constant 0 : i32
      %dma_start3A_16 = tpu.memref_slice %dma_start3A_14[%mul3A_0, %dma_start3A_15] : memref<10240x16xf32, #tpu.memory_space<hbm>> -> memref<640x16xf32, #tpu.memory_space<hbm>>
      tpu.enqueue_dma source(%dma_start3A_16 : memref<640x16xf32, #tpu.memory_space<hbm>>) target(%dma_start3A_10 : memref<640x16xf32, #tpu.memory_space<vmem_shared>>) target_semaphore(%run_scoped3A_9 : memref<!tpu.dma_semaphore, #tpu.memory_space<semaphore_mem>>)
      %dma_wait3A = arith.constant 0 : i32
      %dma_wait3A_17 = tpu.memref_slice %arg8[%mul3A_0, %dma_wait3A] : memref<10240x16xf32, #tpu.memory_space<vmem_shared>> -> memref<640x16xf32, #tpu.memory_space<vmem_shared>>
      %dma_wait3A_18 = arith.constant 0 : i32
      %dma_wait3A_19 = arith.constant 0 : i32
      %dma_wait3A_20 = tpu.memref_slice %arg2[%arg0, %dma_wait3A_18, %dma_wait3A_19] : memref<2x10240x16xf32, #tpu.memory_space<hbm>> -> memref<1x10240x16xf32, #tpu.memory_space<hbm>>
      %dma_wait3A_21 = tpu.memref_squeeze %dma_wait3A_20 : memref<1x10240x16xf32, #tpu.memory_space<hbm>> -> memref<10240x16xf32, #tpu.memory_space<hbm>>
      %dma_wait3A_22 = arith.constant 0 : i32
      %dma_wait3A_23 = tpu.memref_slice %dma_wait3A_21[%mul3A_0, %dma_wait3A_22] : memref<10240x16xf32, #tpu.memory_space<hbm>> -> memref<640x16xf32, #tpu.memory_space<hbm>>
      tpu.wait_dma2 semaphore(%run_scoped3A_9 : memref<!tpu.dma_semaphore, #tpu.memory_space<semaphore_mem>>) src(%dma_wait3A_23 : memref<640x16xf32, #tpu.memory_space<hbm>>) dst(%dma_wait3A_17 : memref<640x16xf32, #tpu.memory_space<vmem_shared>>)
      tpu.yield
    }) : () -> ()
    %barrier3A = arith.constant 0 : index
    tpu.barrier barrier_id(%barrier3A)
    %scan3A = arith.constant 0 : i32
    %scan3A_2 = arith.constant 0 : i32
    %scan3A_3 = arith.constant 13 : i32
    %scan3A_4 = arith.addi %scan3A_2, %scan3A_3 : i32
    %scan3A_5 = arith.constant 1 : i32
    %scan3A_6 = scf.for %scan3A_9 = %scan3A_2 to %scan3A_4 step %scan3A_5 iter_args(%scan3A_10 = %scan3A) -> (i32)  : i32 {
      %mul3A_11 = arith.constant 2 : i32
      %mul3A_12 = arith.muli %mul3A_11, %scan3A_9 : i32
      %add3A = arith.addi %mul3A_12, %arg0 : i32
      %dma_start3A = arith.constant 0 : i32
      %dma_start3A_13 = arith.constant 0 : i32
      %dma_start3A_14 = tpu.memref_slice %arg5[%add3A, %dma_start3A_13] : memref<26x128xi32, #tpu.memory_space<vmem>> -> memref<1x128xi32, #tpu.memory_space<vmem>>
      %dma_start3A_15 = tpu.memref_squeeze %dma_start3A_14 : memref<1x128xi32, #tpu.memory_space<vmem>> -> memref<128xi32, #tpu.memory_space<vmem>>
      %dma_start3A_16 = arith.constant 0 : i32
      %dma_start3A_17 = arith.constant 0 : i32
      %dma_start3A_18 = tpu.memref_slice %arg2[%dma_start3A, %dma_start3A_16, %dma_start3A_17] : memref<2x10240x16xf32, #tpu.memory_space<hbm>> -> memref<1x10240x16xf32, #tpu.memory_space<hbm>>
      %dma_start3A_19 = tpu.memref_squeeze %dma_start3A_18 : memref<1x10240x16xf32, #tpu.memory_space<hbm>> -> memref<10240x16xf32, #tpu.memory_space<hbm>>
      %dma_start3A_20 = arith.constant 0 : i32
      %dma_start3A_21 = arith.constant 0 : i32
      %dma_start3A_22 = tpu.memref_slice %dma_start3A_19[%dma_start3A_20, %dma_start3A_21] : memref<10240x16xf32, #tpu.memory_space<hbm>> -> memref<10240x16xf32, #tpu.memory_space<hbm>>
      tpu.enqueue_indirect_dma source(%dma_start3A_22 : memref<10240x16xf32, #tpu.memory_space<hbm>>) target(%arg7 : memref<128x16xf32, #tpu.memory_space<vmem>>) offsets(%dma_start3A_15 : memref<128xi32, #tpu.memory_space<vmem>>) semaphore(%arg9 : memref<!tpu.dma_semaphore, #tpu.memory_space<semaphore_mem>>)
      %dma_wait3A = arith.constant 0 : i32
      %dma_wait3A_23 = arith.constant 0 : i32
      %dma_wait3A_24 = tpu.memref_slice %arg5[%add3A, %dma_wait3A_23] : memref<26x128xi32, #tpu.memory_space<vmem>> -> memref<1x128xi32, #tpu.memory_space<vmem>>
      %dma_wait3A_25 = tpu.memref_squeeze %dma_wait3A_24 : memref<1x128xi32, #tpu.memory_space<vmem>> -> memref<128xi32, #tpu.memory_space<vmem>>
      %dma_wait3A_26 = arith.constant 0 : i32
      %dma_wait3A_27 = arith.constant 0 : i32
      %dma_wait3A_28 = tpu.memref_slice %arg2[%dma_wait3A, %dma_wait3A_26, %dma_wait3A_27] : memref<2x10240x16xf32, #tpu.memory_space<hbm>> -> memref<1x10240x16xf32, #tpu.memory_space<hbm>>
      %dma_wait3A_29 = tpu.memref_squeeze %dma_wait3A_28 : memref<1x10240x16xf32, #tpu.memory_space<hbm>> -> memref<10240x16xf32, #tpu.memory_space<hbm>>
      %dma_wait3A_30 = arith.constant 0 : i32
      %dma_wait3A_31 = arith.constant 0 : i32
      %dma_wait3A_32 = tpu.memref_slice %dma_wait3A_29[%dma_wait3A_30, %dma_wait3A_31] : memref<10240x16xf32, #tpu.memory_space<hbm>> -> memref<10240x16xf32, #tpu.memory_space<hbm>>
      tpu.wait_indirect_dma semaphore(%arg9 : memref<!tpu.dma_semaphore, #tpu.memory_space<semaphore_mem>>) src(%dma_wait3A_32 : memref<10240x16xf32, #tpu.memory_space<hbm>>) dst(%arg7 : memref<128x16xf32, #tpu.memory_space<vmem>>)
      "tpu.region"() ({
        %run_scoped3A_34 = tpu.sem_alloc : memref<!tpu.dma_semaphore, #tpu.memory_space<semaphore_mem>>
        %dma_start3A_35 = arith.constant 0 : i32
        %dma_start3A_36 = tpu.memref_slice %arg6[%add3A, %dma_start3A_35] : memref<26x128xi32, #tpu.memory_space<vmem>> -> memref<1x128xi32, #tpu.memory_space<vmem>>
        %dma_start3A_37 = tpu.memref_squeeze %dma_start3A_36 : memref<1x128xi32, #tpu.memory_space<vmem>> -> memref<128xi32, #tpu.memory_space<vmem>>
        %dma_start3A_38 = arith.constant 0 : i32
        %dma_start3A_39 = arith.constant 0 : i32
        %dma_start3A_40 = tpu.memref_slice %arg8[%dma_start3A_38, %dma_start3A_39] : memref<10240x16xf32, #tpu.memory_space<vmem_shared>> -> memref<10240x16xf32, #tpu.memory_space<vmem_shared>>
        tpu.enqueue_indirect_dma source(%arg7 : memref<128x16xf32, #tpu.memory_space<vmem>>) target(%dma_start3A_40 : memref<10240x16xf32, #tpu.memory_space<vmem_shared>>) offsets(%dma_start3A_37 : memref<128xi32, #tpu.memory_space<vmem>>) semaphore(%run_scoped3A_34 : memref<!tpu.dma_semaphore, #tpu.memory_space<semaphore_mem>>) {add = true}
        %dma_wait3A_41 = arith.constant 0 : i32
        %dma_wait3A_42 = tpu.memref_slice %arg6[%add3A, %dma_wait3A_41] : memref<26x128xi32, #tpu.memory_space<vmem>> -> memref<1x128xi32, #tpu.memory_space<vmem>>
        %dma_wait3A_43 = tpu.memref_squeeze %dma_wait3A_42 : memref<1x128xi32, #tpu.memory_space<vmem>> -> memref<128xi32, #tpu.memory_space<vmem>>
        %dma_wait3A_44 = arith.constant 0 : i32
        %dma_wait3A_45 = arith.constant 0 : i32
        %dma_wait3A_46 = tpu.memref_slice %arg8[%dma_wait3A_44, %dma_wait3A_45] : memref<10240x16xf32, #tpu.memory_space<vmem_shared>> -> memref<10240x16xf32, #tpu.memory_space<vmem_shared>>
        tpu.wait_indirect_dma semaphore(%run_scoped3A_34 : memref<!tpu.dma_semaphore, #tpu.memory_space<semaphore_mem>>) src(%arg7 : memref<128x16xf32, #tpu.memory_space<vmem>>) dst(%dma_wait3A_46 : memref<10240x16xf32, #tpu.memory_space<vmem_shared>>)
        tpu.yield
      }) : () -> ()
      %scan3A_33 = arith.constant 0 : i32
      scf.yield %scan3A_33 : i32
    }
    %scan3A_7 = arith.constant 13 : i32
    %barrier3A_8 = arith.constant 0 : index
    tpu.barrier barrier_id(%barrier3A_8)
    "tpu.region"() ({
      %run_scoped3A_9 = tpu.sem_alloc : memref<!tpu.dma_semaphore, #tpu.memory_space<semaphore_mem>>
      %dma_start3A = arith.constant 0 : i32
      %dma_start3A_10 = arith.constant 0 : i32
      %dma_start3A_11 = tpu.memref_slice %arg4[%arg0, %dma_start3A, %dma_start3A_10] : memref<2x10240x16xf32, #tpu.memory_space<hbm>> -> memref<1x10240x16xf32, #tpu.memory_space<hbm>>
      %dma_start3A_12 = tpu.memref_squeeze %dma_start3A_11 : memref<1x10240x16xf32, #tpu.memory_space<hbm>> -> memref<10240x16xf32, #tpu.memory_space<hbm>>
      %dma_start3A_13 = arith.constant 0 : i32
      %dma_start3A_14 = tpu.memref_slice %dma_start3A_12[%mul3A_0, %dma_start3A_13] : memref<10240x16xf32, #tpu.memory_space<hbm>> -> memref<640x16xf32, #tpu.memory_space<hbm>>
      %dma_start3A_15 = arith.constant 0 : i32
      %dma_start3A_16 = tpu.memref_slice %arg8[%mul3A_0, %dma_start3A_15] : memref<10240x16xf32, #tpu.memory_space<vmem_shared>> -> memref<640x16xf32, #tpu.memory_space<vmem_shared>>
      tpu.enqueue_dma source(%dma_start3A_16 : memref<640x16xf32, #tpu.memory_space<vmem_shared>>) target(%dma_start3A_14 : memref<640x16xf32, #tpu.memory_space<hbm>>) target_semaphore(%run_scoped3A_9 : memref<!tpu.dma_semaphore, #tpu.memory_space<semaphore_mem>>)
      %dma_wait3A = arith.constant 0 : i32
      %dma_wait3A_17 = arith.constant 0 : i32
      %dma_wait3A_18 = tpu.memref_slice %arg4[%arg0, %dma_wait3A, %dma_wait3A_17] : memref<2x10240x16xf32, #tpu.memory_space<hbm>> -> memref<1x10240x16xf32, #tpu.memory_space<hbm>>
      %dma_wait3A_19 = tpu.memref_squeeze %dma_wait3A_18 : memref<1x10240x16xf32, #tpu.memory_space<hbm>> -> memref<10240x16xf32, #tpu.memory_space<hbm>>
      %dma_wait3A_20 = arith.constant 0 : i32
      %dma_wait3A_21 = tpu.memref_slice %dma_wait3A_19[%mul3A_0, %dma_wait3A_20] : memref<10240x16xf32, #tpu.memory_space<hbm>> -> memref<640x16xf32, #tpu.memory_space<hbm>>
      %dma_wait3A_22 = arith.constant 0 : i32
      %dma_wait3A_23 = tpu.memref_slice %arg8[%mul3A_0, %dma_wait3A_22] : memref<10240x16xf32, #tpu.memory_space<vmem_shared>> -> memref<640x16xf32, #tpu.memory_space<vmem_shared>>
      tpu.wait_dma2 semaphore(%run_scoped3A_9 : memref<!tpu.dma_semaphore, #tpu.memory_space<semaphore_mem>>) src(%dma_wait3A_23 : memref<640x16xf32, #tpu.memory_space<vmem_shared>>) dst(%dma_wait3A_21 : memref<640x16xf32, #tpu.memory_space<hbm>>)
      tpu.yield
    }) : () -> ()
    return
  }
}

#map = affine_map<(d0, d1) -> (0, 0, 0, 0)>
#map1 = affine_map<(d0, d1) -> (0, 0)>
#map2 = affine_map<(d0, d1) -> (0, 0, 0)>
module attributes {stable_mosaic.version = 14 : i64} {
  func.func @_deg_body(%arg0: i32, %arg1: i32, %arg2: memref<2x16x32x128xi32, #tpu.memory_space<hbm>>, %arg3: memref<10240x16xf32, #tpu.memory_space<hbm>>, %arg4: memref<2x10240x16xf32, #tpu.memory_space<hbm>>, %arg5: memref<26x128xi32, #tpu.memory_space<vmem>>, %arg6: memref<128x16xf32, #tpu.memory_space<vmem>>, %arg7: memref<10240x16xf32, #tpu.memory_space<vmem_shared>>, %arg8: memref<!tpu.dma_semaphore, #tpu.memory_space<semaphore_mem>>) attributes {dimension_semantics = [#tpu.dimension_semantics<core_parallel>, #tpu.dimension_semantics<subcore_parallel>], iteration_bounds = array<i64: 2, 16>, scalar_prefetch = 0 : i64, scratch_operands = 4 : i64, tpu.core_type = #tpu.core_type<sc_vector_subcore>, window_params = [{transform_indices = #map}, {transform_indices = #map1}, {transform_indices = #map2}]} {
    %mul3A = arith.constant 640 : i32
    %mul3A_0 = arith.muli %arg1, %mul3A : i32
    %run_scoped3A = arith.constant 1 : i32
    "tpu.region"() ({
      %run_scoped3A_19 = tpu.sem_alloc : memref<!tpu.dma_semaphore, #tpu.memory_space<semaphore_mem>>
      %dma_start3A = arith.constant 0 : i32
      %dma_start3A_20 = arith.constant 0 : i32
      %dma_start3A_21 = arith.constant 0 : i32
      %dma_start3A_22 = tpu.memref_slice %arg2[%run_scoped3A, %dma_start3A, %dma_start3A_20, %dma_start3A_21] : memref<2x16x32x128xi32, #tpu.memory_space<hbm>> -> memref<1x16x32x128xi32, #tpu.memory_space<hbm>>
      %dma_start3A_23 = tpu.memref_squeeze %dma_start3A_22 : memref<1x16x32x128xi32, #tpu.memory_space<hbm>> -> memref<16x32x128xi32, #tpu.memory_space<hbm>>
      %dma_start3A_24 = arith.constant 0 : i32
      %dma_start3A_25 = arith.constant 0 : i32
      %dma_start3A_26 = tpu.memref_slice %dma_start3A_23[%arg1, %dma_start3A_24, %dma_start3A_25] : memref<16x32x128xi32, #tpu.memory_space<hbm>> -> memref<1x32x128xi32, #tpu.memory_space<hbm>>
      %dma_start3A_27 = tpu.memref_squeeze %dma_start3A_26 : memref<1x32x128xi32, #tpu.memory_space<hbm>> -> memref<32x128xi32, #tpu.memory_space<hbm>>
      %dma_start3A_28 = arith.constant 0 : i32
      %dma_start3A_29 = arith.constant 0 : i32
      %dma_start3A_30 = tpu.memref_slice %dma_start3A_27[%dma_start3A_28, %dma_start3A_29] : memref<32x128xi32, #tpu.memory_space<hbm>> -> memref<26x128xi32, #tpu.memory_space<hbm>>
      %dma_start3A_31 = arith.constant 0 : i32
      %dma_start3A_32 = arith.constant 0 : i32
      %dma_start3A_33 = arith.constant 0 : i32
      %dma_start3A_34 = tpu.memref_slice %arg2[%run_scoped3A, %dma_start3A_31, %dma_start3A_32, %dma_start3A_33] : memref<2x16x32x128xi32, #tpu.memory_space<hbm>> -> memref<1x16x32x128xi32, #tpu.memory_space<hbm>>
      %dma_start3A_35 = tpu.memref_squeeze %dma_start3A_34 : memref<1x16x32x128xi32, #tpu.memory_space<hbm>> -> memref<16x32x128xi32, #tpu.memory_space<hbm>>
      %dma_start3A_36 = arith.constant 0 : i32
      %dma_start3A_37 = arith.constant 0 : i32
      %dma_start3A_38 = tpu.memref_slice %dma_start3A_35[%arg1, %dma_start3A_36, %dma_start3A_37] : memref<16x32x128xi32, #tpu.memory_space<hbm>> -> memref<1x32x128xi32, #tpu.memory_space<hbm>>
      %dma_start3A_39 = tpu.memref_squeeze %dma_start3A_38 : memref<1x32x128xi32, #tpu.memory_space<hbm>> -> memref<32x128xi32, #tpu.memory_space<hbm>>
      %dma_start3A_40 = arith.constant 0 : i32
      %dma_start3A_41 = arith.constant 0 : i32
      %dma_start3A_42 = tpu.memref_slice %dma_start3A_39[%dma_start3A_40, %dma_start3A_41] : memref<32x128xi32, #tpu.memory_space<hbm>> -> memref<26x128xi32, #tpu.memory_space<hbm>>
      tpu.enqueue_dma source(%dma_start3A_42 : memref<26x128xi32, #tpu.memory_space<hbm>>) target(%arg5 : memref<26x128xi32, #tpu.memory_space<vmem>>) target_semaphore(%run_scoped3A_19 : memref<!tpu.dma_semaphore, #tpu.memory_space<semaphore_mem>>)
      %dma_wait3A = arith.constant 0 : i32
      %dma_wait3A_43 = arith.constant 0 : i32
      %dma_wait3A_44 = arith.constant 0 : i32
      %dma_wait3A_45 = tpu.memref_slice %arg2[%run_scoped3A, %dma_wait3A, %dma_wait3A_43, %dma_wait3A_44] : memref<2x16x32x128xi32, #tpu.memory_space<hbm>> -> memref<1x16x32x128xi32, #tpu.memory_space<hbm>>
      %dma_wait3A_46 = tpu.memref_squeeze %dma_wait3A_45 : memref<1x16x32x128xi32, #tpu.memory_space<hbm>> -> memref<16x32x128xi32, #tpu.memory_space<hbm>>
      %dma_wait3A_47 = arith.constant 0 : i32
      %dma_wait3A_48 = arith.constant 0 : i32
      %dma_wait3A_49 = tpu.memref_slice %dma_wait3A_46[%arg1, %dma_wait3A_47, %dma_wait3A_48] : memref<16x32x128xi32, #tpu.memory_space<hbm>> -> memref<1x32x128xi32, #tpu.memory_space<hbm>>
      %dma_wait3A_50 = tpu.memref_squeeze %dma_wait3A_49 : memref<1x32x128xi32, #tpu.memory_space<hbm>> -> memref<32x128xi32, #tpu.memory_space<hbm>>
      %dma_wait3A_51 = arith.constant 0 : i32
      %dma_wait3A_52 = arith.constant 0 : i32
      %dma_wait3A_53 = tpu.memref_slice %dma_wait3A_50[%dma_wait3A_51, %dma_wait3A_52] : memref<32x128xi32, #tpu.memory_space<hbm>> -> memref<26x128xi32, #tpu.memory_space<hbm>>
      %dma_wait3A_54 = arith.constant 0 : i32
      %dma_wait3A_55 = arith.constant 0 : i32
      %dma_wait3A_56 = arith.constant 0 : i32
      %dma_wait3A_57 = tpu.memref_slice %arg2[%run_scoped3A, %dma_wait3A_54, %dma_wait3A_55, %dma_wait3A_56] : memref<2x16x32x128xi32, #tpu.memory_space<hbm>> -> memref<1x16x32x128xi32, #tpu.memory_space<hbm>>
      %dma_wait3A_58 = tpu.memref_squeeze %dma_wait3A_57 : memref<1x16x32x128xi32, #tpu.memory_space<hbm>> -> memref<16x32x128xi32, #tpu.memory_space<hbm>>
      %dma_wait3A_59 = arith.constant 0 : i32
      %dma_wait3A_60 = arith.constant 0 : i32
      %dma_wait3A_61 = tpu.memref_slice %dma_wait3A_58[%arg1, %dma_wait3A_59, %dma_wait3A_60] : memref<16x32x128xi32, #tpu.memory_space<hbm>> -> memref<1x32x128xi32, #tpu.memory_space<hbm>>
      %dma_wait3A_62 = tpu.memref_squeeze %dma_wait3A_61 : memref<1x32x128xi32, #tpu.memory_space<hbm>> -> memref<32x128xi32, #tpu.memory_space<hbm>>
      %dma_wait3A_63 = arith.constant 0 : i32
      %dma_wait3A_64 = arith.constant 0 : i32
      %dma_wait3A_65 = tpu.memref_slice %dma_wait3A_62[%dma_wait3A_63, %dma_wait3A_64] : memref<32x128xi32, #tpu.memory_space<hbm>> -> memref<26x128xi32, #tpu.memory_space<hbm>>
      tpu.wait_dma2 semaphore(%run_scoped3A_19 : memref<!tpu.dma_semaphore, #tpu.memory_space<semaphore_mem>>) src(%dma_wait3A_65 : memref<26x128xi32, #tpu.memory_space<hbm>>) dst(%arg5 : memref<26x128xi32, #tpu.memory_space<vmem>>)
      tpu.yield
    }) : () -> ()
    "tpu.region"() ({
      %run_scoped3A_19 = tpu.sem_alloc : memref<!tpu.dma_semaphore, #tpu.memory_space<semaphore_mem>>
      %dma_start3A = arith.constant 0 : i32
      %dma_start3A_20 = tpu.memref_slice %arg7[%mul3A_0, %dma_start3A] : memref<10240x16xf32, #tpu.memory_space<vmem_shared>> -> memref<640x16xf32, #tpu.memory_space<vmem_shared>>
      %dma_start3A_21 = arith.constant 0 : i32
      %dma_start3A_22 = tpu.memref_slice %arg3[%mul3A_0, %dma_start3A_21] : memref<10240x16xf32, #tpu.memory_space<hbm>> -> memref<640x16xf32, #tpu.memory_space<hbm>>
      tpu.enqueue_dma source(%dma_start3A_22 : memref<640x16xf32, #tpu.memory_space<hbm>>) target(%dma_start3A_20 : memref<640x16xf32, #tpu.memory_space<vmem_shared>>) target_semaphore(%run_scoped3A_19 : memref<!tpu.dma_semaphore, #tpu.memory_space<semaphore_mem>>)
      %dma_wait3A = arith.constant 0 : i32
      %dma_wait3A_23 = tpu.memref_slice %arg7[%mul3A_0, %dma_wait3A] : memref<10240x16xf32, #tpu.memory_space<vmem_shared>> -> memref<640x16xf32, #tpu.memory_space<vmem_shared>>
      %dma_wait3A_24 = arith.constant 0 : i32
      %dma_wait3A_25 = tpu.memref_slice %arg3[%mul3A_0, %dma_wait3A_24] : memref<10240x16xf32, #tpu.memory_space<hbm>> -> memref<640x16xf32, #tpu.memory_space<hbm>>
      tpu.wait_dma2 semaphore(%run_scoped3A_19 : memref<!tpu.dma_semaphore, #tpu.memory_space<semaphore_mem>>) src(%dma_wait3A_25 : memref<640x16xf32, #tpu.memory_space<hbm>>) dst(%dma_wait3A_23 : memref<640x16xf32, #tpu.memory_space<vmem_shared>>)
      tpu.yield
    }) : () -> ()
    %iota3A = tpu.iota {dimensions = array<i32: 0>} : vector<16xi32>
    %lt3A = arith.constant 1 : i32
    %lt3A_1 = vector.broadcast %lt3A : i32 to vector<16xi32>
    %lt3A_2 = arith.cmpi slt, %iota3A, %lt3A_1 : vector<16xi32>
    %jit3A = arith.constant 1.000000e+00 : f32
    %jit3A_3 = arith.constant 0.000000e+00 : f32
    %broadcast_in_dim3A = vector.broadcast %jit3A : f32 to vector<16xf32>
    %broadcast_in_dim3A_4 = vector.broadcast %jit3A_3 : f32 to vector<16xf32>
    %select_n3A = arith.select %lt3A_2, %broadcast_in_dim3A, %broadcast_in_dim3A_4 : vector<16xi1>, vector<16xf32>
    %scan3A = arith.constant 0 : i32
    %scan3A_5 = arith.constant 0 : i32
    %scan3A_6 = arith.constant 128 : i32
    %scan3A_7 = arith.addi %scan3A_5, %scan3A_6 : i32
    %scan3A_8 = arith.constant 1 : i32
    %scan3A_9 = scf.for %scan3A_19 = %scan3A_5 to %scan3A_7 step %scan3A_8 iter_args(%scan3A_20 = %scan3A) -> (i32)  : i32 {
      %swap3A = arith.index_cast %scan3A_19 : i32 to index
      %swap3A_21 = arith.constant 0 : index
      %swap3A_22 = tpu.vector_load %arg6[%swap3A, %swap3A_21] {strides = array<i32>} : memref<128x16xf32, #tpu.memory_space<vmem>>, vector<1x16xf32>,
      %swap3A_23 = vector.shape_cast %swap3A_22 : vector<1x16xf32> to vector<16xf32>
      %swap3A_24 = vector.shape_cast %select_n3A : vector<16xf32> to vector<1x16xf32>
      tpu.vector_store %arg6[%swap3A, %swap3A_21], %swap3A_24 {strides = array<i32>} : memref<128x16xf32, #tpu.memory_space<vmem>>, vector<1x16xf32>,
      %scan3A_25 = arith.constant 0 : i32
      scf.yield %scan3A_25 : i32
    }
    %scan3A_10 = arith.constant 128 : i32
    %barrier3A = arith.constant 0 : index
    tpu.barrier barrier_id(%barrier3A)
    %scan3A_11 = arith.constant 0 : i32
    %scan3A_12 = arith.constant 0 : i32
    %scan3A_13 = arith.constant 13 : i32
    %scan3A_14 = arith.addi %scan3A_12, %scan3A_13 : i32
    %scan3A_15 = arith.constant 1 : i32
    %scan3A_16 = scf.for %scan3A_19 = %scan3A_12 to %scan3A_14 step %scan3A_15 iter_args(%scan3A_20 = %scan3A_11) -> (i32)  : i32 {
      %mul3A_21 = arith.constant 2 : i32
      %mul3A_22 = arith.muli %mul3A_21, %scan3A_19 : i32
      %add3A = arith.addi %mul3A_22, %arg0 : i32
      "tpu.region"() ({
        %run_scoped3A_24 = tpu.sem_alloc : memref<!tpu.dma_semaphore, #tpu.memory_space<semaphore_mem>>
        %dma_start3A = arith.constant 0 : i32
        %dma_start3A_25 = tpu.memref_slice %arg5[%add3A, %dma_start3A] : memref<26x128xi32, #tpu.memory_space<vmem>> -> memref<1x128xi32, #tpu.memory_space<vmem>>
        %dma_start3A_26 = tpu.memref_squeeze %dma_start3A_25 : memref<1x128xi32, #tpu.memory_space<vmem>> -> memref<128xi32, #tpu.memory_space<vmem>>
        %dma_start3A_27 = arith.constant 0 : i32
        %dma_start3A_28 = arith.constant 0 : i32
        %dma_start3A_29 = tpu.memref_slice %arg7[%dma_start3A_27, %dma_start3A_28] : memref<10240x16xf32, #tpu.memory_space<vmem_shared>> -> memref<10240x16xf32, #tpu.memory_space<vmem_shared>>
        tpu.enqueue_indirect_dma source(%arg6 : memref<128x16xf32, #tpu.memory_space<vmem>>) target(%dma_start3A_29 : memref<10240x16xf32, #tpu.memory_space<vmem_shared>>) offsets(%dma_start3A_26 : memref<128xi32, #tpu.memory_space<vmem>>) semaphore(%run_scoped3A_24 : memref<!tpu.dma_semaphore, #tpu.memory_space<semaphore_mem>>) {add = true}
        %dma_wait3A = arith.constant 0 : i32
        %dma_wait3A_30 = tpu.memref_slice %arg5[%add3A, %dma_wait3A] : memref<26x128xi32, #tpu.memory_space<vmem>> -> memref<1x128xi32, #tpu.memory_space<vmem>>
        %dma_wait3A_31 = tpu.memref_squeeze %dma_wait3A_30 : memref<1x128xi32, #tpu.memory_space<vmem>> -> memref<128xi32, #tpu.memory_space<vmem>>
        %dma_wait3A_32 = arith.constant 0 : i32
        %dma_wait3A_33 = arith.constant 0 : i32
        %dma_wait3A_34 = tpu.memref_slice %arg7[%dma_wait3A_32, %dma_wait3A_33] : memref<10240x16xf32, #tpu.memory_space<vmem_shared>> -> memref<10240x16xf32, #tpu.memory_space<vmem_shared>>
        tpu.wait_indirect_dma semaphore(%run_scoped3A_24 : memref<!tpu.dma_semaphore, #tpu.memory_space<semaphore_mem>>) src(%arg6 : memref<128x16xf32, #tpu.memory_space<vmem>>) dst(%dma_wait3A_34 : memref<10240x16xf32, #tpu.memory_space<vmem_shared>>)
        tpu.yield
      }) : () -> ()
      %scan3A_23 = arith.constant 0 : i32
      scf.yield %scan3A_23 : i32
    }
    %scan3A_17 = arith.constant 13 : i32
    %barrier3A_18 = arith.constant 0 : index
    tpu.barrier barrier_id(%barrier3A_18)
    "tpu.region"() ({
      %run_scoped3A_19 = tpu.sem_alloc : memref<!tpu.dma_semaphore, #tpu.memory_space<semaphore_mem>>
      %dma_start3A = arith.constant 0 : i32
      %dma_start3A_20 = arith.constant 0 : i32
      %dma_start3A_21 = tpu.memref_slice %arg4[%arg0, %dma_start3A, %dma_start3A_20] : memref<2x10240x16xf32, #tpu.memory_space<hbm>> -> memref<1x10240x16xf32, #tpu.memory_space<hbm>>
      %dma_start3A_22 = tpu.memref_squeeze %dma_start3A_21 : memref<1x10240x16xf32, #tpu.memory_space<hbm>> -> memref<10240x16xf32, #tpu.memory_space<hbm>>
      %dma_start3A_23 = arith.constant 0 : i32
      %dma_start3A_24 = tpu.memref_slice %dma_start3A_22[%mul3A_0, %dma_start3A_23] : memref<10240x16xf32, #tpu.memory_space<hbm>> -> memref<640x16xf32, #tpu.memory_space<hbm>>
      %dma_start3A_25 = arith.constant 0 : i32
      %dma_start3A_26 = tpu.memref_slice %arg7[%mul3A_0, %dma_start3A_25] : memref<10240x16xf32, #tpu.memory_space<vmem_shared>> -> memref<640x16xf32, #tpu.memory_space<vmem_shared>>
      tpu.enqueue_dma source(%dma_start3A_26 : memref<640x16xf32, #tpu.memory_space<vmem_shared>>) target(%dma_start3A_24 : memref<640x16xf32, #tpu.memory_space<hbm>>) target_semaphore(%run_scoped3A_19 : memref<!tpu.dma_semaphore, #tpu.memory_space<semaphore_mem>>)
      %dma_wait3A = arith.constant 0 : i32
      %dma_wait3A_27 = arith.constant 0 : i32
      %dma_wait3A_28 = tpu.memref_slice %arg4[%arg0, %dma_wait3A, %dma_wait3A_27] : memref<2x10240x16xf32, #tpu.memory_space<hbm>> -> memref<1x10240x16xf32, #tpu.memory_space<hbm>>
      %dma_wait3A_29 = tpu.memref_squeeze %dma_wait3A_28 : memref<1x10240x16xf32, #tpu.memory_space<hbm>> -> memref<10240x16xf32, #tpu.memory_space<hbm>>
      %dma_wait3A_30 = arith.constant 0 : i32
      %dma_wait3A_31 = tpu.memref_slice %dma_wait3A_29[%mul3A_0, %dma_wait3A_30] : memref<10240x16xf32, #tpu.memory_space<hbm>> -> memref<640x16xf32, #tpu.memory_space<hbm>>
      %dma_wait3A_32 = arith.constant 0 : i32
      %dma_wait3A_33 = tpu.memref_slice %arg7[%mul3A_0, %dma_wait3A_32] : memref<10240x16xf32, #tpu.memory_space<vmem_shared>> -> memref<640x16xf32, #tpu.memory_space<vmem_shared>>
      tpu.wait_dma2 semaphore(%run_scoped3A_19 : memref<!tpu.dma_semaphore, #tpu.memory_space<semaphore_mem>>) src(%dma_wait3A_33 : memref<640x16xf32, #tpu.memory_space<vmem_shared>>) dst(%dma_wait3A_31 : memref<640x16xf32, #tpu.memory_space<hbm>>)
      tpu.yield
    }) : () -> ()
    return
  }
}

module attributes {stable_mosaic.version = 14 : i64} {
  func.func @_fmt_body(%arg0: i32, %arg1: memref<2x50000xi32, #tpu.memory_space<vmem>>, %arg2: memref<2x16x32x128xi32, #tpu.memory_space<vmem>>) attributes {dimension_semantics = [#tpu.dimension_semantics<arbitrary>], iteration_bounds = array<i64: 1>, scalar_prefetch = 0 : i64, scratch_operands = 0 : i64, tpu.core_type = #tpu.core_type<tc>, window_params = [{pipeline_mode = #tpu.pipeline_mode<synchronous>, transform_indices = @transform_0, window_bounds = array<i64: 2, 50000>}, {pipeline_mode = #tpu.pipeline_mode<synchronous>, transform_indices = @transform_1, window_bounds = array<i64: 2, 16, 32, 128>}]} {
    %get3A = arith.constant 0 : index
    %get3A_0 = arith.constant 0 : index
    %get3A_1 = vector.load %arg1[%get3A, %get3A_0] : memref<2x50000xi32, #tpu.memory_space<vmem>>, vector<1x50000xi32>
    %get3A_2 = vector.shape_cast %get3A_1 : vector<1x50000xi32> to vector<50000xi32>
    %broadcast_in_dim3A = arith.constant 0 : i32
    %broadcast_in_dim3A_3 = vector.broadcast %broadcast_in_dim3A : i32 to vector<971xi32>
    %slice3A = vector.extract_strided_slice %get3A_2 {offsets = [0], sizes = [3125], strides = [1]} : vector<50000xi32> to vector<3125xi32>
    %concatenate3A = tpu.concatenate %slice3A, %broadcast_in_dim3A_3 in 0 : vector<3125xi32>, vector<971xi32> -> vector<4096xi32>
    %reshape3A = vector.shape_cast %concatenate3A : vector<4096xi32> to vector<32x128xi32>
    %swap3A = arith.constant 0 : index
    %swap3A_4 = arith.constant 0 : index
    %swap3A_5 = arith.constant 0 : index
    %swap3A_6 = arith.constant 0 : index
    %swap3A_7 = vector.load %arg2[%swap3A, %swap3A_4, %swap3A_5, %swap3A_6] : memref<2x16x32x128xi32, #tpu.memory_space<vmem>>, vector<1x1x32x128xi32>
    %swap3A_8 = vector.shape_cast %swap3A_7 : vector<1x1x32x128xi32> to vector<32x128xi32>
    %swap3A_9 = vector.shape_cast %reshape3A : vector<32x128xi32> to vector<1x1x32x128xi32>
    tpu.vector_store %arg2[%swap3A, %swap3A_4, %swap3A_5, %swap3A_6], %swap3A_9 {strides = array<i32>} : memref<2x16x32x128xi32, #tpu.memory_space<vmem>>, vector<1x1x32x128xi32>,
    %slice3A_10 = vector.extract_strided_slice %get3A_2 {offsets = [3125], sizes = [3125], strides = [1]} : vector<50000xi32> to vector<3125xi32>
    %concatenate3A_11 = tpu.concatenate %slice3A_10, %broadcast_in_dim3A_3 in 0 : vector<3125xi32>, vector<971xi32> -> vector<4096xi32>
    %reshape3A_12 = vector.shape_cast %concatenate3A_11 : vector<4096xi32> to vector<32x128xi32>
    %swap3A_13 = arith.constant 0 : index
    %swap3A_14 = arith.constant 1 : index
    %swap3A_15 = arith.constant 0 : index
    %swap3A_16 = arith.constant 0 : index
    %swap3A_17 = vector.load %arg2[%swap3A_13, %swap3A_14, %swap3A_15, %swap3A_16] : memref<2x16x32x128xi32, #tpu.memory_space<vmem>>, vector<1x1x32x128xi32>
    %swap3A_18 = vector.shape_cast %swap3A_17 : vector<1x1x32x128xi32> to vector<32x128xi32>
    %swap3A_19 = vector.shape_cast %reshape3A_12 : vector<32x128xi32> to vector<1x1x32x128xi32>
    tpu.vector_store %arg2[%swap3A_13, %swap3A_14, %swap3A_15, %swap3A_16], %swap3A_19 {strides = array<i32>} : memref<2x16x32x128xi32, #tpu.memory_space<vmem>>, vector<1x1x32x128xi32>,
    %slice3A_20 = vector.extract_strided_slice %get3A_2 {offsets = [6250], sizes = [3125], strides = [1]} : vector<50000xi32> to vector<3125xi32>
    %concatenate3A_21 = tpu.concatenate %slice3A_20, %broadcast_in_dim3A_3 in 0 : vector<3125xi32>, vector<971xi32> -> vector<4096xi32>
    %reshape3A_22 = vector.shape_cast %concatenate3A_21 : vector<4096xi32> to vector<32x128xi32>
    %swap3A_23 = arith.constant 0 : index
    %swap3A_24 = arith.constant 2 : index
    %swap3A_25 = arith.constant 0 : index
    %swap3A_26 = arith.constant 0 : index
    %swap3A_27 = vector.load %arg2[%swap3A_23, %swap3A_24, %swap3A_25, %swap3A_26] : memref<2x16x32x128xi32, #tpu.memory_space<vmem>>, vector<1x1x32x128xi32>
    %swap3A_28 = vector.shape_cast %swap3A_27 : vector<1x1x32x128xi32> to vector<32x128xi32>
    %swap3A_29 = vector.shape_cast %reshape3A_22 : vector<32x128xi32> to vector<1x1x32x128xi32>
    tpu.vector_store %arg2[%swap3A_23, %swap3A_24, %swap3A_25, %swap3A_26], %swap3A_29 {strides = array<i32>} : memref<2x16x32x128xi32, #tpu.memory_space<vmem>>, vector<1x1x32x128xi32>,
    %slice3A_30 = vector.extract_strided_slice %get3A_2 {offsets = [9375], sizes = [3125], strides = [1]} : vector<50000xi32> to vector<3125xi32>
    %concatenate3A_31 = tpu.concatenate %slice3A_30, %broadcast_in_dim3A_3 in 0 : vector<3125xi32>, vector<971xi32> -> vector<4096xi32>
    %reshape3A_32 = vector.shape_cast %concatenate3A_31 : vector<4096xi32> to vector<32x128xi32>
    %swap3A_33 = arith.constant 0 : index
    %swap3A_34 = arith.constant 3 : index
    %swap3A_35 = arith.constant 0 : index
    %swap3A_36 = arith.constant 0 : index
    %swap3A_37 = vector.load %arg2[%swap3A_33, %swap3A_34, %swap3A_35, %swap3A_36] : memref<2x16x32x128xi32, #tpu.memory_space<vmem>>, vector<1x1x32x128xi32>
    %swap3A_38 = vector.shape_cast %swap3A_37 : vector<1x1x32x128xi32> to vector<32x128xi32>
    %swap3A_39 = vector.shape_cast %reshape3A_32 : vector<32x128xi32> to vector<1x1x32x128xi32>
    tpu.vector_store %arg2[%swap3A_33, %swap3A_34, %swap3A_35, %swap3A_36], %swap3A_39 {strides = array<i32>} : memref<2x16x32x128xi32, #tpu.memory_space<vmem>>, vector<1x1x32x128xi32>,
    %slice3A_40 = vector.extract_strided_slice %get3A_2 {offsets = [12500], sizes = [3125], strides = [1]} : vector<50000xi32> to vector<3125xi32>
    %concatenate3A_41 = tpu.concatenate %slice3A_40, %broadcast_in_dim3A_3 in 0 : vector<3125xi32>, vector<971xi32> -> vector<4096xi32>
    %reshape3A_42 = vector.shape_cast %concatenate3A_41 : vector<4096xi32> to vector<32x128xi32>
    %swap3A_43 = arith.constant 0 : index
    %swap3A_44 = arith.constant 4 : index
    %swap3A_45 = arith.constant 0 : index
    %swap3A_46 = arith.constant 0 : index
    %swap3A_47 = vector.load %arg2[%swap3A_43, %swap3A_44, %swap3A_45, %swap3A_46] : memref<2x16x32x128xi32, #tpu.memory_space<vmem>>, vector<1x1x32x128xi32>
    %swap3A_48 = vector.shape_cast %swap3A_47 : vector<1x1x32x128xi32> to vector<32x128xi32>
    %swap3A_49 = vector.shape_cast %reshape3A_42 : vector<32x128xi32> to vector<1x1x32x128xi32>
    tpu.vector_store %arg2[%swap3A_43, %swap3A_44, %swap3A_45, %swap3A_46], %swap3A_49 {strides = array<i32>} : memref<2x16x32x128xi32, #tpu.memory_space<vmem>>, vector<1x1x32x128xi32>,
    %slice3A_50 = vector.extract_strided_slice %get3A_2 {offsets = [15625], sizes = [3125], strides = [1]} : vector<50000xi32> to vector<3125xi32>
    %concatenate3A_51 = tpu.concatenate %slice3A_50, %broadcast_in_dim3A_3 in 0 : vector<3125xi32>, vector<971xi32> -> vector<4096xi32>
    %reshape3A_52 = vector.shape_cast %concatenate3A_51 : vector<4096xi32> to vector<32x128xi32>
    %swap3A_53 = arith.constant 0 : index
    %swap3A_54 = arith.constant 5 : index
    %swap3A_55 = arith.constant 0 : index
    %swap3A_56 = arith.constant 0 : index
    %swap3A_57 = vector.load %arg2[%swap3A_53, %swap3A_54, %swap3A_55, %swap3A_56] : memref<2x16x32x128xi32, #tpu.memory_space<vmem>>, vector<1x1x32x128xi32>
    %swap3A_58 = vector.shape_cast %swap3A_57 : vector<1x1x32x128xi32> to vector<32x128xi32>
    %swap3A_59 = vector.shape_cast %reshape3A_52 : vector<32x128xi32> to vector<1x1x32x128xi32>
    tpu.vector_store %arg2[%swap3A_53, %swap3A_54, %swap3A_55, %swap3A_56], %swap3A_59 {strides = array<i32>} : memref<2x16x32x128xi32, #tpu.memory_space<vmem>>, vector<1x1x32x128xi32>,
    %slice3A_60 = vector.extract_strided_slice %get3A_2 {offsets = [18750], sizes = [3125], strides = [1]} : vector<50000xi32> to vector<3125xi32>
    %concatenate3A_61 = tpu.concatenate %slice3A_60, %broadcast_in_dim3A_3 in 0 : vector<3125xi32>, vector<971xi32> -> vector<4096xi32>
    %reshape3A_62 = vector.shape_cast %concatenate3A_61 : vector<4096xi32> to vector<32x128xi32>
    %swap3A_63 = arith.constant 0 : index
    %swap3A_64 = arith.constant 6 : index
    %swap3A_65 = arith.constant 0 : index
    %swap3A_66 = arith.constant 0 : index
    %swap3A_67 = vector.load %arg2[%swap3A_63, %swap3A_64, %swap3A_65, %swap3A_66] : memref<2x16x32x128xi32, #tpu.memory_space<vmem>>, vector<1x1x32x128xi32>
    %swap3A_68 = vector.shape_cast %swap3A_67 : vector<1x1x32x128xi32> to vector<32x128xi32>
    %swap3A_69 = vector.shape_cast %reshape3A_62 : vector<32x128xi32> to vector<1x1x32x128xi32>
    tpu.vector_store %arg2[%swap3A_63, %swap3A_64, %swap3A_65, %swap3A_66], %swap3A_69 {strides = array<i32>} : memref<2x16x32x128xi32, #tpu.memory_space<vmem>>, vector<1x1x32x128xi32>,
    %slice3A_70 = vector.extract_strided_slice %get3A_2 {offsets = [21875], sizes = [3125], strides = [1]} : vector<50000xi32> to vector<3125xi32>
    %concatenate3A_71 = tpu.concatenate %slice3A_70, %broadcast_in_dim3A_3 in 0 : vector<3125xi32>, vector<971xi32> -> vector<4096xi32>
    %reshape3A_72 = vector.shape_cast %concatenate3A_71 : vector<4096xi32> to vector<32x128xi32>
    %swap3A_73 = arith.constant 0 : index
    %swap3A_74 = arith.constant 7 : index
    %swap3A_75 = arith.constant 0 : index
    %swap3A_76 = arith.constant 0 : index
    %swap3A_77 = vector.load %arg2[%swap3A_73, %swap3A_74, %swap3A_75, %swap3A_76] : memref<2x16x32x128xi32, #tpu.memory_space<vmem>>, vector<1x1x32x128xi32>
    %swap3A_78 = vector.shape_cast %swap3A_77 : vector<1x1x32x128xi32> to vector<32x128xi32>
    %swap3A_79 = vector.shape_cast %reshape3A_72 : vector<32x128xi32> to vector<1x1x32x128xi32>
    tpu.vector_store %arg2[%swap3A_73, %swap3A_74, %swap3A_75, %swap3A_76], %swap3A_79 {strides = array<i32>} : memref<2x16x32x128xi32, #tpu.memory_space<vmem>>, vector<1x1x32x128xi32>,
    %slice3A_80 = vector.extract_strided_slice %get3A_2 {offsets = [25000], sizes = [3125], strides = [1]} : vector<50000xi32> to vector<3125xi32>
    %concatenate3A_81 = tpu.concatenate %slice3A_80, %broadcast_in_dim3A_3 in 0 : vector<3125xi32>, vector<971xi32> -> vector<4096xi32>
    %reshape3A_82 = vector.shape_cast %concatenate3A_81 : vector<4096xi32> to vector<32x128xi32>
    %swap3A_83 = arith.constant 0 : index
    %swap3A_84 = arith.constant 8 : index
    %swap3A_85 = arith.constant 0 : index
    %swap3A_86 = arith.constant 0 : index
    %swap3A_87 = vector.load %arg2[%swap3A_83, %swap3A_84, %swap3A_85, %swap3A_86] : memref<2x16x32x128xi32, #tpu.memory_space<vmem>>, vector<1x1x32x128xi32>
    %swap3A_88 = vector.shape_cast %swap3A_87 : vector<1x1x32x128xi32> to vector<32x128xi32>
    %swap3A_89 = vector.shape_cast %reshape3A_82 : vector<32x128xi32> to vector<1x1x32x128xi32>
    tpu.vector_store %arg2[%swap3A_83, %swap3A_84, %swap3A_85, %swap3A_86], %swap3A_89 {strides = array<i32>} : memref<2x16x32x128xi32, #tpu.memory_space<vmem>>, vector<1x1x32x128xi32>,
    %slice3A_90 = vector.extract_strided_slice %get3A_2 {offsets = [28125], sizes = [3125], strides = [1]} : vector<50000xi32> to vector<3125xi32>
    %concatenate3A_91 = tpu.concatenate %slice3A_90, %broadcast_in_dim3A_3 in 0 : vector<3125xi32>, vector<971xi32> -> vector<4096xi32>
    %reshape3A_92 = vector.shape_cast %concatenate3A_91 : vector<4096xi32> to vector<32x128xi32>
    %swap3A_93 = arith.constant 0 : index
    %swap3A_94 = arith.constant 9 : index
    %swap3A_95 = arith.constant 0 : index
    %swap3A_96 = arith.constant 0 : index
    %swap3A_97 = vector.load %arg2[%swap3A_93, %swap3A_94, %swap3A_95, %swap3A_96] : memref<2x16x32x128xi32, #tpu.memory_space<vmem>>, vector<1x1x32x128xi32>
    %swap3A_98 = vector.shape_cast %swap3A_97 : vector<1x1x32x128xi32> to vector<32x128xi32>
    %swap3A_99 = vector.shape_cast %reshape3A_92 : vector<32x128xi32> to vector<1x1x32x128xi32>
    tpu.vector_store %arg2[%swap3A_93, %swap3A_94, %swap3A_95, %swap3A_96], %swap3A_99 {strides = array<i32>} : memref<2x16x32x128xi32, #tpu.memory_space<vmem>>, vector<1x1x32x128xi32>,
    %slice3A_100 = vector.extract_strided_slice %get3A_2 {offsets = [31250], sizes = [3125], strides = [1]} : vector<50000xi32> to vector<3125xi32>
    %concatenate3A_101 = tpu.concatenate %slice3A_100, %broadcast_in_dim3A_3 in 0 : vector<3125xi32>, vector<971xi32> -> vector<4096xi32>
    %reshape3A_102 = vector.shape_cast %concatenate3A_101 : vector<4096xi32> to vector<32x128xi32>
    %swap3A_103 = arith.constant 0 : index
    %swap3A_104 = arith.constant 10 : index
    %swap3A_105 = arith.constant 0 : index
    %swap3A_106 = arith.constant 0 : index
    %swap3A_107 = vector.load %arg2[%swap3A_103, %swap3A_104, %swap3A_105, %swap3A_106] : memref<2x16x32x128xi32, #tpu.memory_space<vmem>>, vector<1x1x32x128xi32>
    %swap3A_108 = vector.shape_cast %swap3A_107 : vector<1x1x32x128xi32> to vector<32x128xi32>
    %swap3A_109 = vector.shape_cast %reshape3A_102 : vector<32x128xi32> to vector<1x1x32x128xi32>
    tpu.vector_store %arg2[%swap3A_103, %swap3A_104, %swap3A_105, %swap3A_106], %swap3A_109 {strides = array<i32>} : memref<2x16x32x128xi32, #tpu.memory_space<vmem>>, vector<1x1x32x128xi32>,
    %slice3A_110 = vector.extract_strided_slice %get3A_2 {offsets = [34375], sizes = [3125], strides = [1]} : vector<50000xi32> to vector<3125xi32>
    %concatenate3A_111 = tpu.concatenate %slice3A_110, %broadcast_in_dim3A_3 in 0 : vector<3125xi32>, vector<971xi32> -> vector<4096xi32>
    %reshape3A_112 = vector.shape_cast %concatenate3A_111 : vector<4096xi32> to vector<32x128xi32>
    %swap3A_113 = arith.constant 0 : index
    %swap3A_114 = arith.constant 11 : index
    %swap3A_115 = arith.constant 0 : index
    %swap3A_116 = arith.constant 0 : index
    %swap3A_117 = vector.load %arg2[%swap3A_113, %swap3A_114, %swap3A_115, %swap3A_116] : memref<2x16x32x128xi32, #tpu.memory_space<vmem>>, vector<1x1x32x128xi32>
    %swap3A_118 = vector.shape_cast %swap3A_117 : vector<1x1x32x128xi32> to vector<32x128xi32>
    %swap3A_119 = vector.shape_cast %reshape3A_112 : vector<32x128xi32> to vector<1x1x32x128xi32>
    tpu.vector_store %arg2[%swap3A_113, %swap3A_114, %swap3A_115, %swap3A_116], %swap3A_119 {strides = array<i32>} : memref<2x16x32x128xi32, #tpu.memory_space<vmem>>, vector<1x1x32x128xi32>,
    %slice3A_120 = vector.extract_strided_slice %get3A_2 {offsets = [37500], sizes = [3125], strides = [1]} : vector<50000xi32> to vector<3125xi32>
    %concatenate3A_121 = tpu.concatenate %slice3A_120, %broadcast_in_dim3A_3 in 0 : vector<3125xi32>, vector<971xi32> -> vector<4096xi32>
    %reshape3A_122 = vector.shape_cast %concatenate3A_121 : vector<4096xi32> to vector<32x128xi32>
    %swap3A_123 = arith.constant 0 : index
    %swap3A_124 = arith.constant 12 : index
    %swap3A_125 = arith.constant 0 : index
    %swap3A_126 = arith.constant 0 : index
    %swap3A_127 = vector.load %arg2[%swap3A_123, %swap3A_124, %swap3A_125, %swap3A_126] : memref<2x16x32x128xi32, #tpu.memory_space<vmem>>, vector<1x1x32x128xi32>
    %swap3A_128 = vector.shape_cast %swap3A_127 : vector<1x1x32x128xi32> to vector<32x128xi32>
    %swap3A_129 = vector.shape_cast %reshape3A_122 : vector<32x128xi32> to vector<1x1x32x128xi32>
    tpu.vector_store %arg2[%swap3A_123, %swap3A_124, %swap3A_125, %swap3A_126], %swap3A_129 {strides = array<i32>} : memref<2x16x32x128xi32, #tpu.memory_space<vmem>>, vector<1x1x32x128xi32>,
    %slice3A_130 = vector.extract_strided_slice %get3A_2 {offsets = [40625], sizes = [3125], strides = [1]} : vector<50000xi32> to vector<3125xi32>
    %concatenate3A_131 = tpu.concatenate %slice3A_130, %broadcast_in_dim3A_3 in 0 : vector<3125xi32>, vector<971xi32> -> vector<4096xi32>
    %reshape3A_132 = vector.shape_cast %concatenate3A_131 : vector<4096xi32> to vector<32x128xi32>
    %swap3A_133 = arith.constant 0 : index
    %swap3A_134 = arith.constant 13 : index
    %swap3A_135 = arith.constant 0 : index
    %swap3A_136 = arith.constant 0 : index
    %swap3A_137 = vector.load %arg2[%swap3A_133, %swap3A_134, %swap3A_135, %swap3A_136] : memref<2x16x32x128xi32, #tpu.memory_space<vmem>>, vector<1x1x32x128xi32>
    %swap3A_138 = vector.shape_cast %swap3A_137 : vector<1x1x32x128xi32> to vector<32x128xi32>
    %swap3A_139 = vector.shape_cast %reshape3A_132 : vector<32x128xi32> to vector<1x1x32x128xi32>
    tpu.vector_store %arg2[%swap3A_133, %swap3A_134, %swap3A_135, %swap3A_136], %swap3A_139 {strides = array<i32>} : memref<2x16x32x128xi32, #tpu.memory_space<vmem>>, vector<1x1x32x128xi32>,
    %slice3A_140 = vector.extract_strided_slice %get3A_2 {offsets = [43750], sizes = [3125], strides = [1]} : vector<50000xi32> to vector<3125xi32>
    %concatenate3A_141 = tpu.concatenate %slice3A_140, %broadcast_in_dim3A_3 in 0 : vector<3125xi32>, vector<971xi32> -> vector<4096xi32>
    %reshape3A_142 = vector.shape_cast %concatenate3A_141 : vector<4096xi32> to vector<32x128xi32>
    %swap3A_143 = arith.constant 0 : index
    %swap3A_144 = arith.constant 14 : index
    %swap3A_145 = arith.constant 0 : index
    %swap3A_146 = arith.constant 0 : index
    %swap3A_147 = vector.load %arg2[%swap3A_143, %swap3A_144, %swap3A_145, %swap3A_146] : memref<2x16x32x128xi32, #tpu.memory_space<vmem>>, vector<1x1x32x128xi32>
    %swap3A_148 = vector.shape_cast %swap3A_147 : vector<1x1x32x128xi32> to vector<32x128xi32>
    %swap3A_149 = vector.shape_cast %reshape3A_142 : vector<32x128xi32> to vector<1x1x32x128xi32>
    tpu.vector_store %arg2[%swap3A_143, %swap3A_144, %swap3A_145, %swap3A_146], %swap3A_149 {strides = array<i32>} : memref<2x16x32x128xi32, #tpu.memory_space<vmem>>, vector<1x1x32x128xi32>,
    %slice3A_150 = vector.extract_strided_slice %get3A_2 {offsets = [46875], sizes = [3125], strides = [1]} : vector<50000xi32> to vector<3125xi32>
    %concatenate3A_151 = tpu.concatenate %slice3A_150, %broadcast_in_dim3A_3 in 0 : vector<3125xi32>, vector<971xi32> -> vector<4096xi32>
    %reshape3A_152 = vector.shape_cast %concatenate3A_151 : vector<4096xi32> to vector<32x128xi32>
    %swap3A_153 = arith.constant 0 : index
    %swap3A_154 = arith.constant 15 : index
    %swap3A_155 = arith.constant 0 : index
    %swap3A_156 = arith.constant 0 : index
    %swap3A_157 = vector.load %arg2[%swap3A_153, %swap3A_154, %swap3A_155, %swap3A_156] : memref<2x16x32x128xi32, #tpu.memory_space<vmem>>, vector<1x1x32x128xi32>
    %swap3A_158 = vector.shape_cast %swap3A_157 : vector<1x1x32x128xi32> to vector<32x128xi32>
    %swap3A_159 = vector.shape_cast %reshape3A_152 : vector<32x128xi32> to vector<1x1x32x128xi32>
    tpu.vector_store %arg2[%swap3A_153, %swap3A_154, %swap3A_155, %swap3A_156], %swap3A_159 {strides = array<i32>} : memref<2x16x32x128xi32, #tpu.memory_space<vmem>>, vector<1x1x32x128xi32>,
    %get3A_160 = arith.constant 1 : index
    %get3A_161 = arith.constant 0 : index
    %get3A_162 = vector.load %arg1[%get3A_160, %get3A_161] : memref<2x50000xi32, #tpu.memory_space<vmem>>, vector<1x50000xi32>
    %get3A_163 = vector.shape_cast %get3A_162 : vector<1x50000xi32> to vector<50000xi32>
    %broadcast_in_dim3A_164 = arith.constant 10100 : i32
    %broadcast_in_dim3A_165 = vector.broadcast %broadcast_in_dim3A_164 : i32 to vector<971xi32>
    %slice3A_166 = vector.extract_strided_slice %get3A_163 {offsets = [0], sizes = [3125], strides = [1]} : vector<50000xi32> to vector<3125xi32>
    %concatenate3A_167 = tpu.concatenate %slice3A_166, %broadcast_in_dim3A_165 in 0 : vector<3125xi32>, vector<971xi32> -> vector<4096xi32>
    %reshape3A_168 = vector.shape_cast %concatenate3A_167 : vector<4096xi32> to vector<32x128xi32>
    %swap3A_169 = arith.constant 1 : index
    %swap3A_170 = arith.constant 0 : index
    %swap3A_171 = arith.constant 0 : index
    %swap3A_172 = arith.constant 0 : index
    %swap3A_173 = vector.load %arg2[%swap3A_169, %swap3A_170, %swap3A_171, %swap3A_172] : memref<2x16x32x128xi32, #tpu.memory_space<vmem>>, vector<1x1x32x128xi32>
    %swap3A_174 = vector.shape_cast %swap3A_173 : vector<1x1x32x128xi32> to vector<32x128xi32>
    %swap3A_175 = vector.shape_cast %reshape3A_168 : vector<32x128xi32> to vector<1x1x32x128xi32>
    tpu.vector_store %arg2[%swap3A_169, %swap3A_170, %swap3A_171, %swap3A_172], %swap3A_175 {strides = array<i32>} : memref<2x16x32x128xi32, #tpu.memory_space<vmem>>, vector<1x1x32x128xi32>,
    %slice3A_176 = vector.extract_strided_slice %get3A_163 {offsets = [3125], sizes = [3125], strides = [1]} : vector<50000xi32> to vector<3125xi32>
    %concatenate3A_177 = tpu.concatenate %slice3A_176, %broadcast_in_dim3A_165 in 0 : vector<3125xi32>, vector<971xi32> -> vector<4096xi32>
    %reshape3A_178 = vector.shape_cast %concatenate3A_177 : vector<4096xi32> to vector<32x128xi32>
    %swap3A_179 = arith.constant 1 : index
    %swap3A_180 = arith.constant 1 : index
    %swap3A_181 = arith.constant 0 : index
    %swap3A_182 = arith.constant 0 : index
    %swap3A_183 = vector.load %arg2[%swap3A_179, %swap3A_180, %swap3A_181, %swap3A_182] : memref<2x16x32x128xi32, #tpu.memory_space<vmem>>, vector<1x1x32x128xi32>
    %swap3A_184 = vector.shape_cast %swap3A_183 : vector<1x1x32x128xi32> to vector<32x128xi32>
    %swap3A_185 = vector.shape_cast %reshape3A_178 : vector<32x128xi32> to vector<1x1x32x128xi32>
    tpu.vector_store %arg2[%swap3A_179, %swap3A_180, %swap3A_181, %swap3A_182], %swap3A_185 {strides = array<i32>} : memref<2x16x32x128xi32, #tpu.memory_space<vmem>>, vector<1x1x32x128xi32>,
    %slice3A_186 = vector.extract_strided_slice %get3A_163 {offsets = [6250], sizes = [3125], strides = [1]} : vector<50000xi32> to vector<3125xi32>
    %concatenate3A_187 = tpu.concatenate %slice3A_186, %broadcast_in_dim3A_165 in 0 : vector<3125xi32>, vector<971xi32> -> vector<4096xi32>
    %reshape3A_188 = vector.shape_cast %concatenate3A_187 : vector<4096xi32> to vector<32x128xi32>
    %swap3A_189 = arith.constant 1 : index
    %swap3A_190 = arith.constant 2 : index
    %swap3A_191 = arith.constant 0 : index
    %swap3A_192 = arith.constant 0 : index
    %swap3A_193 = vector.load %arg2[%swap3A_189, %swap3A_190, %swap3A_191, %swap3A_192] : memref<2x16x32x128xi32, #tpu.memory_space<vmem>>, vector<1x1x32x128xi32>
    %swap3A_194 = vector.shape_cast %swap3A_193 : vector<1x1x32x128xi32> to vector<32x128xi32>
    %swap3A_195 = vector.shape_cast %reshape3A_188 : vector<32x128xi32> to vector<1x1x32x128xi32>
    tpu.vector_store %arg2[%swap3A_189, %swap3A_190, %swap3A_191, %swap3A_192], %swap3A_195 {strides = array<i32>} : memref<2x16x32x128xi32, #tpu.memory_space<vmem>>, vector<1x1x32x128xi32>,
    %slice3A_196 = vector.extract_strided_slice %get3A_163 {offsets = [9375], sizes = [3125], strides = [1]} : vector<50000xi32> to vector<3125xi32>
    %concatenate3A_197 = tpu.concatenate %slice3A_196, %broadcast_in_dim3A_165 in 0 : vector<3125xi32>, vector<971xi32> -> vector<4096xi32>
    %reshape3A_198 = vector.shape_cast %concatenate3A_197 : vector<4096xi32> to vector<32x128xi32>
    %swap3A_199 = arith.constant 1 : index
    %swap3A_200 = arith.constant 3 : index
    %swap3A_201 = arith.constant 0 : index
    %swap3A_202 = arith.constant 0 : index
    %swap3A_203 = vector.load %arg2[%swap3A_199, %swap3A_200, %swap3A_201, %swap3A_202] : memref<2x16x32x128xi32, #tpu.memory_space<vmem>>, vector<1x1x32x128xi32>
    %swap3A_204 = vector.shape_cast %swap3A_203 : vector<1x1x32x128xi32> to vector<32x128xi32>
    %swap3A_205 = vector.shape_cast %reshape3A_198 : vector<32x128xi32> to vector<1x1x32x128xi32>
    tpu.vector_store %arg2[%swap3A_199, %swap3A_200, %swap3A_201, %swap3A_202], %swap3A_205 {strides = array<i32>} : memref<2x16x32x128xi32, #tpu.memory_space<vmem>>, vector<1x1x32x128xi32>,
    %slice3A_206 = vector.extract_strided_slice %get3A_163 {offsets = [12500], sizes = [3125], strides = [1]} : vector<50000xi32> to vector<3125xi32>
    %concatenate3A_207 = tpu.concatenate %slice3A_206, %broadcast_in_dim3A_165 in 0 : vector<3125xi32>, vector<971xi32> -> vector<4096xi32>
    %reshape3A_208 = vector.shape_cast %concatenate3A_207 : vector<4096xi32> to vector<32x128xi32>
    %swap3A_209 = arith.constant 1 : index
    %swap3A_210 = arith.constant 4 : index
    %swap3A_211 = arith.constant 0 : index
    %swap3A_212 = arith.constant 0 : index
    %swap3A_213 = vector.load %arg2[%swap3A_209, %swap3A_210, %swap3A_211, %swap3A_212] : memref<2x16x32x128xi32, #tpu.memory_space<vmem>>, vector<1x1x32x128xi32>
    %swap3A_214 = vector.shape_cast %swap3A_213 : vector<1x1x32x128xi32> to vector<32x128xi32>
    %swap3A_215 = vector.shape_cast %reshape3A_208 : vector<32x128xi32> to vector<1x1x32x128xi32>
    tpu.vector_store %arg2[%swap3A_209, %swap3A_210, %swap3A_211, %swap3A_212], %swap3A_215 {strides = array<i32>} : memref<2x16x32x128xi32, #tpu.memory_space<vmem>>, vector<1x1x32x128xi32>,
    %slice3A_216 = vector.extract_strided_slice %get3A_163 {offsets = [15625], sizes = [3125], strides = [1]} : vector<50000xi32> to vector<3125xi32>
    %concatenate3A_217 = tpu.concatenate %slice3A_216, %broadcast_in_dim3A_165 in 0 : vector<3125xi32>, vector<971xi32> -> vector<4096xi32>
    %reshape3A_218 = vector.shape_cast %concatenate3A_217 : vector<4096xi32> to vector<32x128xi32>
    %swap3A_219 = arith.constant 1 : index
    %swap3A_220 = arith.constant 5 : index
    %swap3A_221 = arith.constant 0 : index
    %swap3A_222 = arith.constant 0 : index
    %swap3A_223 = vector.load %arg2[%swap3A_219, %swap3A_220, %swap3A_221, %swap3A_222] : memref<2x16x32x128xi32, #tpu.memory_space<vmem>>, vector<1x1x32x128xi32>
    %swap3A_224 = vector.shape_cast %swap3A_223 : vector<1x1x32x128xi32> to vector<32x128xi32>
    %swap3A_225 = vector.shape_cast %reshape3A_218 : vector<32x128xi32> to vector<1x1x32x128xi32>
    tpu.vector_store %arg2[%swap3A_219, %swap3A_220, %swap3A_221, %swap3A_222], %swap3A_225 {strides = array<i32>} : memref<2x16x32x128xi32, #tpu.memory_space<vmem>>, vector<1x1x32x128xi32>,
    %slice3A_226 = vector.extract_strided_slice %get3A_163 {offsets = [18750], sizes = [3125], strides = [1]} : vector<50000xi32> to vector<3125xi32>
    %concatenate3A_227 = tpu.concatenate %slice3A_226, %broadcast_in_dim3A_165 in 0 : vector<3125xi32>, vector<971xi32> -> vector<4096xi32>
    %reshape3A_228 = vector.shape_cast %concatenate3A_227 : vector<4096xi32> to vector<32x128xi32>
    %swap3A_229 = arith.constant 1 : index
    %swap3A_230 = arith.constant 6 : index
    %swap3A_231 = arith.constant 0 : index
    %swap3A_232 = arith.constant 0 : index
    %swap3A_233 = vector.load %arg2[%swap3A_229, %swap3A_230, %swap3A_231, %swap3A_232] : memref<2x16x32x128xi32, #tpu.memory_space<vmem>>, vector<1x1x32x128xi32>
    %swap3A_234 = vector.shape_cast %swap3A_233 : vector<1x1x32x128xi32> to vector<32x128xi32>
    %swap3A_235 = vector.shape_cast %reshape3A_228 : vector<32x128xi32> to vector<1x1x32x128xi32>
    tpu.vector_store %arg2[%swap3A_229, %swap3A_230, %swap3A_231, %swap3A_232], %swap3A_235 {strides = array<i32>} : memref<2x16x32x128xi32, #tpu.memory_space<vmem>>, vector<1x1x32x128xi32>,
    %slice3A_236 = vector.extract_strided_slice %get3A_163 {offsets = [21875], sizes = [3125], strides = [1]} : vector<50000xi32> to vector<3125xi32>
    %concatenate3A_237 = tpu.concatenate %slice3A_236, %broadcast_in_dim3A_165 in 0 : vector<3125xi32>, vector<971xi32> -> vector<4096xi32>
    %reshape3A_238 = vector.shape_cast %concatenate3A_237 : vector<4096xi32> to vector<32x128xi32>
    %swap3A_239 = arith.constant 1 : index
    %swap3A_240 = arith.constant 7 : index
    %swap3A_241 = arith.constant 0 : index
    %swap3A_242 = arith.constant 0 : index
    %swap3A_243 = vector.load %arg2[%swap3A_239, %swap3A_240, %swap3A_241, %swap3A_242] : memref<2x16x32x128xi32, #tpu.memory_space<vmem>>, vector<1x1x32x128xi32>
    %swap3A_244 = vector.shape_cast %swap3A_243 : vector<1x1x32x128xi32> to vector<32x128xi32>
    %swap3A_245 = vector.shape_cast %reshape3A_238 : vector<32x128xi32> to vector<1x1x32x128xi32>
    tpu.vector_store %arg2[%swap3A_239, %swap3A_240, %swap3A_241, %swap3A_242], %swap3A_245 {strides = array<i32>} : memref<2x16x32x128xi32, #tpu.memory_space<vmem>>, vector<1x1x32x128xi32>,
    %slice3A_246 = vector.extract_strided_slice %get3A_163 {offsets = [25000], sizes = [3125], strides = [1]} : vector<50000xi32> to vector<3125xi32>
    %concatenate3A_247 = tpu.concatenate %slice3A_246, %broadcast_in_dim3A_165 in 0 : vector<3125xi32>, vector<971xi32> -> vector<4096xi32>
    %reshape3A_248 = vector.shape_cast %concatenate3A_247 : vector<4096xi32> to vector<32x128xi32>
    %swap3A_249 = arith.constant 1 : index
    %swap3A_250 = arith.constant 8 : index
    %swap3A_251 = arith.constant 0 : index
    %swap3A_252 = arith.constant 0 : index
    %swap3A_253 = vector.load %arg2[%swap3A_249, %swap3A_250, %swap3A_251, %swap3A_252] : memref<2x16x32x128xi32, #tpu.memory_space<vmem>>, vector<1x1x32x128xi32>
    %swap3A_254 = vector.shape_cast %swap3A_253 : vector<1x1x32x128xi32> to vector<32x128xi32>
    %swap3A_255 = vector.shape_cast %reshape3A_248 : vector<32x128xi32> to vector<1x1x32x128xi32>
    tpu.vector_store %arg2[%swap3A_249, %swap3A_250, %swap3A_251, %swap3A_252], %swap3A_255 {strides = array<i32>} : memref<2x16x32x128xi32, #tpu.memory_space<vmem>>, vector<1x1x32x128xi32>,
    %slice3A_256 = vector.extract_strided_slice %get3A_163 {offsets = [28125], sizes = [3125], strides = [1]} : vector<50000xi32> to vector<3125xi32>
    %concatenate3A_257 = tpu.concatenate %slice3A_256, %broadcast_in_dim3A_165 in 0 : vector<3125xi32>, vector<971xi32> -> vector<4096xi32>
    %reshape3A_258 = vector.shape_cast %concatenate3A_257 : vector<4096xi32> to vector<32x128xi32>
    %swap3A_259 = arith.constant 1 : index
    %swap3A_260 = arith.constant 9 : index
    %swap3A_261 = arith.constant 0 : index
    %swap3A_262 = arith.constant 0 : index
    %swap3A_263 = vector.load %arg2[%swap3A_259, %swap3A_260, %swap3A_261, %swap3A_262] : memref<2x16x32x128xi32, #tpu.memory_space<vmem>>, vector<1x1x32x128xi32>
    %swap3A_264 = vector.shape_cast %swap3A_263 : vector<1x1x32x128xi32> to vector<32x128xi32>
    %swap3A_265 = vector.shape_cast %reshape3A_258 : vector<32x128xi32> to vector<1x1x32x128xi32>
    tpu.vector_store %arg2[%swap3A_259, %swap3A_260, %swap3A_261, %swap3A_262], %swap3A_265 {strides = array<i32>} : memref<2x16x32x128xi32, #tpu.memory_space<vmem>>, vector<1x1x32x128xi32>,
    %slice3A_266 = vector.extract_strided_slice %get3A_163 {offsets = [31250], sizes = [3125], strides = [1]} : vector<50000xi32> to vector<3125xi32>
    %concatenate3A_267 = tpu.concatenate %slice3A_266, %broadcast_in_dim3A_165 in 0 : vector<3125xi32>, vector<971xi32> -> vector<4096xi32>
    %reshape3A_268 = vector.shape_cast %concatenate3A_267 : vector<4096xi32> to vector<32x128xi32>
    %swap3A_269 = arith.constant 1 : index
    %swap3A_270 = arith.constant 10 : index
    %swap3A_271 = arith.constant 0 : index
    %swap3A_272 = arith.constant 0 : index
    %swap3A_273 = vector.load %arg2[%swap3A_269, %swap3A_270, %swap3A_271, %swap3A_272] : memref<2x16x32x128xi32, #tpu.memory_space<vmem>>, vector<1x1x32x128xi32>
    %swap3A_274 = vector.shape_cast %swap3A_273 : vector<1x1x32x128xi32> to vector<32x128xi32>
    %swap3A_275 = vector.shape_cast %reshape3A_268 : vector<32x128xi32> to vector<1x1x32x128xi32>
    tpu.vector_store %arg2[%swap3A_269, %swap3A_270, %swap3A_271, %swap3A_272], %swap3A_275 {strides = array<i32>} : memref<2x16x32x128xi32, #tpu.memory_space<vmem>>, vector<1x1x32x128xi32>,
    %slice3A_276 = vector.extract_strided_slice %get3A_163 {offsets = [34375], sizes = [3125], strides = [1]} : vector<50000xi32> to vector<3125xi32>
    %concatenate3A_277 = tpu.concatenate %slice3A_276, %broadcast_in_dim3A_165 in 0 : vector<3125xi32>, vector<971xi32> -> vector<4096xi32>
    %reshape3A_278 = vector.shape_cast %concatenate3A_277 : vector<4096xi32> to vector<32x128xi32>
    %swap3A_279 = arith.constant 1 : index
    %swap3A_280 = arith.constant 11 : index
    %swap3A_281 = arith.constant 0 : index
    %swap3A_282 = arith.constant 0 : index
    %swap3A_283 = vector.load %arg2[%swap3A_279, %swap3A_280, %swap3A_281, %swap3A_282] : memref<2x16x32x128xi32, #tpu.memory_space<vmem>>, vector<1x1x32x128xi32>
    %swap3A_284 = vector.shape_cast %swap3A_283 : vector<1x1x32x128xi32> to vector<32x128xi32>
    %swap3A_285 = vector.shape_cast %reshape3A_278 : vector<32x128xi32> to vector<1x1x32x128xi32>
    tpu.vector_store %arg2[%swap3A_279, %swap3A_280, %swap3A_281, %swap3A_282], %swap3A_285 {strides = array<i32>} : memref<2x16x32x128xi32, #tpu.memory_space<vmem>>, vector<1x1x32x128xi32>,
    %slice3A_286 = vector.extract_strided_slice %get3A_163 {offsets = [37500], sizes = [3125], strides = [1]} : vector<50000xi32> to vector<3125xi32>
    %concatenate3A_287 = tpu.concatenate %slice3A_286, %broadcast_in_dim3A_165 in 0 : vector<3125xi32>, vector<971xi32> -> vector<4096xi32>
    %reshape3A_288 = vector.shape_cast %concatenate3A_287 : vector<4096xi32> to vector<32x128xi32>
    %swap3A_289 = arith.constant 1 : index
    %swap3A_290 = arith.constant 12 : index
    %swap3A_291 = arith.constant 0 : index
    %swap3A_292 = arith.constant 0 : index
    %swap3A_293 = vector.load %arg2[%swap3A_289, %swap3A_290, %swap3A_291, %swap3A_292] : memref<2x16x32x128xi32, #tpu.memory_space<vmem>>, vector<1x1x32x128xi32>
    %swap3A_294 = vector.shape_cast %swap3A_293 : vector<1x1x32x128xi32> to vector<32x128xi32>
    %swap3A_295 = vector.shape_cast %reshape3A_288 : vector<32x128xi32> to vector<1x1x32x128xi32>
    tpu.vector_store %arg2[%swap3A_289, %swap3A_290, %swap3A_291, %swap3A_292], %swap3A_295 {strides = array<i32>} : memref<2x16x32x128xi32, #tpu.memory_space<vmem>>, vector<1x1x32x128xi32>,
    %slice3A_296 = vector.extract_strided_slice %get3A_163 {offsets = [40625], sizes = [3125], strides = [1]} : vector<50000xi32> to vector<3125xi32>
    %concatenate3A_297 = tpu.concatenate %slice3A_296, %broadcast_in_dim3A_165 in 0 : vector<3125xi32>, vector<971xi32> -> vector<4096xi32>
    %reshape3A_298 = vector.shape_cast %concatenate3A_297 : vector<4096xi32> to vector<32x128xi32>
    %swap3A_299 = arith.constant 1 : index
    %swap3A_300 = arith.constant 13 : index
    %swap3A_301 = arith.constant 0 : index
    %swap3A_302 = arith.constant 0 : index
    %swap3A_303 = vector.load %arg2[%swap3A_299, %swap3A_300, %swap3A_301, %swap3A_302] : memref<2x16x32x128xi32, #tpu.memory_space<vmem>>, vector<1x1x32x128xi32>
    %swap3A_304 = vector.shape_cast %swap3A_303 : vector<1x1x32x128xi32> to vector<32x128xi32>
    %swap3A_305 = vector.shape_cast %reshape3A_298 : vector<32x128xi32> to vector<1x1x32x128xi32>
    tpu.vector_store %arg2[%swap3A_299, %swap3A_300, %swap3A_301, %swap3A_302], %swap3A_305 {strides = array<i32>} : memref<2x16x32x128xi32, #tpu.memory_space<vmem>>, vector<1x1x32x128xi32>,
    %slice3A_306 = vector.extract_strided_slice %get3A_163 {offsets = [43750], sizes = [3125], strides = [1]} : vector<50000xi32> to vector<3125xi32>
    %concatenate3A_307 = tpu.concatenate %slice3A_306, %broadcast_in_dim3A_165 in 0 : vector<3125xi32>, vector<971xi32> -> vector<4096xi32>
    %reshape3A_308 = vector.shape_cast %concatenate3A_307 : vector<4096xi32> to vector<32x128xi32>
    %swap3A_309 = arith.constant 1 : index
    %swap3A_310 = arith.constant 14 : index
    %swap3A_311 = arith.constant 0 : index
    %swap3A_312 = arith.constant 0 : index
    %swap3A_313 = vector.load %arg2[%swap3A_309, %swap3A_310, %swap3A_311, %swap3A_312] : memref<2x16x32x128xi32, #tpu.memory_space<vmem>>, vector<1x1x32x128xi32>
    %swap3A_314 = vector.shape_cast %swap3A_313 : vector<1x1x32x128xi32> to vector<32x128xi32>
    %swap3A_315 = vector.shape_cast %reshape3A_308 : vector<32x128xi32> to vector<1x1x32x128xi32>
    tpu.vector_store %arg2[%swap3A_309, %swap3A_310, %swap3A_311, %swap3A_312], %swap3A_315 {strides = array<i32>} : memref<2x16x32x128xi32, #tpu.memory_space<vmem>>, vector<1x1x32x128xi32>,
    %slice3A_316 = vector.extract_strided_slice %get3A_163 {offsets = [46875], sizes = [3125], strides = [1]} : vector<50000xi32> to vector<3125xi32>
    %concatenate3A_317 = tpu.concatenate %slice3A_316, %broadcast_in_dim3A_165 in 0 : vector<3125xi32>, vector<971xi32> -> vector<4096xi32>
    %reshape3A_318 = vector.shape_cast %concatenate3A_317 : vector<4096xi32> to vector<32x128xi32>
    %swap3A_319 = arith.constant 1 : index
    %swap3A_320 = arith.constant 15 : index
    %swap3A_321 = arith.constant 0 : index
    %swap3A_322 = arith.constant 0 : index
    %swap3A_323 = vector.load %arg2[%swap3A_319, %swap3A_320, %swap3A_321, %swap3A_322] : memref<2x16x32x128xi32, #tpu.memory_space<vmem>>, vector<1x1x32x128xi32>
    %swap3A_324 = vector.shape_cast %swap3A_323 : vector<1x1x32x128xi32> to vector<32x128xi32>
    %swap3A_325 = vector.shape_cast %reshape3A_318 : vector<32x128xi32> to vector<1x1x32x128xi32>
    tpu.vector_store %arg2[%swap3A_319, %swap3A_320, %swap3A_321, %swap3A_322], %swap3A_325 {strides = array<i32>} : memref<2x16x32x128xi32, #tpu.memory_space<vmem>>, vector<1x1x32x128xi32>,
    return
  }
  func.func @transform_0(%arg0: i32) -> (i32, i32) {
    %c0_i32 = arith.constant 0 : i32
    %c0_i32_0 = arith.constant 0 : i32
    %c0_i32_1 = arith.constant 0 : i32
    return %c0_i32, %c0_i32_0 : i32, i32
  }
  func.func @transform_1(%arg0: i32) -> (i32, i32, i32, i32) {
    %c0_i32 = arith.constant 0 : i32
    %c0_i32_0 = arith.constant 0 : i32
    %c0_i32_1 = arith.constant 0 : i32
    %c0_i32_2 = arith.constant 0 : i32
    %c0_i32_3 = arith.constant 0 : i32
    return %c0_i32, %c0_i32_0, %c0_i32_1, %c0_i32_2 : i32, i32, i32, i32
  }
}

module attributes {stable_mosaic.version = 14 : i64} {
  func.func @_mm1_body(%arg0: i32, %arg1: memref<512x1433xf32, #tpu.memory_space<vmem>>, %arg2: memref<1433x789xf32, #tpu.memory_space<vmem>>, %arg3: memref<2x512x16xf32, #tpu.memory_space<vmem>>, %arg4: memref<4x512x224xbf16, #tpu.memory_space<vmem>>) attributes {dimension_semantics = [#tpu.dimension_semantics<arbitrary>], iteration_bounds = array<i64: 20>, scalar_prefetch = 0 : i64, scratch_operands = 0 : i64, tpu.core_type = #tpu.core_type<tc>, window_params = [{transform_indices = @transform_0, window_bounds = array<i64: 512, 1433>}, {pipeline_mode = #tpu.pipeline_mode<synchronous>, transform_indices = @transform_1, window_bounds = array<i64: 1433, 789>}, {transform_indices = @transform_2, window_bounds = array<i64: 2, 512, 16>}, {transform_indices = @transform_3, window_bounds = array<i64: 4, 512, 224>}]} {
    %get3A = arith.constant 0 : index
    %get3A_0 = arith.constant 0 : index
    %get3A_1 = arith.constant 0 : index
    %get3A_2 = vector.load %arg3[%get3A, %get3A_0, %get3A_1] : memref<2x512x16xf32, #tpu.memory_space<vmem>>, vector<1x512x16xf32>
    %get3A_3 = vector.shape_cast %get3A_2 : vector<1x512x16xf32> to vector<512x16xf32>
    %slice3A = vector.extract_strided_slice %get3A_3 {offsets = [0, 0], sizes = [512, 1], strides = [1, 1]} : vector<512x16xf32> to vector<512x1xf32>
    %get3A_4 = arith.constant 1 : index
    %get3A_5 = arith.constant 0 : index
    %get3A_6 = arith.constant 0 : index
    %get3A_7 = vector.load %arg3[%get3A_4, %get3A_5, %get3A_6] : memref<2x512x16xf32, #tpu.memory_space<vmem>>, vector<1x512x16xf32>
    %get3A_8 = vector.shape_cast %get3A_7 : vector<1x512x16xf32> to vector<512x16xf32>
    %slice3A_9 = vector.extract_strided_slice %get3A_8 {offsets = [0, 0], sizes = [512, 1], strides = [1, 1]} : vector<512x16xf32> to vector<512x1xf32>
    %add3A = arith.addf %slice3A, %slice3A_9 : vector<512x1xf32>
    %add3A_10 = arith.constant 1.000000e+00 : f32
    %add3A_11 = vector.broadcast %add3A_10 : f32 to vector<512x1xf32>
    %add3A_12 = arith.addf %add3A, %add3A_11 : vector<512x1xf32>
    %rsqrt3A = math.rsqrt %add3A_12 : vector<512x1xf32>
    %get3A_13 = arith.constant 0 : index
    %get3A_14 = arith.constant 0 : index
    %get3A_15 = vector.load %arg1[%get3A_13, %get3A_14] : memref<512x1433xf32, #tpu.memory_space<vmem>>, vector<512x1433xf32>
    %convert_element_type3A = arith.truncf %get3A_15 : vector<512x1433xf32> to vector<512x1433xbf16>
    %get3A_16 = arith.constant 0 : index
    %get3A_17 = arith.constant 0 : index
    %get3A_18 = vector.load %arg2[%get3A_16, %get3A_17] : memref<1433x789xf32, #tpu.memory_space<vmem>>, vector<1433x789xf32>
    %convert_element_type3A_19 = arith.truncf %get3A_18 : vector<1433x789xf32> to vector<1433x789xbf16>
    %dot_general3A = arith.constant dense<0.000000e+00> : vector<512x789xf32>
    %dot_general3A_20 = tpu.matmul %convert_element_type3A, %convert_element_type3A_19, %dot_general3A {dimension_numbers = #tpu.dot_dimension_numbers<[1], [0], [0], [1], [0, 0, 1, 1], [], []>, transpose_lhs_hint = false} : vector<512x1433xbf16>, vector<1433x789xbf16>, vector<512x789xf32> -> vector<512x789xf32>
    %jit3A = arith.constant 0 : i32
    %convert_element_type3A_21 = arith.sitofp %jit3A : i32 to f32
    %pad3A = vector.broadcast %convert_element_type3A_21 : f32 to vector<512x107xf32>
    %pad3A_22 = tpu.concatenate %dot_general3A_20, %pad3A in 1 : vector<512x789xf32>, vector<512x107xf32> -> vector<512x896xf32>
    %mul3A = vector.broadcast %rsqrt3A : vector<512x1xf32> to vector<512x896xf32>
    %mul3A_23 = arith.mulf %pad3A_22, %mul3A : vector<512x896xf32>
    %convert_element_type3A_24 = arith.truncf %mul3A_23 : vector<512x896xf32> to vector<512x896xbf16>
    %slice3A_25 = vector.extract_strided_slice %convert_element_type3A_24 {offsets = [0, 0], sizes = [512, 224], strides = [1, 1]} : vector<512x896xbf16> to vector<512x224xbf16>
    %swap3A = arith.constant 0 : index
    %swap3A_26 = arith.constant 0 : index
    %swap3A_27 = arith.constant 0 : index
    %swap3A_28 = vector.load %arg4[%swap3A, %swap3A_26, %swap3A_27] : memref<4x512x224xbf16, #tpu.memory_space<vmem>>, vector<1x512x224xbf16>
    %swap3A_29 = vector.shape_cast %swap3A_28 : vector<1x512x224xbf16> to vector<512x224xbf16>
    %swap3A_30 = vector.shape_cast %slice3A_25 : vector<512x224xbf16> to vector<1x512x224xbf16>
    tpu.vector_store %arg4[%swap3A, %swap3A_26, %swap3A_27], %swap3A_30 {strides = array<i32>} : memref<4x512x224xbf16, #tpu.memory_space<vmem>>, vector<1x512x224xbf16>,
    %slice3A_31 = vector.extract_strided_slice %convert_element_type3A_24 {offsets = [0, 224], sizes = [512, 224], strides = [1, 1]} : vector<512x896xbf16> to vector<512x224xbf16>
    %swap3A_32 = arith.constant 1 : index
    %swap3A_33 = arith.constant 0 : index
    %swap3A_34 = arith.constant 0 : index
    %swap3A_35 = vector.load %arg4[%swap3A_32, %swap3A_33, %swap3A_34] : memref<4x512x224xbf16, #tpu.memory_space<vmem>>, vector<1x512x224xbf16>
    %swap3A_36 = vector.shape_cast %swap3A_35 : vector<1x512x224xbf16> to vector<512x224xbf16>
    %swap3A_37 = vector.shape_cast %slice3A_31 : vector<512x224xbf16> to vector<1x512x224xbf16>
    tpu.vector_store %arg4[%swap3A_32, %swap3A_33, %swap3A_34], %swap3A_37 {strides = array<i32>} : memref<4x512x224xbf16, #tpu.memory_space<vmem>>, vector<1x512x224xbf16>,
    %slice3A_38 = vector.extract_strided_slice %convert_element_type3A_24 {offsets = [0, 448], sizes = [512, 224], strides = [1, 1]} : vector<512x896xbf16> to vector<512x224xbf16>
    %swap3A_39 = arith.constant 2 : index
    %swap3A_40 = arith.constant 0 : index
    %swap3A_41 = arith.constant 0 : index
    %swap3A_42 = vector.load %arg4[%swap3A_39, %swap3A_40, %swap3A_41] : memref<4x512x224xbf16, #tpu.memory_space<vmem>>, vector<1x512x224xbf16>
    %swap3A_43 = vector.shape_cast %swap3A_42 : vector<1x512x224xbf16> to vector<512x224xbf16>
    %swap3A_44 = vector.shape_cast %slice3A_38 : vector<512x224xbf16> to vector<1x512x224xbf16>
    tpu.vector_store %arg4[%swap3A_39, %swap3A_40, %swap3A_41], %swap3A_44 {strides = array<i32>} : memref<4x512x224xbf16, #tpu.memory_space<vmem>>, vector<1x512x224xbf16>,
    %slice3A_45 = vector.extract_strided_slice %convert_element_type3A_24 {offsets = [0, 672], sizes = [512, 224], strides = [1, 1]} : vector<512x896xbf16> to vector<512x224xbf16>
    %swap3A_46 = arith.constant 3 : index
    %swap3A_47 = arith.constant 0 : index
    %swap3A_48 = arith.constant 0 : index
    %swap3A_49 = vector.load %arg4[%swap3A_46, %swap3A_47, %swap3A_48] : memref<4x512x224xbf16, #tpu.memory_space<vmem>>, vector<1x512x224xbf16>
    %swap3A_50 = vector.shape_cast %swap3A_49 : vector<1x512x224xbf16> to vector<512x224xbf16>
    %swap3A_51 = vector.shape_cast %slice3A_45 : vector<512x224xbf16> to vector<1x512x224xbf16>
    tpu.vector_store %arg4[%swap3A_46, %swap3A_47, %swap3A_48], %swap3A_51 {strides = array<i32>} : memref<4x512x224xbf16, #tpu.memory_space<vmem>>, vector<1x512x224xbf16>,
    return
  }
  func.func @transform_0(%arg0: i32) -> (i32, i32) {
    %c0_i32 = arith.constant 0 : i32
    %c0_i32_0 = arith.constant 0 : i32
    return %arg0, %c0_i32 : i32, i32
  }
  func.func @transform_1(%arg0: i32) -> (i32, i32) {
    %c0_i32 = arith.constant 0 : i32
    %c0_i32_0 = arith.constant 0 : i32
    %c0_i32_1 = arith.constant 0 : i32
    return %c0_i32, %c0_i32_0 : i32, i32
  }
  func.func @transform_2(%arg0: i32) -> (i32, i32, i32) {
    %c0_i32 = arith.constant 0 : i32
    %c0_i32_0 = arith.constant 0 : i32
    %c0_i32_1 = arith.constant 0 : i32
    return %c0_i32, %arg0, %c0_i32_0 : i32, i32, i32
  }
  func.func @transform_3(%arg0: i32) -> (i32, i32, i32) {
    %c0_i32 = arith.constant 0 : i32
    %c0_i32_0 = arith.constant 0 : i32
    %c0_i32_1 = arith.constant 0 : i32
    return %c0_i32, %arg0, %c0_i32_0 : i32, i32, i32
  }
}

module attributes {stable_mosaic.version = 14 : i64} {
  func.func @_layer2_body(%arg0: i32, %arg1: memref<4x512x224xbf16, #tpu.memory_space<vmem>>, %arg2: memref<2x512x16xf32, #tpu.memory_space<vmem>>, %arg3: memref<4x1x224xf32, #tpu.memory_space<vmem>>, %arg4: memref<4x224x16xf32, #tpu.memory_space<vmem>>, %arg5: memref<2x512x16xf32, #tpu.memory_space<vmem>>) attributes {dimension_semantics = [#tpu.dimension_semantics<arbitrary>], iteration_bounds = array<i64: 20>, scalar_prefetch = 0 : i64, scratch_operands = 0 : i64, tpu.core_type = #tpu.core_type<tc>, window_params = [{transform_indices = @transform_0, window_bounds = array<i64: 4, 512, 224>}, {transform_indices = @transform_1, window_bounds = array<i64: 2, 512, 16>}, {pipeline_mode = #tpu.pipeline_mode<synchronous>, transform_indices = @transform_2, window_bounds = array<i64: 4, 1, 224>}, {pipeline_mode = #tpu.pipeline_mode<synchronous>, transform_indices = @transform_3, window_bounds = array<i64: 4, 224, 16>}, {transform_indices = @transform_4, window_bounds = array<i64: 2, 512, 16>}]} {
    %get3A = arith.constant 0 : index
    %get3A_0 = arith.constant 0 : index
    %get3A_1 = arith.constant 0 : index
    %get3A_2 = vector.load %arg2[%get3A, %get3A_0, %get3A_1] : memref<2x512x16xf32, #tpu.memory_space<vmem>>, vector<1x512x16xf32>
    %get3A_3 = vector.shape_cast %get3A_2 : vector<1x512x16xf32> to vector<512x16xf32>
    %slice3A = vector.extract_strided_slice %get3A_3 {offsets = [0, 0], sizes = [512, 1], strides = [1, 1]} : vector<512x16xf32> to vector<512x1xf32>
    %get3A_4 = arith.constant 1 : index
    %get3A_5 = arith.constant 0 : index
    %get3A_6 = arith.constant 0 : index
    %get3A_7 = vector.load %arg2[%get3A_4, %get3A_5, %get3A_6] : memref<2x512x16xf32, #tpu.memory_space<vmem>>, vector<1x512x16xf32>
    %get3A_8 = vector.shape_cast %get3A_7 : vector<1x512x16xf32> to vector<512x16xf32>
    %slice3A_9 = vector.extract_strided_slice %get3A_8 {offsets = [0, 0], sizes = [512, 1], strides = [1, 1]} : vector<512x16xf32> to vector<512x1xf32>
    %add3A = arith.addf %slice3A, %slice3A_9 : vector<512x1xf32>
    %add3A_10 = arith.constant 1.000000e+00 : f32
    %add3A_11 = vector.broadcast %add3A_10 : f32 to vector<512x1xf32>
    %add3A_12 = arith.addf %add3A, %add3A_11 : vector<512x1xf32>
    %rsqrt3A = math.rsqrt %add3A_12 : vector<512x1xf32>
    %broadcast_in_dim3A = arith.constant 0.000000e+00 : f32
    %broadcast_in_dim3A_13 = vector.broadcast %broadcast_in_dim3A : f32 to vector<512x16xf32>
    %get3A_14 = arith.constant 0 : index
    %get3A_15 = arith.constant 0 : index
    %get3A_16 = arith.constant 0 : index
    %get3A_17 = vector.load %arg1[%get3A_14, %get3A_15, %get3A_16] : memref<4x512x224xbf16, #tpu.memory_space<vmem>>, vector<1x512x224xbf16>
    %get3A_18 = vector.shape_cast %get3A_17 : vector<1x512x224xbf16> to vector<512x224xbf16>
    %convert_element_type3A = arith.extf %get3A_18 : vector<512x224xbf16> to vector<512x224xf32>
    %mul3A = vector.broadcast %rsqrt3A : vector<512x1xf32> to vector<512x224xf32>
    %mul3A_19 = arith.mulf %convert_element_type3A, %mul3A : vector<512x224xf32>
    %get3A_20 = arith.constant 0 : index
    %get3A_21 = arith.constant 0 : index
    %get3A_22 = arith.constant 0 : index
    %get3A_23 = vector.load %arg3[%get3A_20, %get3A_21, %get3A_22] : memref<4x1x224xf32, #tpu.memory_space<vmem>>, vector<1x1x224xf32>
    %get3A_24 = vector.shape_cast %get3A_23 : vector<1x1x224xf32> to vector<1x224xf32>
    %add3A_25 = vector.broadcast %get3A_24 : vector<1x224xf32> to vector<512x224xf32>
    %add3A_26 = arith.addf %mul3A_19, %add3A_25 : vector<512x224xf32>
    %max3A = arith.constant 0.000000e+00 : f32
    %max3A_27 = vector.broadcast %max3A : f32 to vector<512x224xf32>
    %max3A_28 = arith.maximumf %add3A_26, %max3A_27 : vector<512x224xf32>
    %get3A_29 = arith.constant 0 : index
    %get3A_30 = arith.constant 0 : index
    %get3A_31 = arith.constant 0 : index
    %get3A_32 = vector.load %arg4[%get3A_29, %get3A_30, %get3A_31] : memref<4x224x16xf32, #tpu.memory_space<vmem>>, vector<1x224x16xf32>
    %get3A_33 = vector.shape_cast %get3A_32 : vector<1x224x16xf32> to vector<224x16xf32>
    %dot_general3A = arith.constant dense<0.000000e+00> : vector<512x16xf32>
    %dot_general3A_34 = tpu.matmul %max3A_28, %get3A_33, %dot_general3A {dimension_numbers = #tpu.dot_dimension_numbers<[1], [0], [0], [1], [0, 0, 1, 1], [], []>, transpose_lhs_hint = false} : vector<512x224xf32>, vector<224x16xf32>, vector<512x16xf32> -> vector<512x16xf32>
    %add3A_35 = arith.addf %broadcast_in_dim3A_13, %dot_general3A_34 : vector<512x16xf32>
    %get3A_36 = arith.constant 1 : index
    %get3A_37 = arith.constant 0 : index
    %get3A_38 = arith.constant 0 : index
    %get3A_39 = vector.load %arg1[%get3A_36, %get3A_37, %get3A_38] : memref<4x512x224xbf16, #tpu.memory_space<vmem>>, vector<1x512x224xbf16>
    %get3A_40 = vector.shape_cast %get3A_39 : vector<1x512x224xbf16> to vector<512x224xbf16>
    %convert_element_type3A_41 = arith.extf %get3A_40 : vector<512x224xbf16> to vector<512x224xf32>
    %mul3A_42 = vector.broadcast %rsqrt3A : vector<512x1xf32> to vector<512x224xf32>
    %mul3A_43 = arith.mulf %convert_element_type3A_41, %mul3A_42 : vector<512x224xf32>
    %get3A_44 = arith.constant 1 : index
    %get3A_45 = arith.constant 0 : index
    %get3A_46 = arith.constant 0 : index
    %get3A_47 = vector.load %arg3[%get3A_44, %get3A_45, %get3A_46] : memref<4x1x224xf32, #tpu.memory_space<vmem>>, vector<1x1x224xf32>
    %get3A_48 = vector.shape_cast %get3A_47 : vector<1x1x224xf32> to vector<1x224xf32>
    %add3A_49 = vector.broadcast %get3A_48 : vector<1x224xf32> to vector<512x224xf32>
    %add3A_50 = arith.addf %mul3A_43, %add3A_49 : vector<512x224xf32>
    %max3A_51 = arith.constant 0.000000e+00 : f32
    %max3A_52 = vector.broadcast %max3A_51 : f32 to vector<512x224xf32>
    %max3A_53 = arith.maximumf %add3A_50, %max3A_52 : vector<512x224xf32>
    %get3A_54 = arith.constant 1 : index
    %get3A_55 = arith.constant 0 : index
    %get3A_56 = arith.constant 0 : index
    %get3A_57 = vector.load %arg4[%get3A_54, %get3A_55, %get3A_56] : memref<4x224x16xf32, #tpu.memory_space<vmem>>, vector<1x224x16xf32>
    %get3A_58 = vector.shape_cast %get3A_57 : vector<1x224x16xf32> to vector<224x16xf32>
    %dot_general3A_59 = arith.constant dense<0.000000e+00> : vector<512x16xf32>
    %dot_general3A_60 = tpu.matmul %max3A_53, %get3A_58, %dot_general3A_59 {dimension_numbers = #tpu.dot_dimension_numbers<[1], [0], [0], [1], [0, 0, 1, 1], [], []>, transpose_lhs_hint = false} : vector<512x224xf32>, vector<224x16xf32>, vector<512x16xf32> -> vector<512x16xf32>
    %add3A_61 = arith.addf %add3A_35, %dot_general3A_60 : vector<512x16xf32>
    %get3A_62 = arith.constant 2 : index
    %get3A_63 = arith.constant 0 : index
    %get3A_64 = arith.constant 0 : index
    %get3A_65 = vector.load %arg1[%get3A_62, %get3A_63, %get3A_64] : memref<4x512x224xbf16, #tpu.memory_space<vmem>>, vector<1x512x224xbf16>
    %get3A_66 = vector.shape_cast %get3A_65 : vector<1x512x224xbf16> to vector<512x224xbf16>
    %convert_element_type3A_67 = arith.extf %get3A_66 : vector<512x224xbf16> to vector<512x224xf32>
    %mul3A_68 = vector.broadcast %rsqrt3A : vector<512x1xf32> to vector<512x224xf32>
    %mul3A_69 = arith.mulf %convert_element_type3A_67, %mul3A_68 : vector<512x224xf32>
    %get3A_70 = arith.constant 2 : index
    %get3A_71 = arith.constant 0 : index
    %get3A_72 = arith.constant 0 : index
    %get3A_73 = vector.load %arg3[%get3A_70, %get3A_71, %get3A_72] : memref<4x1x224xf32, #tpu.memory_space<vmem>>, vector<1x1x224xf32>
    %get3A_74 = vector.shape_cast %get3A_73 : vector<1x1x224xf32> to vector<1x224xf32>
    %add3A_75 = vector.broadcast %get3A_74 : vector<1x224xf32> to vector<512x224xf32>
    %add3A_76 = arith.addf %mul3A_69, %add3A_75 : vector<512x224xf32>
    %max3A_77 = arith.constant 0.000000e+00 : f32
    %max3A_78 = vector.broadcast %max3A_77 : f32 to vector<512x224xf32>
    %max3A_79 = arith.maximumf %add3A_76, %max3A_78 : vector<512x224xf32>
    %get3A_80 = arith.constant 2 : index
    %get3A_81 = arith.constant 0 : index
    %get3A_82 = arith.constant 0 : index
    %get3A_83 = vector.load %arg4[%get3A_80, %get3A_81, %get3A_82] : memref<4x224x16xf32, #tpu.memory_space<vmem>>, vector<1x224x16xf32>
    %get3A_84 = vector.shape_cast %get3A_83 : vector<1x224x16xf32> to vector<224x16xf32>
    %dot_general3A_85 = arith.constant dense<0.000000e+00> : vector<512x16xf32>
    %dot_general3A_86 = tpu.matmul %max3A_79, %get3A_84, %dot_general3A_85 {dimension_numbers = #tpu.dot_dimension_numbers<[1], [0], [0], [1], [0, 0, 1, 1], [], []>, transpose_lhs_hint = false} : vector<512x224xf32>, vector<224x16xf32>, vector<512x16xf32> -> vector<512x16xf32>
    %add3A_87 = arith.addf %add3A_61, %dot_general3A_86 : vector<512x16xf32>
    %get3A_88 = arith.constant 3 : index
    %get3A_89 = arith.constant 0 : index
    %get3A_90 = arith.constant 0 : index
    %get3A_91 = vector.load %arg1[%get3A_88, %get3A_89, %get3A_90] : memref<4x512x224xbf16, #tpu.memory_space<vmem>>, vector<1x512x224xbf16>
    %get3A_92 = vector.shape_cast %get3A_91 : vector<1x512x224xbf16> to vector<512x224xbf16>
    %convert_element_type3A_93 = arith.extf %get3A_92 : vector<512x224xbf16> to vector<512x224xf32>
    %mul3A_94 = vector.broadcast %rsqrt3A : vector<512x1xf32> to vector<512x224xf32>
    %mul3A_95 = arith.mulf %convert_element_type3A_93, %mul3A_94 : vector<512x224xf32>
    %get3A_96 = arith.constant 3 : index
    %get3A_97 = arith.constant 0 : index
    %get3A_98 = arith.constant 0 : index
    %get3A_99 = vector.load %arg3[%get3A_96, %get3A_97, %get3A_98] : memref<4x1x224xf32, #tpu.memory_space<vmem>>, vector<1x1x224xf32>
    %get3A_100 = vector.shape_cast %get3A_99 : vector<1x1x224xf32> to vector<1x224xf32>
    %add3A_101 = vector.broadcast %get3A_100 : vector<1x224xf32> to vector<512x224xf32>
    %add3A_102 = arith.addf %mul3A_95, %add3A_101 : vector<512x224xf32>
    %max3A_103 = arith.constant 0.000000e+00 : f32
    %max3A_104 = vector.broadcast %max3A_103 : f32 to vector<512x224xf32>
    %max3A_105 = arith.maximumf %add3A_102, %max3A_104 : vector<512x224xf32>
    %get3A_106 = arith.constant 3 : index
    %get3A_107 = arith.constant 0 : index
    %get3A_108 = arith.constant 0 : index
    %get3A_109 = vector.load %arg4[%get3A_106, %get3A_107, %get3A_108] : memref<4x224x16xf32, #tpu.memory_space<vmem>>, vector<1x224x16xf32>
    %get3A_110 = vector.shape_cast %get3A_109 : vector<1x224x16xf32> to vector<224x16xf32>
    %dot_general3A_111 = arith.constant dense<0.000000e+00> : vector<512x16xf32>
    %dot_general3A_112 = tpu.matmul %max3A_105, %get3A_110, %dot_general3A_111 {dimension_numbers = #tpu.dot_dimension_numbers<[1], [0], [0], [1], [0, 0, 1, 1], [], []>, transpose_lhs_hint = false} : vector<512x224xf32>, vector<224x16xf32>, vector<512x16xf32> -> vector<512x16xf32>
    %add3A_113 = arith.addf %add3A_87, %dot_general3A_112 : vector<512x16xf32>
    %mul3A_114 = vector.broadcast %rsqrt3A : vector<512x1xf32> to vector<512x16xf32>
    %mul3A_115 = arith.mulf %add3A_113, %mul3A_114 : vector<512x16xf32>
    %swap3A = arith.constant 0 : index
    %swap3A_116 = arith.constant 0 : index
    %swap3A_117 = arith.constant 0 : index
    %swap3A_118 = vector.load %arg5[%swap3A, %swap3A_116, %swap3A_117] : memref<2x512x16xf32, #tpu.memory_space<vmem>>, vector<1x512x16xf32>
    %swap3A_119 = vector.shape_cast %swap3A_118 : vector<1x512x16xf32> to vector<512x16xf32>
    %swap3A_120 = vector.shape_cast %mul3A_115 : vector<512x16xf32> to vector<1x512x16xf32>
    tpu.vector_store %arg5[%swap3A, %swap3A_116, %swap3A_117], %swap3A_120 {strides = array<i32>} : memref<2x512x16xf32, #tpu.memory_space<vmem>>, vector<1x512x16xf32>,
    %broadcast_in_dim3A_121 = arith.constant 0.000000e+00 : f32
    %broadcast_in_dim3A_122 = vector.broadcast %broadcast_in_dim3A_121 : f32 to vector<512x16xf32>
    %swap3A_123 = arith.constant 1 : index
    %swap3A_124 = arith.constant 0 : index
    %swap3A_125 = arith.constant 0 : index
    %swap3A_126 = vector.load %arg5[%swap3A_123, %swap3A_124, %swap3A_125] : memref<2x512x16xf32, #tpu.memory_space<vmem>>, vector<1x512x16xf32>
    %swap3A_127 = vector.shape_cast %swap3A_126 : vector<1x512x16xf32> to vector<512x16xf32>
    %swap3A_128 = vector.shape_cast %broadcast_in_dim3A_122 : vector<512x16xf32> to vector<1x512x16xf32>
    tpu.vector_store %arg5[%swap3A_123, %swap3A_124, %swap3A_125], %swap3A_128 {strides = array<i32>} : memref<2x512x16xf32, #tpu.memory_space<vmem>>, vector<1x512x16xf32>,
    return
  }
  func.func @transform_0(%arg0: i32) -> (i32, i32, i32) {
    %c0_i32 = arith.constant 0 : i32
    %c0_i32_0 = arith.constant 0 : i32
    %c0_i32_1 = arith.constant 0 : i32
    return %c0_i32, %arg0, %c0_i32_0 : i32, i32, i32
  }
  func.func @transform_1(%arg0: i32) -> (i32, i32, i32) {
    %c0_i32 = arith.constant 0 : i32
    %c0_i32_0 = arith.constant 0 : i32
    %c0_i32_1 = arith.constant 0 : i32
    return %c0_i32, %arg0, %c0_i32_0 : i32, i32, i32
  }
  func.func @transform_2(%arg0: i32) -> (i32, i32, i32) {
    %c0_i32 = arith.constant 0 : i32
    %c0_i32_0 = arith.constant 0 : i32
    %c0_i32_1 = arith.constant 0 : i32
    %c0_i32_2 = arith.constant 0 : i32
    return %c0_i32, %c0_i32_0, %c0_i32_1 : i32, i32, i32
  }
  func.func @transform_3(%arg0: i32) -> (i32, i32, i32) {
    %c0_i32 = arith.constant 0 : i32
    %c0_i32_0 = arith.constant 0 : i32
    %c0_i32_1 = arith.constant 0 : i32
    %c0_i32_2 = arith.constant 0 : i32
    return %c0_i32, %c0_i32_0, %c0_i32_1 : i32, i32, i32
  }
  func.func @transform_4(%arg0: i32) -> (i32, i32, i32) {
    %c0_i32 = arith.constant 0 : i32
    %c0_i32_0 = arith.constant 0 : i32
    %c0_i32_1 = arith.constant 0 : i32
    return %c0_i32, %arg0, %c0_i32_0 : i32, i32, i32
  }
}

module attributes {stable_mosaic.version = 14 : i64} {
  func.func @_final_body(%arg0: i32, %arg1: memref<2x512x16xf32, #tpu.memory_space<vmem>>, %arg2: memref<2x512x16xf32, #tpu.memory_space<vmem>>, %arg3: memref<1x16xf32, #tpu.memory_space<vmem>>, %arg4: memref<512x7xf32, #tpu.memory_space<vmem>>) attributes {dimension_semantics = [#tpu.dimension_semantics<arbitrary>], iteration_bounds = array<i64: 20>, scalar_prefetch = 0 : i64, scratch_operands = 0 : i64, tpu.core_type = #tpu.core_type<tc>, window_params = [{transform_indices = @transform_0, window_bounds = array<i64: 2, 512, 16>}, {transform_indices = @transform_1, window_bounds = array<i64: 2, 512, 16>}, {pipeline_mode = #tpu.pipeline_mode<synchronous>, transform_indices = @transform_2, window_bounds = array<i64: 1, 16>}, {transform_indices = @transform_3, window_bounds = array<i64: 512, 7>}]} {
    %get3A = arith.constant 0 : index
    %get3A_0 = arith.constant 0 : index
    %get3A_1 = arith.constant 0 : index
    %get3A_2 = vector.load %arg2[%get3A, %get3A_0, %get3A_1] : memref<2x512x16xf32, #tpu.memory_space<vmem>>, vector<1x512x16xf32>
    %get3A_3 = vector.shape_cast %get3A_2 : vector<1x512x16xf32> to vector<512x16xf32>
    %slice3A = vector.extract_strided_slice %get3A_3 {offsets = [0, 0], sizes = [512, 1], strides = [1, 1]} : vector<512x16xf32> to vector<512x1xf32>
    %get3A_4 = arith.constant 1 : index
    %get3A_5 = arith.constant 0 : index
    %get3A_6 = arith.constant 0 : index
    %get3A_7 = vector.load %arg2[%get3A_4, %get3A_5, %get3A_6] : memref<2x512x16xf32, #tpu.memory_space<vmem>>, vector<1x512x16xf32>
    %get3A_8 = vector.shape_cast %get3A_7 : vector<1x512x16xf32> to vector<512x16xf32>
    %slice3A_9 = vector.extract_strided_slice %get3A_8 {offsets = [0, 0], sizes = [512, 1], strides = [1, 1]} : vector<512x16xf32> to vector<512x1xf32>
    %add3A = arith.addf %slice3A, %slice3A_9 : vector<512x1xf32>
    %add3A_10 = arith.constant 1.000000e+00 : f32
    %add3A_11 = vector.broadcast %add3A_10 : f32 to vector<512x1xf32>
    %add3A_12 = arith.addf %add3A, %add3A_11 : vector<512x1xf32>
    %rsqrt3A = math.rsqrt %add3A_12 : vector<512x1xf32>
    %get3A_13 = arith.constant 0 : index
    %get3A_14 = arith.constant 0 : index
    %get3A_15 = arith.constant 0 : index
    %get3A_16 = vector.load %arg1[%get3A_13, %get3A_14, %get3A_15] : memref<2x512x16xf32, #tpu.memory_space<vmem>>, vector<1x512x16xf32>
    %get3A_17 = vector.shape_cast %get3A_16 : vector<1x512x16xf32> to vector<512x16xf32>
    %get3A_18 = arith.constant 1 : index
    %get3A_19 = arith.constant 0 : index
    %get3A_20 = arith.constant 0 : index
    %get3A_21 = vector.load %arg1[%get3A_18, %get3A_19, %get3A_20] : memref<2x512x16xf32, #tpu.memory_space<vmem>>, vector<1x512x16xf32>
    %get3A_22 = vector.shape_cast %get3A_21 : vector<1x512x16xf32> to vector<512x16xf32>
    %add3A_23 = arith.addf %get3A_17, %get3A_22 : vector<512x16xf32>
    %mul3A = vector.broadcast %rsqrt3A : vector<512x1xf32> to vector<512x16xf32>
    %mul3A_24 = arith.mulf %add3A_23, %mul3A : vector<512x16xf32>
    %get3A_25 = arith.constant 0 : index
    %get3A_26 = arith.constant 0 : index
    %get3A_27 = vector.load %arg3[%get3A_25, %get3A_26] : memref<1x16xf32, #tpu.memory_space<vmem>>, vector<1x16xf32>
    %add3A_28 = vector.broadcast %get3A_27 : vector<1x16xf32> to vector<512x16xf32>
    %add3A_29 = arith.addf %mul3A_24, %add3A_28 : vector<512x16xf32>
    %iota3A = tpu.iota {dimensions = array<i32: 1>} : vector<512x16xi32>
    %lt3A = arith.constant 7 : i32
    %lt3A_30 = vector.broadcast %lt3A : i32 to vector<512x16xi32>
    %lt3A_31 = arith.cmpi slt, %iota3A, %lt3A_30 : vector<512x16xi32>
    %jit3A = arith.constant 0xFF800000 : f32
    %broadcast_in_dim3A = vector.broadcast %jit3A : f32 to vector<512x16xf32>
    %select_n3A = arith.select %lt3A_31, %add3A_29, %broadcast_in_dim3A : vector<512x16xi1>, vector<512x16xf32>
    %reduce_max3A = arith.constant dense<0xFF800000> : vector<512xf32>
    %reduce_max3A_32 = vector.multi_reduction <maximumf>, %select_n3A, %reduce_max3A [1] : vector<512x16xf32> to vector<512xf32>
    %broadcast_in_dim3A_33 = vector.shape_cast %reduce_max3A_32 : vector<512xf32> to vector<512x1xf32>
    %sub3A = vector.broadcast %broadcast_in_dim3A_33 : vector<512x1xf32> to vector<512x16xf32>
    %sub3A_34 = arith.subf %select_n3A, %sub3A : vector<512x16xf32>
    %exp3A = math.exp %sub3A_34 : vector<512x16xf32>
    %reduce_sum3A = arith.constant dense<0.000000e+00> : vector<512xf32>
    %reduce_sum3A_35 = vector.multi_reduction <add>, %exp3A, %reduce_sum3A [1] : vector<512x16xf32> to vector<512xf32>
    %broadcast_in_dim3A_36 = vector.shape_cast %reduce_sum3A_35 : vector<512xf32> to vector<512x1xf32>
    %log3A = math.log %broadcast_in_dim3A_36 : vector<512x1xf32>
    %add3A_37 = arith.addf %broadcast_in_dim3A_33, %log3A : vector<512x1xf32>
    %sub3A_38 = vector.broadcast %add3A_37 : vector<512x1xf32> to vector<512x16xf32>
    %sub3A_39 = arith.subf %select_n3A, %sub3A_38 : vector<512x16xf32>
    %slice3A_40 = vector.extract_strided_slice %sub3A_39 {offsets = [0, 0], sizes = [512, 7], strides = [1, 1]} : vector<512x16xf32> to vector<512x7xf32>
    %swap3A = arith.constant 0 : index
    %swap3A_41 = arith.constant 0 : index
    %swap3A_42 = vector.load %arg4[%swap3A, %swap3A_41] : memref<512x7xf32, #tpu.memory_space<vmem>>, vector<512x7xf32>
    tpu.vector_store %arg4[%swap3A, %swap3A_41], %slice3A_40 {strides = array<i32>} : memref<512x7xf32, #tpu.memory_space<vmem>>, vector<512x7xf32>,
    return
  }
  func.func @transform_0(%arg0: i32) -> (i32, i32, i32) {
    %c0_i32 = arith.constant 0 : i32
    %c0_i32_0 = arith.constant 0 : i32
    %c0_i32_1 = arith.constant 0 : i32
    return %c0_i32, %arg0, %c0_i32_0 : i32, i32, i32
  }
  func.func @transform_1(%arg0: i32) -> (i32, i32, i32) {
    %c0_i32 = arith.constant 0 : i32
    %c0_i32_0 = arith.constant 0 : i32
    %c0_i32_1 = arith.constant 0 : i32
    return %c0_i32, %arg0, %c0_i32_0 : i32, i32, i32
  }
  func.func @transform_2(%arg0: i32) -> (i32, i32) {
    %c0_i32 = arith.constant 0 : i32
    %c0_i32_0 = arith.constant 0 : i32
    %c0_i32_1 = arith.constant 0 : i32
    return %c0_i32, %c0_i32_0 : i32, i32
  }
  func.func @transform_3(%arg0: i32) -> (i32, i32) {
    %c0_i32 = arith.constant 0 : i32
    %c0_i32_0 = arith.constant 0 : i32
    return %arg0, %c0_i32 : i32, i32
  }
}

</mosaic_0001>

<sc_bundles>
// kernel: kernel.12.cloned.1.call-start
scs
__scs_entry_jumppad:
0x0: {  	(pc) =	sbr.rel $0x88, $3  }
0x1: {  	(tag) =	ssettag $0x0;
	lr =	simm.s32 $0x1  }
0x2: {  	[smem:$0x3F9B] =	sst lr;
	_ =	strace $0xD0000000  }
0x3: {  	_ = 	snop  }
0x4: {  	_ = 	snop  }
0x5: {  	_ = 	snop  }
0x6: {  	_ = 	snop  }
0x7: {  	_ = 	snop  }
__scs_overlays_trampoline_lowered:
0x8: {  	[smem:$0x3FAA] =	sst s0  }
0x9: {  	[smem:$0x3FAB] =	sst s1  }
0xa: {  	[smem:$0x3FAC] =	sst s2  }
0xb: {  	[smem:$0x3FAD] =	sst s3  }
0xc: {  	[smem:$0x3FAE] =	sst s4  }
0xd: {  	[smem:$0x3FAF] =	sst s5  }
0xe: {  	[smem:$0x3FB0] =	sst s6  }
0xf: {  	[smem:$0x3FB1] =	sst s7  }
0x10: {  	[smem:$0x3FB2] =	sst s8  }
0x11: {  	[smem:$0x3FB3] =	sst s9;
	s0 =	simm.s32 @!p0 $0x0  }
0x12: {  	s1 =	sld [smem:$0x3F99];
	s0 =	simm.s32 @p0 $0x1  }
0x13: {  	[smem:$0x3FB4] =	sst s0;
	s0 =	simm.s32 @!p1 $0x0  }
0x14: {  	s2 =	sld [smem:$0x3F98];
	s0 =	simm.s32 @p1 $0x1  }
0x15: {  	[smem:$0x3FB5] =	sst s0;
	s0 =	simm.s32 @!p2 $0x0  }
0x16: {  	s3 =	sld [smem:$0x3FDB];
	s0 =	simm.s32 @p2 $0x1  }
0x17: {  	s4 =	simm.s32 $0x1BF5;
	[smem:$0x3FB7] =	sst s0  }
0x18: {  	s0 =	sld [smem:$0x3F9A];
	_ =	swait.ge [sflag:s4], $0x0  }
0x19: {  	s7 =	sld [smem:$0x3F9B]  }
0x1a: {  	s8 =	sadd.s32 $0xFFFFE003, lr  }
0x1b: {  	s9 =	sadd.s32 $0xFFFFFEF7, lr;
	s5 =	simm.s32 $0xFFFFFFFF;
	p2 =	slt.u32 s8, $0xFFFFF086  }
0x1c: {  	p1 =	slt.u32 s9, $0xF7A;
	s5 =	simm.s32 @!p2 $0x0  }
0x1d: {  	s5 =	simm.s32 @p1 $0x1;
	p0 =	seq.s32 s7, s2  }
0x1e: {  	s7 =	smul.u32 @!p0 $0xF7A, s2;
	p2 =	seq.s32 @!p0 s5, $0x0  }
0x1f: {  	s9 =	smul.u32 $0xF7A, s1;
	s8 =	simm.s32 @!p0 $0x1BF5;
	p2 =	por !p2, p0  }
0x20: {  	[sflag:s8] =	ssyncset.s32 @!p0 $0xFFFFF086;
	s6 =	sadd.s32 @!p0 s3, s7;
	s7 =	simm.s32 @!p0 $0x108  }
0x21: {  	s3 =	sadd.s32 s3, s9;
	s6 =	sadd.s32 @!p0 $0x88, s6;
	s7 =	simm.s32 @p2 $0x1082  }
0x22: {  	[simem:s7], [sflag:s8] =	dma.local @!p0 [hbm:s6], $0xF7A  }
0x23: {  	s9 =	sor.u32 $0xD0000000, s2;
	s6 =	simm.s32 $0x108;
	_ =	swait.ge @!p0 [sflag:s8], $0x0  }
0x24: {  	s3 =	sadd.s32 $0x88, s3;
	s6 =	simm.s32 @!p1 $0x1082;
	[sflag:s4] =	ssyncset.s32 $0xFFFFF086  }
0x25: {  	[simem:s6], [sflag:s4] =	dma.local [hbm:s3], $0xF7A  }
0x26: {  	[smem:$0x3F9B] =	sst s1;
	(tag) =	ssettag s2;
	_ =	strace s9  }
0x27: {  	s1 =	sld [smem:$0x3FAB]  }
0x28: {  	s2 =	sld [smem:$0x3FAC]  }
0x29: {  	s4 =	sld [smem:$0x3FAE]  }
0x2a: {  	p0 =	seq.s32 s5, $0x0;
	s5 =	sld [smem:$0x3FAF]  }
0x2b: {  	s6 =	sld [smem:$0x3FB0]  }
0x2c: {  	s7 =	sld [smem:$0x3FB1]  }
0x2d: {  	s3 =	simm.s32 $0x108;
	s8 =	sld [smem:$0x3FB2]  }
0x2e: {  	s3 =	simm.s32 @!p0 $0x1082;
	s9 =	sld [smem:$0x3FB3]  }
0x2f: {  	lr =	sadd.s32 s0, s3;
	s0 =	sld [smem:$0x3FAA]  }
0x30: {  	s3 =	sld [smem:$0x3FAD]  }
0x31: {  	[smem:$0x3FB6] =	sst s10  }
0x32: {  	s10 =	sld [smem:$0x3FB4];
	_ =	sdelay $0x3  }
0x33: {  	p0 =	seq.s32 s10, $0x1;
	s10 =	sld [smem:$0x3FB6];
	_ =	sdelay $0x3  }
0x34: {  	[smem:$0x3FB6] =	sst s10  }
0x35: {  	s10 =	sld [smem:$0x3FB5];
	_ =	sdelay $0x3  }
0x36: {  	p1 =	seq.s32 s10, $0x1;
	s10 =	sld [smem:$0x3FB6];
	_ =	sdelay $0x3  }
0x37: {  	[smem:$0x3FB6] =	sst s10  }
0x38: {  	s10 =	sld [smem:$0x3FB7]  }
0x39: {  	_ = 	snop;
	(pc) =	sbr.ind lr, $3  }
0x3a: {  	_ = 	snop  }
0x3b: {  	_ = 	snop  }
0x3c: {  	p2 =	seq.s32 s10, $0x1;
	s10 =	sld [smem:$0x3FB6]  }
0x3d: {  	_ =	shalt  }
0x3e: {  	_ =	shalt  }
0x3f: {  	_ =	shalt  }
0x40: {  	_ =	shalt  }
0x41: {  	_ =	shalt  }
0x42: {  	_ =	shalt  }
0x43: {  	_ =	shalt  }
0x44: {  	_ =	shalt  }
0x45: {  	_ =	shalt  }
0x46: {  	_ =	shalt  }
0x47: {  	_ =	shalt  }
0x48: {  	_ =	shalt  }
0x49: {  	_ =	shalt  }
0x4a: {  	_ =	shalt  }
0x4b: {  	_ =	shalt  }
0x4c: {  	_ =	shalt  }
0x4d: {  	_ =	shalt  }
0x4e: {  	_ =	shalt  }
0x4f: {  	_ =	shalt  }
0x50: {  	_ =	shalt  }
0x51: {  	_ =	shalt  }
0x52: {  	_ =	shalt  }
0x53: {  	_ =	shalt  }
0x54: {  	_ =	shalt  }
0x55: {  	_ =	shalt  }
0x56: {  	_ =	shalt  }
0x57: {  	_ =	shalt  }
0x58: {  	_ =	shalt  }
0x59: {  	_ =	shalt  }
0x5a: {  	_ =	shalt  }
0x5b: {  	_ =	shalt  }
0x5c: {  	_ =	shalt  }
0x5d: {  	_ =	shalt  }
0x5e: {  	_ =	shalt  }
0x5f: {  	_ =	shalt  }
0x60: {  	_ =	shalt  }
0x61: {  	_ =	shalt  }
0x62: {  	_ =	shalt  }
0x63: {  	_ =	shalt  }
0x64: {  	_ =	shalt  }
0x65: {  	_ =	shalt  }
0x66: {  	_ =	shalt  }
0x67: {  	_ =	shalt  }
0x68: {  	_ =	shalt  }
0x69: {  	_ =	shalt  }
0x6a: {  	_ =	shalt  }
0x6b: {  	_ =	shalt  }
0x6c: {  	_ =	shalt  }
0x6d: {  	_ =	shalt  }
0x6e: {  	_ =	shalt  }
0x6f: {  	_ =	shalt  }
0x70: {  	_ =	shalt  }
0x71: {  	_ =	shalt  }
0x72: {  	_ =	shalt  }
0x73: {  	_ =	shalt  }
0x74: {  	_ =	shalt  }
0x75: {  	_ =	shalt  }
0x76: {  	_ =	shalt  }
0x77: {  	_ =	shalt  }
0x78: {  	_ =	shalt  }
0x79: {  	_ =	shalt  }
0x7a: {  	_ =	shalt  }
0x7b: {  	_ =	shalt  }
0x7c: {  	_ =	shalt  }
0x7d: {  	_ =	shalt  }
0x7e: {  	_ =	shalt  }
0x7f: {  	_ =	shalt  }
0x80: {  	_ =	shalt  }
0x81: {  	_ =	shalt  }
0x82: {  	_ =	shalt  }
0x83: {  	_ =	shalt  }
0x84: {  	_ =	shalt  }
0x85: {  	_ =	shalt  }
0x86: {  	_ =	shalt  }
0x87: {  	_ =	shalt  }
.Lfunc_end0:
.L_simem_size_0:
called_computation.1_lowered:
.L_overlay_start_0:
0x88: {  	s2 =	sld [smem:$0x3FD9]  }
0x89: {  	s3 =	sld [smem:$0x3FFE];
	_ =	sdelay $0x1  }
0x8a: {  	s1 =	srdreg.scid  }
0x8b: {  	s0 =	sand.u32 $0x1, s1  }
0x8c: {  	s16 =	sshll.u32 s0, $0xA;
	s2 =	sadd.s32 s3, s2  }
0x8d: {  	s2 =	sadd.s32 s2, s16  }
0x8e: {  	[smem:$0x3FC2] =	sst s2  }
0x8f: {  	_ = 	snop  }
0x90: {  	(tm) =	ssettm $0x1  }
0x91: {  	s17 =	sld [smem:$0x3FFB];
	_ =	sdelay $0x3  }
0x92: {  	_ =	strace s17  }
0x93: {  	s2 =	sld [smem:$0x3FFC];
	_ =	sdelay $0x3  }
0x94: {  	_ =	strace s2  }
0x95: {  	s2 =	sld [smem:$0x3FFD];
	_ =	sdelay $0x3  }
0x96: {  	_ =	strace s2  }
0x97: {  	_ =	strace $0x8FFFFFFF  }
0x98: {  	s18 =	sld [smem:$0x3FDB];
	_ =	sdelay $0x1  }
0x99: {  	s19 =	simm.s32 $_scs_section_size  }
0x9a: {  	s4 =	simm.s32 $_size__tile_overlayer_lowered;
	s5 =	simm.s32 $_tile_overlayer_lowered  }
0x9b: {  	s22 =	simm.s32 $0x1BFF;
	s21 =	sshll.u32 s5, $0x1;
	s2 =	sadd.s32 s19, s18  }
0x9c: {  	s6 =	simm.s32 $0x0;
	s20 =	sshll.u32 s4, $0x1;
	s4 =	sadd.s32 s21, s2  }
0x9d: {  	[timem:s6], [sflag:s22] =	dma.local [hbm:s4], s20  }
0x9e: {  	_ =	swait.ge [sflag:s22], s20  }
0x9f: {  	s3 =	ssub.s32 $0x0, s20;
	[sflag:s22] =	ssyncset.done $0x0  }
0xa0: {  	[sflag:s22] =	ssyncadd.s32 s3;
	_ =	sdelay $0x1  }
0xa1: {  	s23 =	simm.s32 $0x1B8B  }
0xa2: {  	_ =	swait.ge [sflag:s23], $0x1  }
0xa3: {  	[sflag:s23] =	ssyncset.done $0x0  }
0xa4: {  	s25 =	simm.s32 $0x1B8E;
	s24 =	sld [smem:$0x3FFE];
	[sflag:s23] =	ssyncadd.s32 $0xFFFFFFFF  }
0xa5: {  	s26 =	simm.s32 $execute0_lowered;
	[smem:$0x3FD2] =	sst s25  }
0xa6: {  	s4 =	sshll.u32 s26, $0x1;
	_ =	strace $0x80000049;
	[dreg:$0x1] =	wrdreg $0xFFFFFFFF  }
0xa7: {  	s28 =	simm.s32 $_size_execute0_lowered;
	s2 =	sadd.s32 s2, s4;
	[dreg:$0x0] =	wrdreg $0x0  }
0xa8: {  	s4 =	sshll.u32 s28, $0x1;
	[dreg:$0x2] =	wrdreg s2  }
0xa9: {  	[dreg:$0x3] =	wrdreg s4  }
0xaa: {  	[dreg:$0x4] =	wrdreg $0xC0  }
0xab: {  	_ =	task [dreg:s6], $0x5FFFF  }
0xac: {  	[dreg:$0x1] =	wrdreg $0xFFFFFFFF  }
0xad: {  	[dreg:$0x0] =	wrdreg $0x60  }
0xae: {  	[dreg:$0x2] =	wrdreg s24  }
0xaf: {  	[dreg:$0x3] =	wrdreg $0xC2000  }
0xb0: {  	[dreg:$0x4] =	wrdreg $0x9  }
0xb1: {  	_ =	task.clear_ibuf [dreg:s6], $0x5FFFF;
	_ =	strace $0x90000049  }
0xb2: {  	s29 =	simm.s32 $0x9;
	_ =	strace $0x8000004B  }
0xb3: {  	_ =	swait.ge [sflag:s29], $0x1  }
0xb4: {  	[sflag:s29] =	ssyncadd.s32 $0xFFFFFFFF  }
0xb5: {  	_ =	strace $0x9000004B  }
0xb6: {  	_ =	sfence  }
0xb7: {  	s30 =	sld [smem:$0x0];
	_ =	sdelay $0x2  }
0xb8: {  	s31 =	sshll.u32 s1, $0xD;
	s1 =	sshrl.u32 s1, $0x2  }
0xb9: {  	s3 =	sand.u32 $0x4000, s31;
	s1 =	sadd.s32 s1, s30  }
0xba: {  	s0 =	sor.u32 s3, s0;
	s1 =	sshll.u32 s1, $0x11  }
0xbb: {  	s0 =	sor.u32 s1, s0  }
0xbc: {  	s0 =	sadd.s32 $0x8F2B, s0  }
0xbd: {  	[sflag:s0] =	ssyncadd.remote.s32 $0x1  }
0xbe: {  	_ =	sfence.sel $0xFFFF  }
0xbf: {  	[dreg:$0x0] =	wrdreg $0xFFFFFFFF;
	(pc) =	sbr.abs _section_cstart, $3  }
0xc0: {  	[dreg:$0x1] =	wrdreg $0xFFFFFFFF  }
0xc1: {  	_ =	task.clear_ibuf [dreg:s6], $0x2FFFF;
	_ =	strace $0x9FFFFFFF  }
0xc2: {  	(tm) =	ssettm $0x7FFFFFFF  }
0xc3: {  	_ =	shalt  }
tec
execute0_lowered:
.L_overlay_start_1:
0x0: {  	(tag) =	ssettag $0x1  }
0x1: {  	s0 =	rddreg [dreg:$0x0]  }
0x2: {  	s1 =	rddreg [dreg:$0x1]  }
0x3: {  	s2 =	simm.s32 $0x0;
	s13 =	stileid.u32;
	s21 =	srdreg.scid  }
0x4: {  	s14 =	simm.s32 $0x5200;
	s16 =	simm.s32 $0x8A00;
	s17 =	simm.s32 $0x1  }
0x5: {  	s18 =	simm.s32 $0x4;
	s20 =	simm.s32 $0x2;
	s3 =	simm.s32 $0xD00  }
0x6: {  	s28 =	simm.s32 $0x180;
	s29 =	simm.s32 $0xD80;
	s30 =	simm.s32 $0x200  }
0x7: {  	s31 =	simm.s32 $0xE00;
	[smem:$0x7FF] =	sst s2;
	s5 =	sadd.s32 $0x92000, s0  }
0x8: {  	s7 =	sshll.u32 s13, $0x9;
	s2 =	sand.u32 $0x1, s21;
	s8 =	smul.u32 $0x23000, s13  }
0x9: {  	s9 =	sadd.s32 $0x6000, s0;
	s24 =	sshll.u32 s13, $0x6;
	s13 =	simm.s32 $0x1A00  }
0xa: {  	s21 =	simm.s32 $0x380;
	_ =	strace $0x8000004A;
	s11 =	smul.u32 $0x46000, s2  }
0xb: {  	s4 =	sadd.s32 s7, s0;
	s6 =	ssub.s32 $0x2, s2;
	s2 =	smul.u32 $0x460000, s2  }
0xc: {  	s0 =	sadd.s32 $0x4000, s0;
	s10 =	sshrl.u32 s6, $0x1;
	s4 =	sadd.s32 $0x2000, s4  }
0xd: {  	s22 =	sshrl.u32 s8, $0x1;
	s19 =	sshrl.u32 s8, $0x4;
	s0 =	sadd.s32 s7, s0  }
0xe: {  	s8 =	simm.s32 $0x7;
	s10 =	ssub.s32 s6, s10;
	[dreg:$0x3] =	wrdreg s4  }
0xf: {  	s12 =	sadd.s32 s22, s1;
	s4 =	sadd.s32 s5, s11;
	s2 =	sshrl.u32 s2, $0x4  }
0x10: {  	s15 =	sadd.s32 s9, s11;
	[dreg:$0x4] =	wrdreg s0;
	s22 =	simm.s32 $0x5  }
0x11: {  	[dreg:$0x8] =	wrdreg s19;
	s2 =	sadd.s32 $0x23000, s2;
	s7 =	smax.u32 s10, $0x1  }
0x12: {  	s23 =	sadd.s32 s19, s4;
	s10 =	sor.u32 $0x1C07, s24;
	s11 =	sshrl.u32 s12, $0x3  }
0x13: {  	s12 =	simm.s32 $0x80;
	s25 =	sadd.s32 s19, s15;
	s24 =	simm.s32 $0x3  }
0x14: {  	s15 =	simm.s32 $0x300;
	s6 =	sadd.s32 s5, s2;
	[dreg:$0x5] =	wrdreg s23  }
0x15: {  	s2 =	sadd.s32 s9, s2;
	[dreg:$0x6] =	wrdreg s25;
	s25 =	simm.s32 $0x100  }
0x16: {  	s23 =	simm.s32 $0xF80;
	s9 =	simm.s32 $0x400;
	s26 =	sadd.s32 s19, s2  }
0x17: {  	s19 =	simm.s32 $0xF00;
	[dreg:$0x7] =	wrdreg s26;
	s26 =	simm.s32 $0x6  }
.LBB2_1:
0x18: {  	s5 =	rddreg [dreg:$0x3];
	s0 =	simm.s32 $0x0  }
0x19: {  	[tilespmem:s0], [sflag:$0x7] =	stream.linear.gather [hbm4b:s5+s0], $0xD00, $0x38;
	[tilespmem:$0x1DA00] =	vst v63  }
0x1a: {  	_ =	swait.ge [sflag:s8], $0xD00  }
0x1b: {  	[sflag:s8] =	ssyncset.done $0x0  }
0x1c: {  	s2 =	rddreg [dreg:$0x4];
	[sflag:s8] =	ssyncadd.s32 $0xFFFFF300  }
0x1d: {  	[tilespmem:s3], [sflag:$0x7] =	stream.linear.gather [hbm4b:s2+s0], $0xD00, $0x38;
	[tilespmem:$0x1DA00] =	vst v63  }
0x1e: {  	_ =	swait.ge [sflag:s8], $0xD00  }
0x1f: {  	[sflag:s8] =	ssyncset.done $0x0  }
0x20: {  	s2 =	rddreg [dreg:$0x5];
	[sflag:s8] =	ssyncadd.s32 $0xFFFFF300  }
0x21: {  	[spmem:s11], [sflag:s10] =	dma.local [hbm:s2], $0x2300  }
0x22: {  	_ =	swait.ge [sflag:s8], $0x2300  }
0x23: {  	[sflag:s8] =	ssyncset.done $0x0  }
0x24: {  	[sflag:s8] =	ssyncadd.s32 $0xFFFFDD00  }
0x25: {  	[bflag:$0x0] =	sbarrier.arrive $0xFFFF  }
0x26: {  	[tilespmem:s13], [sflag:$0x1] =	stream.indirect.gather [hbm4b:s4+s12], $0x70, s0, s12, $0xb8;
	[tilespmem:$0x1DA00] =	vst v63  }
0x27: {  	_ = 	snop  }
0x28: {  	[tilespmem:s14], [sflag:$0x2] =	stream.indirect.gather [hbm4b:s4+s12], $0x70, s12, s12, $0xb8;
	[tilespmem:$0x1DA00] =	vst v63  }
0x29: {  	_ = 	snop  }
0x2a: {  	[tilespmem:s16], [sflag:$0x3] =	stream.indirect.gather [hbm4b:s4+s12], $0x70, s25, s12, $0xb8;
	[tilespmem:$0x1DA00] =	vst v63  }
0x2b: {  	_ =	swait.ge [sflag:s17], $0x3800  }
0x2c: {  	[sflag:s17] =	ssyncset.done $0x0  }
0x2d: {  	[sflag:s17] =	ssyncadd.s32 $0xFFFFC800  }
0x2e: {  	[spmem:s1] =	stream.indirect.scatter.add.bf16 [tilespmem:s13], [sflag:$0x4], $0x70, s3, s12, $0xb8;
	[tilespmem:$0x1DA00] =	vst v63  }
0x2f: {  	_ =	swait.ge [sflag:s18], $0x3800  }
0x30: {  	[sflag:s18] =	ssyncset.done $0x0  }
0x31: {  	[sflag:s18] =	ssyncadd.s32 $0xFFFFC800  }
0x32: {  	[tilespmem:s13], [sflag:$0x1] =	stream.indirect.gather [hbm4b:s4+s12], $0x70, s28, s12, $0xb8;
	[tilespmem:$0x1DA00] =	vst v63  }
0x33: {  	_ =	swait.ge [sflag:s20], $0x3800  }
0x34: {  	[sflag:s20] =	ssyncset.done $0x0  }
0x35: {  	[sflag:s20] =	ssyncadd.s32 $0xFFFFC800  }
0x36: {  	[spmem:s1] =	stream.indirect.scatter.add.bf16 [tilespmem:s14], [sflag:$0x5], $0x70, s29, s12, $0xb8;
	[tilespmem:$0x1DA00] =	vst v63  }
0x37: {  	_ =	swait.ge [sflag:s22], $0x3800  }
0x38: {  	[sflag:s22] =	ssyncset.done $0x0  }
0x39: {  	[sflag:s22] =	ssyncadd.s32 $0xFFFFC800  }
0x3a: {  	[tilespmem:s14], [sflag:$0x2] =	stream.indirect.gather [hbm4b:s4+s12], $0x70, s30, s12, $0xb8;
	[tilespmem:$0x1DA00] =	vst v63  }
0x3b: {  	_ =	swait.ge [sflag:s24], $0x3800  }
0x3c: {  	[sflag:s24] =	ssyncset.done $0x0  }
0x3d: {  	[sflag:s24] =	ssyncadd.s32 $0xFFFFC800  }
0x3e: {  	[spmem:s1] =	stream.indirect.scatter.add.bf16 [tilespmem:s16], [sflag:$0x6], $0x70, s31, s12, $0xb8;
	[tilespmem:$0x1DA00] =	vst v63  }
0x3f: {  	_ =	swait.ge [sflag:s26], $0x3800  }
0x40: {  	[sflag:s26] =	ssyncset.done $0x0  }
0x41: {  	s2 =	simm.s32 $0x280;
	[sflag:s26] =	ssyncadd.s32 $0xFFFFC800  }
0x42: {  	[tilespmem:s16], [sflag:$0x3] =	stream.indirect.gather [hbm4b:s4+s12], $0x70, s2, s12, $0xb8;
	[tilespmem:$0x1DA00] =	vst v63  }
0x43: {  	_ =	swait.ge [sflag:s17], $0x3800  }
0x44: {  	[sflag:s17] =	ssyncset.done $0x0  }
0x45: {  	s2 =	simm.s32 $0xE80;
	[sflag:s17] =	ssyncadd.s32 $0xFFFFC800  }
0x46: {  	[spmem:s1] =	stream.indirect.scatter.add.bf16 [tilespmem:s13], [sflag:$0x4], $0x70, s2, s12, $0xb8;
	[tilespmem:$0x1DA00] =	vst v63  }
0x47: {  	_ =	swait.ge [sflag:s18], $0x3800  }
0x48: {  	[sflag:s18] =	ssyncset.done $0x0  }
0x49: {  	[sflag:s18] =	ssyncadd.s32 $0xFFFFC800  }
0x4a: {  	[tilespmem:s13], [sflag:$0x1] =	stream.indirect.gather [hbm4b:s4+s12], $0x70, s15, s12, $0xb8;
	[tilespmem:$0x1DA00] =	vst v63  }
0x4b: {  	_ =	swait.ge [sflag:s20], $0x3800  }
0x4c: {  	[sflag:s20] =	ssyncset.done $0x0  }
0x4d: {  	[sflag:s20] =	ssyncadd.s32 $0xFFFFC800  }
0x4e: {  	[spmem:s1] =	stream.indirect.scatter.add.bf16 [tilespmem:s14], [sflag:$0x5], $0x70, s19, s12, $0xb8;
	[tilespmem:$0x1DA00] =	vst v63  }
0x4f: {  	_ =	swait.ge [sflag:s22], $0x3800  }
0x50: {  	[sflag:s22] =	ssyncset.done $0x0  }
0x51: {  	[sflag:s22] =	ssyncadd.s32 $0xFFFFC800  }
0x52: {  	[tilespmem:s14], [sflag:$0x2] =	stream.indirect.gather [hbm4b:s4+s12], $0x70, s21, s12, $0xb8;
	[tilespmem:$0x1DA00] =	vst v63  }
0x53: {  	_ =	swait.ge [sflag:s24], $0x3800  }
0x54: {  	[sflag:s24] =	ssyncset.done $0x0  }
0x55: {  	[sflag:s24] =	ssyncadd.s32 $0xFFFFC800  }
0x56: {  	[spmem:s1] =	stream.indirect.scatter.add.bf16 [tilespmem:s16], [sflag:$0x6], $0x70, s23, s12, $0xb8;
	[tilespmem:$0x1DA00] =	vst v63  }
0x57: {  	_ =	swait.ge [sflag:s26], $0x3800  }
0x58: {  	[sflag:s26] =	ssyncset.done $0x0  }
0x59: {  	[sflag:s26] =	ssyncadd.s32 $0xFFFFC800  }
0x5a: {  	[tilespmem:s16], [sflag:$0x3] =	stream.indirect.gather [hbm4b:s4+s12], $0x70, s9, s12, $0xb8;
	[tilespmem:$0x1DA00] =	vst v63  }
0x5b: {  	_ =	swait.ge [sflag:s17], $0x3800  }
0x5c: {  	[sflag:s17] =	ssyncset.done $0x0  }
0x5d: {  	s5 =	simm.s32 $0x1000;
	[sflag:s17] =	ssyncadd.s32 $0xFFFFC800  }
0x5e: {  	[spmem:s1] =	stream.indirect.scatter.add.bf16 [tilespmem:s13], [sflag:$0x4], $0x70, s5, s12, $0xb8;
	[tilespmem:$0x1DA00] =	vst v63  }
0x5f: {  	_ =	swait.ge [sflag:s18], $0x3800  }
0x60: {  	[sflag:s18] =	ssyncset.done $0x0  }
0x61: {  	s5 =	simm.s32 $0x480;
	[sflag:s18] =	ssyncadd.s32 $0xFFFFC800  }
0x62: {  	[tilespmem:s13], [sflag:$0x1] =	stream.indirect.gather [hbm4b:s4+s12], $0x70, s5, s12, $0xb8;
	[tilespmem:$0x1DA00] =	vst v63  }
0x63: {  	_ =	swait.ge [sflag:s20], $0x3800  }
0x64: {  	[sflag:s20] =	ssyncset.done $0x0  }
0x65: {  	s5 =	simm.s32 $0x1080;
	[sflag:s20] =	ssyncadd.s32 $0xFFFFC800  }
0x66: {  	[spmem:s1] =	stream.indirect.scatter.add.bf16 [tilespmem:s14], [sflag:$0x5], $0x70, s5, s12, $0xb8;
	[tilespmem:$0x1DA00] =	vst v63  }
0x67: {  	_ =	swait.ge [sflag:s22], $0x3800  }
0x68: {  	[sflag:s22] =	ssyncset.done $0x0  }
0x69: {  	s5 =	simm.s32 $0x500;
	[sflag:s22] =	ssyncadd.s32 $0xFFFFC800  }
0x6a: {  	[tilespmem:s14], [sflag:$0x2] =	stream.indirect.gather [hbm4b:s4+s12], $0x70, s5, s12, $0xb8;
	[tilespmem:$0x1DA00] =	vst v63  }
0x6b: {  	_ =	swait.ge [sflag:s24], $0x3800  }
0x6c: {  	[sflag:s24] =	ssyncset.done $0x0  }
0x6d: {  	s5 =	simm.s32 $0x1100;
	[sflag:s24] =	ssyncadd.s32 $0xFFFFC800  }
0x6e: {  	[spmem:s1] =	stream.indirect.scatter.add.bf16 [tilespmem:s16], [sflag:$0x6], $0x70, s5, s12, $0xb8;
	[tilespmem:$0x1DA00] =	vst v63  }
0x6f: {  	_ =	swait.ge [sflag:s26], $0x3800  }
0x70: {  	[sflag:s26] =	ssyncset.done $0x0  }
0x71: {  	s5 =	simm.s32 $0x580;
	[sflag:s26] =	ssyncadd.s32 $0xFFFFC800  }
0x72: {  	[tilespmem:s16], [sflag:$0x3] =	stream.indirect.gather [hbm4b:s4+s12], $0x70, s5, s12, $0xb8;
	[tilespmem:$0x1DA00] =	vst v63  }
0x73: {  	_ =	swait.ge [sflag:s17], $0x3800  }
0x74: {  	[sflag:s17] =	ssyncset.done $0x0  }
0x75: {  	s5 =	simm.s32 $0x1180;
	[sflag:s17] =	ssyncadd.s32 $0xFFFFC800  }
0x76: {  	[spmem:s1] =	stream.indirect.scatter.add.bf16 [tilespmem:s13], [sflag:$0x4], $0x70, s5, s12, $0xb8;
	[tilespmem:$0x1DA00] =	vst v63  }
0x77: {  	_ =	swait.ge [sflag:s18], $0x3800  }
0x78: {  	[sflag:s18] =	ssyncset.done $0x0  }
0x79: {  	s5 =	simm.s32 $0x600;
	[sflag:s18] =	ssyncadd.s32 $0xFFFFC800  }
0x7a: {  	[tilespmem:s13], [sflag:$0x1] =	stream.indirect.gather [hbm4b:s4+s12], $0x70, s5, s12, $0xb8;
	[tilespmem:$0x1DA00] =	vst v63  }
0x7b: {  	_ =	swait.ge [sflag:s20], $0x3800  }
0x7c: {  	[sflag:s20] =	ssyncset.done $0x0  }
0x7d: {  	s5 =	simm.s32 $0x1200;
	[sflag:s20] =	ssyncadd.s32 $0xFFFFC800  }
0x7e: {  	[spmem:s1] =	stream.indirect.scatter.add.bf16 [tilespmem:s14], [sflag:$0x5], $0x70, s5, s12, $0xb8;
	[tilespmem:$0x1DA00] =	vst v63  }
0x7f: {  	_ =	swait.ge [sflag:s22], $0x3800  }
0x80: {  	[sflag:s22] =	ssyncset.done $0x0  }
0x81: {  	s5 =	simm.s32 $0x680;
	[sflag:s22] =	ssyncadd.s32 $0xFFFFC800  }
0x82: {  	[tilespmem:s14], [sflag:$0x2] =	stream.indirect.gather [hbm4b:s4+s12], $0x70, s5, s12, $0xb8;
	[tilespmem:$0x1DA00] =	vst v63  }
0x83: {  	_ =	swait.ge [sflag:s24], $0x3800  }
0x84: {  	[sflag:s24] =	ssyncset.done $0x0  }
0x85: {  	s5 =	simm.s32 $0x1280;
	[sflag:s24] =	ssyncadd.s32 $0xFFFFC800  }
0x86: {  	[spmem:s1] =	stream.indirect.scatter.add.bf16 [tilespmem:s16], [sflag:$0x6], $0x70, s5, s12, $0xb8;
	[tilespmem:$0x1DA00] =	vst v63  }
0x87: {  	_ =	swait.ge [sflag:s26], $0x3800  }
0x88: {  	[sflag:s26] =	ssyncset.done $0x0  }
0x89: {  	s5 =	simm.s32 $0x700;
	[sflag:s26] =	ssyncadd.s32 $0xFFFFC800  }
0x8a: {  	[tilespmem:s16], [sflag:$0x3] =	stream.indirect.gather [hbm4b:s4+s12], $0x70, s5, s12, $0xb8;
	[tilespmem:$0x1DA00] =	vst v63  }
0x8b: {  	_ =	swait.ge [sflag:s17], $0x3800  }
0x8c: {  	[sflag:s17] =	ssyncset.done $0x0  }
0x8d: {  	s5 =	simm.s32 $0x1300;
	[sflag:s17] =	ssyncadd.s32 $0xFFFFC800  }
0x8e: {  	[spmem:s1] =	stream.indirect.scatter.add.bf16 [tilespmem:s13], [sflag:$0x4], $0x70, s5, s12, $0xb8;
	[tilespmem:$0x1DA00] =	vst v63  }
0x8f: {  	_ =	swait.ge [sflag:s18], $0x3800  }
0x90: {  	[sflag:s18] =	ssyncset.done $0x0  }
0x91: {  	s5 =	simm.s32 $0x780;
	[sflag:s18] =	ssyncadd.s32 $0xFFFFC800  }
0x92: {  	[tilespmem:s13], [sflag:$0x1] =	stream.indirect.gather [hbm4b:s4+s12], $0x70, s5, s12, $0xb8;
	[tilespmem:$0x1DA00] =	vst v63  }
0x93: {  	_ =	swait.ge [sflag:s20], $0x3800  }
0x94: {  	[sflag:s20] =	ssyncset.done $0x0  }
0x95: {  	s5 =	simm.s32 $0x1380;
	[sflag:s20] =	ssyncadd.s32 $0xFFFFC800  }
0x96: {  	[spmem:s1] =	stream.indirect.scatter.add.bf16 [tilespmem:s14], [sflag:$0x5], $0x70, s5, s12, $0xb8;
	[tilespmem:$0x1DA00] =	vst v63  }
0x97: {  	_ =	swait.ge [sflag:s22], $0x3800  }
0x98: {  	[sflag:s22] =	ssyncset.done $0x0  }
0x99: {  	s5 =	simm.s32 $0x800;
	[sflag:s22] =	ssyncadd.s32 $0xFFFFC800  }
0x9a: {  	[tilespmem:s14], [sflag:$0x2] =	stream.indirect.gather [hbm4b:s4+s12], $0x70, s5, s12, $0xb8;
	[tilespmem:$0x1DA00] =	vst v63  }
0x9b: {  	_ =	swait.ge [sflag:s24], $0x3800  }
0x9c: {  	[sflag:s24] =	ssyncset.done $0x0  }
0x9d: {  	s5 =	simm.s32 $0x1400;
	[sflag:s24] =	ssyncadd.s32 $0xFFFFC800  }
0x9e: {  	[spmem:s1] =	stream.indirect.scatter.add.bf16 [tilespmem:s16], [sflag:$0x6], $0x70, s5, s12, $0xb8;
	[tilespmem:$0x1DA00] =	vst v63  }
0x9f: {  	_ =	swait.ge [sflag:s26], $0x3800  }
0xa0: {  	[sflag:s26] =	ssyncset.done $0x0  }
0xa1: {  	s5 =	simm.s32 $0x880;
	[sflag:s26] =	ssyncadd.s32 $0xFFFFC800  }
0xa2: {  	[tilespmem:s16], [sflag:$0x3] =	stream.indirect.gather [hbm4b:s4+s12], $0x70, s5, s12, $0xb8;
	[tilespmem:$0x1DA00] =	vst v63  }
0xa3: {  	_ =	swait.ge [sflag:s17], $0x3800  }
0xa4: {  	[sflag:s17] =	ssyncset.done $0x0  }
0xa5: {  	s5 =	simm.s32 $0x1480;
	[sflag:s17] =	ssyncadd.s32 $0xFFFFC800  }
0xa6: {  	[spmem:s1] =	stream.indirect.scatter.add.bf16 [tilespmem:s13], [sflag:$0x4], $0x70, s5, s12, $0xb8;
	[tilespmem:$0x1DA00] =	vst v63  }
0xa7: {  	_ =	swait.ge [sflag:s18], $0x3800  }
0xa8: {  	[sflag:s18] =	ssyncset.done $0x0  }
0xa9: {  	s5 =	simm.s32 $0x900;
	[sflag:s18] =	ssyncadd.s32 $0xFFFFC800  }
0xaa: {  	[tilespmem:s13], [sflag:$0x1] =	stream.indirect.gather [hbm4b:s4+s12], $0x70, s5, s12, $0xb8;
	[tilespmem:$0x1DA00] =	vst v63  }
0xab: {  	_ =	swait.ge [sflag:s20], $0x3800  }
0xac: {  	[sflag:s20] =	ssyncset.done $0x0  }
0xad: {  	s5 =	simm.s32 $0x1500;
	[sflag:s20] =	ssyncadd.s32 $0xFFFFC800  }
0xae: {  	[spmem:s1] =	stream.indirect.scatter.add.bf16 [tilespmem:s14], [sflag:$0x5], $0x70, s5, s12, $0xb8;
	[tilespmem:$0x1DA00] =	vst v63  }
0xaf: {  	_ =	swait.ge [sflag:s22], $0x3800  }
0xb0: {  	[sflag:s22] =	ssyncset.done $0x0  }
0xb1: {  	s5 =	simm.s32 $0x980;
	[sflag:s22] =	ssyncadd.s32 $0xFFFFC800  }
0xb2: {  	[tilespmem:s14], [sflag:$0x2] =	stream.indirect.gather [hbm4b:s4+s12], $0x70, s5, s12, $0xb8;
	[tilespmem:$0x1DA00] =	vst v63  }
0xb3: {  	_ =	swait.ge [sflag:s24], $0x3800  }
0xb4: {  	[sflag:s24] =	ssyncset.done $0x0  }
0xb5: {  	s5 =	simm.s32 $0x1580;
	[sflag:s24] =	ssyncadd.s32 $0xFFFFC800  }
0xb6: {  	[spmem:s1] =	stream.indirect.scatter.add.bf16 [tilespmem:s16], [sflag:$0x6], $0x70, s5, s12, $0xb8;
	[tilespmem:$0x1DA00] =	vst v63  }
0xb7: {  	_ =	swait.ge [sflag:s26], $0x3800  }
0xb8: {  	[sflag:s26] =	ssyncset.done $0x0  }
0xb9: {  	s5 =	simm.s32 $0xA00;
	[sflag:s26] =	ssyncadd.s32 $0xFFFFC800  }
0xba: {  	[tilespmem:s16], [sflag:$0x3] =	stream.indirect.gather [hbm4b:s4+s12], $0x70, s5, s12, $0xb8;
	[tilespmem:$0x1DA00] =	vst v63  }
0xbb: {  	_ =	swait.ge [sflag:s17], $0x3800  }
0xbc: {  	[sflag:s17] =	ssyncset.done $0x0  }
0xbd: {  	s5 =	simm.s32 $0x1600;
	[sflag:s17] =	ssyncadd.s32 $0xFFFFC800  }
0xbe: {  	[spmem:s1] =	stream.indirect.scatter.add.bf16 [tilespmem:s13], [sflag:$0x4], $0x70, s5, s12, $0xb8;
	[tilespmem:$0x1DA00] =	vst v63  }
0xbf: {  	_ =	swait.ge [sflag:s18], $0x3800  }
0xc0: {  	[sflag:s18] =	ssyncset.done $0x0  }
0xc1: {  	s5 =	simm.s32 $0xA80;
	[sflag:s18] =	ssyncadd.s32 $0xFFFFC800  }
0xc2: {  	[tilespmem:s13], [sflag:$0x1] =	stream.indirect.gather [hbm4b:s4+s12], $0x70, s5, s12, $0xb8;
	[tilespmem:$0x1DA00] =	vst v63  }
0xc3: {  	_ =	swait.ge [sflag:s20], $0x3800  }
0xc4: {  	[sflag:s20] =	ssyncset.done $0x0  }
0xc5: {  	s5 =	simm.s32 $0x1680;
	[sflag:s20] =	ssyncadd.s32 $0xFFFFC800  }
0xc6: {  	[spmem:s1] =	stream.indirect.scatter.add.bf16 [tilespmem:s14], [sflag:$0x5], $0x70, s5, s12, $0xb8;
	[tilespmem:$0x1DA00] =	vst v63  }
0xc7: {  	_ =	swait.ge [sflag:s22], $0x3800  }
0xc8: {  	[sflag:s22] =	ssyncset.done $0x0  }
0xc9: {  	s5 =	simm.s32 $0xB00;
	[sflag:s22] =	ssyncadd.s32 $0xFFFFC800  }
0xca: {  	[tilespmem:s14], [sflag:$0x2] =	stream.indirect.gather [hbm4b:s4+s12], $0x70, s5, s12, $0xb8;
	[tilespmem:$0x1DA00] =	vst v63  }
0xcb: {  	_ =	swait.ge [sflag:s24], $0x3800  }
0xcc: {  	[sflag:s24] =	ssyncset.done $0x0  }
0xcd: {  	s5 =	simm.s32 $0x1700;
	[sflag:s24] =	ssyncadd.s32 $0xFFFFC800  }
0xce: {  	[spmem:s1] =	stream.indirect.scatter.add.bf16 [tilespmem:s16], [sflag:$0x6], $0x70, s5, s12, $0xb8;
	[tilespmem:$0x1DA00] =	vst v63  }
0xcf: {  	_ =	swait.ge [sflag:s26], $0x3800  }
0xd0: {  	[sflag:s26] =	ssyncset.done $0x0  }
0xd1: {  	s5 =	simm.s32 $0xB80;
	[sflag:s26] =	ssyncadd.s32 $0xFFFFC800  }
0xd2: {  	[tilespmem:s16], [sflag:$0x3] =	stream.indirect.gather [hbm4b:s4+s12], $0x70, s5, s12, $0xb8;
	[tilespmem:$0x1DA00] =	vst v63  }
0xd3: {  	_ =	swait.ge [sflag:s17], $0x3800  }
0xd4: {  	[sflag:s17] =	ssyncset.done $0x0  }
0xd5: {  	s5 =	simm.s32 $0x1780;
	[sflag:s17] =	ssyncadd.s32 $0xFFFFC800  }
0xd6: {  	[spmem:s1] =	stream.indirect.scatter.add.bf16 [tilespmem:s13], [sflag:$0x4], $0x70, s5, s12, $0xb8;
	[tilespmem:$0x1DA00] =	vst v63  }
0xd7: {  	_ =	swait.ge [sflag:s18], $0x3800  }
0xd8: {  	[sflag:s18] =	ssyncset.done $0x0  }
0xd9: {  	s5 =	simm.s32 $0xC00;
	[sflag:s18] =	ssyncadd.s32 $0xFFFFC800  }
0xda: {  	[tilespmem:s13], [sflag:$0x1] =	stream.indirect.gather [hbm4b:s4+s12], $0x70, s5, s12, $0xb8;
	[tilespmem:$0x1DA00] =	vst v63  }
0xdb: {  	_ =	swait.ge [sflag:s20], $0x3800  }
0xdc: {  	[sflag:s20] =	ssyncset.done $0x0  }
0xdd: {  	s5 =	simm.s32 $0x1800;
	[sflag:s20] =	ssyncadd.s32 $0xFFFFC800  }
0xde: {  	[spmem:s1] =	stream.indirect.scatter.add.bf16 [tilespmem:s14], [sflag:$0x5], $0x70, s5, s12, $0xb8;
	[tilespmem:$0x1DA00] =	vst v63  }
0xdf: {  	_ =	swait.ge [sflag:s22], $0x3800  }
0xe0: {  	[sflag:s22] =	ssyncset.done $0x0  }
0xe1: {  	s5 =	simm.s32 $0xC80;
	[sflag:s22] =	ssyncadd.s32 $0xFFFFC800  }
0xe2: {  	[tilespmem:s14], [sflag:$0x2] =	stream.indirect.gather [hbm4b:s4+s12], $0x70, s5, s12, $0xb8;
	[tilespmem:$0x1DA00] =	vst v63  }
0xe3: {  	_ =	swait.ge [sflag:s24], $0x3800  }
0xe4: {  	[sflag:s24] =	ssyncset.done $0x0  }
0xe5: {  	s5 =	simm.s32 $0x1880;
	[sflag:s24] =	ssyncadd.s32 $0xFFFFC800  }
0xe6: {  	[spmem:s1] =	stream.indirect.scatter.add.bf16 [tilespmem:s16], [sflag:$0x6], $0x70, s5, s12, $0xb8;
	[tilespmem:$0x1DA00] =	vst v63  }
0xe7: {  	_ =	swait.ge [sflag:s17], $0x3800  }
0xe8: {  	[sflag:s17] =	ssyncset.done $0x0  }
0xe9: {  	s5 =	simm.s32 $0x1900;
	[sflag:s17] =	ssyncadd.s32 $0xFFFFC800  }
0xea: {  	[spmem:s1] =	stream.indirect.scatter.add.bf16 [tilespmem:s13], [sflag:$0x4], $0x70, s5, s12, $0xb8;
	[tilespmem:$0x1DA00] =	vst v63  }
0xeb: {  	_ =	swait.ge [sflag:s20], $0x3800  }
0xec: {  	[sflag:s20] =	ssyncset.done $0x0  }
0xed: {  	s5 =	simm.s32 $0x1980;
	[sflag:s20] =	ssyncadd.s32 $0xFFFFC800  }
0xee: {  	[spmem:s1] =	stream.indirect.scatter.add.bf16 [tilespmem:s14], [sflag:$0x5], $0x70, s5, s12, $0xb8;
	[tilespmem:$0x1DA00] =	vst v63  }
0xef: {  	_ =	swait.ge [sflag:s26], $0x3800  }
0xf0: {  	[sflag:s26] =	ssyncset.done $0x0  }
0xf1: {  	[sflag:s26] =	ssyncadd.s32 $0xFFFFC800  }
0xf2: {  	_ =	swait.ge [sflag:s18], $0x3800  }
0xf3: {  	[sflag:s18] =	ssyncset.done $0x0  }
0xf4: {  	[sflag:s18] =	ssyncadd.s32 $0xFFFFC800  }
0xf5: {  	_ =	swait.ge [sflag:s22], $0x3800  }
0xf6: {  	[sflag:s22] =	ssyncset.done $0x0  }
0xf7: {  	[sflag:s22] =	ssyncadd.s32 $0xFFFFC800  }
0xf8: {  	[bflag:$0x0] =	sbarrier.arrive $0xFFFF  }
0xf9: {  	s5 =	rddreg [dreg:$0x6]  }
0xfa: {  	[hbm:s5], [sflag:s10] =	dma.local [spmem:s11], $0x2300  }
0xfb: {  	_ =	swait.ge [sflag:s8], $0x2300  }
0xfc: {  	[sflag:s8] =	ssyncset.done $0x0  }
0xfd: {  	[sflag:s8] =	ssyncadd.s32 $0xFFFFDD00  }
0xfe: {  	[bflag:$0x0] =	sbarrier.arrive $0xFFFF  }
0xff: {  	s5 =	rddreg [dreg:$0x8]  }
0x100: {  	s5 =	sadd.s32 s5, s6  }
0x101: {  	[spmem:s11], [sflag:s10] =	dma.local [hbm:s5], $0x2300  }
0x102: {  	_ =	swait.ge [sflag:s8], $0x2300  }
0x103: {  	[sflag:s8] =	ssyncset.done $0x0  }
0x104: {  	[sflag:s8] =	ssyncadd.s32 $0xFFFFDD00  }
0x105: {  	[bflag:$0x0] =	sbarrier.arrive $0xFFFF  }
0x106: {  	[tilespmem:s13], [sflag:$0x1] =	stream.indirect.gather [hbm4b:s6+s12], $0x70, s0, s12, $0xb8;
	[tilespmem:$0x1DA00] =	vst v63  }
0x107: {  	_ = 	snop  }
0x108: {  	[tilespmem:s14], [sflag:$0x2] =	stream.indirect.gather [hbm4b:s6+s12], $0x70, s12, s12, $0xb8;
	[tilespmem:$0x1DA00] =	vst v63  }
0x109: {  	_ = 	snop  }
0x10a: {  	[tilespmem:s16], [sflag:$0x3] =	stream.indirect.gather [hbm4b:s6+s12], $0x70, s25, s12, $0xb8;
	[tilespmem:$0x1DA00] =	vst v63  }
0x10b: {  	_ =	swait.ge [sflag:s17], $0x3800  }
0x10c: {  	[sflag:s17] =	ssyncset.done $0x0  }
0x10d: {  	[sflag:s17] =	ssyncadd.s32 $0xFFFFC800  }
0x10e: {  	[spmem:s1] =	stream.indirect.scatter.add.bf16 [tilespmem:s13], [sflag:$0x4], $0x70, s3, s12, $0xb8;
	[tilespmem:$0x1DA00] =	vst v63  }
0x10f: {  	_ =	swait.ge [sflag:s18], $0x3800  }
0x110: {  	[sflag:s18] =	ssyncset.done $0x0  }
0x111: {  	[sflag:s18] =	ssyncadd.s32 $0xFFFFC800  }
0x112: {  	[tilespmem:s13], [sflag:$0x1] =	stream.indirect.gather [hbm4b:s6+s12], $0x70, s28, s12, $0xb8;
	[tilespmem:$0x1DA00] =	vst v63  }
0x113: {  	_ =	swait.ge [sflag:s20], $0x3800  }
0x114: {  	[sflag:s20] =	ssyncset.done $0x0  }
0x115: {  	[sflag:s20] =	ssyncadd.s32 $0xFFFFC800  }
0x116: {  	[spmem:s1] =	stream.indirect.scatter.add.bf16 [tilespmem:s14], [sflag:$0x5], $0x70, s29, s12, $0xb8;
	[tilespmem:$0x1DA00] =	vst v63  }
0x117: {  	_ =	swait.ge [sflag:s22], $0x3800  }
0x118: {  	[sflag:s22] =	ssyncset.done $0x0  }
0x119: {  	[sflag:s22] =	ssyncadd.s32 $0xFFFFC800  }
0x11a: {  	[tilespmem:s14], [sflag:$0x2] =	stream.indirect.gather [hbm4b:s6+s12], $0x70, s30, s12, $0xb8;
	[tilespmem:$0x1DA00] =	vst v63  }
0x11b: {  	_ =	swait.ge [sflag:s24], $0x3800  }
0x11c: {  	[sflag:s24] =	ssyncset.done $0x0  }
0x11d: {  	[sflag:s24] =	ssyncadd.s32 $0xFFFFC800  }
0x11e: {  	[spmem:s1] =	stream.indirect.scatter.add.bf16 [tilespmem:s16], [sflag:$0x6], $0x70, s31, s12, $0xb8;
	[tilespmem:$0x1DA00] =	vst v63  }
0x11f: {  	_ =	swait.ge [sflag:s26], $0x3800  }
0x120: {  	[sflag:s26] =	ssyncset.done $0x0  }
0x121: {  	s5 =	simm.s32 $0x280;
	[sflag:s26] =	ssyncadd.s32 $0xFFFFC800  }
0x122: {  	[tilespmem:s16], [sflag:$0x3] =	stream.indirect.gather [hbm4b:s6+s12], $0x70, s5, s12, $0xb8;
	[tilespmem:$0x1DA00] =	vst v63  }
0x123: {  	_ =	swait.ge [sflag:s17], $0x3800  }
0x124: {  	[sflag:s17] =	ssyncset.done $0x0  }
0x125: {  	[sflag:s17] =	ssyncadd.s32 $0xFFFFC800  }
0x126: {  	[spmem:s1] =	stream.indirect.scatter.add.bf16 [tilespmem:s13], [sflag:$0x4], $0x70, s2, s12, $0xb8;
	[tilespmem:$0x1DA00] =	vst v63  }
0x127: {  	_ =	swait.ge [sflag:s18], $0x3800  }
0x128: {  	[sflag:s18] =	ssyncset.done $0x0  }
0x129: {  	[sflag:s18] =	ssyncadd.s32 $0xFFFFC800  }
0x12a: {  	[tilespmem:s13], [sflag:$0x1] =	stream.indirect.gather [hbm4b:s6+s12], $0x70, s15, s12, $0xb8;
	[tilespmem:$0x1DA00] =	vst v63  }
0x12b: {  	_ =	swait.ge [sflag:s20], $0x3800  }
0x12c: {  	[sflag:s20] =	ssyncset.done $0x0  }
0x12d: {  	[sflag:s20] =	ssyncadd.s32 $0xFFFFC800  }
0x12e: {  	[spmem:s1] =	stream.indirect.scatter.add.bf16 [tilespmem:s14], [sflag:$0x5], $0x70, s19, s12, $0xb8;
	[tilespmem:$0x1DA00] =	vst v63  }
0x12f: {  	_ =	swait.ge [sflag:s22], $0x3800  }
0x130: {  	[sflag:s22] =	ssyncset.done $0x0  }
0x131: {  	[sflag:s22] =	ssyncadd.s32 $0xFFFFC800  }
0x132: {  	[tilespmem:s14], [sflag:$0x2] =	stream.indirect.gather [hbm4b:s6+s12], $0x70, s21, s12, $0xb8;
	[tilespmem:$0x1DA00] =	vst v63  }
0x133: {  	_ =	swait.ge [sflag:s24], $0x3800  }
0x134: {  	[sflag:s24] =	ssyncset.done $0x0  }
0x135: {  	[sflag:s24] =	ssyncadd.s32 $0xFFFFC800  }
0x136: {  	[spmem:s1] =	stream.indirect.scatter.add.bf16 [tilespmem:s16], [sflag:$0x6], $0x70, s23, s12, $0xb8;
	[tilespmem:$0x1DA00] =	vst v63  }
0x137: {  	_ =	swait.ge [sflag:s26], $0x3800  }
0x138: {  	[sflag:s26] =	ssyncset.done $0x0  }
0x139: {  	[sflag:s26] =	ssyncadd.s32 $0xFFFFC800  }
0x13a: {  	[tilespmem:s16], [sflag:$0x3] =	stream.indirect.gather [hbm4b:s6+s12], $0x70, s9, s12, $0xb8;
	[tilespmem:$0x1DA00] =	vst v63  }
0x13b: {  	_ =	swait.ge [sflag:s17], $0x3800  }
0x13c: {  	[sflag:s17] =	ssyncset.done $0x0  }
0x13d: {  	s5 =	simm.s32 $0x1000;
	[sflag:s17] =	ssyncadd.s32 $0xFFFFC800  }
0x13e: {  	[spmem:s1] =	stream.indirect.scatter.add.bf16 [tilespmem:s13], [sflag:$0x4], $0x70, s5, s12, $0xb8;
	[tilespmem:$0x1DA00] =	vst v63  }
0x13f: {  	_ =	swait.ge [sflag:s18], $0x3800  }
0x140: {  	[sflag:s18] =	ssyncset.done $0x0  }
0x141: {  	s2 =	simm.s32 $0x480;
	[sflag:s18] =	ssyncadd.s32 $0xFFFFC800  }
0x142: {  	[tilespmem:s13], [sflag:$0x1] =	stream.indirect.gather [hbm4b:s6+s12], $0x70, s2, s12, $0xb8;
	[tilespmem:$0x1DA00] =	vst v63  }
0x143: {  	_ =	swait.ge [sflag:s20], $0x3800  }
0x144: {  	[sflag:s20] =	ssyncset.done $0x0  }
0x145: {  	s5 =	simm.s32 $0x1080;
	[sflag:s20] =	ssyncadd.s32 $0xFFFFC800  }
0x146: {  	[spmem:s1] =	stream.indirect.scatter.add.bf16 [tilespmem:s14], [sflag:$0x5], $0x70, s5, s12, $0xb8;
	[tilespmem:$0x1DA00] =	vst v63  }
0x147: {  	_ =	swait.ge [sflag:s22], $0x3800  }
0x148: {  	[sflag:s22] =	ssyncset.done $0x0  }
0x149: {  	s2 =	simm.s32 $0x500;
	[sflag:s22] =	ssyncadd.s32 $0xFFFFC800  }
0x14a: {  	[tilespmem:s14], [sflag:$0x2] =	stream.indirect.gather [hbm4b:s6+s12], $0x70, s2, s12, $0xb8;
	[tilespmem:$0x1DA00] =	vst v63  }
0x14b: {  	_ =	swait.ge [sflag:s24], $0x3800  }
0x14c: {  	[sflag:s24] =	ssyncset.done $0x0  }
0x14d: {  	s5 =	simm.s32 $0x1100;
	[sflag:s24] =	ssyncadd.s32 $0xFFFFC800  }
0x14e: {  	[spmem:s1] =	stream.indirect.scatter.add.bf16 [tilespmem:s16], [sflag:$0x6], $0x70, s5, s12, $0xb8;
	[tilespmem:$0x1DA00] =	vst v63  }
0x14f: {  	_ =	swait.ge [sflag:s26], $0x3800  }
0x150: {  	[sflag:s26] =	ssyncset.done $0x0  }
0x151: {  	s2 =	simm.s32 $0x580;
	[sflag:s26] =	ssyncadd.s32 $0xFFFFC800  }
0x152: {  	[tilespmem:s16], [sflag:$0x3] =	stream.indirect.gather [hbm4b:s6+s12], $0x70, s2, s12, $0xb8;
	[tilespmem:$0x1DA00] =	vst v63  }
0x153: {  	_ =	swait.ge [sflag:s17], $0x3800  }
0x154: {  	[sflag:s17] =	ssyncset.done $0x0  }
0x155: {  	s5 =	simm.s32 $0x1180;
	[sflag:s17] =	ssyncadd.s32 $0xFFFFC800  }
0x156: {  	[spmem:s1] =	stream.indirect.scatter.add.bf16 [tilespmem:s13], [sflag:$0x4], $0x70, s5, s12, $0xb8;
	[tilespmem:$0x1DA00] =	vst v63  }
0x157: {  	_ =	swait.ge [sflag:s18], $0x3800  }
0x158: {  	[sflag:s18] =	ssyncset.done $0x0  }
0x159: {  	s2 =	simm.s32 $0x600;
	[sflag:s18] =	ssyncadd.s32 $0xFFFFC800  }
0x15a: {  	[tilespmem:s13], [sflag:$0x1] =	stream.indirect.gather [hbm4b:s6+s12], $0x70, s2, s12, $0xb8;
	[tilespmem:$0x1DA00] =	vst v63  }
0x15b: {  	_ =	swait.ge [sflag:s20], $0x3800  }
0x15c: {  	[sflag:s20] =	ssyncset.done $0x0  }
0x15d: {  	s5 =	simm.s32 $0x1200;
	[sflag:s20] =	ssyncadd.s32 $0xFFFFC800  }
0x15e: {  	[spmem:s1] =	stream.indirect.scatter.add.bf16 [tilespmem:s14], [sflag:$0x5], $0x70, s5, s12, $0xb8;
	[tilespmem:$0x1DA00] =	vst v63  }
0x15f: {  	_ =	swait.ge [sflag:s22], $0x3800  }
0x160: {  	[sflag:s22] =	ssyncset.done $0x0  }
0x161: {  	s2 =	simm.s32 $0x680;
	[sflag:s22] =	ssyncadd.s32 $0xFFFFC800  }
0x162: {  	[tilespmem:s14], [sflag:$0x2] =	stream.indirect.gather [hbm4b:s6+s12], $0x70, s2, s12, $0xb8;
	[tilespmem:$0x1DA00] =	vst v63  }
0x163: {  	_ =	swait.ge [sflag:s24], $0x3800  }
0x164: {  	[sflag:s24] =	ssyncset.done $0x0  }
0x165: {  	s5 =	simm.s32 $0x1280;
	[sflag:s24] =	ssyncadd.s32 $0xFFFFC800  }
0x166: {  	[spmem:s1] =	stream.indirect.scatter.add.bf16 [tilespmem:s16], [sflag:$0x6], $0x70, s5, s12, $0xb8;
	[tilespmem:$0x1DA00] =	vst v63  }
0x167: {  	_ =	swait.ge [sflag:s26], $0x3800  }
0x168: {  	[sflag:s26] =	ssyncset.done $0x0  }
0x169: {  	s2 =	simm.s32 $0x700;
	[sflag:s26] =	ssyncadd.s32 $0xFFFFC800  }
0x16a: {  	[tilespmem:s16], [sflag:$0x3] =	stream.indirect.gather [hbm4b:s6+s12], $0x70, s2, s12, $0xb8;
	[tilespmem:$0x1DA00] =	vst v63  }
0x16b: {  	_ =	swait.ge [sflag:s17], $0x3800  }
0x16c: {  	[sflag:s17] =	ssyncset.done $0x0  }
0x16d: {  	s5 =	simm.s32 $0x1300;
	[sflag:s17] =	ssyncadd.s32 $0xFFFFC800  }
0x16e: {  	[spmem:s1] =	stream.indirect.scatter.add.bf16 [tilespmem:s13], [sflag:$0x4], $0x70, s5, s12, $0xb8;
	[tilespmem:$0x1DA00] =	vst v63  }
0x16f: {  	_ =	swait.ge [sflag:s18], $0x3800  }
0x170: {  	[sflag:s18] =	ssyncset.done $0x0  }
0x171: {  	s2 =	simm.s32 $0x780;
	[sflag:s18] =	ssyncadd.s32 $0xFFFFC800  }
0x172: {  	[tilespmem:s13], [sflag:$0x1] =	stream.indirect.gather [hbm4b:s6+s12], $0x70, s2, s12, $0xb8;
	[tilespmem:$0x1DA00] =	vst v63  }
0x173: {  	_ =	swait.ge [sflag:s20], $0x3800  }
0x174: {  	[sflag:s20] =	ssyncset.done $0x0  }
0x175: {  	s5 =	simm.s32 $0x1380;
	[sflag:s20] =	ssyncadd.s32 $0xFFFFC800  }
0x176: {  	[spmem:s1] =	stream.indirect.scatter.add.bf16 [tilespmem:s14], [sflag:$0x5], $0x70, s5, s12, $0xb8;
	[tilespmem:$0x1DA00] =	vst v63  }
0x177: {  	_ =	swait.ge [sflag:s22], $0x3800  }
0x178: {  	[sflag:s22] =	ssyncset.done $0x0  }
0x179: {  	s2 =	simm.s32 $0x800;
	[sflag:s22] =	ssyncadd.s32 $0xFFFFC800  }
0x17a: {  	[tilespmem:s14], [sflag:$0x2] =	stream.indirect.gather [hbm4b:s6+s12], $0x70, s2, s12, $0xb8;
	[tilespmem:$0x1DA00] =	vst v63  }
0x17b: {  	_ =	swait.ge [sflag:s24], $0x3800  }
0x17c: {  	[sflag:s24] =	ssyncset.done $0x0  }
0x17d: {  	s5 =	simm.s32 $0x1400;
	[sflag:s24] =	ssyncadd.s32 $0xFFFFC800  }
0x17e: {  	[spmem:s1] =	stream.indirect.scatter.add.bf16 [tilespmem:s16], [sflag:$0x6], $0x70, s5, s12, $0xb8;
	[tilespmem:$0x1DA00] =	vst v63  }
0x17f: {  	_ =	swait.ge [sflag:s26], $0x3800  }
0x180: {  	[sflag:s26] =	ssyncset.done $0x0  }
0x181: {  	s2 =	simm.s32 $0x880;
	[sflag:s26] =	ssyncadd.s32 $0xFFFFC800  }
0x182: {  	[tilespmem:s16], [sflag:$0x3] =	stream.indirect.gather [hbm4b:s6+s12], $0x70, s2, s12, $0xb8;
	[tilespmem:$0x1DA00] =	vst v63  }
0x183: {  	_ =	swait.ge [sflag:s17], $0x3800  }
0x184: {  	[sflag:s17] =	ssyncset.done $0x0  }
0x185: {  	s5 =	simm.s32 $0x1480;
	[sflag:s17] =	ssyncadd.s32 $0xFFFFC800  }
0x186: {  	[spmem:s1] =	stream.indirect.scatter.add.bf16 [tilespmem:s13], [sflag:$0x4], $0x70, s5, s12, $0xb8;
	[tilespmem:$0x1DA00] =	vst v63  }
0x187: {  	_ =	swait.ge [sflag:s18], $0x3800  }
0x188: {  	[sflag:s18] =	ssyncset.done $0x0  }
0x189: {  	s2 =	simm.s32 $0x900;
	[sflag:s18] =	ssyncadd.s32 $0xFFFFC800  }
0x18a: {  	[tilespmem:s13], [sflag:$0x1] =	stream.indirect.gather [hbm4b:s6+s12], $0x70, s2, s12, $0xb8;
	[tilespmem:$0x1DA00] =	vst v63  }
0x18b: {  	_ =	swait.ge [sflag:s20], $0x3800  }
0x18c: {  	[sflag:s20] =	ssyncset.done $0x0  }
0x18d: {  	s5 =	simm.s32 $0x1500;
	[sflag:s20] =	ssyncadd.s32 $0xFFFFC800  }
0x18e: {  	[spmem:s1] =	stream.indirect.scatter.add.bf16 [tilespmem:s14], [sflag:$0x5], $0x70, s5, s12, $0xb8;
	[tilespmem:$0x1DA00] =	vst v63  }
0x18f: {  	_ =	swait.ge [sflag:s22], $0x3800  }
0x190: {  	[sflag:s22] =	ssyncset.done $0x0  }
0x191: {  	s2 =	simm.s32 $0x980;
	[sflag:s22] =	ssyncadd.s32 $0xFFFFC800  }
0x192: {  	[tilespmem:s14], [sflag:$0x2] =	stream.indirect.gather [hbm4b:s6+s12], $0x70, s2, s12, $0xb8;
	[tilespmem:$0x1DA00] =	vst v63  }
0x193: {  	_ =	swait.ge [sflag:s24], $0x3800  }
0x194: {  	[sflag:s24] =	ssyncset.done $0x0  }
0x195: {  	s5 =	simm.s32 $0x1580;
	[sflag:s24] =	ssyncadd.s32 $0xFFFFC800  }
0x196: {  	[spmem:s1] =	stream.indirect.scatter.add.bf16 [tilespmem:s16], [sflag:$0x6], $0x70, s5, s12, $0xb8;
	[tilespmem:$0x1DA00] =	vst v63  }
0x197: {  	_ =	swait.ge [sflag:s26], $0x3800  }
0x198: {  	[sflag:s26] =	ssyncset.done $0x0  }
0x199: {  	s2 =	simm.s32 $0xA00;
	[sflag:s26] =	ssyncadd.s32 $0xFFFFC800  }
0x19a: {  	[tilespmem:s16], [sflag:$0x3] =	stream.indirect.gather [hbm4b:s6+s12], $0x70, s2, s12, $0xb8;
	[tilespmem:$0x1DA00] =	vst v63  }
0x19b: {  	_ =	swait.ge [sflag:s17], $0x3800  }
0x19c: {  	[sflag:s17] =	ssyncset.done $0x0  }
0x19d: {  	s5 =	simm.s32 $0x1600;
	[sflag:s17] =	ssyncadd.s32 $0xFFFFC800  }
0x19e: {  	[spmem:s1] =	stream.indirect.scatter.add.bf16 [tilespmem:s13], [sflag:$0x4], $0x70, s5, s12, $0xb8;
	[tilespmem:$0x1DA00] =	vst v63  }
0x19f: {  	_ =	swait.ge [sflag:s18], $0x3800  }
0x1a0: {  	[sflag:s18] =	ssyncset.done $0x0  }
0x1a1: {  	s2 =	simm.s32 $0xA80;
	[sflag:s18] =	ssyncadd.s32 $0xFFFFC800  }
0x1a2: {  	[tilespmem:s13], [sflag:$0x1] =	stream.indirect.gather [hbm4b:s6+s12], $0x70, s2, s12, $0xb8;
	[tilespmem:$0x1DA00] =	vst v63  }
0x1a3: {  	_ =	swait.ge [sflag:s20], $0x3800  }
0x1a4: {  	[sflag:s20] =	ssyncset.done $0x0  }
0x1a5: {  	s5 =	simm.s32 $0x1680;
	[sflag:s20] =	ssyncadd.s32 $0xFFFFC800  }
0x1a6: {  	[spmem:s1] =	stream.indirect.scatter.add.bf16 [tilespmem:s14], [sflag:$0x5], $0x70, s5, s12, $0xb8;
	[tilespmem:$0x1DA00] =	vst v63  }
0x1a7: {  	_ =	swait.ge [sflag:s22], $0x3800  }
0x1a8: {  	[sflag:s22] =	ssyncset.done $0x0  }
0x1a9: {  	s2 =	simm.s32 $0xB00;
	[sflag:s22] =	ssyncadd.s32 $0xFFFFC800  }
0x1aa: {  	[tilespmem:s14], [sflag:$0x2] =	stream.indirect.gather [hbm4b:s6+s12], $0x70, s2, s12, $0xb8;
	[tilespmem:$0x1DA00] =	vst v63  }
0x1ab: {  	_ =	swait.ge [sflag:s24], $0x3800  }
0x1ac: {  	[sflag:s24] =	ssyncset.done $0x0  }
0x1ad: {  	s5 =	simm.s32 $0x1700;
	[sflag:s24] =	ssyncadd.s32 $0xFFFFC800  }
0x1ae: {  	[spmem:s1] =	stream.indirect.scatter.add.bf16 [tilespmem:s16], [sflag:$0x6], $0x70, s5, s12, $0xb8;
	[tilespmem:$0x1DA00] =	vst v63  }
0x1af: {  	_ =	swait.ge [sflag:s26], $0x3800  }
0x1b0: {  	[sflag:s26] =	ssyncset.done $0x0  }
0x1b1: {  	s2 =	simm.s32 $0xB80;
	[sflag:s26] =	ssyncadd.s32 $0xFFFFC800  }
0x1b2: {  	[tilespmem:s16], [sflag:$0x3] =	stream.indirect.gather [hbm4b:s6+s12], $0x70, s2, s12, $0xb8;
	[tilespmem:$0x1DA00] =	vst v63  }
0x1b3: {  	_ =	swait.ge [sflag:s17], $0x3800  }
0x1b4: {  	[sflag:s17] =	ssyncset.done $0x0  }
0x1b5: {  	s5 =	simm.s32 $0x1780;
	[sflag:s17] =	ssyncadd.s32 $0xFFFFC800  }
0x1b6: {  	[spmem:s1] =	stream.indirect.scatter.add.bf16 [tilespmem:s13], [sflag:$0x4], $0x70, s5, s12, $0xb8;
	[tilespmem:$0x1DA00] =	vst v63  }
0x1b7: {  	_ =	swait.ge [sflag:s18], $0x3800  }
0x1b8: {  	[sflag:s18] =	ssyncset.done $0x0  }
0x1b9: {  	s2 =	simm.s32 $0xC00;
	[sflag:s18] =	ssyncadd.s32 $0xFFFFC800  }
0x1ba: {  	[tilespmem:s13], [sflag:$0x1] =	stream.indirect.gather [hbm4b:s6+s12], $0x70, s2, s12, $0xb8;
	[tilespmem:$0x1DA00] =	vst v63  }
0x1bb: {  	_ =	swait.ge [sflag:s20], $0x3800  }
0x1bc: {  	[sflag:s20] =	ssyncset.done $0x0  }
0x1bd: {  	s5 =	simm.s32 $0x1800;
	[sflag:s20] =	ssyncadd.s32 $0xFFFFC800  }
0x1be: {  	[spmem:s1] =	stream.indirect.scatter.add.bf16 [tilespmem:s14], [sflag:$0x5], $0x70, s5, s12, $0xb8;
	[tilespmem:$0x1DA00] =	vst v63  }
0x1bf: {  	_ =	swait.ge [sflag:s22], $0x3800  }
0x1c0: {  	[sflag:s22] =	ssyncset.done $0x0  }
0x1c1: {  	s2 =	simm.s32 $0xC80;
	[sflag:s22] =	ssyncadd.s32 $0xFFFFC800  }
0x1c2: {  	[tilespmem:s14], [sflag:$0x2] =	stream.indirect.gather [hbm4b:s6+s12], $0x70, s2, s12, $0xb8;
	[tilespmem:$0x1DA00] =	vst v63  }
0x1c3: {  	_ =	swait.ge [sflag:s24], $0x3800  }
0x1c4: {  	[sflag:s24] =	ssyncset.done $0x0  }
0x1c5: {  	s5 =	simm.s32 $0x1880;
	[sflag:s24] =	ssyncadd.s32 $0xFFFFC800  }
0x1c6: {  	[spmem:s1] =	stream.indirect.scatter.add.bf16 [tilespmem:s16], [sflag:$0x6], $0x70, s5, s12, $0xb8;
	[tilespmem:$0x1DA00] =	vst v63  }
0x1c7: {  	_ =	swait.ge [sflag:s17], $0x3800  }
0x1c8: {  	[sflag:s17] =	ssyncset.done $0x0  }
0x1c9: {  	s2 =	simm.s32 $0x1900;
	[sflag:s17] =	ssyncadd.s32 $0xFFFFC800  }
0x1ca: {  	[spmem:s1] =	stream.indirect.scatter.add.bf16 [tilespmem:s13], [sflag:$0x4], $0x70, s2, s12, $0xb8;
	[tilespmem:$0x1DA00] =	vst v63  }
0x1cb: {  	_ =	swait.ge [sflag:s20], $0x3800  }
0x1cc: {  	[sflag:s20] =	ssyncset.done $0x0  }
0x1cd: {  	s5 =	simm.s32 $0x1980;
	[sflag:s20] =	ssyncadd.s32 $0xFFFFC800  }
0x1ce: {  	[spmem:s1] =	stream.indirect.scatter.add.bf16 [tilespmem:s14], [sflag:$0x5], $0x70, s5, s12, $0xb8;
	[tilespmem:$0x1DA00] =	vst v63  }
0x1cf: {  	_ =	swait.ge [sflag:s26], $0x3800  }
0x1d0: {  	[sflag:s26] =	ssyncset.done $0x0  }
0x1d1: {  	[sflag:s26] =	ssyncadd.s32 $0xFFFFC800  }
0x1d2: {  	_ =	swait.ge [sflag:s18], $0x3800  }
0x1d3: {  	[sflag:s18] =	ssyncset.done $0x0  }
0x1d4: {  	[sflag:s18] =	ssyncadd.s32 $0xFFFFC800  }
0x1d5: {  	_ =	swait.ge [sflag:s22], $0x3800  }
0x1d6: {  	[sflag:s22] =	ssyncset.done $0x0  }
0x1d7: {  	[sflag:s22] =	ssyncadd.s32 $0xFFFFC800  }
0x1d8: {  	[bflag:$0x0] =	sbarrier.arrive $0xFFFF  }
0x1d9: {  	p0 =	sne.s32 s7, $0x1;
	s2 =	rddreg [dreg:$0x7]  }
0x1da: {  	[hbm:s2], [sflag:s10] =	dma.local [spmem:s11], $0x2300  }
.Ltmp0:
0x1db: {  	_ =	swait.ge [sflag:s8], $0x2300;
	(pc) =	sbr.rel @p0 .LBB2_1-.Ltmp0, $4  }
0x1dc: {  	[sflag:s8] =	ssyncset.done $0x0  }
0x1dd: {  	[sflag:s8] =	ssyncadd.s32 $0xFFFFDD00  }
0x1de: {  	[bflag:$0x0] =	sbarrier.arrive $0xFFFF  }
0x1df: {  	s7 =	sadd.s32 $0xFFFFFFFF, s7  }
0x1e0: {  	_ =	sfence.sel $0x180000  }
0x1e1: {  	[bflag:$0x0] =	sbarrier.arrive $0xFFFF  }
0x1e2: {  	_ =	strace $0x9000004A  }
0x1e3: {  	s0 =	stileid.u32;
	[bflag:$0x2] =	sbarrier.arrive $0xFFFF  }
0x1e4: {  	p0 =	sne.s32 s0, $0x0;
	s0 =	rddreg [dreg:$0x2]  }
0x1e5: {  	s0 =	sadd.s32 @!p0 $0x100000, s0  }
0x1e6: {  	[sflag:s0] =	ssyncadd.tile.s32 @!p0 $0x1;
	_ =	shalt  }
.Lfunc_end2:
_tile_overlayer_lowered:
.L_overlay_start_2:
0x1e7: {  	(tag) =	ssettag $0x2  }
0x1e8: {  	s0 =	rddreg [dreg:$0x0];
	s2 =	stileid.u32  }
0x1e9: {  	s1 =	rddreg [dreg:$0x1];
	p0 =	sne.s32 s2, $0x0  }
0x1ea: {  	s3 =	rddreg [dreg:$0x2];
	[bflag:$0x3] =	sbarrier.arrive $0xFFFF;
	s2 =	simm.s32 @!p0 $0x1C07  }
0x1eb: {  	[timem:s3], [sflag:s2] =	dma.local @!p0 [hbm:s0], s1  }
0x1ec: {  	s0 =	simm.s32 @!p0 $0x7  }
0x1ed: {  	_ =	swait.ge @!p0 [sflag:s0], s1  }
0x1ee: {  	s1 =	ssub.s32 @!p0 $0x0, s1;
	[sflag:s0] =	ssyncset.done @!p0 $0x0  }
0x1ef: {  	[sflag:s0] =	ssyncadd.s32 @!p0 s1  }
0x1f0: {  	[bflag:$0x3] =	sbarrier.arrive $0xFFFF  }
0x1f1: {  	_ =	shalt  }

// kernel: kernel.15.cloned.1.call-start
scs
__scs_entry_jumppad:
0x0: {  	(pc) =	sbr.rel $0x88, $3  }
0x1: {  	(tag) =	ssettag $0x0;
	lr =	simm.s32 $0x1  }
0x2: {  	[smem:$0x3F9B] =	sst lr;
	_ =	strace $0xD0000000  }
0x3: {  	_ = 	snop  }
0x4: {  	_ = 	snop  }
0x5: {  	_ = 	snop  }
0x6: {  	_ = 	snop  }
0x7: {  	_ = 	snop  }
__scs_overlays_trampoline_lowered:
0x8: {  	[smem:$0x3FAA] =	sst s0  }
0x9: {  	[smem:$0x3FAB] =	sst s1  }
0xa: {  	[smem:$0x3FAC] =	sst s2  }
0xb: {  	[smem:$0x3FAD] =	sst s3  }
0xc: {  	[smem:$0x3FAE] =	sst s4  }
0xd: {  	[smem:$0x3FAF] =	sst s5  }
0xe: {  	[smem:$0x3FB0] =	sst s6  }
0xf: {  	[smem:$0x3FB1] =	sst s7  }
0x10: {  	[smem:$0x3FB2] =	sst s8  }
0x11: {  	[smem:$0x3FB3] =	sst s9;
	s0 =	simm.s32 @!p0 $0x0  }
0x12: {  	s1 =	sld [smem:$0x3F99];
	s0 =	simm.s32 @p0 $0x1  }
0x13: {  	[smem:$0x3FB4] =	sst s0;
	s0 =	simm.s32 @!p1 $0x0  }
0x14: {  	s2 =	sld [smem:$0x3F98];
	s0 =	simm.s32 @p1 $0x1  }
0x15: {  	[smem:$0x3FB5] =	sst s0;
	s0 =	simm.s32 @!p2 $0x0  }
0x16: {  	s3 =	sld [smem:$0x3FDB];
	s0 =	simm.s32 @p2 $0x1  }
0x17: {  	s4 =	simm.s32 $0x1BF5;
	[smem:$0x3FB7] =	sst s0  }
0x18: {  	s0 =	sld [smem:$0x3F9A];
	_ =	swait.ge [sflag:s4], $0x0  }
0x19: {  	s7 =	sld [smem:$0x3F9B]  }
0x1a: {  	s8 =	sadd.s32 $0xFFFFE003, lr  }
0x1b: {  	s9 =	sadd.s32 $0xFFFFFEF7, lr;
	s5 =	simm.s32 $0xFFFFFFFF;
	p2 =	slt.u32 s8, $0xFFFFF086  }
0x1c: {  	p1 =	slt.u32 s9, $0xF7A;
	s5 =	simm.s32 @!p2 $0x0  }
0x1d: {  	s5 =	simm.s32 @p1 $0x1;
	p0 =	seq.s32 s7, s2  }
0x1e: {  	s7 =	smul.u32 @!p0 $0xF7A, s2;
	p2 =	seq.s32 @!p0 s5, $0x0  }
0x1f: {  	s9 =	smul.u32 $0xF7A, s1;
	s8 =	simm.s32 @!p0 $0x1BF5;
	p2 =	por !p2, p0  }
0x20: {  	[sflag:s8] =	ssyncset.s32 @!p0 $0xFFFFF086;
	s6 =	sadd.s32 @!p0 s3, s7;
	s7 =	simm.s32 @!p0 $0x108  }
0x21: {  	s3 =	sadd.s32 s3, s9;
	s6 =	sadd.s32 @!p0 $0x88, s6;
	s7 =	simm.s32 @p2 $0x1082  }
0x22: {  	[simem:s7], [sflag:s8] =	dma.local @!p0 [hbm:s6], $0xF7A  }
0x23: {  	s9 =	sor.u32 $0xD0000000, s2;
	s6 =	simm.s32 $0x108;
	_ =	swait.ge @!p0 [sflag:s8], $0x0  }
0x24: {  	s3 =	sadd.s32 $0x88, s3;
	s6 =	simm.s32 @!p1 $0x1082;
	[sflag:s4] =	ssyncset.s32 $0xFFFFF086  }
0x25: {  	[simem:s6], [sflag:s4] =	dma.local [hbm:s3], $0xF7A  }
0x26: {  	[smem:$0x3F9B] =	sst s1;
	(tag) =	ssettag s2;
	_ =	strace s9  }
0x27: {  	s1 =	sld [smem:$0x3FAB]  }
0x28: {  	s2 =	sld [smem:$0x3FAC]  }
0x29: {  	s4 =	sld [smem:$0x3FAE]  }
0x2a: {  	p0 =	seq.s32 s5, $0x0;
	s5 =	sld [smem:$0x3FAF]  }
0x2b: {  	s6 =	sld [smem:$0x3FB0]  }
0x2c: {  	s7 =	sld [smem:$0x3FB1]  }
0x2d: {  	s3 =	simm.s32 $0x108;
	s8 =	sld [smem:$0x3FB2]  }
0x2e: {  	s3 =	simm.s32 @!p0 $0x1082;
	s9 =	sld [smem:$0x3FB3]  }
0x2f: {  	lr =	sadd.s32 s0, s3;
	s0 =	sld [smem:$0x3FAA]  }
0x30: {  	s3 =	sld [smem:$0x3FAD]  }
0x31: {  	[smem:$0x3FB6] =	sst s10  }
0x32: {  	s10 =	sld [smem:$0x3FB4];
	_ =	sdelay $0x3  }
0x33: {  	p0 =	seq.s32 s10, $0x1;
	s10 =	sld [smem:$0x3FB6];
	_ =	sdelay $0x3  }
0x34: {  	[smem:$0x3FB6] =	sst s10  }
0x35: {  	s10 =	sld [smem:$0x3FB5];
	_ =	sdelay $0x3  }
0x36: {  	p1 =	seq.s32 s10, $0x1;
	s10 =	sld [smem:$0x3FB6];
	_ =	sdelay $0x3  }
0x37: {  	[smem:$0x3FB6] =	sst s10  }
0x38: {  	s10 =	sld [smem:$0x3FB7]  }
0x39: {  	_ = 	snop;
	(pc) =	sbr.ind lr, $3  }
0x3a: {  	_ = 	snop  }
0x3b: {  	_ = 	snop  }
0x3c: {  	p2 =	seq.s32 s10, $0x1;
	s10 =	sld [smem:$0x3FB6]  }
0x3d: {  	_ =	shalt  }
0x3e: {  	_ =	shalt  }
0x3f: {  	_ =	shalt  }
0x40: {  	_ =	shalt  }
0x41: {  	_ =	shalt  }
0x42: {  	_ =	shalt  }
0x43: {  	_ =	shalt  }
0x44: {  	_ =	shalt  }
0x45: {  	_ =	shalt  }
0x46: {  	_ =	shalt  }
0x47: {  	_ =	shalt  }
0x48: {  	_ =	shalt  }
0x49: {  	_ =	shalt  }
0x4a: {  	_ =	shalt  }
0x4b: {  	_ =	shalt  }
0x4c: {  	_ =	shalt  }
0x4d: {  	_ =	shalt  }
0x4e: {  	_ =	shalt  }
0x4f: {  	_ =	shalt  }
0x50: {  	_ =	shalt  }
0x51: {  	_ =	shalt  }
0x52: {  	_ =	shalt  }
0x53: {  	_ =	shalt  }
0x54: {  	_ =	shalt  }
0x55: {  	_ =	shalt  }
0x56: {  	_ =	shalt  }
0x57: {  	_ =	shalt  }
0x58: {  	_ =	shalt  }
0x59: {  	_ =	shalt  }
0x5a: {  	_ =	shalt  }
0x5b: {  	_ =	shalt  }
0x5c: {  	_ =	shalt  }
0x5d: {  	_ =	shalt  }
0x5e: {  	_ =	shalt  }
0x5f: {  	_ =	shalt  }
0x60: {  	_ =	shalt  }
0x61: {  	_ =	shalt  }
0x62: {  	_ =	shalt  }
0x63: {  	_ =	shalt  }
0x64: {  	_ =	shalt  }
0x65: {  	_ =	shalt  }
0x66: {  	_ =	shalt  }
0x67: {  	_ =	shalt  }
0x68: {  	_ =	shalt  }
0x69: {  	_ =	shalt  }
0x6a: {  	_ =	shalt  }
0x6b: {  	_ =	shalt  }
0x6c: {  	_ =	shalt  }
0x6d: {  	_ =	shalt  }
0x6e: {  	_ =	shalt  }
0x6f: {  	_ =	shalt  }
0x70: {  	_ =	shalt  }
0x71: {  	_ =	shalt  }
0x72: {  	_ =	shalt  }
0x73: {  	_ =	shalt  }
0x74: {  	_ =	shalt  }
0x75: {  	_ =	shalt  }
0x76: {  	_ =	shalt  }
0x77: {  	_ =	shalt  }
0x78: {  	_ =	shalt  }
0x79: {  	_ =	shalt  }
0x7a: {  	_ =	shalt  }
0x7b: {  	_ =	shalt  }
0x7c: {  	_ =	shalt  }
0x7d: {  	_ =	shalt  }
0x7e: {  	_ =	shalt  }
0x7f: {  	_ =	shalt  }
0x80: {  	_ =	shalt  }
0x81: {  	_ =	shalt  }
0x82: {  	_ =	shalt  }
0x83: {  	_ =	shalt  }
0x84: {  	_ =	shalt  }
0x85: {  	_ =	shalt  }
0x86: {  	_ =	shalt  }
0x87: {  	_ =	shalt  }
.Lfunc_end0:
.L_simem_size_0:
called_computation.2_lowered:
.L_overlay_start_0:
0x88: {  	s2 =	sld [smem:$0x3FD9]  }
0x89: {  	s3 =	sld [smem:$0x3FFE];
	_ =	sdelay $0x1  }
0x8a: {  	s1 =	srdreg.scid  }
0x8b: {  	s0 =	sand.u32 $0x1, s1  }
0x8c: {  	s16 =	sshll.u32 s0, $0xA;
	s2 =	sadd.s32 s3, s2  }
0x8d: {  	s2 =	sadd.s32 s2, s16  }
0x8e: {  	[smem:$0x3FC2] =	sst s2  }
0x8f: {  	_ = 	snop  }
0x90: {  	(tm) =	ssettm $0x1  }
0x91: {  	s17 =	sld [smem:$0x3FFB];
	_ =	sdelay $0x3  }
0x92: {  	_ =	strace s17  }
0x93: {  	s2 =	sld [smem:$0x3FFC];
	_ =	sdelay $0x3  }
0x94: {  	_ =	strace s2  }
0x95: {  	s2 =	sld [smem:$0x3FFD];
	_ =	sdelay $0x3  }
0x96: {  	_ =	strace s2  }
0x97: {  	_ =	strace $0x8FFFFFFF  }
0x98: {  	s18 =	sld [smem:$0x3FDB];
	_ =	sdelay $0x1  }
0x99: {  	s19 =	simm.s32 $_scs_section_size  }
0x9a: {  	s4 =	simm.s32 $_size__tile_overlayer_lowered;
	s5 =	simm.s32 $_tile_overlayer_lowered  }
0x9b: {  	s22 =	simm.s32 $0x1BFF;
	s21 =	sshll.u32 s5, $0x1;
	s2 =	sadd.s32 s19, s18  }
0x9c: {  	s6 =	simm.s32 $0x0;
	s20 =	sshll.u32 s4, $0x1;
	s4 =	sadd.s32 s21, s2  }
0x9d: {  	[timem:s6], [sflag:s22] =	dma.local [hbm:s4], s20  }
0x9e: {  	_ =	swait.ge [sflag:s22], s20  }
0x9f: {  	s3 =	ssub.s32 $0x0, s20;
	[sflag:s22] =	ssyncset.done $0x0  }
0xa0: {  	[sflag:s22] =	ssyncadd.s32 s3;
	_ =	sdelay $0x1  }
0xa1: {  	s23 =	simm.s32 $0x1B8B  }
0xa2: {  	_ =	swait.ge [sflag:s23], $0x1  }
0xa3: {  	[sflag:s23] =	ssyncset.done $0x0  }
0xa4: {  	s25 =	simm.s32 $0x1B8E;
	s24 =	sld [smem:$0x3FFE];
	[sflag:s23] =	ssyncadd.s32 $0xFFFFFFFF  }
0xa5: {  	s26 =	simm.s32 $execute0_lowered;
	[smem:$0x3FD2] =	sst s25  }
0xa6: {  	s4 =	sshll.u32 s26, $0x1;
	_ =	strace $0x8000004C;
	[dreg:$0x1] =	wrdreg $0xFFFFFFFF  }
0xa7: {  	s28 =	simm.s32 $_size_execute0_lowered;
	s2 =	sadd.s32 s2, s4;
	[dreg:$0x0] =	wrdreg $0x0  }
0xa8: {  	s4 =	sshll.u32 s28, $0x1;
	[dreg:$0x2] =	wrdreg s2  }
0xa9: {  	[dreg:$0x3] =	wrdreg s4  }
0xaa: {  	[dreg:$0x4] =	wrdreg $0xC0  }
0xab: {  	_ =	task [dreg:s6], $0x5FFFF  }
0xac: {  	[dreg:$0x1] =	wrdreg $0xFFFFFFFF  }
0xad: {  	[dreg:$0x0] =	wrdreg $0x60  }
0xae: {  	[dreg:$0x2] =	wrdreg s24  }
0xaf: {  	[dreg:$0x3] =	wrdreg $0x22000  }
0xb0: {  	[dreg:$0x4] =	wrdreg $0x9  }
0xb1: {  	_ =	task.clear_ibuf [dreg:s6], $0x5FFFF;
	_ =	strace $0x9000004C  }
0xb2: {  	s29 =	simm.s32 $0x9;
	_ =	strace $0x8000004E  }
0xb3: {  	_ =	swait.ge [sflag:s29], $0x1  }
0xb4: {  	[sflag:s29] =	ssyncadd.s32 $0xFFFFFFFF  }
0xb5: {  	_ =	strace $0x9000004E  }
0xb6: {  	_ =	sfence  }
0xb7: {  	s30 =	sld [smem:$0x0];
	_ =	sdelay $0x2  }
0xb8: {  	s31 =	sshll.u32 s1, $0xD;
	s1 =	sshrl.u32 s1, $0x2  }
0xb9: {  	s3 =	sand.u32 $0x4000, s31;
	s1 =	sadd.s32 s1, s30  }
0xba: {  	s0 =	sor.u32 s3, s0;
	s1 =	sshll.u32 s1, $0x11  }
0xbb: {  	s0 =	sor.u32 s1, s0  }
0xbc: {  	s0 =	sadd.s32 $0x8F2B, s0  }
0xbd: {  	[sflag:s0] =	ssyncadd.remote.s32 $0x1  }
0xbe: {  	_ =	sfence.sel $0xFFFF  }
0xbf: {  	[dreg:$0x0] =	wrdreg $0xFFFFFFFF;
	(pc) =	sbr.abs _section_cstart, $3  }
0xc0: {  	[dreg:$0x1] =	wrdreg $0xFFFFFFFF  }
0xc1: {  	_ =	task.clear_ibuf [dreg:s6], $0x2FFFF;
	_ =	strace $0x9FFFFFFF  }
0xc2: {  	(tm) =	ssettm $0x7FFFFFFF  }
0xc3: {  	_ =	shalt  }
tec
execute0_lowered:
.L_overlay_start_1:
0x0: {  	(tag) =	ssettag $0x1  }
0x1: {  	s6 =	rddreg [dreg:$0x0]  }
0x2: {  	s1 =	rddreg [dreg:$0x1]  }
0x3: {  	s0 =	rddreg [dreg:$0x2]  }
0x4: {  	s2 =	simm.s32 $0x0;
	s3 =	srdreg.scid;
	s16 =	simm.s32 $0x1A00  }
0x5: {  	s17 =	simm.s32 $0x1;
	[smem:$0x7FF] =	sst s2;
	s4 =	sadd.s32 $0x6000, s6  }
0x6: {  	s7 =	sand.u32 $0x1, s3;
	s3 =	stileid.u32;
	s30 =	sadd.s32 $0x4000, s6  }
0x7: {  	_ =	strace $0x8000004D;
	s8 =	smul.u32 $0x5000, s7;
	s5 =	ssub.s32 $0x2, s7  }
0x8: {  	s10 =	sshll.u32 s3, $0x9;
	s11 =	smul.u32 $0x2800, s3;
	s31 =	sshll.u32 s3, $0x6  }
0x9: {  	s9 =	sshrl.u32 s5, $0x1;
	s12 =	sadd.s32 s10, s6;
	s10 =	sadd.s32 s10, s30  }
0xa: {  	s13 =	sadd.s32 s8, s6;
	s9 =	ssub.s32 s5, s9;
	s5 =	sadd.s32 $0x2000, s12  }
0xb: {  	s14 =	sadd.s32 s11, s1;
	s15 =	sadd.s32 s4, s8;
	s18 =	sshrl.u32 s11, $0x3  }
0xc: {  	s6 =	sshll.u32 s7, $0x7;
	s11 =	simm.s32 $0xD00;
	s19 =	sadd.s32 $0x10000, s13  }
0xd: {  	s7 =	smax.u32 s9, $0x1;
	s8 =	sor.u32 $0xD00, s6;
	s9 =	simm.s32 $0x2  }
0xe: {  	s12 =	sadd.s32 s18, s15;
	s13 =	sor.u32 $0x1C02, s31;
	s14 =	sshrl.u32 s14, $0x3  }
0xf: {  	s15 =	simm.s32 $0x80;
	s18 =	sadd.s32 s18, s19;
	s19 =	simm.s32 $0x0  }
.LBB2_1:
0x10: {  	[tilespmem:s2], [sflag:$0x2] =	stream.linear.gather [hbm4b:s5+s2], $0xD00, $0x38;
	[tilespmem:$0x4A00] =	vst v63  }
0x11: {  	_ =	swait.ge [sflag:s9], $0xD00  }
0x12: {  	[sflag:s9] =	ssyncset.done $0x0  }
0x13: {  	[sflag:s9] =	ssyncadd.s32 $0xFFFFF300  }
0x14: {  	[tilespmem:s11], [sflag:$0x2] =	stream.linear.gather [hbm4b:s10+s2], $0xD00, $0x38;
	[tilespmem:$0x4A00] =	vst v63  }
0x15: {  	_ =	swait.ge [sflag:s9], $0xD00  }
0x16: {  	[sflag:s9] =	ssyncset.done $0x0  }
0x17: {  	[sflag:s9] =	ssyncadd.s32 $0xFFFFF300  }
0x18: {  	[spmem:s14], [sflag:s13] =	dma.local [hbm:s12], $0x500  }
0x19: {  	_ =	swait.ge [sflag:s9], $0x500  }
0x1a: {  	[sflag:s9] =	ssyncset.done $0x0  }
0x1b: {  	[sflag:s9] =	ssyncadd.s32 $0xFFFFFB00  }
0x1c: {  	s20 =	sadd.s32 $0x0, s6;
	[bflag:$0x0] =	sbarrier.arrive $0xFFFF  }
0x1d: {  	[tilespmem:s16], [sflag:$0x1] =	stream.indirect.gather [hbm4b:s4+s15], $0x10, s20, s15, $0xb8;
	[tilespmem:$0x4A00] =	vst v63  }
0x1e: {  	_ =	swait.ge [sflag:s17], $0x800  }
0x1f: {  	[sflag:s17] =	ssyncset.done $0x0  }
0x20: {  	s31 =	sadd.s32 $0x0, s8;
	[sflag:s17] =	ssyncadd.s32 $0xFFFFF800  }
0x21: {  	[spmem:s1] =	stream.indirect.scatter.add.f32 [tilespmem:s16], [sflag:$0x2], $0x10, s31, s15, $0xb8;
	[tilespmem:$0x4A00] =	vst v63  }
0x22: {  	_ =	swait.ge [sflag:s9], $0x800  }
0x23: {  	s21 =	simm.s32 $0x800;
	s20 =	simm.s32 $0x100;
	[sflag:s9] =	ssyncset.done $0x0  }
.LBB2_2:
0x24: {  	s22 =	sadd.s32 s20, s6  }
0x25: {  	[sflag:s9] =	ssyncadd.s32 $0xFFFFF800;
	s23 =	smov.u32 s21;
	s24 =	sadd.s32 $0x400, s21  }
0x26: {  	[tilespmem:s16], [sflag:$0x1] =	stream.indirect.gather [hbm4b:s4+s15], $0x10, s22, s15, $0xb8;
	[tilespmem:$0x4A00] =	vst v63  }
0x27: {  	p0 =	sne.s32 s21, $0x3000;
	_ =	swait.ge [sflag:s17], $0x800  }
.Ltmp0:
0x28: {  	[sflag:s17] =	ssyncset.done $0x0;
	(pc) =	sbr.rel @p0 .LBB2_2-.Ltmp0, $4  }
0x29: {  	s20 =	sadd.s32 s20, s8;
	[sflag:s17] =	ssyncadd.s32 $0xFFFFF800  }
0x2a: {  	[spmem:s1] =	stream.indirect.scatter.add.f32 [tilespmem:s16], [sflag:$0x2], $0x10, s20, s15, $0xb8;
	[tilespmem:$0x4A00] =	vst v63  }
0x2b: {  	_ =	swait.ge [sflag:s9], $0x800  }
0x2c: {  	s21 =	smov.u32 s24;
	s20 =	sshra.s32 s23, $0x2;
	[sflag:s9] =	ssyncset.done $0x0  }
0x2d: {  	s21 =	sadd.s32 s20, s6;
	[sflag:s9] =	ssyncadd.s32 $0xFFFFF800  }
0x2e: {  	[tilespmem:s16], [sflag:$0x1] =	stream.indirect.gather [hbm4b:s4+s15], $0x10, s21, s15, $0xb8;
	[tilespmem:$0x4A00] =	vst v63  }
0x2f: {  	_ =	swait.ge [sflag:s17], $0x800  }
0x30: {  	[sflag:s17] =	ssyncset.done $0x0  }
0x31: {  	s31 =	sadd.s32 s20, s8;
	[sflag:s17] =	ssyncadd.s32 $0xFFFFF800  }
0x32: {  	[spmem:s1] =	stream.indirect.scatter.add.f32 [tilespmem:s16], [sflag:$0x2], $0x10, s31, s15, $0xb8;
	[tilespmem:$0x4A00] =	vst v63  }
0x33: {  	_ =	swait.ge [sflag:s9], $0x800  }
0x34: {  	s19 =	sadd.s32 $0x1, s19;
	[sflag:s9] =	ssyncset.done $0x0  }
0x35: {  	p0 =	sne.s32 s19, s7;
	[sflag:s9] =	ssyncadd.s32 $0xFFFFF800  }
.Ltmp1:
0x36: {  	[bflag:$0x0] =	sbarrier.arrive $0xFFFF;
	(pc) =	sbr.rel @p0 .LBB2_1-.Ltmp1, $4  }
0x37: {  	[hbm:s18], [sflag:s13] =	dma.local [spmem:s14], $0x500  }
0x38: {  	_ =	swait.ge [sflag:s9], $0x500  }
0x39: {  	[sflag:s9] =	ssyncset.done $0x0  }
0x3a: {  	[sflag:s9] =	ssyncadd.s32 $0xFFFFFB00  }
0x3b: {  	_ =	sfence.sel $0x180000  }
0x3c: {  	[bflag:$0x0] =	sbarrier.arrive $0xFFFF  }
0x3d: {  	p0 =	sne.s32 s3, $0x0;
	_ =	strace $0x9000004D  }
0x3e: {  	s0 =	sadd.s32 @!p0 $0x100000, s0;
	[bflag:$0x2] =	sbarrier.arrive $0xFFFF  }
0x3f: {  	[sflag:s0] =	ssyncadd.tile.s32 @!p0 $0x1;
	_ =	shalt  }
.Lfunc_end2:
_tile_overlayer_lowered:
.L_overlay_start_2:
0x40: {  	(tag) =	ssettag $0x2  }
0x41: {  	s0 =	rddreg [dreg:$0x0];
	s2 =	stileid.u32  }
0x42: {  	s1 =	rddreg [dreg:$0x1];
	p0 =	sne.s32 s2, $0x0  }
0x43: {  	s3 =	rddreg [dreg:$0x2];
	[bflag:$0x3] =	sbarrier.arrive $0xFFFF;
	s2 =	simm.s32 @!p0 $0x1C02  }
0x44: {  	[timem:s3], [sflag:s2] =	dma.local @!p0 [hbm:s0], s1  }
0x45: {  	s0 =	simm.s32 @!p0 $0x2  }
0x46: {  	_ =	swait.ge @!p0 [sflag:s0], s1  }
0x47: {  	s1 =	ssub.s32 @!p0 $0x0, s1;
	[sflag:s0] =	ssyncset.done @!p0 $0x0  }
0x48: {  	[sflag:s0] =	ssyncadd.s32 @!p0 s1  }
0x49: {  	[bflag:$0x3] =	sbarrier.arrive $0xFFFF  }
0x4a: {  	_ =	shalt  }

// kernel: kernel.9.cloned.1.call-start
scs
__scs_entry_jumppad:
0x0: {  	(pc) =	sbr.rel $0x88, $3  }
0x1: {  	(tag) =	ssettag $0x0;
	lr =	simm.s32 $0x1  }
0x2: {  	[smem:$0x3F9B] =	sst lr;
	_ =	strace $0xD0000000  }
0x3: {  	_ = 	snop  }
0x4: {  	_ = 	snop  }
0x5: {  	_ = 	snop  }
0x6: {  	_ = 	snop  }
0x7: {  	_ = 	snop  }
__scs_overlays_trampoline_lowered:
0x8: {  	[smem:$0x3FAA] =	sst s0  }
0x9: {  	[smem:$0x3FAB] =	sst s1  }
0xa: {  	[smem:$0x3FAC] =	sst s2  }
0xb: {  	[smem:$0x3FAD] =	sst s3  }
0xc: {  	[smem:$0x3FAE] =	sst s4  }
0xd: {  	[smem:$0x3FAF] =	sst s5  }
0xe: {  	[smem:$0x3FB0] =	sst s6  }
0xf: {  	[smem:$0x3FB1] =	sst s7  }
0x10: {  	[smem:$0x3FB2] =	sst s8  }
0x11: {  	[smem:$0x3FB3] =	sst s9;
	s0 =	simm.s32 @!p0 $0x0  }
0x12: {  	s1 =	sld [smem:$0x3F99];
	s0 =	simm.s32 @p0 $0x1  }
0x13: {  	[smem:$0x3FB4] =	sst s0;
	s0 =	simm.s32 @!p1 $0x0  }
0x14: {  	s2 =	sld [smem:$0x3F98];
	s0 =	simm.s32 @p1 $0x1  }
0x15: {  	[smem:$0x3FB5] =	sst s0;
	s0 =	simm.s32 @!p2 $0x0  }
0x16: {  	s3 =	sld [smem:$0x3FDB];
	s0 =	simm.s32 @p2 $0x1  }
0x17: {  	s4 =	simm.s32 $0x1BF5;
	[smem:$0x3FB7] =	sst s0  }
0x18: {  	s0 =	sld [smem:$0x3F9A];
	_ =	swait.ge [sflag:s4], $0x0  }
0x19: {  	s7 =	sld [smem:$0x3F9B]  }
0x1a: {  	s8 =	sadd.s32 $0xFFFFE003, lr  }
0x1b: {  	s9 =	sadd.s32 $0xFFFFFEF7, lr;
	s5 =	simm.s32 $0xFFFFFFFF;
	p2 =	slt.u32 s8, $0xFFFFF086  }
0x1c: {  	p1 =	slt.u32 s9, $0xF7A;
	s5 =	simm.s32 @!p2 $0x0  }
0x1d: {  	s5 =	simm.s32 @p1 $0x1;
	p0 =	seq.s32 s7, s2  }
0x1e: {  	s7 =	smul.u32 @!p0 $0xF7A, s2;
	p2 =	seq.s32 @!p0 s5, $0x0  }
0x1f: {  	s9 =	smul.u32 $0xF7A, s1;
	s8 =	simm.s32 @!p0 $0x1BF5;
	p2 =	por !p2, p0  }
0x20: {  	[sflag:s8] =	ssyncset.s32 @!p0 $0xFFFFF086;
	s6 =	sadd.s32 @!p0 s3, s7;
	s7 =	simm.s32 @!p0 $0x108  }
0x21: {  	s3 =	sadd.s32 s3, s9;
	s6 =	sadd.s32 @!p0 $0x88, s6;
	s7 =	simm.s32 @p2 $0x1082  }
0x22: {  	[simem:s7], [sflag:s8] =	dma.local @!p0 [hbm:s6], $0xF7A  }
0x23: {  	s9 =	sor.u32 $0xD0000000, s2;
	s6 =	simm.s32 $0x108;
	_ =	swait.ge @!p0 [sflag:s8], $0x0  }
0x24: {  	s3 =	sadd.s32 $0x88, s3;
	s6 =	simm.s32 @!p1 $0x1082;
	[sflag:s4] =	ssyncset.s32 $0xFFFFF086  }
0x25: {  	[simem:s6], [sflag:s4] =	dma.local [hbm:s3], $0xF7A  }
0x26: {  	[smem:$0x3F9B] =	sst s1;
	(tag) =	ssettag s2;
	_ =	strace s9  }
0x27: {  	s1 =	sld [smem:$0x3FAB]  }
0x28: {  	s2 =	sld [smem:$0x3FAC]  }
0x29: {  	s4 =	sld [smem:$0x3FAE]  }
0x2a: {  	p0 =	seq.s32 s5, $0x0;
	s5 =	sld [smem:$0x3FAF]  }
0x2b: {  	s6 =	sld [smem:$0x3FB0]  }
0x2c: {  	s7 =	sld [smem:$0x3FB1]  }
0x2d: {  	s3 =	simm.s32 $0x108;
	s8 =	sld [smem:$0x3FB2]  }
0x2e: {  	s3 =	simm.s32 @!p0 $0x1082;
	s9 =	sld [smem:$0x3FB3]  }
0x2f: {  	lr =	sadd.s32 s0, s3;
	s0 =	sld [smem:$0x3FAA]  }
0x30: {  	s3 =	sld [smem:$0x3FAD]  }
0x31: {  	[smem:$0x3FB6] =	sst s10  }
0x32: {  	s10 =	sld [smem:$0x3FB4];
	_ =	sdelay $0x3  }
0x33: {  	p0 =	seq.s32 s10, $0x1;
	s10 =	sld [smem:$0x3FB6];
	_ =	sdelay $0x3  }
0x34: {  	[smem:$0x3FB6] =	sst s10  }
0x35: {  	s10 =	sld [smem:$0x3FB5];
	_ =	sdelay $0x3  }
0x36: {  	p1 =	seq.s32 s10, $0x1;
	s10 =	sld [smem:$0x3FB6];
	_ =	sdelay $0x3  }
0x37: {  	[smem:$0x3FB6] =	sst s10  }
0x38: {  	s10 =	sld [smem:$0x3FB7]  }
0x39: {  	_ = 	snop;
	(pc) =	sbr.ind lr, $3  }
0x3a: {  	_ = 	snop  }
0x3b: {  	_ = 	snop  }
0x3c: {  	p2 =	seq.s32 s10, $0x1;
	s10 =	sld [smem:$0x3FB6]  }
0x3d: {  	_ =	shalt  }
0x3e: {  	_ =	shalt  }
0x3f: {  	_ =	shalt  }
0x40: {  	_ =	shalt  }
0x41: {  	_ =	shalt  }
0x42: {  	_ =	shalt  }
0x43: {  	_ =	shalt  }
0x44: {  	_ =	shalt  }
0x45: {  	_ =	shalt  }
0x46: {  	_ =	shalt  }
0x47: {  	_ =	shalt  }
0x48: {  	_ =	shalt  }
0x49: {  	_ =	shalt  }
0x4a: {  	_ =	shalt  }
0x4b: {  	_ =	shalt  }
0x4c: {  	_ =	shalt  }
0x4d: {  	_ =	shalt  }
0x4e: {  	_ =	shalt  }
0x4f: {  	_ =	shalt  }
0x50: {  	_ =	shalt  }
0x51: {  	_ =	shalt  }
0x52: {  	_ =	shalt  }
0x53: {  	_ =	shalt  }
0x54: {  	_ =	shalt  }
0x55: {  	_ =	shalt  }
0x56: {  	_ =	shalt  }
0x57: {  	_ =	shalt  }
0x58: {  	_ =	shalt  }
0x59: {  	_ =	shalt  }
0x5a: {  	_ =	shalt  }
0x5b: {  	_ =	shalt  }
0x5c: {  	_ =	shalt  }
0x5d: {  	_ =	shalt  }
0x5e: {  	_ =	shalt  }
0x5f: {  	_ =	shalt  }
0x60: {  	_ =	shalt  }
0x61: {  	_ =	shalt  }
0x62: {  	_ =	shalt  }
0x63: {  	_ =	shalt  }
0x64: {  	_ =	shalt  }
0x65: {  	_ =	shalt  }
0x66: {  	_ =	shalt  }
0x67: {  	_ =	shalt  }
0x68: {  	_ =	shalt  }
0x69: {  	_ =	shalt  }
0x6a: {  	_ =	shalt  }
0x6b: {  	_ =	shalt  }
0x6c: {  	_ =	shalt  }
0x6d: {  	_ =	shalt  }
0x6e: {  	_ =	shalt  }
0x6f: {  	_ =	shalt  }
0x70: {  	_ =	shalt  }
0x71: {  	_ =	shalt  }
0x72: {  	_ =	shalt  }
0x73: {  	_ =	shalt  }
0x74: {  	_ =	shalt  }
0x75: {  	_ =	shalt  }
0x76: {  	_ =	shalt  }
0x77: {  	_ =	shalt  }
0x78: {  	_ =	shalt  }
0x79: {  	_ =	shalt  }
0x7a: {  	_ =	shalt  }
0x7b: {  	_ =	shalt  }
0x7c: {  	_ =	shalt  }
0x7d: {  	_ =	shalt  }
0x7e: {  	_ =	shalt  }
0x7f: {  	_ =	shalt  }
0x80: {  	_ =	shalt  }
0x81: {  	_ =	shalt  }
0x82: {  	_ =	shalt  }
0x83: {  	_ =	shalt  }
0x84: {  	_ =	shalt  }
0x85: {  	_ =	shalt  }
0x86: {  	_ =	shalt  }
0x87: {  	_ =	shalt  }
.Lfunc_end0:
.L_simem_size_0:
called_computation_lowered:
.L_overlay_start_0:
0x88: {  	s2 =	sld [smem:$0x3FD9]  }
0x89: {  	s3 =	sld [smem:$0x3FFE];
	_ =	sdelay $0x1  }
0x8a: {  	s1 =	srdreg.scid  }
0x8b: {  	s0 =	sand.u32 $0x1, s1  }
0x8c: {  	s16 =	sshll.u32 s0, $0xA;
	s2 =	sadd.s32 s3, s2  }
0x8d: {  	s2 =	sadd.s32 s2, s16  }
0x8e: {  	[smem:$0x3FC2] =	sst s2  }
0x8f: {  	_ = 	snop  }
0x90: {  	(tm) =	ssettm $0x1  }
0x91: {  	s17 =	sld [smem:$0x3FFB];
	_ =	sdelay $0x3  }
0x92: {  	_ =	strace s17  }
0x93: {  	s2 =	sld [smem:$0x3FFC];
	_ =	sdelay $0x3  }
0x94: {  	_ =	strace s2  }
0x95: {  	s2 =	sld [smem:$0x3FFD];
	_ =	sdelay $0x3  }
0x96: {  	_ =	strace s2  }
0x97: {  	_ =	strace $0x8FFFFFFF  }
0x98: {  	s18 =	sld [smem:$0x3FDB];
	_ =	sdelay $0x1  }
0x99: {  	s19 =	simm.s32 $_scs_section_size  }
0x9a: {  	s4 =	simm.s32 $_size__tile_overlayer_lowered;
	s5 =	simm.s32 $_tile_overlayer_lowered  }
0x9b: {  	s22 =	simm.s32 $0x1BFF;
	s21 =	sshll.u32 s5, $0x1;
	s2 =	sadd.s32 s19, s18  }
0x9c: {  	s6 =	simm.s32 $0x0;
	s20 =	sshll.u32 s4, $0x1;
	s4 =	sadd.s32 s21, s2  }
0x9d: {  	[timem:s6], [sflag:s22] =	dma.local [hbm:s4], s20  }
0x9e: {  	_ =	swait.ge [sflag:s22], s20  }
0x9f: {  	s3 =	ssub.s32 $0x0, s20;
	[sflag:s22] =	ssyncset.done $0x0  }
0xa0: {  	[sflag:s22] =	ssyncadd.s32 s3;
	_ =	sdelay $0x1  }
0xa1: {  	s23 =	simm.s32 $0x1B8B  }
0xa2: {  	_ =	swait.ge [sflag:s23], $0x1  }
0xa3: {  	[sflag:s23] =	ssyncset.done $0x0  }
0xa4: {  	s25 =	simm.s32 $0x1B8E;
	s24 =	sld [smem:$0x3FFE];
	[sflag:s23] =	ssyncadd.s32 $0xFFFFFFFF  }
0xa5: {  	s26 =	simm.s32 $execute0_lowered;
	[smem:$0x3FD2] =	sst s25  }
0xa6: {  	s4 =	sshll.u32 s26, $0x1;
	_ =	strace $0x80000046;
	[dreg:$0x1] =	wrdreg $0xFFFFFFFF  }
0xa7: {  	s28 =	simm.s32 $_size_execute0_lowered;
	s2 =	sadd.s32 s2, s4;
	[dreg:$0x0] =	wrdreg $0x0  }
0xa8: {  	s4 =	sshll.u32 s28, $0x1;
	[dreg:$0x2] =	wrdreg s2  }
0xa9: {  	[dreg:$0x3] =	wrdreg s4  }
0xaa: {  	[dreg:$0x4] =	wrdreg $0xC0  }
0xab: {  	_ =	task [dreg:s6], $0x5FFFF  }
0xac: {  	[dreg:$0x1] =	wrdreg $0xFFFFFFFF  }
0xad: {  	[dreg:$0x0] =	wrdreg $0x60  }
0xae: {  	[dreg:$0x2] =	wrdreg s24  }
0xaf: {  	[dreg:$0x3] =	wrdreg $0x15000  }
0xb0: {  	[dreg:$0x4] =	wrdreg $0x9  }
0xb1: {  	_ =	task.clear_ibuf [dreg:s6], $0x5FFFF;
	_ =	strace $0x90000046  }
0xb2: {  	s29 =	simm.s32 $0x9;
	_ =	strace $0x80000048  }
0xb3: {  	_ =	swait.ge [sflag:s29], $0x1  }
0xb4: {  	[sflag:s29] =	ssyncadd.s32 $0xFFFFFFFF  }
0xb5: {  	_ =	strace $0x90000048  }
0xb6: {  	_ =	sfence  }
0xb7: {  	s30 =	sld [smem:$0x0];
	_ =	sdelay $0x2  }
0xb8: {  	s31 =	sshll.u32 s1, $0xD;
	s1 =	sshrl.u32 s1, $0x2  }
0xb9: {  	s3 =	sand.u32 $0x4000, s31;
	s1 =	sadd.s32 s1, s30  }
0xba: {  	s0 =	sor.u32 s3, s0;
	s1 =	sshll.u32 s1, $0x11  }
0xbb: {  	s0 =	sor.u32 s1, s0  }
0xbc: {  	s0 =	sadd.s32 $0x8F2B, s0  }
0xbd: {  	[sflag:s0] =	ssyncadd.remote.s32 $0x1  }
0xbe: {  	_ =	sfence.sel $0xFFFF  }
0xbf: {  	[dreg:$0x0] =	wrdreg $0xFFFFFFFF;
	(pc) =	sbr.abs _section_cstart, $3  }
0xc0: {  	[dreg:$0x1] =	wrdreg $0xFFFFFFFF  }
0xc1: {  	_ =	task.clear_ibuf [dreg:s6], $0x2FFFF;
	_ =	strace $0x9FFFFFFF  }
0xc2: {  	(tm) =	ssettm $0x7FFFFFFF  }
0xc3: {  	_ =	shalt  }
tec
execute0_lowered:
.L_overlay_start_1:
0x0: {  	(tag) =	ssettag $0x1  }
0x1: {  	s4 =	rddreg [dreg:$0x0]  }
0x2: {  	s2 =	rddreg [dreg:$0x1]  }
0x3: {  	s0 =	rddreg [dreg:$0x2]  }
0x4: {  	s3 =	simm.s32 $0x0;
	s1 =	stileid.u32;
	s5 =	srdreg.scid  }
0x5: {  	s20 =	simm.s32 $0x1;
	s23 =	simm.s32 $0x80;
	s26 =	simm.s32 $0x0  }
0x6: {  	[smem:$0x7FF] =	sst s3;
	s6 =	smul.u32 $0x2800, s1;
	s7 =	sand.u32 $0x1, s5  }
0x7: {  	s30 =	sshll.u32 s1, $0x9;
	s21 =	sshll.u32 s1, $0x6;
	_ =	strace $0x80000047  }
0x8: {  	s8 =	smul.u32 $0x5000, s7;
	s5 =	sadd.s32 s30, s4;
	s9 =	ssub.s32 $0x2, s7  }
0x9: {  	s21 =	sor.u32 $0x1C01, s21;
	s24 =	sshrl.u32 s6, $0x3;
	s31 =	sshrl.u32 s9, $0x1  }
0xa: {  	s22 =	sadd.s32 s6, s2;
	s6 =	sshll.u32 s7, $0x7;
	s10 =	sadd.s32 s24, s4  }
0xb: {  	s8 =	sadd.s32 s8, s4;
	s9 =	ssub.s32 s9, s31;
	s4 =	sadd.s32 $0x4000, s5  }
0xc: {  	s11 =	sor.u32 $0x400, s6;
	s12 =	sor.u32 $0x500, s6;
	s13 =	sor.u32 $0x600, s6  }
0xd: {  	s14 =	sor.u32 $0x700, s6;
	s15 =	sor.u32 $0x800, s6;
	s16 =	sor.u32 $0x900, s6  }
0xe: {  	s17 =	sor.u32 $0xA00, s6;
	s18 =	sor.u32 $0xB00, s6;
	s19 =	sor.u32 $0xC00, s6  }
0xf: {  	s22 =	sshrl.u32 s22, $0x3;
	s5 =	sadd.s32 $0x6000, s10;
	s25 =	sadd.s32 $0xB000, s8  }
0x10: {  	v0 =	vimm.f32 $0.0e+00;
	vm0 =	vcmask $0x300;
	s7 =	smax.u32 s9, $0x1;
	s8 =	sor.u32 $0x100, s6;
	s9 =	sor.u32 $0x200, s6  }
0x11: {  	v0 =	vsel vm0, $0x3F800000, v0;
	s10 =	sor.u32 $0x300, s6;
	s24 =	sadd.s32 s24, s25;
	s25 =	simm.s32 $0xD00  }
.LBB2_1:
0x12: {  	[tilespmem:s3], [sflag:$0x1] =	stream.linear.gather [hbm4b:s4+s3], $0xD00, $0x38;
	[tilespmem:$0x3D00] =	vst v63  }
0x13: {  	_ =	swait.ge [sflag:s20], $0xD00  }
0x14: {  	[sflag:s20] =	ssyncset.done $0x0  }
0x15: {  	[sflag:s20] =	ssyncadd.s32 $0xFFFFF300  }
0x16: {  	[spmem:s22], [sflag:s21] =	dma.local [hbm:s5], $0x500  }
0x17: {  	_ =	swait.ge [sflag:s20], $0x500  }
0x18: {  	[sflag:s20] =	ssyncset.done $0x0  }
0x19: {  	s28 =	simm.s32 $0x40;
	s29 =	simm.s32 $0x0;
	[sflag:s20] =	ssyncadd.s32 $0xFFFFFB00  }
.LBB2_2:
0x1a: {  	p0 =	sne.s32 s28, $0x1FC0;
	[tilespmem:s29+$0xD00] =	vst v0;
	s29 =	smov.u32 s28;
	s28 =	sadd.s32 $0x40, s28  }
.Ltmp0:
0x1b: {  	(pc) =	sbr.rel @p0 .LBB2_2-.Ltmp0, $2  }
0x1c: {  	_ =	sdelay $0x2  }
0x1d: {  	s29 =	sshra.s32 s29, $0x2  }
0x1e: {  	[tilespmem:s29+$0xD00] =	vst v0  }
0x1f: {  	[bflag:$0x0] =	sbarrier.arrive $0xFFFF  }
0x20: {  	[spmem:s2] =	stream.indirect.scatter.add.f32 [tilespmem:s25], [sflag:$0x1], $0x10, s6, s23, $0xb8;
	[tilespmem:$0x3D00] =	vst v63  }
0x21: {  	_ =	swait.ge [sflag:s20], $0x800  }
0x22: {  	[sflag:s20] =	ssyncset.done $0x0  }
0x23: {  	[sflag:s20] =	ssyncadd.s32 $0xFFFFF800  }
0x24: {  	[spmem:s2] =	stream.indirect.scatter.add.f32 [tilespmem:s25], [sflag:$0x1], $0x10, s8, s23, $0xb8;
	[tilespmem:$0x3D00] =	vst v63  }
0x25: {  	_ =	swait.ge [sflag:s20], $0x800  }
0x26: {  	[sflag:s20] =	ssyncset.done $0x0  }
0x27: {  	[sflag:s20] =	ssyncadd.s32 $0xFFFFF800  }
0x28: {  	[spmem:s2] =	stream.indirect.scatter.add.f32 [tilespmem:s25], [sflag:$0x1], $0x10, s9, s23, $0xb8;
	[tilespmem:$0x3D00] =	vst v63  }
0x29: {  	_ =	swait.ge [sflag:s20], $0x800  }
0x2a: {  	[sflag:s20] =	ssyncset.done $0x0  }
0x2b: {  	[sflag:s20] =	ssyncadd.s32 $0xFFFFF800  }
0x2c: {  	[spmem:s2] =	stream.indirect.scatter.add.f32 [tilespmem:s25], [sflag:$0x1], $0x10, s10, s23, $0xb8;
	[tilespmem:$0x3D00] =	vst v63  }
0x2d: {  	_ =	swait.ge [sflag:s20], $0x800  }
0x2e: {  	[sflag:s20] =	ssyncset.done $0x0  }
0x2f: {  	[sflag:s20] =	ssyncadd.s32 $0xFFFFF800  }
0x30: {  	[spmem:s2] =	stream.indirect.scatter.add.f32 [tilespmem:s25], [sflag:$0x1], $0x10, s11, s23, $0xb8;
	[tilespmem:$0x3D00] =	vst v63  }
0x31: {  	_ =	swait.ge [sflag:s20], $0x800  }
0x32: {  	[sflag:s20] =	ssyncset.done $0x0  }
0x33: {  	[sflag:s20] =	ssyncadd.s32 $0xFFFFF800  }
0x34: {  	[spmem:s2] =	stream.indirect.scatter.add.f32 [tilespmem:s25], [sflag:$0x1], $0x10, s12, s23, $0xb8;
	[tilespmem:$0x3D00] =	vst v63  }
0x35: {  	_ =	swait.ge [sflag:s20], $0x800  }
0x36: {  	[sflag:s20] =	ssyncset.done $0x0  }
0x37: {  	[sflag:s20] =	ssyncadd.s32 $0xFFFFF800  }
0x38: {  	[spmem:s2] =	stream.indirect.scatter.add.f32 [tilespmem:s25], [sflag:$0x1], $0x10, s13, s23, $0xb8;
	[tilespmem:$0x3D00] =	vst v63  }
0x39: {  	_ =	swait.ge [sflag:s20], $0x800  }
0x3a: {  	[sflag:s20] =	ssyncset.done $0x0  }
0x3b: {  	[sflag:s20] =	ssyncadd.s32 $0xFFFFF800  }
0x3c: {  	[spmem:s2] =	stream.indirect.scatter.add.f32 [tilespmem:s25], [sflag:$0x1], $0x10, s14, s23, $0xb8;
	[tilespmem:$0x3D00] =	vst v63  }
0x3d: {  	_ =	swait.ge [sflag:s20], $0x800  }
0x3e: {  	[sflag:s20] =	ssyncset.done $0x0  }
0x3f: {  	[sflag:s20] =	ssyncadd.s32 $0xFFFFF800  }
0x40: {  	[spmem:s2] =	stream.indirect.scatter.add.f32 [tilespmem:s25], [sflag:$0x1], $0x10, s15, s23, $0xb8;
	[tilespmem:$0x3D00] =	vst v63  }
0x41: {  	_ =	swait.ge [sflag:s20], $0x800  }
0x42: {  	[sflag:s20] =	ssyncset.done $0x0  }
0x43: {  	[sflag:s20] =	ssyncadd.s32 $0xFFFFF800  }
0x44: {  	[spmem:s2] =	stream.indirect.scatter.add.f32 [tilespmem:s25], [sflag:$0x1], $0x10, s16, s23, $0xb8;
	[tilespmem:$0x3D00] =	vst v63  }
0x45: {  	_ =	swait.ge [sflag:s20], $0x800  }
0x46: {  	[sflag:s20] =	ssyncset.done $0x0  }
0x47: {  	[sflag:s20] =	ssyncadd.s32 $0xFFFFF800  }
0x48: {  	[spmem:s2] =	stream.indirect.scatter.add.f32 [tilespmem:s25], [sflag:$0x1], $0x10, s17, s23, $0xb8;
	[tilespmem:$0x3D00] =	vst v63  }
0x49: {  	_ =	swait.ge [sflag:s20], $0x800  }
0x4a: {  	[sflag:s20] =	ssyncset.done $0x0  }
0x4b: {  	[sflag:s20] =	ssyncadd.s32 $0xFFFFF800  }
0x4c: {  	[spmem:s2] =	stream.indirect.scatter.add.f32 [tilespmem:s25], [sflag:$0x1], $0x10, s18, s23, $0xb8;
	[tilespmem:$0x3D00] =	vst v63  }
0x4d: {  	_ =	swait.ge [sflag:s20], $0x800  }
0x4e: {  	[sflag:s20] =	ssyncset.done $0x0  }
0x4f: {  	[sflag:s20] =	ssyncadd.s32 $0xFFFFF800  }
0x50: {  	[spmem:s2] =	stream.indirect.scatter.add.f32 [tilespmem:s25], [sflag:$0x1], $0x10, s19, s23, $0xb8;
	[tilespmem:$0x3D00] =	vst v63  }
0x51: {  	_ =	swait.ge [sflag:s20], $0x800  }
0x52: {  	s26 =	sadd.s32 $0x1, s26;
	[sflag:s20] =	ssyncset.done $0x0  }
0x53: {  	p0 =	sne.s32 s26, s7;
	[sflag:s20] =	ssyncadd.s32 $0xFFFFF800  }
.Ltmp1:
0x54: {  	[bflag:$0x0] =	sbarrier.arrive $0xFFFF;
	(pc) =	sbr.rel @p0 .LBB2_1-.Ltmp1, $4  }
0x55: {  	[hbm:s24], [sflag:s21] =	dma.local [spmem:s22], $0x500  }
0x56: {  	_ =	swait.ge [sflag:s20], $0x500  }
0x57: {  	[sflag:s20] =	ssyncset.done $0x0  }
0x58: {  	[sflag:s20] =	ssyncadd.s32 $0xFFFFFB00  }
0x59: {  	_ =	sfence.sel $0x180000  }
0x5a: {  	[bflag:$0x0] =	sbarrier.arrive $0xFFFF  }
0x5b: {  	p0 =	sne.s32 s1, $0x0;
	_ =	strace $0x90000047  }
0x5c: {  	s0 =	sadd.s32 @!p0 $0x100000, s0;
	[bflag:$0x2] =	sbarrier.arrive $0xFFFF  }
0x5d: {  	[sflag:s0] =	ssyncadd.tile.s32 @!p0 $0x1;
	_ =	shalt  }
.Lfunc_end2:
_tile_overlayer_lowered:
.L_overlay_start_2:
0x5e: {  	(tag) =	ssettag $0x2  }
0x5f: {  	s0 =	rddreg [dreg:$0x0];
	s2 =	stileid.u32  }
0x60: {  	s1 =	rddreg [dreg:$0x1];
	p0 =	sne.s32 s2, $0x0  }
0x61: {  	s3 =	rddreg [dreg:$0x2];
	[bflag:$0x3] =	sbarrier.arrive $0xFFFF;
	s2 =	simm.s32 @!p0 $0x1C01  }
0x62: {  	[timem:s3], [sflag:s2] =	dma.local @!p0 [hbm:s0], s1  }
0x63: {  	s0 =	simm.s32 @!p0 $0x1  }
0x64: {  	_ =	swait.ge @!p0 [sflag:s0], s1  }
0x65: {  	s1 =	ssub.s32 @!p0 $0x0, s1;
	[sflag:s0] =	ssyncset.done @!p0 $0x0  }
0x66: {  	[sflag:s0] =	ssyncadd.s32 @!p0 s1  }
0x67: {  	[bflag:$0x3] =	sbarrier.arrive $0xFFFF  }
0x68: {  	_ =	shalt  }

</sc_bundles>
